<compile_context>
chip_gen: v7x
topology: tpu7x:2x2x1
jax: 0.10.2.dev20260603
libtpu: 0.0.44.dev20260713+nightly
codegen_flags: <defaults>
</compile_context>

<pallas_src>
import functools

import jax
import jax.numpy as jnp
from jax import lax
from jax.experimental import pallas as pl
from jax.experimental.pallas import tpu as pltpu
from jax.experimental.pallas import tpu_sc as plsc

VOCAB = 1000000
S = 200
B = 4096
D = 32
C = 2
NC = 2
NS = 16
NW = NC * NS
BSLICE = B // NW
L = 16


LOGB = 16
LOGQ = LOGB - 2
RELAYOUT_BLK = 1 << LOGB
RELAYOUT_GRID = (VOCAB + RELAYOUT_BLK - 1) // RELAYOUT_BLK
VOCAB_PAD = RELAYOUT_GRID * RELAYOUT_BLK


def _tc_relayout(embT):
    Q = RELAYOUT_BLK // 4

    def relayout_kernel(src_ref, out_ref):
        stacked = jnp.concatenate(
            [src_ref[:, k * Q:(k + 1) * Q] for k in range(4)], axis=0
        )
        out_ref[...] = stacked.T

    return pl.pallas_call(
        relayout_kernel,
        grid=(RELAYOUT_GRID,),
        in_specs=[pl.BlockSpec((D, RELAYOUT_BLK), lambda j: (0, j))],
        out_specs=pl.BlockSpec((Q, 128), lambda j: (j, 0)),
        out_shape=jax.ShapeDtypeStruct((VOCAB_PAD // 4, 128), jnp.float32),
    )(embT)


def _token_to_row(x):
    return ((((x >> LOGB) << LOGQ) | (x & ((1 << LOGQ) - 1))) << 2) | (
        (x >> LOGQ) & 3)


def _sc_partial_denoms(x, emb):
    mesh = plsc.VectorSubcoreMesh(core_axis_name="c", subcore_axis_name="s")

    @functools.partial(
        pl.kernel,
        out_type=jax.ShapeDtypeStruct((NW, S, D), jnp.float32),
        mesh=mesh,
        scratch_types=[
            pltpu.VMEM((S, BSLICE), jnp.int32),
            pltpu.VMEM((4, BSLICE, D), jnp.float32),
            pltpu.VMEM((S, D), jnp.float32),
            pltpu.SemaphoreType.DMA,
            pltpu.SemaphoreType.DMA,
            pltpu.SemaphoreType.DMA,
            pltpu.SemaphoreType.DMA,
        ],
        compiler_params=pltpu.CompilerParams(use_tc_tiling_on_sc=False),
    )
    def sc_kernel(x_hbm, emb_hbm, out_hbm, idx_v, rows_v, part_v,
                  sem0, sem1, sem2, sem3):
        cid = lax.axis_index("c")
        sid = lax.axis_index("s")
        wid = sid * NC + cid

        pltpu.sync_copy(x_hbm.at[:, pl.ds(wid * BSLICE, BSLICE)], idx_v)

        sems = (sem0, sem1, sem2, sem3)
        NBUF = 4

        def issue(s, par):
            return pltpu.make_async_copy(
                emb_hbm.at[idx_v.at[s]], rows_v.at[par], sems[par]
            )

        for p in range(NBUF - 1):
            issue(p, p).start()

        zeros = jnp.zeros((L,), jnp.float32)

        def accumulate(par, s):
            def row_body(i, acc):
                a0, a1, z0, z1 = acc
                v0 = rows_v[par, i, pl.ds(0, L)]
                v1 = rows_v[par, i, pl.ds(L, L)]
                a0 = a0 + jnp.exp(v0)
                a1 = a1 + jnp.exp(v1)
                z0 = z0 + jnp.where(v0 == 0.0, 1.0, 0.0)
                z1 = z1 + jnp.where(v1 == 0.0, 1.0, 0.0)
                return (a0, a1, z0, z1)

            acc0, acc1, zc0, zc1 = lax.fori_loop(
                0, BSLICE, row_body, (zeros, zeros, zeros, zeros), unroll=16
            )
            part_v[s, pl.ds(0, L)] = acc0 - zc0
            part_v[s, pl.ds(L, L)] = acc1 - zc1

        def s4_body(s4, _):
            for par in range(NBUF):
                s = NBUF * s4 + par
                issue(s, par).wait()
                nxt = s + NBUF - 1

                @pl.when(nxt < S)
                def _():
                    issue(nxt, (par + NBUF - 1) % NBUF).start()

                accumulate(par, s)
            return 0

        lax.fori_loop(0, S // NBUF, s4_body, 0)

        pltpu.sync_copy(part_v, out_hbm.at[wid])

    return sc_kernel(x, emb)


def _tc_finish(partials, W, b2):

    def tc_kernel(part_ref, w_ref, b_ref, out_ref):
        denom = jnp.sum(part_ref[...], axis=0)
        pooled = (denom / denom) * (1.0 / B)
        out = lax.dot_general(
            pooled, w_ref[...], (((1,), (1,)), ((), ())),
            preferred_element_type=jnp.float32,
        )
        out_ref[...] = out + b_ref[...]

    return pl.pallas_call(
        tc_kernel,
        out_shape=jax.ShapeDtypeStruct((S, C), jnp.float32),
    )(partials, W, b2)


@jax.jit
def kernel(x, emb, W, b):
    x = x.astype(jnp.int32)
    emb_lin = _tc_relayout(emb.T).reshape(VOCAB_PAD, D)
    partials = _sc_partial_denoms(_token_to_row(x), emb_lin)
    return _tc_finish(partials, W, b.reshape(1, C))

# --- scband reference (transcript-rebuilt; emitter-appended) ---
"""Pipeline reference for scband-text-classifier-26061861552475 (READ-ONLY COPY).

The authoritative reference and input builder live on the scoring server;
editing this copy changes nothing except your own understanding.
"""

import jax, jax.numpy as jnp
import numpy as np

VOCAB = 1000000
EMB_DIM = 32
SEQ_LEN = 200
BATCH = 4096
N_CLASSES = 2


def masked_softmax(x, mask):
    x = x - jnp.max(x, axis=1, keepdims=True)
    x = jnp.exp(x)
    x = x * mask
    x = x / jnp.sum(x, axis=1, keepdims=True)
    return x


def setup_inputs(seed: int = 0) -> dict:
    key = jax.random.key(seed)
    k1, k2, k3, k4 = jax.random.split(key, 4)
    # forward arg: token indices of shape (seq_len, batch_size)
    x = jax.random.randint(k1, (SEQ_LEN, BATCH), 0, VOCAB)
    # learned params: pretrained embedding table, linear layer
    emb = jax.random.normal(k2, (VOCAB, EMB_DIM), dtype=jnp.float32)
    W = jax.random.normal(k3, (N_CLASSES, EMB_DIM), dtype=jnp.float32) * (1.0 / np.sqrt(EMB_DIM))
    b = jax.random.uniform(k4, (N_CLASSES,), dtype=jnp.float32, minval=-0.1, maxval=0.1)
    return {"x": x, "emb": emb, "W": W, "b": b}


def reference(x, emb, W, b):
    # x: int[(S, B)] -> embedding lookup -> float[(S, B, D)]
    e = jnp.take(emb, x, axis=0)
    # attention: masked softmax over dim=1 with mask = (e != 0)
    mask = (e != 0).astype(jnp.float32)
    a = masked_softmax(e, mask)
    # mean over dim=1 -> (S, D)
    pooled = jnp.mean(a, axis=1)
    # linear -> (S, 2)
    out = pooled @ W.T + b
    return out

if __name__ == "__main__":
    import jax
    _d = setup_inputs()
    print(jax.jit(kernel)(*tuple(_d.values())))

</pallas_src>

<mosaic_0001>
#map = affine_map<(d0, d1) -> (0, 0)>
#map1 = affine_map<(d0, d1) -> (0, 0, 0)>
module attributes {stable_mosaic.version = 14 : i64} {
  func.func @sc_kernel(%arg0: i32, %arg1: i32, %arg2: memref<200x4096xi32, #tpu.memory_space<hbm>>, %arg3: memref<1048576x32xf32, #tpu.memory_space<hbm>>, %arg4: memref<32x200x32xf32, #tpu.memory_space<hbm>>, %arg5: memref<200x128xi32, #tpu.memory_space<vmem>>, %arg6: memref<4x128x32xf32, #tpu.memory_space<vmem>>, %arg7: memref<200x32xf32, #tpu.memory_space<vmem>>, %arg8: memref<!tpu.dma_semaphore, #tpu.memory_space<semaphore_mem>>, %arg9: memref<!tpu.dma_semaphore, #tpu.memory_space<semaphore_mem>>, %arg10: memref<!tpu.dma_semaphore, #tpu.memory_space<semaphore_mem>>, %arg11: memref<!tpu.dma_semaphore, #tpu.memory_space<semaphore_mem>>) attributes {dimension_semantics = [#tpu.dimension_semantics<core_parallel>, #tpu.dimension_semantics<subcore_parallel>], iteration_bounds = array<i64: 2, 16>, scalar_prefetch = 0 : i64, scratch_operands = 7 : i64, tpu.core_type = #tpu.core_type<sc_vector_subcore>, window_params = [{transform_indices = #map}, {transform_indices = #map}, {transform_indices = #map1}]} {
    %mul3A = arith.constant 2 : i32
    %mul3A_0 = arith.muli %arg1, %mul3A : i32
    %add3A = arith.addi %mul3A_0, %arg0 : i32
    %mul3A_1 = arith.constant 128 : i32
    %mul3A_2 = arith.muli %add3A, %mul3A_1 : i32
    "tpu.region"() ({
      %run_scoped3A = tpu.sem_alloc : memref<!tpu.dma_semaphore, #tpu.memory_space<semaphore_mem>>
      %dma_start3A_45 = arith.constant 0 : i32
      %dma_start3A_46 = tpu.memref_slice %arg2[%dma_start3A_45, %mul3A_2] : memref<200x4096xi32, #tpu.memory_space<hbm>> -> memref<200x128xi32, #tpu.memory_space<hbm>>
      %dma_start3A_47 = arith.constant 0 : i32
      %dma_start3A_48 = tpu.memref_slice %arg2[%dma_start3A_47, %mul3A_2] : memref<200x4096xi32, #tpu.memory_space<hbm>> -> memref<200x128xi32, #tpu.memory_space<hbm>>
      tpu.enqueue_dma source(%dma_start3A_48 : memref<200x128xi32, #tpu.memory_space<hbm>>) target(%arg5 : memref<200x128xi32, #tpu.memory_space<vmem>>) target_semaphore(%run_scoped3A : memref<!tpu.dma_semaphore, #tpu.memory_space<semaphore_mem>>)
      %dma_wait3A = arith.constant 0 : i32
      %dma_wait3A_49 = tpu.memref_slice %arg2[%dma_wait3A, %mul3A_2] : memref<200x4096xi32, #tpu.memory_space<hbm>> -> memref<200x128xi32, #tpu.memory_space<hbm>>
      %dma_wait3A_50 = arith.constant 0 : i32
      %dma_wait3A_51 = tpu.memref_slice %arg2[%dma_wait3A_50, %mul3A_2] : memref<200x4096xi32, #tpu.memory_space<hbm>> -> memref<200x128xi32, #tpu.memory_space<hbm>>
      tpu.wait_dma2 semaphore(%run_scoped3A : memref<!tpu.dma_semaphore, #tpu.memory_space<semaphore_mem>>) src(%dma_wait3A_51 : memref<200x128xi32, #tpu.memory_space<hbm>>) dst(%arg5 : memref<200x128xi32, #tpu.memory_space<vmem>>)
      tpu.yield
    }) : () -> ()
    %dma_start3A = arith.constant 0 : i32
    %dma_start3A_3 = arith.constant 0 : i32
    %dma_start3A_4 = arith.constant 0 : i32
    %dma_start3A_5 = arith.constant 0 : i32
    %dma_start3A_6 = tpu.memref_slice %arg6[%dma_start3A_3, %dma_start3A_4, %dma_start3A_5] : memref<4x128x32xf32, #tpu.memory_space<vmem>> -> memref<1x128x32xf32, #tpu.memory_space<vmem>>
    %dma_start3A_7 = tpu.memref_squeeze %dma_start3A_6 : memref<1x128x32xf32, #tpu.memory_space<vmem>> -> memref<128x32xf32, #tpu.memory_space<vmem>>
    %dma_start3A_8 = arith.constant 0 : i32
    %dma_start3A_9 = tpu.memref_slice %arg5[%dma_start3A, %dma_start3A_8] : memref<200x128xi32, #tpu.memory_space<vmem>> -> memref<1x128xi32, #tpu.memory_space<vmem>>
    %dma_start3A_10 = tpu.memref_squeeze %dma_start3A_9 : memref<1x128xi32, #tpu.memory_space<vmem>> -> memref<128xi32, #tpu.memory_space<vmem>>
    %dma_start3A_11 = arith.constant 0 : i32
    %dma_start3A_12 = arith.constant 0 : i32
    %dma_start3A_13 = tpu.memref_slice %arg3[%dma_start3A_11, %dma_start3A_12] : memref<1048576x32xf32, #tpu.memory_space<hbm>> -> memref<1048576x32xf32, #tpu.memory_space<hbm>>
    tpu.enqueue_indirect_dma source(%dma_start3A_13 : memref<1048576x32xf32, #tpu.memory_space<hbm>>) target(%dma_start3A_7 : memref<128x32xf32, #tpu.memory_space<vmem>>) offsets(%dma_start3A_10 : memref<128xi32, #tpu.memory_space<vmem>>) semaphore(%arg8 : memref<!tpu.dma_semaphore, #tpu.memory_space<semaphore_mem>>)
    %dma_start3A_14 = arith.constant 1 : i32
    %dma_start3A_15 = arith.constant 1 : i32
    %dma_start3A_16 = arith.constant 0 : i32
    %dma_start3A_17 = arith.constant 0 : i32
    %dma_start3A_18 = tpu.memref_slice %arg6[%dma_start3A_15, %dma_start3A_16, %dma_start3A_17] : memref<4x128x32xf32, #tpu.memory_space<vmem>> -> memref<1x128x32xf32, #tpu.memory_space<vmem>>
    %dma_start3A_19 = tpu.memref_squeeze %dma_start3A_18 : memref<1x128x32xf32, #tpu.memory_space<vmem>> -> memref<128x32xf32, #tpu.memory_space<vmem>>
    %dma_start3A_20 = arith.constant 0 : i32
    %dma_start3A_21 = tpu.memref_slice %arg5[%dma_start3A_14, %dma_start3A_20] : memref<200x128xi32, #tpu.memory_space<vmem>> -> memref<1x128xi32, #tpu.memory_space<vmem>>
    %dma_start3A_22 = tpu.memref_squeeze %dma_start3A_21 : memref<1x128xi32, #tpu.memory_space<vmem>> -> memref<128xi32, #tpu.memory_space<vmem>>
    %dma_start3A_23 = arith.constant 0 : i32
    %dma_start3A_24 = arith.constant 0 : i32
    %dma_start3A_25 = tpu.memref_slice %arg3[%dma_start3A_23, %dma_start3A_24] : memref<1048576x32xf32, #tpu.memory_space<hbm>> -> memref<1048576x32xf32, #tpu.memory_space<hbm>>
    tpu.enqueue_indirect_dma source(%dma_start3A_25 : memref<1048576x32xf32, #tpu.memory_space<hbm>>) target(%dma_start3A_19 : memref<128x32xf32, #tpu.memory_space<vmem>>) offsets(%dma_start3A_22 : memref<128xi32, #tpu.memory_space<vmem>>) semaphore(%arg9 : memref<!tpu.dma_semaphore, #tpu.memory_space<semaphore_mem>>)
    %dma_start3A_26 = arith.constant 2 : i32
    %dma_start3A_27 = arith.constant 2 : i32
    %dma_start3A_28 = arith.constant 0 : i32
    %dma_start3A_29 = arith.constant 0 : i32
    %dma_start3A_30 = tpu.memref_slice %arg6[%dma_start3A_27, %dma_start3A_28, %dma_start3A_29] : memref<4x128x32xf32, #tpu.memory_space<vmem>> -> memref<1x128x32xf32, #tpu.memory_space<vmem>>
    %dma_start3A_31 = tpu.memref_squeeze %dma_start3A_30 : memref<1x128x32xf32, #tpu.memory_space<vmem>> -> memref<128x32xf32, #tpu.memory_space<vmem>>
    %dma_start3A_32 = arith.constant 0 : i32
    %dma_start3A_33 = tpu.memref_slice %arg5[%dma_start3A_26, %dma_start3A_32] : memref<200x128xi32, #tpu.memory_space<vmem>> -> memref<1x128xi32, #tpu.memory_space<vmem>>
    %dma_start3A_34 = tpu.memref_squeeze %dma_start3A_33 : memref<1x128xi32, #tpu.memory_space<vmem>> -> memref<128xi32, #tpu.memory_space<vmem>>
    %dma_start3A_35 = arith.constant 0 : i32
    %dma_start3A_36 = arith.constant 0 : i32
    %dma_start3A_37 = tpu.memref_slice %arg3[%dma_start3A_35, %dma_start3A_36] : memref<1048576x32xf32, #tpu.memory_space<hbm>> -> memref<1048576x32xf32, #tpu.memory_space<hbm>>
    tpu.enqueue_indirect_dma source(%dma_start3A_37 : memref<1048576x32xf32, #tpu.memory_space<hbm>>) target(%dma_start3A_31 : memref<128x32xf32, #tpu.memory_space<vmem>>) offsets(%dma_start3A_34 : memref<128xi32, #tpu.memory_space<vmem>>) semaphore(%arg10 : memref<!tpu.dma_semaphore, #tpu.memory_space<semaphore_mem>>)
    %broadcast_in_dim3A = arith.constant 0.000000e+00 : f32
    %broadcast_in_dim3A_38 = vector.broadcast %broadcast_in_dim3A : f32 to vector<16xf32>
    %scan3A = arith.constant 0 : i32
    %scan3A_39 = arith.constant 0 : i32
    %scan3A_40 = arith.constant 50 : i32
    %scan3A_41 = arith.addi %scan3A_39, %scan3A_40 : i32
    %scan3A_42 = arith.constant 1 : i32
    %scan3A_43 = scf.for %scan3A_45 = %scan3A_39 to %scan3A_41 step %scan3A_42 iter_args(%scan3A_46 = %scan3A) -> (i32)  : i32 {
      %mul3A_47 = arith.constant 4 : i32
      %mul3A_48 = arith.muli %mul3A_47, %scan3A_45 : i32
      %add3A_49 = arith.constant 0 : i32
      %add3A_50 = arith.addi %mul3A_48, %add3A_49 : i32
      %dma_wait3A = arith.constant 0 : i32
      %dma_wait3A_51 = arith.constant 0 : i32
      %dma_wait3A_52 = arith.constant 0 : i32
      %dma_wait3A_53 = tpu.memref_slice %arg6[%dma_wait3A, %dma_wait3A_51, %dma_wait3A_52] : memref<4x128x32xf32, #tpu.memory_space<vmem>> -> memref<1x128x32xf32, #tpu.memory_space<vmem>>
      %dma_wait3A_54 = tpu.memref_squeeze %dma_wait3A_53 : memref<1x128x32xf32, #tpu.memory_space<vmem>> -> memref<128x32xf32, #tpu.memory_space<vmem>>
      %dma_wait3A_55 = arith.constant 0 : i32
      %dma_wait3A_56 = tpu.memref_slice %arg5[%add3A_50, %dma_wait3A_55] : memref<200x128xi32, #tpu.memory_space<vmem>> -> memref<1x128xi32, #tpu.memory_space<vmem>>
      %dma_wait3A_57 = tpu.memref_squeeze %dma_wait3A_56 : memref<1x128xi32, #tpu.memory_space<vmem>> -> memref<128xi32, #tpu.memory_space<vmem>>
      %dma_wait3A_58 = arith.constant 0 : i32
      %dma_wait3A_59 = arith.constant 0 : i32
      %dma_wait3A_60 = tpu.memref_slice %arg3[%dma_wait3A_58, %dma_wait3A_59] : memref<1048576x32xf32, #tpu.memory_space<hbm>> -> memref<1048576x32xf32, #tpu.memory_space<hbm>>
      tpu.wait_indirect_dma semaphore(%arg8 : memref<!tpu.dma_semaphore, #tpu.memory_space<semaphore_mem>>) src(%dma_wait3A_60 : memref<1048576x32xf32, #tpu.memory_space<hbm>>) dst(%dma_wait3A_54 : memref<128x32xf32, #tpu.memory_space<vmem>>)
      %add3A_61 = arith.constant 4 : i32
      %add3A_62 = arith.addi %add3A_50, %add3A_61 : i32
      %sub3A = arith.constant 1 : i32
      %sub3A_63 = arith.subi %add3A_62, %sub3A : i32
      %lt3A = arith.constant 200 : i32
      %lt3A_64 = arith.cmpi slt, %sub3A_63, %lt3A : i32
      %convert_element_type3A = arith.extui %lt3A_64 : i1 to i32
      %cond3A = arith.constant 0 : i32
      %cond3A_65 = arith.cmpi ne, %convert_element_type3A, %cond3A : i32
      scf.if %cond3A_65 {
        %dma_start3A_210 = arith.constant 3 : i32
        %dma_start3A_211 = arith.constant 0 : i32
        %dma_start3A_212 = arith.constant 0 : i32
        %dma_start3A_213 = tpu.memref_slice %arg6[%dma_start3A_210, %dma_start3A_211, %dma_start3A_212] : memref<4x128x32xf32, #tpu.memory_space<vmem>> -> memref<1x128x32xf32, #tpu.memory_space<vmem>>
        %dma_start3A_214 = tpu.memref_squeeze %dma_start3A_213 : memref<1x128x32xf32, #tpu.memory_space<vmem>> -> memref<128x32xf32, #tpu.memory_space<vmem>>
        %dma_start3A_215 = arith.constant 0 : i32
        %dma_start3A_216 = tpu.memref_slice %arg5[%sub3A_63, %dma_start3A_215] : memref<200x128xi32, #tpu.memory_space<vmem>> -> memref<1x128xi32, #tpu.memory_space<vmem>>
        %dma_start3A_217 = tpu.memref_squeeze %dma_start3A_216 : memref<1x128xi32, #tpu.memory_space<vmem>> -> memref<128xi32, #tpu.memory_space<vmem>>
        %dma_start3A_218 = arith.constant 0 : i32
        %dma_start3A_219 = arith.constant 0 : i32
        %dma_start3A_220 = tpu.memref_slice %arg3[%dma_start3A_218, %dma_start3A_219] : memref<1048576x32xf32, #tpu.memory_space<hbm>> -> memref<1048576x32xf32, #tpu.memory_space<hbm>>
        tpu.enqueue_indirect_dma source(%dma_start3A_220 : memref<1048576x32xf32, #tpu.memory_space<hbm>>) target(%dma_start3A_214 : memref<128x32xf32, #tpu.memory_space<vmem>>) offsets(%dma_start3A_217 : memref<128xi32, #tpu.memory_space<vmem>>) semaphore(%arg11 : memref<!tpu.dma_semaphore, #tpu.memory_space<semaphore_mem>>)
      } else {
      }
      %scan3A_66 = arith.constant 0 : i32
      %scan3A_67 = arith.constant 128 : i32
      %scan3A_68 = arith.addi %scan3A_66, %scan3A_67 : i32
      %scan3A_69 = arith.constant 16 : i32
      %scan3A_70:4 = scf.for %scan3A_210 = %scan3A_66 to %scan3A_68 step %scan3A_69 iter_args(%scan3A_211 = %broadcast_in_dim3A_38, %scan3A_212 = %broadcast_in_dim3A_38, %scan3A_213 = %broadcast_in_dim3A_38, %scan3A_214 = %broadcast_in_dim3A_38) -> (vector<16xf32>, vector<16xf32>, vector<16xf32>, vector<16xf32>)  : i32 {
        %get3A = arith.constant 0 : i32
        %get3A_215 = arith.index_cast %get3A : i32 to index
        %get3A_216 = arith.index_cast %scan3A_210 : i32 to index
        %get3A_217 = arith.constant 0 : index
        %get3A_218 = tpu.vector_load %arg6[%get3A_215, %get3A_216, %get3A_217] {strides = array<i32>} : memref<4x128x32xf32, #tpu.memory_space<vmem>>, vector<1x1x16xf32>,
        %get3A_219 = vector.shape_cast %get3A_218 : vector<1x1x16xf32> to vector<16xf32>
        %get3A_220 = arith.constant 0 : i32
        %get3A_221 = arith.index_cast %get3A_220 : i32 to index
        %get3A_222 = arith.index_cast %scan3A_210 : i32 to index
        %get3A_223 = arith.constant 16 : index
        %get3A_224 = tpu.vector_load %arg6[%get3A_221, %get3A_222, %get3A_223] {strides = array<i32>} : memref<4x128x32xf32, #tpu.memory_space<vmem>>, vector<1x1x16xf32>,
        %get3A_225 = vector.shape_cast %get3A_224 : vector<1x1x16xf32> to vector<16xf32>
        %exp3A = math.exp %get3A_219 : vector<16xf32>
        %add3A_226 = arith.addf %scan3A_211, %exp3A : vector<16xf32>
        %exp3A_227 = math.exp %get3A_225 : vector<16xf32>
        %add3A_228 = arith.addf %scan3A_212, %exp3A_227 : vector<16xf32>
        %eq3A = arith.constant 0.000000e+00 : f32
        %eq3A_229 = vector.broadcast %eq3A : f32 to vector<16xf32>
        %eq3A_230 = arith.cmpf oeq, %get3A_219, %eq3A_229 : vector<16xf32>
        %jit3A = arith.constant 1.000000e+00 : f32
        %jit3A_231 = arith.constant 0.000000e+00 : f32
        %broadcast_in_dim3A_232 = vector.broadcast %jit3A : f32 to vector<16xf32>
        %broadcast_in_dim3A_233 = vector.broadcast %jit3A_231 : f32 to vector<16xf32>
        %select_n3A = arith.select %eq3A_230, %broadcast_in_dim3A_232, %broadcast_in_dim3A_233 : vector<16xi1>, vector<16xf32>
        %add3A_234 = arith.addf %scan3A_213, %select_n3A : vector<16xf32>
        %eq3A_235 = arith.constant 0.000000e+00 : f32
        %eq3A_236 = vector.broadcast %eq3A_235 : f32 to vector<16xf32>
        %eq3A_237 = arith.cmpf oeq, %get3A_225, %eq3A_236 : vector<16xf32>
        %jit3A_238 = arith.constant 1.000000e+00 : f32
        %jit3A_239 = arith.constant 0.000000e+00 : f32
        %broadcast_in_dim3A_240 = vector.broadcast %jit3A_238 : f32 to vector<16xf32>
        %broadcast_in_dim3A_241 = vector.broadcast %jit3A_239 : f32 to vector<16xf32>
        %select_n3A_242 = arith.select %eq3A_237, %broadcast_in_dim3A_240, %broadcast_in_dim3A_241 : vector<16xi1>, vector<16xf32>
        %add3A_243 = arith.addf %scan3A_214, %select_n3A_242 : vector<16xf32>
        %scan3A_244 = arith.constant 1 : i32
        %scan3A_245 = arith.addi %scan3A_210, %scan3A_244 : i32
        %get3A_246 = arith.constant 0 : i32
        %get3A_247 = arith.index_cast %get3A_246 : i32 to index
        %get3A_248 = arith.index_cast %scan3A_245 : i32 to index
        %get3A_249 = arith.constant 0 : index
        %get3A_250 = tpu.vector_load %arg6[%get3A_247, %get3A_248, %get3A_249] {strides = array<i32>} : memref<4x128x32xf32, #tpu.memory_space<vmem>>, vector<1x1x16xf32>,
        %get3A_251 = vector.shape_cast %get3A_250 : vector<1x1x16xf32> to vector<16xf32>
        %get3A_252 = arith.constant 0 : i32
        %get3A_253 = arith.index_cast %get3A_252 : i32 to index
        %get3A_254 = arith.index_cast %scan3A_245 : i32 to index
        %get3A_255 = arith.constant 16 : index
        %get3A_256 = tpu.vector_load %arg6[%get3A_253, %get3A_254, %get3A_255] {strides = array<i32>} : memref<4x128x32xf32, #tpu.memory_space<vmem>>, vector<1x1x16xf32>,
        %get3A_257 = vector.shape_cast %get3A_256 : vector<1x1x16xf32> to vector<16xf32>
        %exp3A_258 = math.exp %get3A_251 : vector<16xf32>
        %add3A_259 = arith.addf %add3A_226, %exp3A_258 : vector<16xf32>
        %exp3A_260 = math.exp %get3A_257 : vector<16xf32>
        %add3A_261 = arith.addf %add3A_228, %exp3A_260 : vector<16xf32>
        %eq3A_262 = arith.constant 0.000000e+00 : f32
        %eq3A_263 = vector.broadcast %eq3A_262 : f32 to vector<16xf32>
        %eq3A_264 = arith.cmpf oeq, %get3A_251, %eq3A_263 : vector<16xf32>
        %jit3A_265 = arith.constant 1.000000e+00 : f32
        %jit3A_266 = arith.constant 0.000000e+00 : f32
        %broadcast_in_dim3A_267 = vector.broadcast %jit3A_265 : f32 to vector<16xf32>
        %broadcast_in_dim3A_268 = vector.broadcast %jit3A_266 : f32 to vector<16xf32>
        %select_n3A_269 = arith.select %eq3A_264, %broadcast_in_dim3A_267, %broadcast_in_dim3A_268 : vector<16xi1>, vector<16xf32>
        %add3A_270 = arith.addf %add3A_234, %select_n3A_269 : vector<16xf32>
        %eq3A_271 = arith.constant 0.000000e+00 : f32
        %eq3A_272 = vector.broadcast %eq3A_271 : f32 to vector<16xf32>
        %eq3A_273 = arith.cmpf oeq, %get3A_257, %eq3A_272 : vector<16xf32>
        %jit3A_274 = arith.constant 1.000000e+00 : f32
        %jit3A_275 = arith.constant 0.000000e+00 : f32
        %broadcast_in_dim3A_276 = vector.broadcast %jit3A_274 : f32 to vector<16xf32>
        %broadcast_in_dim3A_277 = vector.broadcast %jit3A_275 : f32 to vector<16xf32>
        %select_n3A_278 = arith.select %eq3A_273, %broadcast_in_dim3A_276, %broadcast_in_dim3A_277 : vector<16xi1>, vector<16xf32>
        %add3A_279 = arith.addf %add3A_243, %select_n3A_278 : vector<16xf32>
        %scan3A_280 = arith.constant 2 : i32
        %scan3A_281 = arith.addi %scan3A_210, %scan3A_280 : i32
        %get3A_282 = arith.constant 0 : i32
        %get3A_283 = arith.index_cast %get3A_282 : i32 to index
        %get3A_284 = arith.index_cast %scan3A_281 : i32 to index
        %get3A_285 = arith.constant 0 : index
        %get3A_286 = tpu.vector_load %arg6[%get3A_283, %get3A_284, %get3A_285] {strides = array<i32>} : memref<4x128x32xf32, #tpu.memory_space<vmem>>, vector<1x1x16xf32>,
        %get3A_287 = vector.shape_cast %get3A_286 : vector<1x1x16xf32> to vector<16xf32>
        %get3A_288 = arith.constant 0 : i32
        %get3A_289 = arith.index_cast %get3A_288 : i32 to index
        %get3A_290 = arith.index_cast %scan3A_281 : i32 to index
        %get3A_291 = arith.constant 16 : index
        %get3A_292 = tpu.vector_load %arg6[%get3A_289, %get3A_290, %get3A_291] {strides = array<i32>} : memref<4x128x32xf32, #tpu.memory_space<vmem>>, vector<1x1x16xf32>,
        %get3A_293 = vector.shape_cast %get3A_292 : vector<1x1x16xf32> to vector<16xf32>
        %exp3A_294 = math.exp %get3A_287 : vector<16xf32>
        %add3A_295 = arith.addf %add3A_259, %exp3A_294 : vector<16xf32>
        %exp3A_296 = math.exp %get3A_293 : vector<16xf32>
        %add3A_297 = arith.addf %add3A_261, %exp3A_296 : vector<16xf32>
        %eq3A_298 = arith.constant 0.000000e+00 : f32
        %eq3A_299 = vector.broadcast %eq3A_298 : f32 to vector<16xf32>
        %eq3A_300 = arith.cmpf oeq, %get3A_287, %eq3A_299 : vector<16xf32>
        %jit3A_301 = arith.constant 1.000000e+00 : f32
        %jit3A_302 = arith.constant 0.000000e+00 : f32
        %broadcast_in_dim3A_303 = vector.broadcast %jit3A_301 : f32 to vector<16xf32>
        %broadcast_in_dim3A_304 = vector.broadcast %jit3A_302 : f32 to vector<16xf32>
        %select_n3A_305 = arith.select %eq3A_300, %broadcast_in_dim3A_303, %broadcast_in_dim3A_304 : vector<16xi1>, vector<16xf32>
        %add3A_306 = arith.addf %add3A_270, %select_n3A_305 : vector<16xf32>
        %eq3A_307 = arith.constant 0.000000e+00 : f32
        %eq3A_308 = vector.broadcast %eq3A_307 : f32 to vector<16xf32>
        %eq3A_309 = arith.cmpf oeq, %get3A_293, %eq3A_308 : vector<16xf32>
        %jit3A_310 = arith.constant 1.000000e+00 : f32
        %jit3A_311 = arith.constant 0.000000e+00 : f32
        %broadcast_in_dim3A_312 = vector.broadcast %jit3A_310 : f32 to vector<16xf32>
        %broadcast_in_dim3A_313 = vector.broadcast %jit3A_311 : f32 to vector<16xf32>
        %select_n3A_314 = arith.select %eq3A_309, %broadcast_in_dim3A_312, %broadcast_in_dim3A_313 : vector<16xi1>, vector<16xf32>
        %add3A_315 = arith.addf %add3A_279, %select_n3A_314 : vector<16xf32>
        %scan3A_316 = arith.constant 3 : i32
        %scan3A_317 = arith.addi %scan3A_210, %scan3A_316 : i32
        %get3A_318 = arith.constant 0 : i32
        %get3A_319 = arith.index_cast %get3A_318 : i32 to index
        %get3A_320 = arith.index_cast %scan3A_317 : i32 to index
        %get3A_321 = arith.constant 0 : index
        %get3A_322 = tpu.vector_load %arg6[%get3A_319, %get3A_320, %get3A_321] {strides = array<i32>} : memref<4x128x32xf32, #tpu.memory_space<vmem>>, vector<1x1x16xf32>,
        %get3A_323 = vector.shape_cast %get3A_322 : vector<1x1x16xf32> to vector<16xf32>
        %get3A_324 = arith.constant 0 : i32
        %get3A_325 = arith.index_cast %get3A_324 : i32 to index
        %get3A_326 = arith.index_cast %scan3A_317 : i32 to index
        %get3A_327 = arith.constant 16 : index
        %get3A_328 = tpu.vector_load %arg6[%get3A_325, %get3A_326, %get3A_327] {strides = array<i32>} : memref<4x128x32xf32, #tpu.memory_space<vmem>>, vector<1x1x16xf32>,
        %get3A_329 = vector.shape_cast %get3A_328 : vector<1x1x16xf32> to vector<16xf32>
        %exp3A_330 = math.exp %get3A_323 : vector<16xf32>
        %add3A_331 = arith.addf %add3A_295, %exp3A_330 : vector<16xf32>
        %exp3A_332 = math.exp %get3A_329 : vector<16xf32>
        %add3A_333 = arith.addf %add3A_297, %exp3A_332 : vector<16xf32>
        %eq3A_334 = arith.constant 0.000000e+00 : f32
        %eq3A_335 = vector.broadcast %eq3A_334 : f32 to vector<16xf32>
        %eq3A_336 = arith.cmpf oeq, %get3A_323, %eq3A_335 : vector<16xf32>
        %jit3A_337 = arith.constant 1.000000e+00 : f32
        %jit3A_338 = arith.constant 0.000000e+00 : f32
        %broadcast_in_dim3A_339 = vector.broadcast %jit3A_337 : f32 to vector<16xf32>
        %broadcast_in_dim3A_340 = vector.broadcast %jit3A_338 : f32 to vector<16xf32>
        %select_n3A_341 = arith.select %eq3A_336, %broadcast_in_dim3A_339, %broadcast_in_dim3A_340 : vector<16xi1>, vector<16xf32>
        %add3A_342 = arith.addf %add3A_306, %select_n3A_341 : vector<16xf32>
        %eq3A_343 = arith.constant 0.000000e+00 : f32
        %eq3A_344 = vector.broadcast %eq3A_343 : f32 to vector<16xf32>
        %eq3A_345 = arith.cmpf oeq, %get3A_329, %eq3A_344 : vector<16xf32>
        %jit3A_346 = arith.constant 1.000000e+00 : f32
        %jit3A_347 = arith.constant 0.000000e+00 : f32
        %broadcast_in_dim3A_348 = vector.broadcast %jit3A_346 : f32 to vector<16xf32>
        %broadcast_in_dim3A_349 = vector.broadcast %jit3A_347 : f32 to vector<16xf32>
        %select_n3A_350 = arith.select %eq3A_345, %broadcast_in_dim3A_348, %broadcast_in_dim3A_349 : vector<16xi1>, vector<16xf32>
        %add3A_351 = arith.addf %add3A_315, %select_n3A_350 : vector<16xf32>
        %scan3A_352 = arith.constant 4 : i32
        %scan3A_353 = arith.addi %scan3A_210, %scan3A_352 : i32
        %get3A_354 = arith.constant 0 : i32
        %get3A_355 = arith.index_cast %get3A_354 : i32 to index
        %get3A_356 = arith.index_cast %scan3A_353 : i32 to index
        %get3A_357 = arith.constant 0 : index
        %get3A_358 = tpu.vector_load %arg6[%get3A_355, %get3A_356, %get3A_357] {strides = array<i32>} : memref<4x128x32xf32, #tpu.memory_space<vmem>>, vector<1x1x16xf32>,
        %get3A_359 = vector.shape_cast %get3A_358 : vector<1x1x16xf32> to vector<16xf32>
        %get3A_360 = arith.constant 0 : i32
        %get3A_361 = arith.index_cast %get3A_360 : i32 to index
        %get3A_362 = arith.index_cast %scan3A_353 : i32 to index
        %get3A_363 = arith.constant 16 : index
        %get3A_364 = tpu.vector_load %arg6[%get3A_361, %get3A_362, %get3A_363] {strides = array<i32>} : memref<4x128x32xf32, #tpu.memory_space<vmem>>, vector<1x1x16xf32>,
        %get3A_365 = vector.shape_cast %get3A_364 : vector<1x1x16xf32> to vector<16xf32>
        %exp3A_366 = math.exp %get3A_359 : vector<16xf32>
        %add3A_367 = arith.addf %add3A_331, %exp3A_366 : vector<16xf32>
        %exp3A_368 = math.exp %get3A_365 : vector<16xf32>
        %add3A_369 = arith.addf %add3A_333, %exp3A_368 : vector<16xf32>
        %eq3A_370 = arith.constant 0.000000e+00 : f32
        %eq3A_371 = vector.broadcast %eq3A_370 : f32 to vector<16xf32>
        %eq3A_372 = arith.cmpf oeq, %get3A_359, %eq3A_371 : vector<16xf32>
        %jit3A_373 = arith.constant 1.000000e+00 : f32
        %jit3A_374 = arith.constant 0.000000e+00 : f32
        %broadcast_in_dim3A_375 = vector.broadcast %jit3A_373 : f32 to vector<16xf32>
        %broadcast_in_dim3A_376 = vector.broadcast %jit3A_374 : f32 to vector<16xf32>
        %select_n3A_377 = arith.select %eq3A_372, %broadcast_in_dim3A_375, %broadcast_in_dim3A_376 : vector<16xi1>, vector<16xf32>
        %add3A_378 = arith.addf %add3A_342, %select_n3A_377 : vector<16xf32>
        %eq3A_379 = arith.constant 0.000000e+00 : f32
        %eq3A_380 = vector.broadcast %eq3A_379 : f32 to vector<16xf32>
        %eq3A_381 = arith.cmpf oeq, %get3A_365, %eq3A_380 : vector<16xf32>
        %jit3A_382 = arith.constant 1.000000e+00 : f32
        %jit3A_383 = arith.constant 0.000000e+00 : f32
        %broadcast_in_dim3A_384 = vector.broadcast %jit3A_382 : f32 to vector<16xf32>
        %broadcast_in_dim3A_385 = vector.broadcast %jit3A_383 : f32 to vector<16xf32>
        %select_n3A_386 = arith.select %eq3A_381, %broadcast_in_dim3A_384, %broadcast_in_dim3A_385 : vector<16xi1>, vector<16xf32>
        %add3A_387 = arith.addf %add3A_351, %select_n3A_386 : vector<16xf32>
        %scan3A_388 = arith.constant 5 : i32
        %scan3A_389 = arith.addi %scan3A_210, %scan3A_388 : i32
        %get3A_390 = arith.constant 0 : i32
        %get3A_391 = arith.index_cast %get3A_390 : i32 to index
        %get3A_392 = arith.index_cast %scan3A_389 : i32 to index
        %get3A_393 = arith.constant 0 : index
        %get3A_394 = tpu.vector_load %arg6[%get3A_391, %get3A_392, %get3A_393] {strides = array<i32>} : memref<4x128x32xf32, #tpu.memory_space<vmem>>, vector<1x1x16xf32>,
        %get3A_395 = vector.shape_cast %get3A_394 : vector<1x1x16xf32> to vector<16xf32>
        %get3A_396 = arith.constant 0 : i32
        %get3A_397 = arith.index_cast %get3A_396 : i32 to index
        %get3A_398 = arith.index_cast %scan3A_389 : i32 to index
        %get3A_399 = arith.constant 16 : index
        %get3A_400 = tpu.vector_load %arg6[%get3A_397, %get3A_398, %get3A_399] {strides = array<i32>} : memref<4x128x32xf32, #tpu.memory_space<vmem>>, vector<1x1x16xf32>,
        %get3A_401 = vector.shape_cast %get3A_400 : vector<1x1x16xf32> to vector<16xf32>
        %exp3A_402 = math.exp %get3A_395 : vector<16xf32>
        %add3A_403 = arith.addf %add3A_367, %exp3A_402 : vector<16xf32>
        %exp3A_404 = math.exp %get3A_401 : vector<16xf32>
        %add3A_405 = arith.addf %add3A_369, %exp3A_404 : vector<16xf32>
        %eq3A_406 = arith.constant 0.000000e+00 : f32
        %eq3A_407 = vector.broadcast %eq3A_406 : f32 to vector<16xf32>
        %eq3A_408 = arith.cmpf oeq, %get3A_395, %eq3A_407 : vector<16xf32>
        %jit3A_409 = arith.constant 1.000000e+00 : f32
        %jit3A_410 = arith.constant 0.000000e+00 : f32
        %broadcast_in_dim3A_411 = vector.broadcast %jit3A_409 : f32 to vector<16xf32>
        %broadcast_in_dim3A_412 = vector.broadcast %jit3A_410 : f32 to vector<16xf32>
        %select_n3A_413 = arith.select %eq3A_408, %broadcast_in_dim3A_411, %broadcast_in_dim3A_412 : vector<16xi1>, vector<16xf32>
        %add3A_414 = arith.addf %add3A_378, %select_n3A_413 : vector<16xf32>
        %eq3A_415 = arith.constant 0.000000e+00 : f32
        %eq3A_416 = vector.broadcast %eq3A_415 : f32 to vector<16xf32>
        %eq3A_417 = arith.cmpf oeq, %get3A_401, %eq3A_416 : vector<16xf32>
        %jit3A_418 = arith.constant 1.000000e+00 : f32
        %jit3A_419 = arith.constant 0.000000e+00 : f32
        %broadcast_in_dim3A_420 = vector.broadcast %jit3A_418 : f32 to vector<16xf32>
        %broadcast_in_dim3A_421 = vector.broadcast %jit3A_419 : f32 to vector<16xf32>
        %select_n3A_422 = arith.select %eq3A_417, %broadcast_in_dim3A_420, %broadcast_in_dim3A_421 : vector<16xi1>, vector<16xf32>
        %add3A_423 = arith.addf %add3A_387, %select_n3A_422 : vector<16xf32>
        %scan3A_424 = arith.constant 6 : i32
        %scan3A_425 = arith.addi %scan3A_210, %scan3A_424 : i32
        %get3A_426 = arith.constant 0 : i32
        %get3A_427 = arith.index_cast %get3A_426 : i32 to index
        %get3A_428 = arith.index_cast %scan3A_425 : i32 to index
        %get3A_429 = arith.constant 0 : index
        %get3A_430 = tpu.vector_load %arg6[%get3A_427, %get3A_428, %get3A_429] {strides = array<i32>} : memref<4x128x32xf32, #tpu.memory_space<vmem>>, vector<1x1x16xf32>,
        %get3A_431 = vector.shape_cast %get3A_430 : vector<1x1x16xf32> to vector<16xf32>
        %get3A_432 = arith.constant 0 : i32
        %get3A_433 = arith.index_cast %get3A_432 : i32 to index
        %get3A_434 = arith.index_cast %scan3A_425 : i32 to index
        %get3A_435 = arith.constant 16 : index
        %get3A_436 = tpu.vector_load %arg6[%get3A_433, %get3A_434, %get3A_435] {strides = array<i32>} : memref<4x128x32xf32, #tpu.memory_space<vmem>>, vector<1x1x16xf32>,
        %get3A_437 = vector.shape_cast %get3A_436 : vector<1x1x16xf32> to vector<16xf32>
        %exp3A_438 = math.exp %get3A_431 : vector<16xf32>
        %add3A_439 = arith.addf %add3A_403, %exp3A_438 : vector<16xf32>
        %exp3A_440 = math.exp %get3A_437 : vector<16xf32>
        %add3A_441 = arith.addf %add3A_405, %exp3A_440 : vector<16xf32>
        %eq3A_442 = arith.constant 0.000000e+00 : f32
        %eq3A_443 = vector.broadcast %eq3A_442 : f32 to vector<16xf32>
        %eq3A_444 = arith.cmpf oeq, %get3A_431, %eq3A_443 : vector<16xf32>
        %jit3A_445 = arith.constant 1.000000e+00 : f32
        %jit3A_446 = arith.constant 0.000000e+00 : f32
        %broadcast_in_dim3A_447 = vector.broadcast %jit3A_445 : f32 to vector<16xf32>
        %broadcast_in_dim3A_448 = vector.broadcast %jit3A_446 : f32 to vector<16xf32>
        %select_n3A_449 = arith.select %eq3A_444, %broadcast_in_dim3A_447, %broadcast_in_dim3A_448 : vector<16xi1>, vector<16xf32>
        %add3A_450 = arith.addf %add3A_414, %select_n3A_449 : vector<16xf32>
        %eq3A_451 = arith.constant 0.000000e+00 : f32
        %eq3A_452 = vector.broadcast %eq3A_451 : f32 to vector<16xf32>
        %eq3A_453 = arith.cmpf oeq, %get3A_437, %eq3A_452 : vector<16xf32>
        %jit3A_454 = arith.constant 1.000000e+00 : f32
        %jit3A_455 = arith.constant 0.000000e+00 : f32
        %broadcast_in_dim3A_456 = vector.broadcast %jit3A_454 : f32 to vector<16xf32>
        %broadcast_in_dim3A_457 = vector.broadcast %jit3A_455 : f32 to vector<16xf32>
        %select_n3A_458 = arith.select %eq3A_453, %broadcast_in_dim3A_456, %broadcast_in_dim3A_457 : vector<16xi1>, vector<16xf32>
        %add3A_459 = arith.addf %add3A_423, %select_n3A_458 : vector<16xf32>
        %scan3A_460 = arith.constant 7 : i32
        %scan3A_461 = arith.addi %scan3A_210, %scan3A_460 : i32
        %get3A_462 = arith.constant 0 : i32
        %get3A_463 = arith.index_cast %get3A_462 : i32 to index
        %get3A_464 = arith.index_cast %scan3A_461 : i32 to index
        %get3A_465 = arith.constant 0 : index
        %get3A_466 = tpu.vector_load %arg6[%get3A_463, %get3A_464, %get3A_465] {strides = array<i32>} : memref<4x128x32xf32, #tpu.memory_space<vmem>>, vector<1x1x16xf32>,
        %get3A_467 = vector.shape_cast %get3A_466 : vector<1x1x16xf32> to vector<16xf32>
        %get3A_468 = arith.constant 0 : i32
        %get3A_469 = arith.index_cast %get3A_468 : i32 to index
        %get3A_470 = arith.index_cast %scan3A_461 : i32 to index
        %get3A_471 = arith.constant 16 : index
        %get3A_472 = tpu.vector_load %arg6[%get3A_469, %get3A_470, %get3A_471] {strides = array<i32>} : memref<4x128x32xf32, #tpu.memory_space<vmem>>, vector<1x1x16xf32>,
        %get3A_473 = vector.shape_cast %get3A_472 : vector<1x1x16xf32> to vector<16xf32>
        %exp3A_474 = math.exp %get3A_467 : vector<16xf32>
        %add3A_475 = arith.addf %add3A_439, %exp3A_474 : vector<16xf32>
        %exp3A_476 = math.exp %get3A_473 : vector<16xf32>
        %add3A_477 = arith.addf %add3A_441, %exp3A_476 : vector<16xf32>
        %eq3A_478 = arith.constant 0.000000e+00 : f32
        %eq3A_479 = vector.broadcast %eq3A_478 : f32 to vector<16xf32>
        %eq3A_480 = arith.cmpf oeq, %get3A_467, %eq3A_479 : vector<16xf32>
        %jit3A_481 = arith.constant 1.000000e+00 : f32
        %jit3A_482 = arith.constant 0.000000e+00 : f32
        %broadcast_in_dim3A_483 = vector.broadcast %jit3A_481 : f32 to vector<16xf32>
        %broadcast_in_dim3A_484 = vector.broadcast %jit3A_482 : f32 to vector<16xf32>
        %select_n3A_485 = arith.select %eq3A_480, %broadcast_in_dim3A_483, %broadcast_in_dim3A_484 : vector<16xi1>, vector<16xf32>
        %add3A_486 = arith.addf %add3A_450, %select_n3A_485 : vector<16xf32>
        %eq3A_487 = arith.constant 0.000000e+00 : f32
        %eq3A_488 = vector.broadcast %eq3A_487 : f32 to vector<16xf32>
        %eq3A_489 = arith.cmpf oeq, %get3A_473, %eq3A_488 : vector<16xf32>
        %jit3A_490 = arith.constant 1.000000e+00 : f32
        %jit3A_491 = arith.constant 0.000000e+00 : f32
        %broadcast_in_dim3A_492 = vector.broadcast %jit3A_490 : f32 to vector<16xf32>
        %broadcast_in_dim3A_493 = vector.broadcast %jit3A_491 : f32 to vector<16xf32>
        %select_n3A_494 = arith.select %eq3A_489, %broadcast_in_dim3A_492, %broadcast_in_dim3A_493 : vector<16xi1>, vector<16xf32>
        %add3A_495 = arith.addf %add3A_459, %select_n3A_494 : vector<16xf32>
        %scan3A_496 = arith.constant 8 : i32
        %scan3A_497 = arith.addi %scan3A_210, %scan3A_496 : i32
        %get3A_498 = arith.constant 0 : i32
        %get3A_499 = arith.index_cast %get3A_498 : i32 to index
        %get3A_500 = arith.index_cast %scan3A_497 : i32 to index
        %get3A_501 = arith.constant 0 : index
        %get3A_502 = tpu.vector_load %arg6[%get3A_499, %get3A_500, %get3A_501] {strides = array<i32>} : memref<4x128x32xf32, #tpu.memory_space<vmem>>, vector<1x1x16xf32>,
        %get3A_503 = vector.shape_cast %get3A_502 : vector<1x1x16xf32> to vector<16xf32>
        %get3A_504 = arith.constant 0 : i32
        %get3A_505 = arith.index_cast %get3A_504 : i32 to index
        %get3A_506 = arith.index_cast %scan3A_497 : i32 to index
        %get3A_507 = arith.constant 16 : index
        %get3A_508 = tpu.vector_load %arg6[%get3A_505, %get3A_506, %get3A_507] {strides = array<i32>} : memref<4x128x32xf32, #tpu.memory_space<vmem>>, vector<1x1x16xf32>,
        %get3A_509 = vector.shape_cast %get3A_508 : vector<1x1x16xf32> to vector<16xf32>
        %exp3A_510 = math.exp %get3A_503 : vector<16xf32>
        %add3A_511 = arith.addf %add3A_475, %exp3A_510 : vector<16xf32>
        %exp3A_512 = math.exp %get3A_509 : vector<16xf32>
        %add3A_513 = arith.addf %add3A_477, %exp3A_512 : vector<16xf32>
        %eq3A_514 = arith.constant 0.000000e+00 : f32
        %eq3A_515 = vector.broadcast %eq3A_514 : f32 to vector<16xf32>
        %eq3A_516 = arith.cmpf oeq, %get3A_503, %eq3A_515 : vector<16xf32>
        %jit3A_517 = arith.constant 1.000000e+00 : f32
        %jit3A_518 = arith.constant 0.000000e+00 : f32
        %broadcast_in_dim3A_519 = vector.broadcast %jit3A_517 : f32 to vector<16xf32>
        %broadcast_in_dim3A_520 = vector.broadcast %jit3A_518 : f32 to vector<16xf32>
        %select_n3A_521 = arith.select %eq3A_516, %broadcast_in_dim3A_519, %broadcast_in_dim3A_520 : vector<16xi1>, vector<16xf32>
        %add3A_522 = arith.addf %add3A_486, %select_n3A_521 : vector<16xf32>
        %eq3A_523 = arith.constant 0.000000e+00 : f32
        %eq3A_524 = vector.broadcast %eq3A_523 : f32 to vector<16xf32>
        %eq3A_525 = arith.cmpf oeq, %get3A_509, %eq3A_524 : vector<16xf32>
        %jit3A_526 = arith.constant 1.000000e+00 : f32
        %jit3A_527 = arith.constant 0.000000e+00 : f32
        %broadcast_in_dim3A_528 = vector.broadcast %jit3A_526 : f32 to vector<16xf32>
        %broadcast_in_dim3A_529 = vector.broadcast %jit3A_527 : f32 to vector<16xf32>
        %select_n3A_530 = arith.select %eq3A_525, %broadcast_in_dim3A_528, %broadcast_in_dim3A_529 : vector<16xi1>, vector<16xf32>
        %add3A_531 = arith.addf %add3A_495, %select_n3A_530 : vector<16xf32>
        %scan3A_532 = arith.constant 9 : i32
        %scan3A_533 = arith.addi %scan3A_210, %scan3A_532 : i32
        %get3A_534 = arith.constant 0 : i32
        %get3A_535 = arith.index_cast %get3A_534 : i32 to index
        %get3A_536 = arith.index_cast %scan3A_533 : i32 to index
        %get3A_537 = arith.constant 0 : index
        %get3A_538 = tpu.vector_load %arg6[%get3A_535, %get3A_536, %get3A_537] {strides = array<i32>} : memref<4x128x32xf32, #tpu.memory_space<vmem>>, vector<1x1x16xf32>,
        %get3A_539 = vector.shape_cast %get3A_538 : vector<1x1x16xf32> to vector<16xf32>
        %get3A_540 = arith.constant 0 : i32
        %get3A_541 = arith.index_cast %get3A_540 : i32 to index
        %get3A_542 = arith.index_cast %scan3A_533 : i32 to index
        %get3A_543 = arith.constant 16 : index
        %get3A_544 = tpu.vector_load %arg6[%get3A_541, %get3A_542, %get3A_543] {strides = array<i32>} : memref<4x128x32xf32, #tpu.memory_space<vmem>>, vector<1x1x16xf32>,
        %get3A_545 = vector.shape_cast %get3A_544 : vector<1x1x16xf32> to vector<16xf32>
        %exp3A_546 = math.exp %get3A_539 : vector<16xf32>
        %add3A_547 = arith.addf %add3A_511, %exp3A_546 : vector<16xf32>
        %exp3A_548 = math.exp %get3A_545 : vector<16xf32>
        %add3A_549 = arith.addf %add3A_513, %exp3A_548 : vector<16xf32>
        %eq3A_550 = arith.constant 0.000000e+00 : f32
        %eq3A_551 = vector.broadcast %eq3A_550 : f32 to vector<16xf32>
        %eq3A_552 = arith.cmpf oeq, %get3A_539, %eq3A_551 : vector<16xf32>
        %jit3A_553 = arith.constant 1.000000e+00 : f32
        %jit3A_554 = arith.constant 0.000000e+00 : f32
        %broadcast_in_dim3A_555 = vector.broadcast %jit3A_553 : f32 to vector<16xf32>
        %broadcast_in_dim3A_556 = vector.broadcast %jit3A_554 : f32 to vector<16xf32>
        %select_n3A_557 = arith.select %eq3A_552, %broadcast_in_dim3A_555, %broadcast_in_dim3A_556 : vector<16xi1>, vector<16xf32>
        %add3A_558 = arith.addf %add3A_522, %select_n3A_557 : vector<16xf32>
        %eq3A_559 = arith.constant 0.000000e+00 : f32
        %eq3A_560 = vector.broadcast %eq3A_559 : f32 to vector<16xf32>
        %eq3A_561 = arith.cmpf oeq, %get3A_545, %eq3A_560 : vector<16xf32>
        %jit3A_562 = arith.constant 1.000000e+00 : f32
        %jit3A_563 = arith.constant 0.000000e+00 : f32
        %broadcast_in_dim3A_564 = vector.broadcast %jit3A_562 : f32 to vector<16xf32>
        %broadcast_in_dim3A_565 = vector.broadcast %jit3A_563 : f32 to vector<16xf32>
        %select_n3A_566 = arith.select %eq3A_561, %broadcast_in_dim3A_564, %broadcast_in_dim3A_565 : vector<16xi1>, vector<16xf32>
        %add3A_567 = arith.addf %add3A_531, %select_n3A_566 : vector<16xf32>
        %scan3A_568 = arith.constant 10 : i32
        %scan3A_569 = arith.addi %scan3A_210, %scan3A_568 : i32
        %get3A_570 = arith.constant 0 : i32
        %get3A_571 = arith.index_cast %get3A_570 : i32 to index
        %get3A_572 = arith.index_cast %scan3A_569 : i32 to index
        %get3A_573 = arith.constant 0 : index
        %get3A_574 = tpu.vector_load %arg6[%get3A_571, %get3A_572, %get3A_573] {strides = array<i32>} : memref<4x128x32xf32, #tpu.memory_space<vmem>>, vector<1x1x16xf32>,
        %get3A_575 = vector.shape_cast %get3A_574 : vector<1x1x16xf32> to vector<16xf32>
        %get3A_576 = arith.constant 0 : i32
        %get3A_577 = arith.index_cast %get3A_576 : i32 to index
        %get3A_578 = arith.index_cast %scan3A_569 : i32 to index
        %get3A_579 = arith.constant 16 : index
        %get3A_580 = tpu.vector_load %arg6[%get3A_577, %get3A_578, %get3A_579] {strides = array<i32>} : memref<4x128x32xf32, #tpu.memory_space<vmem>>, vector<1x1x16xf32>,
        %get3A_581 = vector.shape_cast %get3A_580 : vector<1x1x16xf32> to vector<16xf32>
        %exp3A_582 = math.exp %get3A_575 : vector<16xf32>
        %add3A_583 = arith.addf %add3A_547, %exp3A_582 : vector<16xf32>
        %exp3A_584 = math.exp %get3A_581 : vector<16xf32>
        %add3A_585 = arith.addf %add3A_549, %exp3A_584 : vector<16xf32>
        %eq3A_586 = arith.constant 0.000000e+00 : f32
        %eq3A_587 = vector.broadcast %eq3A_586 : f32 to vector<16xf32>
        %eq3A_588 = arith.cmpf oeq, %get3A_575, %eq3A_587 : vector<16xf32>
        %jit3A_589 = arith.constant 1.000000e+00 : f32
        %jit3A_590 = arith.constant 0.000000e+00 : f32
        %broadcast_in_dim3A_591 = vector.broadcast %jit3A_589 : f32 to vector<16xf32>
        %broadcast_in_dim3A_592 = vector.broadcast %jit3A_590 : f32 to vector<16xf32>
        %select_n3A_593 = arith.select %eq3A_588, %broadcast_in_dim3A_591, %broadcast_in_dim3A_592 : vector<16xi1>, vector<16xf32>
        %add3A_594 = arith.addf %add3A_558, %select_n3A_593 : vector<16xf32>
        %eq3A_595 = arith.constant 0.000000e+00 : f32
        %eq3A_596 = vector.broadcast %eq3A_595 : f32 to vector<16xf32>
        %eq3A_597 = arith.cmpf oeq, %get3A_581, %eq3A_596 : vector<16xf32>
        %jit3A_598 = arith.constant 1.000000e+00 : f32
        %jit3A_599 = arith.constant 0.000000e+00 : f32
        %broadcast_in_dim3A_600 = vector.broadcast %jit3A_598 : f32 to vector<16xf32>
        %broadcast_in_dim3A_601 = vector.broadcast %jit3A_599 : f32 to vector<16xf32>
        %select_n3A_602 = arith.select %eq3A_597, %broadcast_in_dim3A_600, %broadcast_in_dim3A_601 : vector<16xi1>, vector<16xf32>
        %add3A_603 = arith.addf %add3A_567, %select_n3A_602 : vector<16xf32>
        %scan3A_604 = arith.constant 11 : i32
        %scan3A_605 = arith.addi %scan3A_210, %scan3A_604 : i32
        %get3A_606 = arith.constant 0 : i32
        %get3A_607 = arith.index_cast %get3A_606 : i32 to index
        %get3A_608 = arith.index_cast %scan3A_605 : i32 to index
        %get3A_609 = arith.constant 0 : index
        %get3A_610 = tpu.vector_load %arg6[%get3A_607, %get3A_608, %get3A_609] {strides = array<i32>} : memref<4x128x32xf32, #tpu.memory_space<vmem>>, vector<1x1x16xf32>,
        %get3A_611 = vector.shape_cast %get3A_610 : vector<1x1x16xf32> to vector<16xf32>
        %get3A_612 = arith.constant 0 : i32
        %get3A_613 = arith.index_cast %get3A_612 : i32 to index
        %get3A_614 = arith.index_cast %scan3A_605 : i32 to index
        %get3A_615 = arith.constant 16 : index
        %get3A_616 = tpu.vector_load %arg6[%get3A_613, %get3A_614, %get3A_615] {strides = array<i32>} : memref<4x128x32xf32, #tpu.memory_space<vmem>>, vector<1x1x16xf32>,
        %get3A_617 = vector.shape_cast %get3A_616 : vector<1x1x16xf32> to vector<16xf32>
        %exp3A_618 = math.exp %get3A_611 : vector<16xf32>
        %add3A_619 = arith.addf %add3A_583, %exp3A_618 : vector<16xf32>
        %exp3A_620 = math.exp %get3A_617 : vector<16xf32>
        %add3A_621 = arith.addf %add3A_585, %exp3A_620 : vector<16xf32>
        %eq3A_622 = arith.constant 0.000000e+00 : f32
        %eq3A_623 = vector.broadcast %eq3A_622 : f32 to vector<16xf32>
        %eq3A_624 = arith.cmpf oeq, %get3A_611, %eq3A_623 : vector<16xf32>
        %jit3A_625 = arith.constant 1.000000e+00 : f32
        %jit3A_626 = arith.constant 0.000000e+00 : f32
        %broadcast_in_dim3A_627 = vector.broadcast %jit3A_625 : f32 to vector<16xf32>
        %broadcast_in_dim3A_628 = vector.broadcast %jit3A_626 : f32 to vector<16xf32>
        %select_n3A_629 = arith.select %eq3A_624, %broadcast_in_dim3A_627, %broadcast_in_dim3A_628 : vector<16xi1>, vector<16xf32>
        %add3A_630 = arith.addf %add3A_594, %select_n3A_629 : vector<16xf32>
        %eq3A_631 = arith.constant 0.000000e+00 : f32
        %eq3A_632 = vector.broadcast %eq3A_631 : f32 to vector<16xf32>
        %eq3A_633 = arith.cmpf oeq, %get3A_617, %eq3A_632 : vector<16xf32>
        %jit3A_634 = arith.constant 1.000000e+00 : f32
        %jit3A_635 = arith.constant 0.000000e+00 : f32
        %broadcast_in_dim3A_636 = vector.broadcast %jit3A_634 : f32 to vector<16xf32>
        %broadcast_in_dim3A_637 = vector.broadcast %jit3A_635 : f32 to vector<16xf32>
        %select_n3A_638 = arith.select %eq3A_633, %broadcast_in_dim3A_636, %broadcast_in_dim3A_637 : vector<16xi1>, vector<16xf32>
        %add3A_639 = arith.addf %add3A_603, %select_n3A_638 : vector<16xf32>
        %scan3A_640 = arith.constant 12 : i32
        %scan3A_641 = arith.addi %scan3A_210, %scan3A_640 : i32
        %get3A_642 = arith.constant 0 : i32
        %get3A_643 = arith.index_cast %get3A_642 : i32 to index
        %get3A_644 = arith.index_cast %scan3A_641 : i32 to index
        %get3A_645 = arith.constant 0 : index
        %get3A_646 = tpu.vector_load %arg6[%get3A_643, %get3A_644, %get3A_645] {strides = array<i32>} : memref<4x128x32xf32, #tpu.memory_space<vmem>>, vector<1x1x16xf32>,
        %get3A_647 = vector.shape_cast %get3A_646 : vector<1x1x16xf32> to vector<16xf32>
        %get3A_648 = arith.constant 0 : i32
        %get3A_649 = arith.index_cast %get3A_648 : i32 to index
        %get3A_650 = arith.index_cast %scan3A_641 : i32 to index
        %get3A_651 = arith.constant 16 : index
        %get3A_652 = tpu.vector_load %arg6[%get3A_649, %get3A_650, %get3A_651] {strides = array<i32>} : memref<4x128x32xf32, #tpu.memory_space<vmem>>, vector<1x1x16xf32>,
        %get3A_653 = vector.shape_cast %get3A_652 : vector<1x1x16xf32> to vector<16xf32>
        %exp3A_654 = math.exp %get3A_647 : vector<16xf32>
        %add3A_655 = arith.addf %add3A_619, %exp3A_654 : vector<16xf32>
        %exp3A_656 = math.exp %get3A_653 : vector<16xf32>
        %add3A_657 = arith.addf %add3A_621, %exp3A_656 : vector<16xf32>
        %eq3A_658 = arith.constant 0.000000e+00 : f32
        %eq3A_659 = vector.broadcast %eq3A_658 : f32 to vector<16xf32>
        %eq3A_660 = arith.cmpf oeq, %get3A_647, %eq3A_659 : vector<16xf32>
        %jit3A_661 = arith.constant 1.000000e+00 : f32
        %jit3A_662 = arith.constant 0.000000e+00 : f32
        %broadcast_in_dim3A_663 = vector.broadcast %jit3A_661 : f32 to vector<16xf32>
        %broadcast_in_dim3A_664 = vector.broadcast %jit3A_662 : f32 to vector<16xf32>
        %select_n3A_665 = arith.select %eq3A_660, %broadcast_in_dim3A_663, %broadcast_in_dim3A_664 : vector<16xi1>, vector<16xf32>
        %add3A_666 = arith.addf %add3A_630, %select_n3A_665 : vector<16xf32>
        %eq3A_667 = arith.constant 0.000000e+00 : f32
        %eq3A_668 = vector.broadcast %eq3A_667 : f32 to vector<16xf32>
        %eq3A_669 = arith.cmpf oeq, %get3A_653, %eq3A_668 : vector<16xf32>
        %jit3A_670 = arith.constant 1.000000e+00 : f32
        %jit3A_671 = arith.constant 0.000000e+00 : f32
        %broadcast_in_dim3A_672 = vector.broadcast %jit3A_670 : f32 to vector<16xf32>
        %broadcast_in_dim3A_673 = vector.broadcast %jit3A_671 : f32 to vector<16xf32>
        %select_n3A_674 = arith.select %eq3A_669, %broadcast_in_dim3A_672, %broadcast_in_dim3A_673 : vector<16xi1>, vector<16xf32>
        %add3A_675 = arith.addf %add3A_639, %select_n3A_674 : vector<16xf32>
        %scan3A_676 = arith.constant 13 : i32
        %scan3A_677 = arith.addi %scan3A_210, %scan3A_676 : i32
        %get3A_678 = arith.constant 0 : i32
        %get3A_679 = arith.index_cast %get3A_678 : i32 to index
        %get3A_680 = arith.index_cast %scan3A_677 : i32 to index
        %get3A_681 = arith.constant 0 : index
        %get3A_682 = tpu.vector_load %arg6[%get3A_679, %get3A_680, %get3A_681] {strides = array<i32>} : memref<4x128x32xf32, #tpu.memory_space<vmem>>, vector<1x1x16xf32>,
        %get3A_683 = vector.shape_cast %get3A_682 : vector<1x1x16xf32> to vector<16xf32>
        %get3A_684 = arith.constant 0 : i32
        %get3A_685 = arith.index_cast %get3A_684 : i32 to index
        %get3A_686 = arith.index_cast %scan3A_677 : i32 to index
        %get3A_687 = arith.constant 16 : index
        %get3A_688 = tpu.vector_load %arg6[%get3A_685, %get3A_686, %get3A_687] {strides = array<i32>} : memref<4x128x32xf32, #tpu.memory_space<vmem>>, vector<1x1x16xf32>,
        %get3A_689 = vector.shape_cast %get3A_688 : vector<1x1x16xf32> to vector<16xf32>
        %exp3A_690 = math.exp %get3A_683 : vector<16xf32>
        %add3A_691 = arith.addf %add3A_655, %exp3A_690 : vector<16xf32>
        %exp3A_692 = math.exp %get3A_689 : vector<16xf32>
        %add3A_693 = arith.addf %add3A_657, %exp3A_692 : vector<16xf32>
        %eq3A_694 = arith.constant 0.000000e+00 : f32
        %eq3A_695 = vector.broadcast %eq3A_694 : f32 to vector<16xf32>
        %eq3A_696 = arith.cmpf oeq, %get3A_683, %eq3A_695 : vector<16xf32>
        %jit3A_697 = arith.constant 1.000000e+00 : f32
        %jit3A_698 = arith.constant 0.000000e+00 : f32
        %broadcast_in_dim3A_699 = vector.broadcast %jit3A_697 : f32 to vector<16xf32>
        %broadcast_in_dim3A_700 = vector.broadcast %jit3A_698 : f32 to vector<16xf32>
        %select_n3A_701 = arith.select %eq3A_696, %broadcast_in_dim3A_699, %broadcast_in_dim3A_700 : vector<16xi1>, vector<16xf32>
        %add3A_702 = arith.addf %add3A_666, %select_n3A_701 : vector<16xf32>
        %eq3A_703 = arith.constant 0.000000e+00 : f32
        %eq3A_704 = vector.broadcast %eq3A_703 : f32 to vector<16xf32>
        %eq3A_705 = arith.cmpf oeq, %get3A_689, %eq3A_704 : vector<16xf32>
        %jit3A_706 = arith.constant 1.000000e+00 : f32
        %jit3A_707 = arith.constant 0.000000e+00 : f32
        %broadcast_in_dim3A_708 = vector.broadcast %jit3A_706 : f32 to vector<16xf32>
        %broadcast_in_dim3A_709 = vector.broadcast %jit3A_707 : f32 to vector<16xf32>
        %select_n3A_710 = arith.select %eq3A_705, %broadcast_in_dim3A_708, %broadcast_in_dim3A_709 : vector<16xi1>, vector<16xf32>
        %add3A_711 = arith.addf %add3A_675, %select_n3A_710 : vector<16xf32>
        %scan3A_712 = arith.constant 14 : i32
        %scan3A_713 = arith.addi %scan3A_210, %scan3A_712 : i32
        %get3A_714 = arith.constant 0 : i32
        %get3A_715 = arith.index_cast %get3A_714 : i32 to index
        %get3A_716 = arith.index_cast %scan3A_713 : i32 to index
        %get3A_717 = arith.constant 0 : index
        %get3A_718 = tpu.vector_load %arg6[%get3A_715, %get3A_716, %get3A_717] {strides = array<i32>} : memref<4x128x32xf32, #tpu.memory_space<vmem>>, vector<1x1x16xf32>,
        %get3A_719 = vector.shape_cast %get3A_718 : vector<1x1x16xf32> to vector<16xf32>
        %get3A_720 = arith.constant 0 : i32
        %get3A_721 = arith.index_cast %get3A_720 : i32 to index
        %get3A_722 = arith.index_cast %scan3A_713 : i32 to index
        %get3A_723 = arith.constant 16 : index
        %get3A_724 = tpu.vector_load %arg6[%get3A_721, %get3A_722, %get3A_723] {strides = array<i32>} : memref<4x128x32xf32, #tpu.memory_space<vmem>>, vector<1x1x16xf32>,
        %get3A_725 = vector.shape_cast %get3A_724 : vector<1x1x16xf32> to vector<16xf32>
        %exp3A_726 = math.exp %get3A_719 : vector<16xf32>
        %add3A_727 = arith.addf %add3A_691, %exp3A_726 : vector<16xf32>
        %exp3A_728 = math.exp %get3A_725 : vector<16xf32>
        %add3A_729 = arith.addf %add3A_693, %exp3A_728 : vector<16xf32>
        %eq3A_730 = arith.constant 0.000000e+00 : f32
        %eq3A_731 = vector.broadcast %eq3A_730 : f32 to vector<16xf32>
        %eq3A_732 = arith.cmpf oeq, %get3A_719, %eq3A_731 : vector<16xf32>
        %jit3A_733 = arith.constant 1.000000e+00 : f32
        %jit3A_734 = arith.constant 0.000000e+00 : f32
        %broadcast_in_dim3A_735 = vector.broadcast %jit3A_733 : f32 to vector<16xf32>
        %broadcast_in_dim3A_736 = vector.broadcast %jit3A_734 : f32 to vector<16xf32>
        %select_n3A_737 = arith.select %eq3A_732, %broadcast_in_dim3A_735, %broadcast_in_dim3A_736 : vector<16xi1>, vector<16xf32>
        %add3A_738 = arith.addf %add3A_702, %select_n3A_737 : vector<16xf32>
        %eq3A_739 = arith.constant 0.000000e+00 : f32
        %eq3A_740 = vector.broadcast %eq3A_739 : f32 to vector<16xf32>
        %eq3A_741 = arith.cmpf oeq, %get3A_725, %eq3A_740 : vector<16xf32>
        %jit3A_742 = arith.constant 1.000000e+00 : f32
        %jit3A_743 = arith.constant 0.000000e+00 : f32
        %broadcast_in_dim3A_744 = vector.broadcast %jit3A_742 : f32 to vector<16xf32>
        %broadcast_in_dim3A_745 = vector.broadcast %jit3A_743 : f32 to vector<16xf32>
        %select_n3A_746 = arith.select %eq3A_741, %broadcast_in_dim3A_744, %broadcast_in_dim3A_745 : vector<16xi1>, vector<16xf32>
        %add3A_747 = arith.addf %add3A_711, %select_n3A_746 : vector<16xf32>
        %scan3A_748 = arith.constant 15 : i32
        %scan3A_749 = arith.addi %scan3A_210, %scan3A_748 : i32
        %get3A_750 = arith.constant 0 : i32
        %get3A_751 = arith.index_cast %get3A_750 : i32 to index
        %get3A_752 = arith.index_cast %scan3A_749 : i32 to index
        %get3A_753 = arith.constant 0 : index
        %get3A_754 = tpu.vector_load %arg6[%get3A_751, %get3A_752, %get3A_753] {strides = array<i32>} : memref<4x128x32xf32, #tpu.memory_space<vmem>>, vector<1x1x16xf32>,
        %get3A_755 = vector.shape_cast %get3A_754 : vector<1x1x16xf32> to vector<16xf32>
        %get3A_756 = arith.constant 0 : i32
        %get3A_757 = arith.index_cast %get3A_756 : i32 to index
        %get3A_758 = arith.index_cast %scan3A_749 : i32 to index
        %get3A_759 = arith.constant 16 : index
        %get3A_760 = tpu.vector_load %arg6[%get3A_757, %get3A_758, %get3A_759] {strides = array<i32>} : memref<4x128x32xf32, #tpu.memory_space<vmem>>, vector<1x1x16xf32>,
        %get3A_761 = vector.shape_cast %get3A_760 : vector<1x1x16xf32> to vector<16xf32>
        %exp3A_762 = math.exp %get3A_755 : vector<16xf32>
        %add3A_763 = arith.addf %add3A_727, %exp3A_762 : vector<16xf32>
        %exp3A_764 = math.exp %get3A_761 : vector<16xf32>
        %add3A_765 = arith.addf %add3A_729, %exp3A_764 : vector<16xf32>
        %eq3A_766 = arith.constant 0.000000e+00 : f32
        %eq3A_767 = vector.broadcast %eq3A_766 : f32 to vector<16xf32>
        %eq3A_768 = arith.cmpf oeq, %get3A_755, %eq3A_767 : vector<16xf32>
        %jit3A_769 = arith.constant 1.000000e+00 : f32
        %jit3A_770 = arith.constant 0.000000e+00 : f32
        %broadcast_in_dim3A_771 = vector.broadcast %jit3A_769 : f32 to vector<16xf32>
        %broadcast_in_dim3A_772 = vector.broadcast %jit3A_770 : f32 to vector<16xf32>
        %select_n3A_773 = arith.select %eq3A_768, %broadcast_in_dim3A_771, %broadcast_in_dim3A_772 : vector<16xi1>, vector<16xf32>
        %add3A_774 = arith.addf %add3A_738, %select_n3A_773 : vector<16xf32>
        %eq3A_775 = arith.constant 0.000000e+00 : f32
        %eq3A_776 = vector.broadcast %eq3A_775 : f32 to vector<16xf32>
        %eq3A_777 = arith.cmpf oeq, %get3A_761, %eq3A_776 : vector<16xf32>
        %jit3A_778 = arith.constant 1.000000e+00 : f32
        %jit3A_779 = arith.constant 0.000000e+00 : f32
        %broadcast_in_dim3A_780 = vector.broadcast %jit3A_778 : f32 to vector<16xf32>
        %broadcast_in_dim3A_781 = vector.broadcast %jit3A_779 : f32 to vector<16xf32>
        %select_n3A_782 = arith.select %eq3A_777, %broadcast_in_dim3A_780, %broadcast_in_dim3A_781 : vector<16xi1>, vector<16xf32>
        %add3A_783 = arith.addf %add3A_747, %select_n3A_782 : vector<16xf32>
        scf.yield %add3A_763, %add3A_765, %add3A_774, %add3A_783 : vector<16xf32>, vector<16xf32>, vector<16xf32>, vector<16xf32>
      }
      %scan3A_71 = arith.constant 128 : i32
      %sub3A_72 = arith.subf %scan3A_70#0, %scan3A_70#2 : vector<16xf32>
      %swap3A = arith.index_cast %add3A_50 : i32 to index
      %swap3A_73 = arith.constant 0 : index
      %swap3A_74 = tpu.vector_load %arg7[%swap3A, %swap3A_73] {strides = array<i32>} : memref<200x32xf32, #tpu.memory_space<vmem>>, vector<1x16xf32>,
      %swap3A_75 = vector.shape_cast %swap3A_74 : vector<1x16xf32> to vector<16xf32>
      %swap3A_76 = vector.shape_cast %sub3A_72 : vector<16xf32> to vector<1x16xf32>
      tpu.vector_store %arg7[%swap3A, %swap3A_73], %swap3A_76 {strides = array<i32>} : memref<200x32xf32, #tpu.memory_space<vmem>>, vector<1x16xf32>,
      %sub3A_77 = arith.subf %scan3A_70#1, %scan3A_70#3 : vector<16xf32>
      %swap3A_78 = arith.index_cast %add3A_50 : i32 to index
      %swap3A_79 = arith.constant 16 : index
      %swap3A_80 = tpu.vector_load %arg7[%swap3A_78, %swap3A_79] {strides = array<i32>} : memref<200x32xf32, #tpu.memory_space<vmem>>, vector<1x16xf32>,
      %swap3A_81 = vector.shape_cast %swap3A_80 : vector<1x16xf32> to vector<16xf32>
      %swap3A_82 = vector.shape_cast %sub3A_77 : vector<16xf32> to vector<1x16xf32>
      tpu.vector_store %arg7[%swap3A_78, %swap3A_79], %swap3A_82 {strides = array<i32>} : memref<200x32xf32, #tpu.memory_space<vmem>>, vector<1x16xf32>,
      %mul3A_83 = arith.constant 4 : i32
      %mul3A_84 = arith.muli %mul3A_83, %scan3A_45 : i32
      %add3A_85 = arith.constant 1 : i32
      %add3A_86 = arith.addi %mul3A_84, %add3A_85 : i32
      %dma_wait3A_87 = arith.constant 1 : i32
      %dma_wait3A_88 = arith.constant 0 : i32
      %dma_wait3A_89 = arith.constant 0 : i32
      %dma_wait3A_90 = tpu.memref_slice %arg6[%dma_wait3A_87, %dma_wait3A_88, %dma_wait3A_89] : memref<4x128x32xf32, #tpu.memory_space<vmem>> -> memref<1x128x32xf32, #tpu.memory_space<vmem>>
      %dma_wait3A_91 = tpu.memref_squeeze %dma_wait3A_90 : memref<1x128x32xf32, #tpu.memory_space<vmem>> -> memref<128x32xf32, #tpu.memory_space<vmem>>
      %dma_wait3A_92 = arith.constant 0 : i32
      %dma_wait3A_93 = tpu.memref_slice %arg5[%add3A_86, %dma_wait3A_92] : memref<200x128xi32, #tpu.memory_space<vmem>> -> memref<1x128xi32, #tpu.memory_space<vmem>>
      %dma_wait3A_94 = tpu.memref_squeeze %dma_wait3A_93 : memref<1x128xi32, #tpu.memory_space<vmem>> -> memref<128xi32, #tpu.memory_space<vmem>>
      %dma_wait3A_95 = arith.constant 0 : i32
      %dma_wait3A_96 = arith.constant 0 : i32
      %dma_wait3A_97 = tpu.memref_slice %arg3[%dma_wait3A_95, %dma_wait3A_96] : memref<1048576x32xf32, #tpu.memory_space<hbm>> -> memref<1048576x32xf32, #tpu.memory_space<hbm>>
      tpu.wait_indirect_dma semaphore(%arg9 : memref<!tpu.dma_semaphore, #tpu.memory_space<semaphore_mem>>) src(%dma_wait3A_97 : memref<1048576x32xf32, #tpu.memory_space<hbm>>) dst(%dma_wait3A_91 : memref<128x32xf32, #tpu.memory_space<vmem>>)
      %add3A_98 = arith.constant 4 : i32
      %add3A_99 = arith.addi %add3A_86, %add3A_98 : i32
      %sub3A_100 = arith.constant 1 : i32
      %sub3A_101 = arith.subi %add3A_99, %sub3A_100 : i32
      %lt3A_102 = arith.constant 200 : i32
      %lt3A_103 = arith.cmpi slt, %sub3A_101, %lt3A_102 : i32
      %convert_element_type3A_104 = arith.extui %lt3A_103 : i1 to i32
      %cond3A_105 = arith.constant 0 : i32
      %cond3A_106 = arith.cmpi ne, %convert_element_type3A_104, %cond3A_105 : i32
      scf.if %cond3A_106 {
        %dma_start3A_210 = arith.constant 0 : i32
        %dma_start3A_211 = arith.constant 0 : i32
        %dma_start3A_212 = arith.constant 0 : i32
        %dma_start3A_213 = tpu.memref_slice %arg6[%dma_start3A_210, %dma_start3A_211, %dma_start3A_212] : memref<4x128x32xf32, #tpu.memory_space<vmem>> -> memref<1x128x32xf32, #tpu.memory_space<vmem>>
        %dma_start3A_214 = tpu.memref_squeeze %dma_start3A_213 : memref<1x128x32xf32, #tpu.memory_space<vmem>> -> memref<128x32xf32, #tpu.memory_space<vmem>>
        %dma_start3A_215 = arith.constant 0 : i32
        %dma_start3A_216 = tpu.memref_slice %arg5[%sub3A_101, %dma_start3A_215] : memref<200x128xi32, #tpu.memory_space<vmem>> -> memref<1x128xi32, #tpu.memory_space<vmem>>
        %dma_start3A_217 = tpu.memref_squeeze %dma_start3A_216 : memref<1x128xi32, #tpu.memory_space<vmem>> -> memref<128xi32, #tpu.memory_space<vmem>>
        %dma_start3A_218 = arith.constant 0 : i32
        %dma_start3A_219 = arith.constant 0 : i32
        %dma_start3A_220 = tpu.memref_slice %arg3[%dma_start3A_218, %dma_start3A_219] : memref<1048576x32xf32, #tpu.memory_space<hbm>> -> memref<1048576x32xf32, #tpu.memory_space<hbm>>
        tpu.enqueue_indirect_dma source(%dma_start3A_220 : memref<1048576x32xf32, #tpu.memory_space<hbm>>) target(%dma_start3A_214 : memref<128x32xf32, #tpu.memory_space<vmem>>) offsets(%dma_start3A_217 : memref<128xi32, #tpu.memory_space<vmem>>) semaphore(%arg8 : memref<!tpu.dma_semaphore, #tpu.memory_space<semaphore_mem>>)
      } else {
      }
      %scan3A_107 = arith.constant 0 : i32
      %scan3A_108 = arith.constant 128 : i32
      %scan3A_109 = arith.addi %scan3A_107, %scan3A_108 : i32
      %scan3A_110 = arith.constant 16 : i32
      %scan3A_111:4 = scf.for %scan3A_210 = %scan3A_107 to %scan3A_109 step %scan3A_110 iter_args(%scan3A_211 = %broadcast_in_dim3A_38, %scan3A_212 = %broadcast_in_dim3A_38, %scan3A_213 = %broadcast_in_dim3A_38, %scan3A_214 = %broadcast_in_dim3A_38) -> (vector<16xf32>, vector<16xf32>, vector<16xf32>, vector<16xf32>)  : i32 {
        %get3A = arith.constant 1 : i32
        %get3A_215 = arith.index_cast %get3A : i32 to index
        %get3A_216 = arith.index_cast %scan3A_210 : i32 to index
        %get3A_217 = arith.constant 0 : index
        %get3A_218 = tpu.vector_load %arg6[%get3A_215, %get3A_216, %get3A_217] {strides = array<i32>} : memref<4x128x32xf32, #tpu.memory_space<vmem>>, vector<1x1x16xf32>,
        %get3A_219 = vector.shape_cast %get3A_218 : vector<1x1x16xf32> to vector<16xf32>
        %get3A_220 = arith.constant 1 : i32
        %get3A_221 = arith.index_cast %get3A_220 : i32 to index
        %get3A_222 = arith.index_cast %scan3A_210 : i32 to index
        %get3A_223 = arith.constant 16 : index
        %get3A_224 = tpu.vector_load %arg6[%get3A_221, %get3A_222, %get3A_223] {strides = array<i32>} : memref<4x128x32xf32, #tpu.memory_space<vmem>>, vector<1x1x16xf32>,
        %get3A_225 = vector.shape_cast %get3A_224 : vector<1x1x16xf32> to vector<16xf32>
        %exp3A = math.exp %get3A_219 : vector<16xf32>
        %add3A_226 = arith.addf %scan3A_211, %exp3A : vector<16xf32>
        %exp3A_227 = math.exp %get3A_225 : vector<16xf32>
        %add3A_228 = arith.addf %scan3A_212, %exp3A_227 : vector<16xf32>
        %eq3A = arith.constant 0.000000e+00 : f32
        %eq3A_229 = vector.broadcast %eq3A : f32 to vector<16xf32>
        %eq3A_230 = arith.cmpf oeq, %get3A_219, %eq3A_229 : vector<16xf32>
        %jit3A = arith.constant 1.000000e+00 : f32
        %jit3A_231 = arith.constant 0.000000e+00 : f32
        %broadcast_in_dim3A_232 = vector.broadcast %jit3A : f32 to vector<16xf32>
        %broadcast_in_dim3A_233 = vector.broadcast %jit3A_231 : f32 to vector<16xf32>
        %select_n3A = arith.select %eq3A_230, %broadcast_in_dim3A_232, %broadcast_in_dim3A_233 : vector<16xi1>, vector<16xf32>
        %add3A_234 = arith.addf %scan3A_213, %select_n3A : vector<16xf32>
        %eq3A_235 = arith.constant 0.000000e+00 : f32
        %eq3A_236 = vector.broadcast %eq3A_235 : f32 to vector<16xf32>
        %eq3A_237 = arith.cmpf oeq, %get3A_225, %eq3A_236 : vector<16xf32>
        %jit3A_238 = arith.constant 1.000000e+00 : f32
        %jit3A_239 = arith.constant 0.000000e+00 : f32
        %broadcast_in_dim3A_240 = vector.broadcast %jit3A_238 : f32 to vector<16xf32>
        %broadcast_in_dim3A_241 = vector.broadcast %jit3A_239 : f32 to vector<16xf32>
        %select_n3A_242 = arith.select %eq3A_237, %broadcast_in_dim3A_240, %broadcast_in_dim3A_241 : vector<16xi1>, vector<16xf32>
        %add3A_243 = arith.addf %scan3A_214, %select_n3A_242 : vector<16xf32>
        %scan3A_244 = arith.constant 1 : i32
        %scan3A_245 = arith.addi %scan3A_210, %scan3A_244 : i32
        %get3A_246 = arith.constant 1 : i32
        %get3A_247 = arith.index_cast %get3A_246 : i32 to index
        %get3A_248 = arith.index_cast %scan3A_245 : i32 to index
        %get3A_249 = arith.constant 0 : index
        %get3A_250 = tpu.vector_load %arg6[%get3A_247, %get3A_248, %get3A_249] {strides = array<i32>} : memref<4x128x32xf32, #tpu.memory_space<vmem>>, vector<1x1x16xf32>,
        %get3A_251 = vector.shape_cast %get3A_250 : vector<1x1x16xf32> to vector<16xf32>
        %get3A_252 = arith.constant 1 : i32
        %get3A_253 = arith.index_cast %get3A_252 : i32 to index
        %get3A_254 = arith.index_cast %scan3A_245 : i32 to index
        %get3A_255 = arith.constant 16 : index
        %get3A_256 = tpu.vector_load %arg6[%get3A_253, %get3A_254, %get3A_255] {strides = array<i32>} : memref<4x128x32xf32, #tpu.memory_space<vmem>>, vector<1x1x16xf32>,
        %get3A_257 = vector.shape_cast %get3A_256 : vector<1x1x16xf32> to vector<16xf32>
        %exp3A_258 = math.exp %get3A_251 : vector<16xf32>
        %add3A_259 = arith.addf %add3A_226, %exp3A_258 : vector<16xf32>
        %exp3A_260 = math.exp %get3A_257 : vector<16xf32>
        %add3A_261 = arith.addf %add3A_228, %exp3A_260 : vector<16xf32>
        %eq3A_262 = arith.constant 0.000000e+00 : f32
        %eq3A_263 = vector.broadcast %eq3A_262 : f32 to vector<16xf32>
        %eq3A_264 = arith.cmpf oeq, %get3A_251, %eq3A_263 : vector<16xf32>
        %jit3A_265 = arith.constant 1.000000e+00 : f32
        %jit3A_266 = arith.constant 0.000000e+00 : f32
        %broadcast_in_dim3A_267 = vector.broadcast %jit3A_265 : f32 to vector<16xf32>
        %broadcast_in_dim3A_268 = vector.broadcast %jit3A_266 : f32 to vector<16xf32>
        %select_n3A_269 = arith.select %eq3A_264, %broadcast_in_dim3A_267, %broadcast_in_dim3A_268 : vector<16xi1>, vector<16xf32>
        %add3A_270 = arith.addf %add3A_234, %select_n3A_269 : vector<16xf32>
        %eq3A_271 = arith.constant 0.000000e+00 : f32
        %eq3A_272 = vector.broadcast %eq3A_271 : f32 to vector<16xf32>
        %eq3A_273 = arith.cmpf oeq, %get3A_257, %eq3A_272 : vector<16xf32>
        %jit3A_274 = arith.constant 1.000000e+00 : f32
        %jit3A_275 = arith.constant 0.000000e+00 : f32
        %broadcast_in_dim3A_276 = vector.broadcast %jit3A_274 : f32 to vector<16xf32>
        %broadcast_in_dim3A_277 = vector.broadcast %jit3A_275 : f32 to vector<16xf32>
        %select_n3A_278 = arith.select %eq3A_273, %broadcast_in_dim3A_276, %broadcast_in_dim3A_277 : vector<16xi1>, vector<16xf32>
        %add3A_279 = arith.addf %add3A_243, %select_n3A_278 : vector<16xf32>
        %scan3A_280 = arith.constant 2 : i32
        %scan3A_281 = arith.addi %scan3A_210, %scan3A_280 : i32
        %get3A_282 = arith.constant 1 : i32
        %get3A_283 = arith.index_cast %get3A_282 : i32 to index
        %get3A_284 = arith.index_cast %scan3A_281 : i32 to index
        %get3A_285 = arith.constant 0 : index
        %get3A_286 = tpu.vector_load %arg6[%get3A_283, %get3A_284, %get3A_285] {strides = array<i32>} : memref<4x128x32xf32, #tpu.memory_space<vmem>>, vector<1x1x16xf32>,
        %get3A_287 = vector.shape_cast %get3A_286 : vector<1x1x16xf32> to vector<16xf32>
        %get3A_288 = arith.constant 1 : i32
        %get3A_289 = arith.index_cast %get3A_288 : i32 to index
        %get3A_290 = arith.index_cast %scan3A_281 : i32 to index
        %get3A_291 = arith.constant 16 : index
        %get3A_292 = tpu.vector_load %arg6[%get3A_289, %get3A_290, %get3A_291] {strides = array<i32>} : memref<4x128x32xf32, #tpu.memory_space<vmem>>, vector<1x1x16xf32>,
        %get3A_293 = vector.shape_cast %get3A_292 : vector<1x1x16xf32> to vector<16xf32>
        %exp3A_294 = math.exp %get3A_287 : vector<16xf32>
        %add3A_295 = arith.addf %add3A_259, %exp3A_294 : vector<16xf32>
        %exp3A_296 = math.exp %get3A_293 : vector<16xf32>
        %add3A_297 = arith.addf %add3A_261, %exp3A_296 : vector<16xf32>
        %eq3A_298 = arith.constant 0.000000e+00 : f32
        %eq3A_299 = vector.broadcast %eq3A_298 : f32 to vector<16xf32>
        %eq3A_300 = arith.cmpf oeq, %get3A_287, %eq3A_299 : vector<16xf32>
        %jit3A_301 = arith.constant 1.000000e+00 : f32
        %jit3A_302 = arith.constant 0.000000e+00 : f32
        %broadcast_in_dim3A_303 = vector.broadcast %jit3A_301 : f32 to vector<16xf32>
        %broadcast_in_dim3A_304 = vector.broadcast %jit3A_302 : f32 to vector<16xf32>
        %select_n3A_305 = arith.select %eq3A_300, %broadcast_in_dim3A_303, %broadcast_in_dim3A_304 : vector<16xi1>, vector<16xf32>
        %add3A_306 = arith.addf %add3A_270, %select_n3A_305 : vector<16xf32>
        %eq3A_307 = arith.constant 0.000000e+00 : f32
        %eq3A_308 = vector.broadcast %eq3A_307 : f32 to vector<16xf32>
        %eq3A_309 = arith.cmpf oeq, %get3A_293, %eq3A_308 : vector<16xf32>
        %jit3A_310 = arith.constant 1.000000e+00 : f32
        %jit3A_311 = arith.constant 0.000000e+00 : f32
        %broadcast_in_dim3A_312 = vector.broadcast %jit3A_310 : f32 to vector<16xf32>
        %broadcast_in_dim3A_313 = vector.broadcast %jit3A_311 : f32 to vector<16xf32>
        %select_n3A_314 = arith.select %eq3A_309, %broadcast_in_dim3A_312, %broadcast_in_dim3A_313 : vector<16xi1>, vector<16xf32>
        %add3A_315 = arith.addf %add3A_279, %select_n3A_314 : vector<16xf32>
        %scan3A_316 = arith.constant 3 : i32
        %scan3A_317 = arith.addi %scan3A_210, %scan3A_316 : i32
        %get3A_318 = arith.constant 1 : i32
        %get3A_319 = arith.index_cast %get3A_318 : i32 to index
        %get3A_320 = arith.index_cast %scan3A_317 : i32 to index
        %get3A_321 = arith.constant 0 : index
        %get3A_322 = tpu.vector_load %arg6[%get3A_319, %get3A_320, %get3A_321] {strides = array<i32>} : memref<4x128x32xf32, #tpu.memory_space<vmem>>, vector<1x1x16xf32>,
        %get3A_323 = vector.shape_cast %get3A_322 : vector<1x1x16xf32> to vector<16xf32>
        %get3A_324 = arith.constant 1 : i32
        %get3A_325 = arith.index_cast %get3A_324 : i32 to index
        %get3A_326 = arith.index_cast %scan3A_317 : i32 to index
        %get3A_327 = arith.constant 16 : index
        %get3A_328 = tpu.vector_load %arg6[%get3A_325, %get3A_326, %get3A_327] {strides = array<i32>} : memref<4x128x32xf32, #tpu.memory_space<vmem>>, vector<1x1x16xf32>,
        %get3A_329 = vector.shape_cast %get3A_328 : vector<1x1x16xf32> to vector<16xf32>
        %exp3A_330 = math.exp %get3A_323 : vector<16xf32>
        %add3A_331 = arith.addf %add3A_295, %exp3A_330 : vector<16xf32>
        %exp3A_332 = math.exp %get3A_329 : vector<16xf32>
        %add3A_333 = arith.addf %add3A_297, %exp3A_332 : vector<16xf32>
        %eq3A_334 = arith.constant 0.000000e+00 : f32
        %eq3A_335 = vector.broadcast %eq3A_334 : f32 to vector<16xf32>
        %eq3A_336 = arith.cmpf oeq, %get3A_323, %eq3A_335 : vector<16xf32>
        %jit3A_337 = arith.constant 1.000000e+00 : f32
        %jit3A_338 = arith.constant 0.000000e+00 : f32
        %broadcast_in_dim3A_339 = vector.broadcast %jit3A_337 : f32 to vector<16xf32>
        %broadcast_in_dim3A_340 = vector.broadcast %jit3A_338 : f32 to vector<16xf32>
        %select_n3A_341 = arith.select %eq3A_336, %broadcast_in_dim3A_339, %broadcast_in_dim3A_340 : vector<16xi1>, vector<16xf32>
        %add3A_342 = arith.addf %add3A_306, %select_n3A_341 : vector<16xf32>
        %eq3A_343 = arith.constant 0.000000e+00 : f32
        %eq3A_344 = vector.broadcast %eq3A_343 : f32 to vector<16xf32>
        %eq3A_345 = arith.cmpf oeq, %get3A_329, %eq3A_344 : vector<16xf32>
        %jit3A_346 = arith.constant 1.000000e+00 : f32
        %jit3A_347 = arith.constant 0.000000e+00 : f32
        %broadcast_in_dim3A_348 = vector.broadcast %jit3A_346 : f32 to vector<16xf32>
        %broadcast_in_dim3A_349 = vector.broadcast %jit3A_347 : f32 to vector<16xf32>
        %select_n3A_350 = arith.select %eq3A_345, %broadcast_in_dim3A_348, %broadcast_in_dim3A_349 : vector<16xi1>, vector<16xf32>
        %add3A_351 = arith.addf %add3A_315, %select_n3A_350 : vector<16xf32>
        %scan3A_352 = arith.constant 4 : i32
        %scan3A_353 = arith.addi %scan3A_210, %scan3A_352 : i32
        %get3A_354 = arith.constant 1 : i32
        %get3A_355 = arith.index_cast %get3A_354 : i32 to index
        %get3A_356 = arith.index_cast %scan3A_353 : i32 to index
        %get3A_357 = arith.constant 0 : index
        %get3A_358 = tpu.vector_load %arg6[%get3A_355, %get3A_356, %get3A_357] {strides = array<i32>} : memref<4x128x32xf32, #tpu.memory_space<vmem>>, vector<1x1x16xf32>,
        %get3A_359 = vector.shape_cast %get3A_358 : vector<1x1x16xf32> to vector<16xf32>
        %get3A_360 = arith.constant 1 : i32
        %get3A_361 = arith.index_cast %get3A_360 : i32 to index
        %get3A_362 = arith.index_cast %scan3A_353 : i32 to index
        %get3A_363 = arith.constant 16 : index
        %get3A_364 = tpu.vector_load %arg6[%get3A_361, %get3A_362, %get3A_363] {strides = array<i32>} : memref<4x128x32xf32, #tpu.memory_space<vmem>>, vector<1x1x16xf32>,
        %get3A_365 = vector.shape_cast %get3A_364 : vector<1x1x16xf32> to vector<16xf32>
        %exp3A_366 = math.exp %get3A_359 : vector<16xf32>
        %add3A_367 = arith.addf %add3A_331, %exp3A_366 : vector<16xf32>
        %exp3A_368 = math.exp %get3A_365 : vector<16xf32>
        %add3A_369 = arith.addf %add3A_333, %exp3A_368 : vector<16xf32>
        %eq3A_370 = arith.constant 0.000000e+00 : f32
        %eq3A_371 = vector.broadcast %eq3A_370 : f32 to vector<16xf32>
        %eq3A_372 = arith.cmpf oeq, %get3A_359, %eq3A_371 : vector<16xf32>
        %jit3A_373 = arith.constant 1.000000e+00 : f32
        %jit3A_374 = arith.constant 0.000000e+00 : f32
        %broadcast_in_dim3A_375 = vector.broadcast %jit3A_373 : f32 to vector<16xf32>
        %broadcast_in_dim3A_376 = vector.broadcast %jit3A_374 : f32 to vector<16xf32>
        %select_n3A_377 = arith.select %eq3A_372, %broadcast_in_dim3A_375, %broadcast_in_dim3A_376 : vector<16xi1>, vector<16xf32>
        %add3A_378 = arith.addf %add3A_342, %select_n3A_377 : vector<16xf32>
        %eq3A_379 = arith.constant 0.000000e+00 : f32
        %eq3A_380 = vector.broadcast %eq3A_379 : f32 to vector<16xf32>
        %eq3A_381 = arith.cmpf oeq, %get3A_365, %eq3A_380 : vector<16xf32>
        %jit3A_382 = arith.constant 1.000000e+00 : f32
        %jit3A_383 = arith.constant 0.000000e+00 : f32
        %broadcast_in_dim3A_384 = vector.broadcast %jit3A_382 : f32 to vector<16xf32>
        %broadcast_in_dim3A_385 = vector.broadcast %jit3A_383 : f32 to vector<16xf32>
        %select_n3A_386 = arith.select %eq3A_381, %broadcast_in_dim3A_384, %broadcast_in_dim3A_385 : vector<16xi1>, vector<16xf32>
        %add3A_387 = arith.addf %add3A_351, %select_n3A_386 : vector<16xf32>
        %scan3A_388 = arith.constant 5 : i32
        %scan3A_389 = arith.addi %scan3A_210, %scan3A_388 : i32
        %get3A_390 = arith.constant 1 : i32
        %get3A_391 = arith.index_cast %get3A_390 : i32 to index
        %get3A_392 = arith.index_cast %scan3A_389 : i32 to index
        %get3A_393 = arith.constant 0 : index
        %get3A_394 = tpu.vector_load %arg6[%get3A_391, %get3A_392, %get3A_393] {strides = array<i32>} : memref<4x128x32xf32, #tpu.memory_space<vmem>>, vector<1x1x16xf32>,
        %get3A_395 = vector.shape_cast %get3A_394 : vector<1x1x16xf32> to vector<16xf32>
        %get3A_396 = arith.constant 1 : i32
        %get3A_397 = arith.index_cast %get3A_396 : i32 to index
        %get3A_398 = arith.index_cast %scan3A_389 : i32 to index
        %get3A_399 = arith.constant 16 : index
        %get3A_400 = tpu.vector_load %arg6[%get3A_397, %get3A_398, %get3A_399] {strides = array<i32>} : memref<4x128x32xf32, #tpu.memory_space<vmem>>, vector<1x1x16xf32>,
        %get3A_401 = vector.shape_cast %get3A_400 : vector<1x1x16xf32> to vector<16xf32>
        %exp3A_402 = math.exp %get3A_395 : vector<16xf32>
        %add3A_403 = arith.addf %add3A_367, %exp3A_402 : vector<16xf32>
        %exp3A_404 = math.exp %get3A_401 : vector<16xf32>
        %add3A_405 = arith.addf %add3A_369, %exp3A_404 : vector<16xf32>
        %eq3A_406 = arith.constant 0.000000e+00 : f32
        %eq3A_407 = vector.broadcast %eq3A_406 : f32 to vector<16xf32>
        %eq3A_408 = arith.cmpf oeq, %get3A_395, %eq3A_407 : vector<16xf32>
        %jit3A_409 = arith.constant 1.000000e+00 : f32
        %jit3A_410 = arith.constant 0.000000e+00 : f32
        %broadcast_in_dim3A_411 = vector.broadcast %jit3A_409 : f32 to vector<16xf32>
        %broadcast_in_dim3A_412 = vector.broadcast %jit3A_410 : f32 to vector<16xf32>
        %select_n3A_413 = arith.select %eq3A_408, %broadcast_in_dim3A_411, %broadcast_in_dim3A_412 : vector<16xi1>, vector<16xf32>
        %add3A_414 = arith.addf %add3A_378, %select_n3A_413 : vector<16xf32>
        %eq3A_415 = arith.constant 0.000000e+00 : f32
        %eq3A_416 = vector.broadcast %eq3A_415 : f32 to vector<16xf32>
        %eq3A_417 = arith.cmpf oeq, %get3A_401, %eq3A_416 : vector<16xf32>
        %jit3A_418 = arith.constant 1.000000e+00 : f32
        %jit3A_419 = arith.constant 0.000000e+00 : f32
        %broadcast_in_dim3A_420 = vector.broadcast %jit3A_418 : f32 to vector<16xf32>
        %broadcast_in_dim3A_421 = vector.broadcast %jit3A_419 : f32 to vector<16xf32>
        %select_n3A_422 = arith.select %eq3A_417, %broadcast_in_dim3A_420, %broadcast_in_dim3A_421 : vector<16xi1>, vector<16xf32>
        %add3A_423 = arith.addf %add3A_387, %select_n3A_422 : vector<16xf32>
        %scan3A_424 = arith.constant 6 : i32
        %scan3A_425 = arith.addi %scan3A_210, %scan3A_424 : i32
        %get3A_426 = arith.constant 1 : i32
        %get3A_427 = arith.index_cast %get3A_426 : i32 to index
        %get3A_428 = arith.index_cast %scan3A_425 : i32 to index
        %get3A_429 = arith.constant 0 : index
        %get3A_430 = tpu.vector_load %arg6[%get3A_427, %get3A_428, %get3A_429] {strides = array<i32>} : memref<4x128x32xf32, #tpu.memory_space<vmem>>, vector<1x1x16xf32>,
        %get3A_431 = vector.shape_cast %get3A_430 : vector<1x1x16xf32> to vector<16xf32>
        %get3A_432 = arith.constant 1 : i32
        %get3A_433 = arith.index_cast %get3A_432 : i32 to index
        %get3A_434 = arith.index_cast %scan3A_425 : i32 to index
        %get3A_435 = arith.constant 16 : index
        %get3A_436 = tpu.vector_load %arg6[%get3A_433, %get3A_434, %get3A_435] {strides = array<i32>} : memref<4x128x32xf32, #tpu.memory_space<vmem>>, vector<1x1x16xf32>,
        %get3A_437 = vector.shape_cast %get3A_436 : vector<1x1x16xf32> to vector<16xf32>
        %exp3A_438 = math.exp %get3A_431 : vector<16xf32>
        %add3A_439 = arith.addf %add3A_403, %exp3A_438 : vector<16xf32>
        %exp3A_440 = math.exp %get3A_437 : vector<16xf32>
        %add3A_441 = arith.addf %add3A_405, %exp3A_440 : vector<16xf32>
        %eq3A_442 = arith.constant 0.000000e+00 : f32
        %eq3A_443 = vector.broadcast %eq3A_442 : f32 to vector<16xf32>
        %eq3A_444 = arith.cmpf oeq, %get3A_431, %eq3A_443 : vector<16xf32>
        %jit3A_445 = arith.constant 1.000000e+00 : f32
        %jit3A_446 = arith.constant 0.000000e+00 : f32
        %broadcast_in_dim3A_447 = vector.broadcast %jit3A_445 : f32 to vector<16xf32>
        %broadcast_in_dim3A_448 = vector.broadcast %jit3A_446 : f32 to vector<16xf32>
        %select_n3A_449 = arith.select %eq3A_444, %broadcast_in_dim3A_447, %broadcast_in_dim3A_448 : vector<16xi1>, vector<16xf32>
        %add3A_450 = arith.addf %add3A_414, %select_n3A_449 : vector<16xf32>
        %eq3A_451 = arith.constant 0.000000e+00 : f32
        %eq3A_452 = vector.broadcast %eq3A_451 : f32 to vector<16xf32>
        %eq3A_453 = arith.cmpf oeq, %get3A_437, %eq3A_452 : vector<16xf32>
        %jit3A_454 = arith.constant 1.000000e+00 : f32
        %jit3A_455 = arith.constant 0.000000e+00 : f32
        %broadcast_in_dim3A_456 = vector.broadcast %jit3A_454 : f32 to vector<16xf32>
        %broadcast_in_dim3A_457 = vector.broadcast %jit3A_455 : f32 to vector<16xf32>
        %select_n3A_458 = arith.select %eq3A_453, %broadcast_in_dim3A_456, %broadcast_in_dim3A_457 : vector<16xi1>, vector<16xf32>
        %add3A_459 = arith.addf %add3A_423, %select_n3A_458 : vector<16xf32>
        %scan3A_460 = arith.constant 7 : i32
        %scan3A_461 = arith.addi %scan3A_210, %scan3A_460 : i32
        %get3A_462 = arith.constant 1 : i32
        %get3A_463 = arith.index_cast %get3A_462 : i32 to index
        %get3A_464 = arith.index_cast %scan3A_461 : i32 to index
        %get3A_465 = arith.constant 0 : index
        %get3A_466 = tpu.vector_load %arg6[%get3A_463, %get3A_464, %get3A_465] {strides = array<i32>} : memref<4x128x32xf32, #tpu.memory_space<vmem>>, vector<1x1x16xf32>,
        %get3A_467 = vector.shape_cast %get3A_466 : vector<1x1x16xf32> to vector<16xf32>
        %get3A_468 = arith.constant 1 : i32
        %get3A_469 = arith.index_cast %get3A_468 : i32 to index
        %get3A_470 = arith.index_cast %scan3A_461 : i32 to index
        %get3A_471 = arith.constant 16 : index
        %get3A_472 = tpu.vector_load %arg6[%get3A_469, %get3A_470, %get3A_471] {strides = array<i32>} : memref<4x128x32xf32, #tpu.memory_space<vmem>>, vector<1x1x16xf32>,
        %get3A_473 = vector.shape_cast %get3A_472 : vector<1x1x16xf32> to vector<16xf32>
        %exp3A_474 = math.exp %get3A_467 : vector<16xf32>
        %add3A_475 = arith.addf %add3A_439, %exp3A_474 : vector<16xf32>
        %exp3A_476 = math.exp %get3A_473 : vector<16xf32>
        %add3A_477 = arith.addf %add3A_441, %exp3A_476 : vector<16xf32>
        %eq3A_478 = arith.constant 0.000000e+00 : f32
        %eq3A_479 = vector.broadcast %eq3A_478 : f32 to vector<16xf32>
        %eq3A_480 = arith.cmpf oeq, %get3A_467, %eq3A_479 : vector<16xf32>
        %jit3A_481 = arith.constant 1.000000e+00 : f32
        %jit3A_482 = arith.constant 0.000000e+00 : f32
        %broadcast_in_dim3A_483 = vector.broadcast %jit3A_481 : f32 to vector<16xf32>
        %broadcast_in_dim3A_484 = vector.broadcast %jit3A_482 : f32 to vector<16xf32>
        %select_n3A_485 = arith.select %eq3A_480, %broadcast_in_dim3A_483, %broadcast_in_dim3A_484 : vector<16xi1>, vector<16xf32>
        %add3A_486 = arith.addf %add3A_450, %select_n3A_485 : vector<16xf32>
        %eq3A_487 = arith.constant 0.000000e+00 : f32
        %eq3A_488 = vector.broadcast %eq3A_487 : f32 to vector<16xf32>
        %eq3A_489 = arith.cmpf oeq, %get3A_473, %eq3A_488 : vector<16xf32>
        %jit3A_490 = arith.constant 1.000000e+00 : f32
        %jit3A_491 = arith.constant 0.000000e+00 : f32
        %broadcast_in_dim3A_492 = vector.broadcast %jit3A_490 : f32 to vector<16xf32>
        %broadcast_in_dim3A_493 = vector.broadcast %jit3A_491 : f32 to vector<16xf32>
        %select_n3A_494 = arith.select %eq3A_489, %broadcast_in_dim3A_492, %broadcast_in_dim3A_493 : vector<16xi1>, vector<16xf32>
        %add3A_495 = arith.addf %add3A_459, %select_n3A_494 : vector<16xf32>
        %scan3A_496 = arith.constant 8 : i32
        %scan3A_497 = arith.addi %scan3A_210, %scan3A_496 : i32
        %get3A_498 = arith.constant 1 : i32
        %get3A_499 = arith.index_cast %get3A_498 : i32 to index
        %get3A_500 = arith.index_cast %scan3A_497 : i32 to index
        %get3A_501 = arith.constant 0 : index
        %get3A_502 = tpu.vector_load %arg6[%get3A_499, %get3A_500, %get3A_501] {strides = array<i32>} : memref<4x128x32xf32, #tpu.memory_space<vmem>>, vector<1x1x16xf32>,
        %get3A_503 = vector.shape_cast %get3A_502 : vector<1x1x16xf32> to vector<16xf32>
        %get3A_504 = arith.constant 1 : i32
        %get3A_505 = arith.index_cast %get3A_504 : i32 to index
        %get3A_506 = arith.index_cast %scan3A_497 : i32 to index
        %get3A_507 = arith.constant 16 : index
        %get3A_508 = tpu.vector_load %arg6[%get3A_505, %get3A_506, %get3A_507] {strides = array<i32>} : memref<4x128x32xf32, #tpu.memory_space<vmem>>, vector<1x1x16xf32>,
        %get3A_509 = vector.shape_cast %get3A_508 : vector<1x1x16xf32> to vector<16xf32>
        %exp3A_510 = math.exp %get3A_503 : vector<16xf32>
        %add3A_511 = arith.addf %add3A_475, %exp3A_510 : vector<16xf32>
        %exp3A_512 = math.exp %get3A_509 : vector<16xf32>
        %add3A_513 = arith.addf %add3A_477, %exp3A_512 : vector<16xf32>
        %eq3A_514 = arith.constant 0.000000e+00 : f32
        %eq3A_515 = vector.broadcast %eq3A_514 : f32 to vector<16xf32>
        %eq3A_516 = arith.cmpf oeq, %get3A_503, %eq3A_515 : vector<16xf32>
        %jit3A_517 = arith.constant 1.000000e+00 : f32
        %jit3A_518 = arith.constant 0.000000e+00 : f32
        %broadcast_in_dim3A_519 = vector.broadcast %jit3A_517 : f32 to vector<16xf32>
        %broadcast_in_dim3A_520 = vector.broadcast %jit3A_518 : f32 to vector<16xf32>
        %select_n3A_521 = arith.select %eq3A_516, %broadcast_in_dim3A_519, %broadcast_in_dim3A_520 : vector<16xi1>, vector<16xf32>
        %add3A_522 = arith.addf %add3A_486, %select_n3A_521 : vector<16xf32>
        %eq3A_523 = arith.constant 0.000000e+00 : f32
        %eq3A_524 = vector.broadcast %eq3A_523 : f32 to vector<16xf32>
        %eq3A_525 = arith.cmpf oeq, %get3A_509, %eq3A_524 : vector<16xf32>
        %jit3A_526 = arith.constant 1.000000e+00 : f32
        %jit3A_527 = arith.constant 0.000000e+00 : f32
        %broadcast_in_dim3A_528 = vector.broadcast %jit3A_526 : f32 to vector<16xf32>
        %broadcast_in_dim3A_529 = vector.broadcast %jit3A_527 : f32 to vector<16xf32>
        %select_n3A_530 = arith.select %eq3A_525, %broadcast_in_dim3A_528, %broadcast_in_dim3A_529 : vector<16xi1>, vector<16xf32>
        %add3A_531 = arith.addf %add3A_495, %select_n3A_530 : vector<16xf32>
        %scan3A_532 = arith.constant 9 : i32
        %scan3A_533 = arith.addi %scan3A_210, %scan3A_532 : i32
        %get3A_534 = arith.constant 1 : i32
        %get3A_535 = arith.index_cast %get3A_534 : i32 to index
        %get3A_536 = arith.index_cast %scan3A_533 : i32 to index
        %get3A_537 = arith.constant 0 : index
        %get3A_538 = tpu.vector_load %arg6[%get3A_535, %get3A_536, %get3A_537] {strides = array<i32>} : memref<4x128x32xf32, #tpu.memory_space<vmem>>, vector<1x1x16xf32>,
        %get3A_539 = vector.shape_cast %get3A_538 : vector<1x1x16xf32> to vector<16xf32>
        %get3A_540 = arith.constant 1 : i32
        %get3A_541 = arith.index_cast %get3A_540 : i32 to index
        %get3A_542 = arith.index_cast %scan3A_533 : i32 to index
        %get3A_543 = arith.constant 16 : index
        %get3A_544 = tpu.vector_load %arg6[%get3A_541, %get3A_542, %get3A_543] {strides = array<i32>} : memref<4x128x32xf32, #tpu.memory_space<vmem>>, vector<1x1x16xf32>,
        %get3A_545 = vector.shape_cast %get3A_544 : vector<1x1x16xf32> to vector<16xf32>
        %exp3A_546 = math.exp %get3A_539 : vector<16xf32>
        %add3A_547 = arith.addf %add3A_511, %exp3A_546 : vector<16xf32>
        %exp3A_548 = math.exp %get3A_545 : vector<16xf32>
        %add3A_549 = arith.addf %add3A_513, %exp3A_548 : vector<16xf32>
        %eq3A_550 = arith.constant 0.000000e+00 : f32
        %eq3A_551 = vector.broadcast %eq3A_550 : f32 to vector<16xf32>
        %eq3A_552 = arith.cmpf oeq, %get3A_539, %eq3A_551 : vector<16xf32>
        %jit3A_553 = arith.constant 1.000000e+00 : f32
        %jit3A_554 = arith.constant 0.000000e+00 : f32
        %broadcast_in_dim3A_555 = vector.broadcast %jit3A_553 : f32 to vector<16xf32>
        %broadcast_in_dim3A_556 = vector.broadcast %jit3A_554 : f32 to vector<16xf32>
        %select_n3A_557 = arith.select %eq3A_552, %broadcast_in_dim3A_555, %broadcast_in_dim3A_556 : vector<16xi1>, vector<16xf32>
        %add3A_558 = arith.addf %add3A_522, %select_n3A_557 : vector<16xf32>
        %eq3A_559 = arith.constant 0.000000e+00 : f32
        %eq3A_560 = vector.broadcast %eq3A_559 : f32 to vector<16xf32>
        %eq3A_561 = arith.cmpf oeq, %get3A_545, %eq3A_560 : vector<16xf32>
        %jit3A_562 = arith.constant 1.000000e+00 : f32
        %jit3A_563 = arith.constant 0.000000e+00 : f32
        %broadcast_in_dim3A_564 = vector.broadcast %jit3A_562 : f32 to vector<16xf32>
        %broadcast_in_dim3A_565 = vector.broadcast %jit3A_563 : f32 to vector<16xf32>
        %select_n3A_566 = arith.select %eq3A_561, %broadcast_in_dim3A_564, %broadcast_in_dim3A_565 : vector<16xi1>, vector<16xf32>
        %add3A_567 = arith.addf %add3A_531, %select_n3A_566 : vector<16xf32>
        %scan3A_568 = arith.constant 10 : i32
        %scan3A_569 = arith.addi %scan3A_210, %scan3A_568 : i32
        %get3A_570 = arith.constant 1 : i32
        %get3A_571 = arith.index_cast %get3A_570 : i32 to index
        %get3A_572 = arith.index_cast %scan3A_569 : i32 to index
        %get3A_573 = arith.constant 0 : index
        %get3A_574 = tpu.vector_load %arg6[%get3A_571, %get3A_572, %get3A_573] {strides = array<i32>} : memref<4x128x32xf32, #tpu.memory_space<vmem>>, vector<1x1x16xf32>,
        %get3A_575 = vector.shape_cast %get3A_574 : vector<1x1x16xf32> to vector<16xf32>
        %get3A_576 = arith.constant 1 : i32
        %get3A_577 = arith.index_cast %get3A_576 : i32 to index
        %get3A_578 = arith.index_cast %scan3A_569 : i32 to index
        %get3A_579 = arith.constant 16 : index
        %get3A_580 = tpu.vector_load %arg6[%get3A_577, %get3A_578, %get3A_579] {strides = array<i32>} : memref<4x128x32xf32, #tpu.memory_space<vmem>>, vector<1x1x16xf32>,
        %get3A_581 = vector.shape_cast %get3A_580 : vector<1x1x16xf32> to vector<16xf32>
        %exp3A_582 = math.exp %get3A_575 : vector<16xf32>
        %add3A_583 = arith.addf %add3A_547, %exp3A_582 : vector<16xf32>
        %exp3A_584 = math.exp %get3A_581 : vector<16xf32>
        %add3A_585 = arith.addf %add3A_549, %exp3A_584 : vector<16xf32>
        %eq3A_586 = arith.constant 0.000000e+00 : f32
        %eq3A_587 = vector.broadcast %eq3A_586 : f32 to vector<16xf32>
        %eq3A_588 = arith.cmpf oeq, %get3A_575, %eq3A_587 : vector<16xf32>
        %jit3A_589 = arith.constant 1.000000e+00 : f32
        %jit3A_590 = arith.constant 0.000000e+00 : f32
        %broadcast_in_dim3A_591 = vector.broadcast %jit3A_589 : f32 to vector<16xf32>
        %broadcast_in_dim3A_592 = vector.broadcast %jit3A_590 : f32 to vector<16xf32>
        %select_n3A_593 = arith.select %eq3A_588, %broadcast_in_dim3A_591, %broadcast_in_dim3A_592 : vector<16xi1>, vector<16xf32>
        %add3A_594 = arith.addf %add3A_558, %select_n3A_593 : vector<16xf32>
        %eq3A_595 = arith.constant 0.000000e+00 : f32
        %eq3A_596 = vector.broadcast %eq3A_595 : f32 to vector<16xf32>
        %eq3A_597 = arith.cmpf oeq, %get3A_581, %eq3A_596 : vector<16xf32>
        %jit3A_598 = arith.constant 1.000000e+00 : f32
        %jit3A_599 = arith.constant 0.000000e+00 : f32
        %broadcast_in_dim3A_600 = vector.broadcast %jit3A_598 : f32 to vector<16xf32>
        %broadcast_in_dim3A_601 = vector.broadcast %jit3A_599 : f32 to vector<16xf32>
        %select_n3A_602 = arith.select %eq3A_597, %broadcast_in_dim3A_600, %broadcast_in_dim3A_601 : vector<16xi1>, vector<16xf32>
        %add3A_603 = arith.addf %add3A_567, %select_n3A_602 : vector<16xf32>
        %scan3A_604 = arith.constant 11 : i32
        %scan3A_605 = arith.addi %scan3A_210, %scan3A_604 : i32
        %get3A_606 = arith.constant 1 : i32
        %get3A_607 = arith.index_cast %get3A_606 : i32 to index
        %get3A_608 = arith.index_cast %scan3A_605 : i32 to index
        %get3A_609 = arith.constant 0 : index
        %get3A_610 = tpu.vector_load %arg6[%get3A_607, %get3A_608, %get3A_609] {strides = array<i32>} : memref<4x128x32xf32, #tpu.memory_space<vmem>>, vector<1x1x16xf32>,
        %get3A_611 = vector.shape_cast %get3A_610 : vector<1x1x16xf32> to vector<16xf32>
        %get3A_612 = arith.constant 1 : i32
        %get3A_613 = arith.index_cast %get3A_612 : i32 to index
        %get3A_614 = arith.index_cast %scan3A_605 : i32 to index
        %get3A_615 = arith.constant 16 : index
        %get3A_616 = tpu.vector_load %arg6[%get3A_613, %get3A_614, %get3A_615] {strides = array<i32>} : memref<4x128x32xf32, #tpu.memory_space<vmem>>, vector<1x1x16xf32>,
        %get3A_617 = vector.shape_cast %get3A_616 : vector<1x1x16xf32> to vector<16xf32>
        %exp3A_618 = math.exp %get3A_611 : vector<16xf32>
        %add3A_619 = arith.addf %add3A_583, %exp3A_618 : vector<16xf32>
        %exp3A_620 = math.exp %get3A_617 : vector<16xf32>
        %add3A_621 = arith.addf %add3A_585, %exp3A_620 : vector<16xf32>
        %eq3A_622 = arith.constant 0.000000e+00 : f32
        %eq3A_623 = vector.broadcast %eq3A_622 : f32 to vector<16xf32>
        %eq3A_624 = arith.cmpf oeq, %get3A_611, %eq3A_623 : vector<16xf32>
        %jit3A_625 = arith.constant 1.000000e+00 : f32
        %jit3A_626 = arith.constant 0.000000e+00 : f32
        %broadcast_in_dim3A_627 = vector.broadcast %jit3A_625 : f32 to vector<16xf32>
        %broadcast_in_dim3A_628 = vector.broadcast %jit3A_626 : f32 to vector<16xf32>
        %select_n3A_629 = arith.select %eq3A_624, %broadcast_in_dim3A_627, %broadcast_in_dim3A_628 : vector<16xi1>, vector<16xf32>
        %add3A_630 = arith.addf %add3A_594, %select_n3A_629 : vector<16xf32>
        %eq3A_631 = arith.constant 0.000000e+00 : f32
        %eq3A_632 = vector.broadcast %eq3A_631 : f32 to vector<16xf32>
        %eq3A_633 = arith.cmpf oeq, %get3A_617, %eq3A_632 : vector<16xf32>
        %jit3A_634 = arith.constant 1.000000e+00 : f32
        %jit3A_635 = arith.constant 0.000000e+00 : f32
        %broadcast_in_dim3A_636 = vector.broadcast %jit3A_634 : f32 to vector<16xf32>
        %broadcast_in_dim3A_637 = vector.broadcast %jit3A_635 : f32 to vector<16xf32>
        %select_n3A_638 = arith.select %eq3A_633, %broadcast_in_dim3A_636, %broadcast_in_dim3A_637 : vector<16xi1>, vector<16xf32>
        %add3A_639 = arith.addf %add3A_603, %select_n3A_638 : vector<16xf32>
        %scan3A_640 = arith.constant 12 : i32
        %scan3A_641 = arith.addi %scan3A_210, %scan3A_640 : i32
        %get3A_642 = arith.constant 1 : i32
        %get3A_643 = arith.index_cast %get3A_642 : i32 to index
        %get3A_644 = arith.index_cast %scan3A_641 : i32 to index
        %get3A_645 = arith.constant 0 : index
        %get3A_646 = tpu.vector_load %arg6[%get3A_643, %get3A_644, %get3A_645] {strides = array<i32>} : memref<4x128x32xf32, #tpu.memory_space<vmem>>, vector<1x1x16xf32>,
        %get3A_647 = vector.shape_cast %get3A_646 : vector<1x1x16xf32> to vector<16xf32>
        %get3A_648 = arith.constant 1 : i32
        %get3A_649 = arith.index_cast %get3A_648 : i32 to index
        %get3A_650 = arith.index_cast %scan3A_641 : i32 to index
        %get3A_651 = arith.constant 16 : index
        %get3A_652 = tpu.vector_load %arg6[%get3A_649, %get3A_650, %get3A_651] {strides = array<i32>} : memref<4x128x32xf32, #tpu.memory_space<vmem>>, vector<1x1x16xf32>,
        %get3A_653 = vector.shape_cast %get3A_652 : vector<1x1x16xf32> to vector<16xf32>
        %exp3A_654 = math.exp %get3A_647 : vector<16xf32>
        %add3A_655 = arith.addf %add3A_619, %exp3A_654 : vector<16xf32>
        %exp3A_656 = math.exp %get3A_653 : vector<16xf32>
        %add3A_657 = arith.addf %add3A_621, %exp3A_656 : vector<16xf32>
        %eq3A_658 = arith.constant 0.000000e+00 : f32
        %eq3A_659 = vector.broadcast %eq3A_658 : f32 to vector<16xf32>
        %eq3A_660 = arith.cmpf oeq, %get3A_647, %eq3A_659 : vector<16xf32>
        %jit3A_661 = arith.constant 1.000000e+00 : f32
        %jit3A_662 = arith.constant 0.000000e+00 : f32
        %broadcast_in_dim3A_663 = vector.broadcast %jit3A_661 : f32 to vector<16xf32>
        %broadcast_in_dim3A_664 = vector.broadcast %jit3A_662 : f32 to vector<16xf32>
        %select_n3A_665 = arith.select %eq3A_660, %broadcast_in_dim3A_663, %broadcast_in_dim3A_664 : vector<16xi1>, vector<16xf32>
        %add3A_666 = arith.addf %add3A_630, %select_n3A_665 : vector<16xf32>
        %eq3A_667 = arith.constant 0.000000e+00 : f32
        %eq3A_668 = vector.broadcast %eq3A_667 : f32 to vector<16xf32>
        %eq3A_669 = arith.cmpf oeq, %get3A_653, %eq3A_668 : vector<16xf32>
        %jit3A_670 = arith.constant 1.000000e+00 : f32
        %jit3A_671 = arith.constant 0.000000e+00 : f32
        %broadcast_in_dim3A_672 = vector.broadcast %jit3A_670 : f32 to vector<16xf32>
        %broadcast_in_dim3A_673 = vector.broadcast %jit3A_671 : f32 to vector<16xf32>
        %select_n3A_674 = arith.select %eq3A_669, %broadcast_in_dim3A_672, %broadcast_in_dim3A_673 : vector<16xi1>, vector<16xf32>
        %add3A_675 = arith.addf %add3A_639, %select_n3A_674 : vector<16xf32>
        %scan3A_676 = arith.constant 13 : i32
        %scan3A_677 = arith.addi %scan3A_210, %scan3A_676 : i32
        %get3A_678 = arith.constant 1 : i32
        %get3A_679 = arith.index_cast %get3A_678 : i32 to index
        %get3A_680 = arith.index_cast %scan3A_677 : i32 to index
        %get3A_681 = arith.constant 0 : index
        %get3A_682 = tpu.vector_load %arg6[%get3A_679, %get3A_680, %get3A_681] {strides = array<i32>} : memref<4x128x32xf32, #tpu.memory_space<vmem>>, vector<1x1x16xf32>,
        %get3A_683 = vector.shape_cast %get3A_682 : vector<1x1x16xf32> to vector<16xf32>
        %get3A_684 = arith.constant 1 : i32
        %get3A_685 = arith.index_cast %get3A_684 : i32 to index
        %get3A_686 = arith.index_cast %scan3A_677 : i32 to index
        %get3A_687 = arith.constant 16 : index
        %get3A_688 = tpu.vector_load %arg6[%get3A_685, %get3A_686, %get3A_687] {strides = array<i32>} : memref<4x128x32xf32, #tpu.memory_space<vmem>>, vector<1x1x16xf32>,
        %get3A_689 = vector.shape_cast %get3A_688 : vector<1x1x16xf32> to vector<16xf32>
        %exp3A_690 = math.exp %get3A_683 : vector<16xf32>
        %add3A_691 = arith.addf %add3A_655, %exp3A_690 : vector<16xf32>
        %exp3A_692 = math.exp %get3A_689 : vector<16xf32>
        %add3A_693 = arith.addf %add3A_657, %exp3A_692 : vector<16xf32>
        %eq3A_694 = arith.constant 0.000000e+00 : f32
        %eq3A_695 = vector.broadcast %eq3A_694 : f32 to vector<16xf32>
        %eq3A_696 = arith.cmpf oeq, %get3A_683, %eq3A_695 : vector<16xf32>
        %jit3A_697 = arith.constant 1.000000e+00 : f32
        %jit3A_698 = arith.constant 0.000000e+00 : f32
        %broadcast_in_dim3A_699 = vector.broadcast %jit3A_697 : f32 to vector<16xf32>
        %broadcast_in_dim3A_700 = vector.broadcast %jit3A_698 : f32 to vector<16xf32>
        %select_n3A_701 = arith.select %eq3A_696, %broadcast_in_dim3A_699, %broadcast_in_dim3A_700 : vector<16xi1>, vector<16xf32>
        %add3A_702 = arith.addf %add3A_666, %select_n3A_701 : vector<16xf32>
        %eq3A_703 = arith.constant 0.000000e+00 : f32
        %eq3A_704 = vector.broadcast %eq3A_703 : f32 to vector<16xf32>
        %eq3A_705 = arith.cmpf oeq, %get3A_689, %eq3A_704 : vector<16xf32>
        %jit3A_706 = arith.constant 1.000000e+00 : f32
        %jit3A_707 = arith.constant 0.000000e+00 : f32
        %broadcast_in_dim3A_708 = vector.broadcast %jit3A_706 : f32 to vector<16xf32>
        %broadcast_in_dim3A_709 = vector.broadcast %jit3A_707 : f32 to vector<16xf32>
        %select_n3A_710 = arith.select %eq3A_705, %broadcast_in_dim3A_708, %broadcast_in_dim3A_709 : vector<16xi1>, vector<16xf32>
        %add3A_711 = arith.addf %add3A_675, %select_n3A_710 : vector<16xf32>
        %scan3A_712 = arith.constant 14 : i32
        %scan3A_713 = arith.addi %scan3A_210, %scan3A_712 : i32
        %get3A_714 = arith.constant 1 : i32
        %get3A_715 = arith.index_cast %get3A_714 : i32 to index
        %get3A_716 = arith.index_cast %scan3A_713 : i32 to index
        %get3A_717 = arith.constant 0 : index
        %get3A_718 = tpu.vector_load %arg6[%get3A_715, %get3A_716, %get3A_717] {strides = array<i32>} : memref<4x128x32xf32, #tpu.memory_space<vmem>>, vector<1x1x16xf32>,
        %get3A_719 = vector.shape_cast %get3A_718 : vector<1x1x16xf32> to vector<16xf32>
        %get3A_720 = arith.constant 1 : i32
        %get3A_721 = arith.index_cast %get3A_720 : i32 to index
        %get3A_722 = arith.index_cast %scan3A_713 : i32 to index
        %get3A_723 = arith.constant 16 : index
        %get3A_724 = tpu.vector_load %arg6[%get3A_721, %get3A_722, %get3A_723] {strides = array<i32>} : memref<4x128x32xf32, #tpu.memory_space<vmem>>, vector<1x1x16xf32>,
        %get3A_725 = vector.shape_cast %get3A_724 : vector<1x1x16xf32> to vector<16xf32>
        %exp3A_726 = math.exp %get3A_719 : vector<16xf32>
        %add3A_727 = arith.addf %add3A_691, %exp3A_726 : vector<16xf32>
        %exp3A_728 = math.exp %get3A_725 : vector<16xf32>
        %add3A_729 = arith.addf %add3A_693, %exp3A_728 : vector<16xf32>
        %eq3A_730 = arith.constant 0.000000e+00 : f32
        %eq3A_731 = vector.broadcast %eq3A_730 : f32 to vector<16xf32>
        %eq3A_732 = arith.cmpf oeq, %get3A_719, %eq3A_731 : vector<16xf32>
        %jit3A_733 = arith.constant 1.000000e+00 : f32
        %jit3A_734 = arith.constant 0.000000e+00 : f32
        %broadcast_in_dim3A_735 = vector.broadcast %jit3A_733 : f32 to vector<16xf32>
        %broadcast_in_dim3A_736 = vector.broadcast %jit3A_734 : f32 to vector<16xf32>
        %select_n3A_737 = arith.select %eq3A_732, %broadcast_in_dim3A_735, %broadcast_in_dim3A_736 : vector<16xi1>, vector<16xf32>
        %add3A_738 = arith.addf %add3A_702, %select_n3A_737 : vector<16xf32>
        %eq3A_739 = arith.constant 0.000000e+00 : f32
        %eq3A_740 = vector.broadcast %eq3A_739 : f32 to vector<16xf32>
        %eq3A_741 = arith.cmpf oeq, %get3A_725, %eq3A_740 : vector<16xf32>
        %jit3A_742 = arith.constant 1.000000e+00 : f32
        %jit3A_743 = arith.constant 0.000000e+00 : f32
        %broadcast_in_dim3A_744 = vector.broadcast %jit3A_742 : f32 to vector<16xf32>
        %broadcast_in_dim3A_745 = vector.broadcast %jit3A_743 : f32 to vector<16xf32>
        %select_n3A_746 = arith.select %eq3A_741, %broadcast_in_dim3A_744, %broadcast_in_dim3A_745 : vector<16xi1>, vector<16xf32>
        %add3A_747 = arith.addf %add3A_711, %select_n3A_746 : vector<16xf32>
        %scan3A_748 = arith.constant 15 : i32
        %scan3A_749 = arith.addi %scan3A_210, %scan3A_748 : i32
        %get3A_750 = arith.constant 1 : i32
        %get3A_751 = arith.index_cast %get3A_750 : i32 to index
        %get3A_752 = arith.index_cast %scan3A_749 : i32 to index
        %get3A_753 = arith.constant 0 : index
        %get3A_754 = tpu.vector_load %arg6[%get3A_751, %get3A_752, %get3A_753] {strides = array<i32>} : memref<4x128x32xf32, #tpu.memory_space<vmem>>, vector<1x1x16xf32>,
        %get3A_755 = vector.shape_cast %get3A_754 : vector<1x1x16xf32> to vector<16xf32>
        %get3A_756 = arith.constant 1 : i32
        %get3A_757 = arith.index_cast %get3A_756 : i32 to index
        %get3A_758 = arith.index_cast %scan3A_749 : i32 to index
        %get3A_759 = arith.constant 16 : index
        %get3A_760 = tpu.vector_load %arg6[%get3A_757, %get3A_758, %get3A_759] {strides = array<i32>} : memref<4x128x32xf32, #tpu.memory_space<vmem>>, vector<1x1x16xf32>,
        %get3A_761 = vector.shape_cast %get3A_760 : vector<1x1x16xf32> to vector<16xf32>
        %exp3A_762 = math.exp %get3A_755 : vector<16xf32>
        %add3A_763 = arith.addf %add3A_727, %exp3A_762 : vector<16xf32>
        %exp3A_764 = math.exp %get3A_761 : vector<16xf32>
        %add3A_765 = arith.addf %add3A_729, %exp3A_764 : vector<16xf32>
        %eq3A_766 = arith.constant 0.000000e+00 : f32
        %eq3A_767 = vector.broadcast %eq3A_766 : f32 to vector<16xf32>
        %eq3A_768 = arith.cmpf oeq, %get3A_755, %eq3A_767 : vector<16xf32>
        %jit3A_769 = arith.constant 1.000000e+00 : f32
        %jit3A_770 = arith.constant 0.000000e+00 : f32
        %broadcast_in_dim3A_771 = vector.broadcast %jit3A_769 : f32 to vector<16xf32>
        %broadcast_in_dim3A_772 = vector.broadcast %jit3A_770 : f32 to vector<16xf32>
        %select_n3A_773 = arith.select %eq3A_768, %broadcast_in_dim3A_771, %broadcast_in_dim3A_772 : vector<16xi1>, vector<16xf32>
        %add3A_774 = arith.addf %add3A_738, %select_n3A_773 : vector<16xf32>
        %eq3A_775 = arith.constant 0.000000e+00 : f32
        %eq3A_776 = vector.broadcast %eq3A_775 : f32 to vector<16xf32>
        %eq3A_777 = arith.cmpf oeq, %get3A_761, %eq3A_776 : vector<16xf32>
        %jit3A_778 = arith.constant 1.000000e+00 : f32
        %jit3A_779 = arith.constant 0.000000e+00 : f32
        %broadcast_in_dim3A_780 = vector.broadcast %jit3A_778 : f32 to vector<16xf32>
        %broadcast_in_dim3A_781 = vector.broadcast %jit3A_779 : f32 to vector<16xf32>
        %select_n3A_782 = arith.select %eq3A_777, %broadcast_in_dim3A_780, %broadcast_in_dim3A_781 : vector<16xi1>, vector<16xf32>
        %add3A_783 = arith.addf %add3A_747, %select_n3A_782 : vector<16xf32>
        scf.yield %add3A_763, %add3A_765, %add3A_774, %add3A_783 : vector<16xf32>, vector<16xf32>, vector<16xf32>, vector<16xf32>
      }
      %scan3A_112 = arith.constant 128 : i32
      %sub3A_113 = arith.subf %scan3A_111#0, %scan3A_111#2 : vector<16xf32>
      %swap3A_114 = arith.index_cast %add3A_86 : i32 to index
      %swap3A_115 = arith.constant 0 : index
      %swap3A_116 = tpu.vector_load %arg7[%swap3A_114, %swap3A_115] {strides = array<i32>} : memref<200x32xf32, #tpu.memory_space<vmem>>, vector<1x16xf32>,
      %swap3A_117 = vector.shape_cast %swap3A_116 : vector<1x16xf32> to vector<16xf32>
      %swap3A_118 = vector.shape_cast %sub3A_113 : vector<16xf32> to vector<1x16xf32>
      tpu.vector_store %arg7[%swap3A_114, %swap3A_115], %swap3A_118 {strides = array<i32>} : memref<200x32xf32, #tpu.memory_space<vmem>>, vector<1x16xf32>,
      %sub3A_119 = arith.subf %scan3A_111#1, %scan3A_111#3 : vector<16xf32>
      %swap3A_120 = arith.index_cast %add3A_86 : i32 to index
      %swap3A_121 = arith.constant 16 : index
      %swap3A_122 = tpu.vector_load %arg7[%swap3A_120, %swap3A_121] {strides = array<i32>} : memref<200x32xf32, #tpu.memory_space<vmem>>, vector<1x16xf32>,
      %swap3A_123 = vector.shape_cast %swap3A_122 : vector<1x16xf32> to vector<16xf32>
      %swap3A_124 = vector.shape_cast %sub3A_119 : vector<16xf32> to vector<1x16xf32>
      tpu.vector_store %arg7[%swap3A_120, %swap3A_121], %swap3A_124 {strides = array<i32>} : memref<200x32xf32, #tpu.memory_space<vmem>>, vector<1x16xf32>,
      %mul3A_125 = arith.constant 4 : i32
      %mul3A_126 = arith.muli %mul3A_125, %scan3A_45 : i32
      %add3A_127 = arith.constant 2 : i32
      %add3A_128 = arith.addi %mul3A_126, %add3A_127 : i32
      %dma_wait3A_129 = arith.constant 2 : i32
      %dma_wait3A_130 = arith.constant 0 : i32
      %dma_wait3A_131 = arith.constant 0 : i32
      %dma_wait3A_132 = tpu.memref_slice %arg6[%dma_wait3A_129, %dma_wait3A_130, %dma_wait3A_131] : memref<4x128x32xf32, #tpu.memory_space<vmem>> -> memref<1x128x32xf32, #tpu.memory_space<vmem>>
      %dma_wait3A_133 = tpu.memref_squeeze %dma_wait3A_132 : memref<1x128x32xf32, #tpu.memory_space<vmem>> -> memref<128x32xf32, #tpu.memory_space<vmem>>
      %dma_wait3A_134 = arith.constant 0 : i32
      %dma_wait3A_135 = tpu.memref_slice %arg5[%add3A_128, %dma_wait3A_134] : memref<200x128xi32, #tpu.memory_space<vmem>> -> memref<1x128xi32, #tpu.memory_space<vmem>>
      %dma_wait3A_136 = tpu.memref_squeeze %dma_wait3A_135 : memref<1x128xi32, #tpu.memory_space<vmem>> -> memref<128xi32, #tpu.memory_space<vmem>>
      %dma_wait3A_137 = arith.constant 0 : i32
      %dma_wait3A_138 = arith.constant 0 : i32
      %dma_wait3A_139 = tpu.memref_slice %arg3[%dma_wait3A_137, %dma_wait3A_138] : memref<1048576x32xf32, #tpu.memory_space<hbm>> -> memref<1048576x32xf32, #tpu.memory_space<hbm>>
      tpu.wait_indirect_dma semaphore(%arg10 : memref<!tpu.dma_semaphore, #tpu.memory_space<semaphore_mem>>) src(%dma_wait3A_139 : memref<1048576x32xf32, #tpu.memory_space<hbm>>) dst(%dma_wait3A_133 : memref<128x32xf32, #tpu.memory_space<vmem>>)
      %add3A_140 = arith.constant 4 : i32
      %add3A_141 = arith.addi %add3A_128, %add3A_140 : i32
      %sub3A_142 = arith.constant 1 : i32
      %sub3A_143 = arith.subi %add3A_141, %sub3A_142 : i32
      %lt3A_144 = arith.constant 200 : i32
      %lt3A_145 = arith.cmpi slt, %sub3A_143, %lt3A_144 : i32
      %convert_element_type3A_146 = arith.extui %lt3A_145 : i1 to i32
      %cond3A_147 = arith.constant 0 : i32
      %cond3A_148 = arith.cmpi ne, %convert_element_type3A_146, %cond3A_147 : i32
      scf.if %cond3A_148 {
        %dma_start3A_210 = arith.constant 1 : i32
        %dma_start3A_211 = arith.constant 0 : i32
        %dma_start3A_212 = arith.constant 0 : i32
        %dma_start3A_213 = tpu.memref_slice %arg6[%dma_start3A_210, %dma_start3A_211, %dma_start3A_212] : memref<4x128x32xf32, #tpu.memory_space<vmem>> -> memref<1x128x32xf32, #tpu.memory_space<vmem>>
        %dma_start3A_214 = tpu.memref_squeeze %dma_start3A_213 : memref<1x128x32xf32, #tpu.memory_space<vmem>> -> memref<128x32xf32, #tpu.memory_space<vmem>>
        %dma_start3A_215 = arith.constant 0 : i32
        %dma_start3A_216 = tpu.memref_slice %arg5[%sub3A_143, %dma_start3A_215] : memref<200x128xi32, #tpu.memory_space<vmem>> -> memref<1x128xi32, #tpu.memory_space<vmem>>
        %dma_start3A_217 = tpu.memref_squeeze %dma_start3A_216 : memref<1x128xi32, #tpu.memory_space<vmem>> -> memref<128xi32, #tpu.memory_space<vmem>>
        %dma_start3A_218 = arith.constant 0 : i32
        %dma_start3A_219 = arith.constant 0 : i32
        %dma_start3A_220 = tpu.memref_slice %arg3[%dma_start3A_218, %dma_start3A_219] : memref<1048576x32xf32, #tpu.memory_space<hbm>> -> memref<1048576x32xf32, #tpu.memory_space<hbm>>
        tpu.enqueue_indirect_dma source(%dma_start3A_220 : memref<1048576x32xf32, #tpu.memory_space<hbm>>) target(%dma_start3A_214 : memref<128x32xf32, #tpu.memory_space<vmem>>) offsets(%dma_start3A_217 : memref<128xi32, #tpu.memory_space<vmem>>) semaphore(%arg9 : memref<!tpu.dma_semaphore, #tpu.memory_space<semaphore_mem>>)
      } else {
      }
      %scan3A_149 = arith.constant 0 : i32
      %scan3A_150 = arith.constant 128 : i32
      %scan3A_151 = arith.addi %scan3A_149, %scan3A_150 : i32
      %scan3A_152 = arith.constant 16 : i32
      %scan3A_153:4 = scf.for %scan3A_210 = %scan3A_149 to %scan3A_151 step %scan3A_152 iter_args(%scan3A_211 = %broadcast_in_dim3A_38, %scan3A_212 = %broadcast_in_dim3A_38, %scan3A_213 = %broadcast_in_dim3A_38, %scan3A_214 = %broadcast_in_dim3A_38) -> (vector<16xf32>, vector<16xf32>, vector<16xf32>, vector<16xf32>)  : i32 {
        %get3A = arith.constant 2 : i32
        %get3A_215 = arith.index_cast %get3A : i32 to index
        %get3A_216 = arith.index_cast %scan3A_210 : i32 to index
        %get3A_217 = arith.constant 0 : index
        %get3A_218 = tpu.vector_load %arg6[%get3A_215, %get3A_216, %get3A_217] {strides = array<i32>} : memref<4x128x32xf32, #tpu.memory_space<vmem>>, vector<1x1x16xf32>,
        %get3A_219 = vector.shape_cast %get3A_218 : vector<1x1x16xf32> to vector<16xf32>
        %get3A_220 = arith.constant 2 : i32
        %get3A_221 = arith.index_cast %get3A_220 : i32 to index
        %get3A_222 = arith.index_cast %scan3A_210 : i32 to index
        %get3A_223 = arith.constant 16 : index
        %get3A_224 = tpu.vector_load %arg6[%get3A_221, %get3A_222, %get3A_223] {strides = array<i32>} : memref<4x128x32xf32, #tpu.memory_space<vmem>>, vector<1x1x16xf32>,
        %get3A_225 = vector.shape_cast %get3A_224 : vector<1x1x16xf32> to vector<16xf32>
        %exp3A = math.exp %get3A_219 : vector<16xf32>
        %add3A_226 = arith.addf %scan3A_211, %exp3A : vector<16xf32>
        %exp3A_227 = math.exp %get3A_225 : vector<16xf32>
        %add3A_228 = arith.addf %scan3A_212, %exp3A_227 : vector<16xf32>
        %eq3A = arith.constant 0.000000e+00 : f32
        %eq3A_229 = vector.broadcast %eq3A : f32 to vector<16xf32>
        %eq3A_230 = arith.cmpf oeq, %get3A_219, %eq3A_229 : vector<16xf32>
        %jit3A = arith.constant 1.000000e+00 : f32
        %jit3A_231 = arith.constant 0.000000e+00 : f32
        %broadcast_in_dim3A_232 = vector.broadcast %jit3A : f32 to vector<16xf32>
        %broadcast_in_dim3A_233 = vector.broadcast %jit3A_231 : f32 to vector<16xf32>
        %select_n3A = arith.select %eq3A_230, %broadcast_in_dim3A_232, %broadcast_in_dim3A_233 : vector<16xi1>, vector<16xf32>
        %add3A_234 = arith.addf %scan3A_213, %select_n3A : vector<16xf32>
        %eq3A_235 = arith.constant 0.000000e+00 : f32
        %eq3A_236 = vector.broadcast %eq3A_235 : f32 to vector<16xf32>
        %eq3A_237 = arith.cmpf oeq, %get3A_225, %eq3A_236 : vector<16xf32>
        %jit3A_238 = arith.constant 1.000000e+00 : f32
        %jit3A_239 = arith.constant 0.000000e+00 : f32
        %broadcast_in_dim3A_240 = vector.broadcast %jit3A_238 : f32 to vector<16xf32>
        %broadcast_in_dim3A_241 = vector.broadcast %jit3A_239 : f32 to vector<16xf32>
        %select_n3A_242 = arith.select %eq3A_237, %broadcast_in_dim3A_240, %broadcast_in_dim3A_241 : vector<16xi1>, vector<16xf32>
        %add3A_243 = arith.addf %scan3A_214, %select_n3A_242 : vector<16xf32>
        %scan3A_244 = arith.constant 1 : i32
        %scan3A_245 = arith.addi %scan3A_210, %scan3A_244 : i32
        %get3A_246 = arith.constant 2 : i32
        %get3A_247 = arith.index_cast %get3A_246 : i32 to index
        %get3A_248 = arith.index_cast %scan3A_245 : i32 to index
        %get3A_249 = arith.constant 0 : index
        %get3A_250 = tpu.vector_load %arg6[%get3A_247, %get3A_248, %get3A_249] {strides = array<i32>} : memref<4x128x32xf32, #tpu.memory_space<vmem>>, vector<1x1x16xf32>,
        %get3A_251 = vector.shape_cast %get3A_250 : vector<1x1x16xf32> to vector<16xf32>
        %get3A_252 = arith.constant 2 : i32
        %get3A_253 = arith.index_cast %get3A_252 : i32 to index
        %get3A_254 = arith.index_cast %scan3A_245 : i32 to index
        %get3A_255 = arith.constant 16 : index
        %get3A_256 = tpu.vector_load %arg6[%get3A_253, %get3A_254, %get3A_255] {strides = array<i32>} : memref<4x128x32xf32, #tpu.memory_space<vmem>>, vector<1x1x16xf32>,
        %get3A_257 = vector.shape_cast %get3A_256 : vector<1x1x16xf32> to vector<16xf32>
        %exp3A_258 = math.exp %get3A_251 : vector<16xf32>
        %add3A_259 = arith.addf %add3A_226, %exp3A_258 : vector<16xf32>
        %exp3A_260 = math.exp %get3A_257 : vector<16xf32>
        %add3A_261 = arith.addf %add3A_228, %exp3A_260 : vector<16xf32>
        %eq3A_262 = arith.constant 0.000000e+00 : f32
        %eq3A_263 = vector.broadcast %eq3A_262 : f32 to vector<16xf32>
        %eq3A_264 = arith.cmpf oeq, %get3A_251, %eq3A_263 : vector<16xf32>
        %jit3A_265 = arith.constant 1.000000e+00 : f32
        %jit3A_266 = arith.constant 0.000000e+00 : f32
        %broadcast_in_dim3A_267 = vector.broadcast %jit3A_265 : f32 to vector<16xf32>
        %broadcast_in_dim3A_268 = vector.broadcast %jit3A_266 : f32 to vector<16xf32>
        %select_n3A_269 = arith.select %eq3A_264, %broadcast_in_dim3A_267, %broadcast_in_dim3A_268 : vector<16xi1>, vector<16xf32>
        %add3A_270 = arith.addf %add3A_234, %select_n3A_269 : vector<16xf32>
        %eq3A_271 = arith.constant 0.000000e+00 : f32
        %eq3A_272 = vector.broadcast %eq3A_271 : f32 to vector<16xf32>
        %eq3A_273 = arith.cmpf oeq, %get3A_257, %eq3A_272 : vector<16xf32>
        %jit3A_274 = arith.constant 1.000000e+00 : f32
        %jit3A_275 = arith.constant 0.000000e+00 : f32
        %broadcast_in_dim3A_276 = vector.broadcast %jit3A_274 : f32 to vector<16xf32>
        %broadcast_in_dim3A_277 = vector.broadcast %jit3A_275 : f32 to vector<16xf32>
        %select_n3A_278 = arith.select %eq3A_273, %broadcast_in_dim3A_276, %broadcast_in_dim3A_277 : vector<16xi1>, vector<16xf32>
        %add3A_279 = arith.addf %add3A_243, %select_n3A_278 : vector<16xf32>
        %scan3A_280 = arith.constant 2 : i32
        %scan3A_281 = arith.addi %scan3A_210, %scan3A_280 : i32
        %get3A_282 = arith.constant 2 : i32
        %get3A_283 = arith.index_cast %get3A_282 : i32 to index
        %get3A_284 = arith.index_cast %scan3A_281 : i32 to index
        %get3A_285 = arith.constant 0 : index
        %get3A_286 = tpu.vector_load %arg6[%get3A_283, %get3A_284, %get3A_285] {strides = array<i32>} : memref<4x128x32xf32, #tpu.memory_space<vmem>>, vector<1x1x16xf32>,
        %get3A_287 = vector.shape_cast %get3A_286 : vector<1x1x16xf32> to vector<16xf32>
        %get3A_288 = arith.constant 2 : i32
        %get3A_289 = arith.index_cast %get3A_288 : i32 to index
        %get3A_290 = arith.index_cast %scan3A_281 : i32 to index
        %get3A_291 = arith.constant 16 : index
        %get3A_292 = tpu.vector_load %arg6[%get3A_289, %get3A_290, %get3A_291] {strides = array<i32>} : memref<4x128x32xf32, #tpu.memory_space<vmem>>, vector<1x1x16xf32>,
        %get3A_293 = vector.shape_cast %get3A_292 : vector<1x1x16xf32> to vector<16xf32>
        %exp3A_294 = math.exp %get3A_287 : vector<16xf32>
        %add3A_295 = arith.addf %add3A_259, %exp3A_294 : vector<16xf32>
        %exp3A_296 = math.exp %get3A_293 : vector<16xf32>
        %add3A_297 = arith.addf %add3A_261, %exp3A_296 : vector<16xf32>
        %eq3A_298 = arith.constant 0.000000e+00 : f32
        %eq3A_299 = vector.broadcast %eq3A_298 : f32 to vector<16xf32>
        %eq3A_300 = arith.cmpf oeq, %get3A_287, %eq3A_299 : vector<16xf32>
        %jit3A_301 = arith.constant 1.000000e+00 : f32
        %jit3A_302 = arith.constant 0.000000e+00 : f32
        %broadcast_in_dim3A_303 = vector.broadcast %jit3A_301 : f32 to vector<16xf32>
        %broadcast_in_dim3A_304 = vector.broadcast %jit3A_302 : f32 to vector<16xf32>
        %select_n3A_305 = arith.select %eq3A_300, %broadcast_in_dim3A_303, %broadcast_in_dim3A_304 : vector<16xi1>, vector<16xf32>
        %add3A_306 = arith.addf %add3A_270, %select_n3A_305 : vector<16xf32>
        %eq3A_307 = arith.constant 0.000000e+00 : f32
        %eq3A_308 = vector.broadcast %eq3A_307 : f32 to vector<16xf32>
        %eq3A_309 = arith.cmpf oeq, %get3A_293, %eq3A_308 : vector<16xf32>
        %jit3A_310 = arith.constant 1.000000e+00 : f32
        %jit3A_311 = arith.constant 0.000000e+00 : f32
        %broadcast_in_dim3A_312 = vector.broadcast %jit3A_310 : f32 to vector<16xf32>
        %broadcast_in_dim3A_313 = vector.broadcast %jit3A_311 : f32 to vector<16xf32>
        %select_n3A_314 = arith.select %eq3A_309, %broadcast_in_dim3A_312, %broadcast_in_dim3A_313 : vector<16xi1>, vector<16xf32>
        %add3A_315 = arith.addf %add3A_279, %select_n3A_314 : vector<16xf32>
        %scan3A_316 = arith.constant 3 : i32
        %scan3A_317 = arith.addi %scan3A_210, %scan3A_316 : i32
        %get3A_318 = arith.constant 2 : i32
        %get3A_319 = arith.index_cast %get3A_318 : i32 to index
        %get3A_320 = arith.index_cast %scan3A_317 : i32 to index
        %get3A_321 = arith.constant 0 : index
        %get3A_322 = tpu.vector_load %arg6[%get3A_319, %get3A_320, %get3A_321] {strides = array<i32>} : memref<4x128x32xf32, #tpu.memory_space<vmem>>, vector<1x1x16xf32>,
        %get3A_323 = vector.shape_cast %get3A_322 : vector<1x1x16xf32> to vector<16xf32>
        %get3A_324 = arith.constant 2 : i32
        %get3A_325 = arith.index_cast %get3A_324 : i32 to index
        %get3A_326 = arith.index_cast %scan3A_317 : i32 to index
        %get3A_327 = arith.constant 16 : index
        %get3A_328 = tpu.vector_load %arg6[%get3A_325, %get3A_326, %get3A_327] {strides = array<i32>} : memref<4x128x32xf32, #tpu.memory_space<vmem>>, vector<1x1x16xf32>,
        %get3A_329 = vector.shape_cast %get3A_328 : vector<1x1x16xf32> to vector<16xf32>
        %exp3A_330 = math.exp %get3A_323 : vector<16xf32>
        %add3A_331 = arith.addf %add3A_295, %exp3A_330 : vector<16xf32>
        %exp3A_332 = math.exp %get3A_329 : vector<16xf32>
        %add3A_333 = arith.addf %add3A_297, %exp3A_332 : vector<16xf32>
        %eq3A_334 = arith.constant 0.000000e+00 : f32
        %eq3A_335 = vector.broadcast %eq3A_334 : f32 to vector<16xf32>
        %eq3A_336 = arith.cmpf oeq, %get3A_323, %eq3A_335 : vector<16xf32>
        %jit3A_337 = arith.constant 1.000000e+00 : f32
        %jit3A_338 = arith.constant 0.000000e+00 : f32
        %broadcast_in_dim3A_339 = vector.broadcast %jit3A_337 : f32 to vector<16xf32>
        %broadcast_in_dim3A_340 = vector.broadcast %jit3A_338 : f32 to vector<16xf32>
        %select_n3A_341 = arith.select %eq3A_336, %broadcast_in_dim3A_339, %broadcast_in_dim3A_340 : vector<16xi1>, vector<16xf32>
        %add3A_342 = arith.addf %add3A_306, %select_n3A_341 : vector<16xf32>
        %eq3A_343 = arith.constant 0.000000e+00 : f32
        %eq3A_344 = vector.broadcast %eq3A_343 : f32 to vector<16xf32>
        %eq3A_345 = arith.cmpf oeq, %get3A_329, %eq3A_344 : vector<16xf32>
        %jit3A_346 = arith.constant 1.000000e+00 : f32
        %jit3A_347 = arith.constant 0.000000e+00 : f32
        %broadcast_in_dim3A_348 = vector.broadcast %jit3A_346 : f32 to vector<16xf32>
        %broadcast_in_dim3A_349 = vector.broadcast %jit3A_347 : f32 to vector<16xf32>
        %select_n3A_350 = arith.select %eq3A_345, %broadcast_in_dim3A_348, %broadcast_in_dim3A_349 : vector<16xi1>, vector<16xf32>
        %add3A_351 = arith.addf %add3A_315, %select_n3A_350 : vector<16xf32>
        %scan3A_352 = arith.constant 4 : i32
        %scan3A_353 = arith.addi %scan3A_210, %scan3A_352 : i32
        %get3A_354 = arith.constant 2 : i32
        %get3A_355 = arith.index_cast %get3A_354 : i32 to index
        %get3A_356 = arith.index_cast %scan3A_353 : i32 to index
        %get3A_357 = arith.constant 0 : index
        %get3A_358 = tpu.vector_load %arg6[%get3A_355, %get3A_356, %get3A_357] {strides = array<i32>} : memref<4x128x32xf32, #tpu.memory_space<vmem>>, vector<1x1x16xf32>,
        %get3A_359 = vector.shape_cast %get3A_358 : vector<1x1x16xf32> to vector<16xf32>
        %get3A_360 = arith.constant 2 : i32
        %get3A_361 = arith.index_cast %get3A_360 : i32 to index
        %get3A_362 = arith.index_cast %scan3A_353 : i32 to index
        %get3A_363 = arith.constant 16 : index
        %get3A_364 = tpu.vector_load %arg6[%get3A_361, %get3A_362, %get3A_363] {strides = array<i32>} : memref<4x128x32xf32, #tpu.memory_space<vmem>>, vector<1x1x16xf32>,
        %get3A_365 = vector.shape_cast %get3A_364 : vector<1x1x16xf32> to vector<16xf32>
        %exp3A_366 = math.exp %get3A_359 : vector<16xf32>
        %add3A_367 = arith.addf %add3A_331, %exp3A_366 : vector<16xf32>
        %exp3A_368 = math.exp %get3A_365 : vector<16xf32>
        %add3A_369 = arith.addf %add3A_333, %exp3A_368 : vector<16xf32>
        %eq3A_370 = arith.constant 0.000000e+00 : f32
        %eq3A_371 = vector.broadcast %eq3A_370 : f32 to vector<16xf32>
        %eq3A_372 = arith.cmpf oeq, %get3A_359, %eq3A_371 : vector<16xf32>
        %jit3A_373 = arith.constant 1.000000e+00 : f32
        %jit3A_374 = arith.constant 0.000000e+00 : f32
        %broadcast_in_dim3A_375 = vector.broadcast %jit3A_373 : f32 to vector<16xf32>
        %broadcast_in_dim3A_376 = vector.broadcast %jit3A_374 : f32 to vector<16xf32>
        %select_n3A_377 = arith.select %eq3A_372, %broadcast_in_dim3A_375, %broadcast_in_dim3A_376 : vector<16xi1>, vector<16xf32>
        %add3A_378 = arith.addf %add3A_342, %select_n3A_377 : vector<16xf32>
        %eq3A_379 = arith.constant 0.000000e+00 : f32
        %eq3A_380 = vector.broadcast %eq3A_379 : f32 to vector<16xf32>
        %eq3A_381 = arith.cmpf oeq, %get3A_365, %eq3A_380 : vector<16xf32>
        %jit3A_382 = arith.constant 1.000000e+00 : f32
        %jit3A_383 = arith.constant 0.000000e+00 : f32
        %broadcast_in_dim3A_384 = vector.broadcast %jit3A_382 : f32 to vector<16xf32>
        %broadcast_in_dim3A_385 = vector.broadcast %jit3A_383 : f32 to vector<16xf32>
        %select_n3A_386 = arith.select %eq3A_381, %broadcast_in_dim3A_384, %broadcast_in_dim3A_385 : vector<16xi1>, vector<16xf32>
        %add3A_387 = arith.addf %add3A_351, %select_n3A_386 : vector<16xf32>
        %scan3A_388 = arith.constant 5 : i32
        %scan3A_389 = arith.addi %scan3A_210, %scan3A_388 : i32
        %get3A_390 = arith.constant 2 : i32
        %get3A_391 = arith.index_cast %get3A_390 : i32 to index
        %get3A_392 = arith.index_cast %scan3A_389 : i32 to index
        %get3A_393 = arith.constant 0 : index
        %get3A_394 = tpu.vector_load %arg6[%get3A_391, %get3A_392, %get3A_393] {strides = array<i32>} : memref<4x128x32xf32, #tpu.memory_space<vmem>>, vector<1x1x16xf32>,
        %get3A_395 = vector.shape_cast %get3A_394 : vector<1x1x16xf32> to vector<16xf32>
        %get3A_396 = arith.constant 2 : i32
        %get3A_397 = arith.index_cast %get3A_396 : i32 to index
        %get3A_398 = arith.index_cast %scan3A_389 : i32 to index
        %get3A_399 = arith.constant 16 : index
        %get3A_400 = tpu.vector_load %arg6[%get3A_397, %get3A_398, %get3A_399] {strides = array<i32>} : memref<4x128x32xf32, #tpu.memory_space<vmem>>, vector<1x1x16xf32>,
        %get3A_401 = vector.shape_cast %get3A_400 : vector<1x1x16xf32> to vector<16xf32>
        %exp3A_402 = math.exp %get3A_395 : vector<16xf32>
        %add3A_403 = arith.addf %add3A_367, %exp3A_402 : vector<16xf32>
        %exp3A_404 = math.exp %get3A_401 : vector<16xf32>
        %add3A_405 = arith.addf %add3A_369, %exp3A_404 : vector<16xf32>
        %eq3A_406 = arith.constant 0.000000e+00 : f32
        %eq3A_407 = vector.broadcast %eq3A_406 : f32 to vector<16xf32>
        %eq3A_408 = arith.cmpf oeq, %get3A_395, %eq3A_407 : vector<16xf32>
        %jit3A_409 = arith.constant 1.000000e+00 : f32
        %jit3A_410 = arith.constant 0.000000e+00 : f32
        %broadcast_in_dim3A_411 = vector.broadcast %jit3A_409 : f32 to vector<16xf32>
        %broadcast_in_dim3A_412 = vector.broadcast %jit3A_410 : f32 to vector<16xf32>
        %select_n3A_413 = arith.select %eq3A_408, %broadcast_in_dim3A_411, %broadcast_in_dim3A_412 : vector<16xi1>, vector<16xf32>
        %add3A_414 = arith.addf %add3A_378, %select_n3A_413 : vector<16xf32>
        %eq3A_415 = arith.constant 0.000000e+00 : f32
        %eq3A_416 = vector.broadcast %eq3A_415 : f32 to vector<16xf32>
        %eq3A_417 = arith.cmpf oeq, %get3A_401, %eq3A_416 : vector<16xf32>
        %jit3A_418 = arith.constant 1.000000e+00 : f32
        %jit3A_419 = arith.constant 0.000000e+00 : f32
        %broadcast_in_dim3A_420 = vector.broadcast %jit3A_418 : f32 to vector<16xf32>
        %broadcast_in_dim3A_421 = vector.broadcast %jit3A_419 : f32 to vector<16xf32>
        %select_n3A_422 = arith.select %eq3A_417, %broadcast_in_dim3A_420, %broadcast_in_dim3A_421 : vector<16xi1>, vector<16xf32>
        %add3A_423 = arith.addf %add3A_387, %select_n3A_422 : vector<16xf32>
        %scan3A_424 = arith.constant 6 : i32
        %scan3A_425 = arith.addi %scan3A_210, %scan3A_424 : i32
        %get3A_426 = arith.constant 2 : i32
        %get3A_427 = arith.index_cast %get3A_426 : i32 to index
        %get3A_428 = arith.index_cast %scan3A_425 : i32 to index
        %get3A_429 = arith.constant 0 : index
        %get3A_430 = tpu.vector_load %arg6[%get3A_427, %get3A_428, %get3A_429] {strides = array<i32>} : memref<4x128x32xf32, #tpu.memory_space<vmem>>, vector<1x1x16xf32>,
        %get3A_431 = vector.shape_cast %get3A_430 : vector<1x1x16xf32> to vector<16xf32>
        %get3A_432 = arith.constant 2 : i32
        %get3A_433 = arith.index_cast %get3A_432 : i32 to index
        %get3A_434 = arith.index_cast %scan3A_425 : i32 to index
        %get3A_435 = arith.constant 16 : index
        %get3A_436 = tpu.vector_load %arg6[%get3A_433, %get3A_434, %get3A_435] {strides = array<i32>} : memref<4x128x32xf32, #tpu.memory_space<vmem>>, vector<1x1x16xf32>,
        %get3A_437 = vector.shape_cast %get3A_436 : vector<1x1x16xf32> to vector<16xf32>
        %exp3A_438 = math.exp %get3A_431 : vector<16xf32>
        %add3A_439 = arith.addf %add3A_403, %exp3A_438 : vector<16xf32>
        %exp3A_440 = math.exp %get3A_437 : vector<16xf32>
        %add3A_441 = arith.addf %add3A_405, %exp3A_440 : vector<16xf32>
        %eq3A_442 = arith.constant 0.000000e+00 : f32
        %eq3A_443 = vector.broadcast %eq3A_442 : f32 to vector<16xf32>
        %eq3A_444 = arith.cmpf oeq, %get3A_431, %eq3A_443 : vector<16xf32>
        %jit3A_445 = arith.constant 1.000000e+00 : f32
        %jit3A_446 = arith.constant 0.000000e+00 : f32
        %broadcast_in_dim3A_447 = vector.broadcast %jit3A_445 : f32 to vector<16xf32>
        %broadcast_in_dim3A_448 = vector.broadcast %jit3A_446 : f32 to vector<16xf32>
        %select_n3A_449 = arith.select %eq3A_444, %broadcast_in_dim3A_447, %broadcast_in_dim3A_448 : vector<16xi1>, vector<16xf32>
        %add3A_450 = arith.addf %add3A_414, %select_n3A_449 : vector<16xf32>
        %eq3A_451 = arith.constant 0.000000e+00 : f32
        %eq3A_452 = vector.broadcast %eq3A_451 : f32 to vector<16xf32>
        %eq3A_453 = arith.cmpf oeq, %get3A_437, %eq3A_452 : vector<16xf32>
        %jit3A_454 = arith.constant 1.000000e+00 : f32
        %jit3A_455 = arith.constant 0.000000e+00 : f32
        %broadcast_in_dim3A_456 = vector.broadcast %jit3A_454 : f32 to vector<16xf32>
        %broadcast_in_dim3A_457 = vector.broadcast %jit3A_455 : f32 to vector<16xf32>
        %select_n3A_458 = arith.select %eq3A_453, %broadcast_in_dim3A_456, %broadcast_in_dim3A_457 : vector<16xi1>, vector<16xf32>
        %add3A_459 = arith.addf %add3A_423, %select_n3A_458 : vector<16xf32>
        %scan3A_460 = arith.constant 7 : i32
        %scan3A_461 = arith.addi %scan3A_210, %scan3A_460 : i32
        %get3A_462 = arith.constant 2 : i32
        %get3A_463 = arith.index_cast %get3A_462 : i32 to index
        %get3A_464 = arith.index_cast %scan3A_461 : i32 to index
        %get3A_465 = arith.constant 0 : index
        %get3A_466 = tpu.vector_load %arg6[%get3A_463, %get3A_464, %get3A_465] {strides = array<i32>} : memref<4x128x32xf32, #tpu.memory_space<vmem>>, vector<1x1x16xf32>,
        %get3A_467 = vector.shape_cast %get3A_466 : vector<1x1x16xf32> to vector<16xf32>
        %get3A_468 = arith.constant 2 : i32
        %get3A_469 = arith.index_cast %get3A_468 : i32 to index
        %get3A_470 = arith.index_cast %scan3A_461 : i32 to index
        %get3A_471 = arith.constant 16 : index
        %get3A_472 = tpu.vector_load %arg6[%get3A_469, %get3A_470, %get3A_471] {strides = array<i32>} : memref<4x128x32xf32, #tpu.memory_space<vmem>>, vector<1x1x16xf32>,
        %get3A_473 = vector.shape_cast %get3A_472 : vector<1x1x16xf32> to vector<16xf32>
        %exp3A_474 = math.exp %get3A_467 : vector<16xf32>
        %add3A_475 = arith.addf %add3A_439, %exp3A_474 : vector<16xf32>
        %exp3A_476 = math.exp %get3A_473 : vector<16xf32>
        %add3A_477 = arith.addf %add3A_441, %exp3A_476 : vector<16xf32>
        %eq3A_478 = arith.constant 0.000000e+00 : f32
        %eq3A_479 = vector.broadcast %eq3A_478 : f32 to vector<16xf32>
        %eq3A_480 = arith.cmpf oeq, %get3A_467, %eq3A_479 : vector<16xf32>
        %jit3A_481 = arith.constant 1.000000e+00 : f32
        %jit3A_482 = arith.constant 0.000000e+00 : f32
        %broadcast_in_dim3A_483 = vector.broadcast %jit3A_481 : f32 to vector<16xf32>
        %broadcast_in_dim3A_484 = vector.broadcast %jit3A_482 : f32 to vector<16xf32>
        %select_n3A_485 = arith.select %eq3A_480, %broadcast_in_dim3A_483, %broadcast_in_dim3A_484 : vector<16xi1>, vector<16xf32>
        %add3A_486 = arith.addf %add3A_450, %select_n3A_485 : vector<16xf32>
        %eq3A_487 = arith.constant 0.000000e+00 : f32
        %eq3A_488 = vector.broadcast %eq3A_487 : f32 to vector<16xf32>
        %eq3A_489 = arith.cmpf oeq, %get3A_473, %eq3A_488 : vector<16xf32>
        %jit3A_490 = arith.constant 1.000000e+00 : f32
        %jit3A_491 = arith.constant 0.000000e+00 : f32
        %broadcast_in_dim3A_492 = vector.broadcast %jit3A_490 : f32 to vector<16xf32>
        %broadcast_in_dim3A_493 = vector.broadcast %jit3A_491 : f32 to vector<16xf32>
        %select_n3A_494 = arith.select %eq3A_489, %broadcast_in_dim3A_492, %broadcast_in_dim3A_493 : vector<16xi1>, vector<16xf32>
        %add3A_495 = arith.addf %add3A_459, %select_n3A_494 : vector<16xf32>
        %scan3A_496 = arith.constant 8 : i32
        %scan3A_497 = arith.addi %scan3A_210, %scan3A_496 : i32
        %get3A_498 = arith.constant 2 : i32
        %get3A_499 = arith.index_cast %get3A_498 : i32 to index
        %get3A_500 = arith.index_cast %scan3A_497 : i32 to index
        %get3A_501 = arith.constant 0 : index
        %get3A_502 = tpu.vector_load %arg6[%get3A_499, %get3A_500, %get3A_501] {strides = array<i32>} : memref<4x128x32xf32, #tpu.memory_space<vmem>>, vector<1x1x16xf32>,
        %get3A_503 = vector.shape_cast %get3A_502 : vector<1x1x16xf32> to vector<16xf32>
        %get3A_504 = arith.constant 2 : i32
        %get3A_505 = arith.index_cast %get3A_504 : i32 to index
        %get3A_506 = arith.index_cast %scan3A_497 : i32 to index
        %get3A_507 = arith.constant 16 : index
        %get3A_508 = tpu.vector_load %arg6[%get3A_505, %get3A_506, %get3A_507] {strides = array<i32>} : memref<4x128x32xf32, #tpu.memory_space<vmem>>, vector<1x1x16xf32>,
        %get3A_509 = vector.shape_cast %get3A_508 : vector<1x1x16xf32> to vector<16xf32>
        %exp3A_510 = math.exp %get3A_503 : vector<16xf32>
        %add3A_511 = arith.addf %add3A_475, %exp3A_510 : vector<16xf32>
        %exp3A_512 = math.exp %get3A_509 : vector<16xf32>
        %add3A_513 = arith.addf %add3A_477, %exp3A_512 : vector<16xf32>
        %eq3A_514 = arith.constant 0.000000e+00 : f32
        %eq3A_515 = vector.broadcast %eq3A_514 : f32 to vector<16xf32>
        %eq3A_516 = arith.cmpf oeq, %get3A_503, %eq3A_515 : vector<16xf32>
        %jit3A_517 = arith.constant 1.000000e+00 : f32
        %jit3A_518 = arith.constant 0.000000e+00 : f32
        %broadcast_in_dim3A_519 = vector.broadcast %jit3A_517 : f32 to vector<16xf32>
        %broadcast_in_dim3A_520 = vector.broadcast %jit3A_518 : f32 to vector<16xf32>
        %select_n3A_521 = arith.select %eq3A_516, %broadcast_in_dim3A_519, %broadcast_in_dim3A_520 : vector<16xi1>, vector<16xf32>
        %add3A_522 = arith.addf %add3A_486, %select_n3A_521 : vector<16xf32>
        %eq3A_523 = arith.constant 0.000000e+00 : f32
        %eq3A_524 = vector.broadcast %eq3A_523 : f32 to vector<16xf32>
        %eq3A_525 = arith.cmpf oeq, %get3A_509, %eq3A_524 : vector<16xf32>
        %jit3A_526 = arith.constant 1.000000e+00 : f32
        %jit3A_527 = arith.constant 0.000000e+00 : f32
        %broadcast_in_dim3A_528 = vector.broadcast %jit3A_526 : f32 to vector<16xf32>
        %broadcast_in_dim3A_529 = vector.broadcast %jit3A_527 : f32 to vector<16xf32>
        %select_n3A_530 = arith.select %eq3A_525, %broadcast_in_dim3A_528, %broadcast_in_dim3A_529 : vector<16xi1>, vector<16xf32>
        %add3A_531 = arith.addf %add3A_495, %select_n3A_530 : vector<16xf32>
        %scan3A_532 = arith.constant 9 : i32
        %scan3A_533 = arith.addi %scan3A_210, %scan3A_532 : i32
        %get3A_534 = arith.constant 2 : i32
        %get3A_535 = arith.index_cast %get3A_534 : i32 to index
        %get3A_536 = arith.index_cast %scan3A_533 : i32 to index
        %get3A_537 = arith.constant 0 : index
        %get3A_538 = tpu.vector_load %arg6[%get3A_535, %get3A_536, %get3A_537] {strides = array<i32>} : memref<4x128x32xf32, #tpu.memory_space<vmem>>, vector<1x1x16xf32>,
        %get3A_539 = vector.shape_cast %get3A_538 : vector<1x1x16xf32> to vector<16xf32>
        %get3A_540 = arith.constant 2 : i32
        %get3A_541 = arith.index_cast %get3A_540 : i32 to index
        %get3A_542 = arith.index_cast %scan3A_533 : i32 to index
        %get3A_543 = arith.constant 16 : index
        %get3A_544 = tpu.vector_load %arg6[%get3A_541, %get3A_542, %get3A_543] {strides = array<i32>} : memref<4x128x32xf32, #tpu.memory_space<vmem>>, vector<1x1x16xf32>,
        %get3A_545 = vector.shape_cast %get3A_544 : vector<1x1x16xf32> to vector<16xf32>
        %exp3A_546 = math.exp %get3A_539 : vector<16xf32>
        %add3A_547 = arith.addf %add3A_511, %exp3A_546 : vector<16xf32>
        %exp3A_548 = math.exp %get3A_545 : vector<16xf32>
        %add3A_549 = arith.addf %add3A_513, %exp3A_548 : vector<16xf32>
        %eq3A_550 = arith.constant 0.000000e+00 : f32
        %eq3A_551 = vector.broadcast %eq3A_550 : f32 to vector<16xf32>
        %eq3A_552 = arith.cmpf oeq, %get3A_539, %eq3A_551 : vector<16xf32>
        %jit3A_553 = arith.constant 1.000000e+00 : f32
        %jit3A_554 = arith.constant 0.000000e+00 : f32
        %broadcast_in_dim3A_555 = vector.broadcast %jit3A_553 : f32 to vector<16xf32>
        %broadcast_in_dim3A_556 = vector.broadcast %jit3A_554 : f32 to vector<16xf32>
        %select_n3A_557 = arith.select %eq3A_552, %broadcast_in_dim3A_555, %broadcast_in_dim3A_556 : vector<16xi1>, vector<16xf32>
        %add3A_558 = arith.addf %add3A_522, %select_n3A_557 : vector<16xf32>
        %eq3A_559 = arith.constant 0.000000e+00 : f32
        %eq3A_560 = vector.broadcast %eq3A_559 : f32 to vector<16xf32>
        %eq3A_561 = arith.cmpf oeq, %get3A_545, %eq3A_560 : vector<16xf32>
        %jit3A_562 = arith.constant 1.000000e+00 : f32
        %jit3A_563 = arith.constant 0.000000e+00 : f32
        %broadcast_in_dim3A_564 = vector.broadcast %jit3A_562 : f32 to vector<16xf32>
        %broadcast_in_dim3A_565 = vector.broadcast %jit3A_563 : f32 to vector<16xf32>
        %select_n3A_566 = arith.select %eq3A_561, %broadcast_in_dim3A_564, %broadcast_in_dim3A_565 : vector<16xi1>, vector<16xf32>
        %add3A_567 = arith.addf %add3A_531, %select_n3A_566 : vector<16xf32>
        %scan3A_568 = arith.constant 10 : i32
        %scan3A_569 = arith.addi %scan3A_210, %scan3A_568 : i32
        %get3A_570 = arith.constant 2 : i32
        %get3A_571 = arith.index_cast %get3A_570 : i32 to index
        %get3A_572 = arith.index_cast %scan3A_569 : i32 to index
        %get3A_573 = arith.constant 0 : index
        %get3A_574 = tpu.vector_load %arg6[%get3A_571, %get3A_572, %get3A_573] {strides = array<i32>} : memref<4x128x32xf32, #tpu.memory_space<vmem>>, vector<1x1x16xf32>,
        %get3A_575 = vector.shape_cast %get3A_574 : vector<1x1x16xf32> to vector<16xf32>
        %get3A_576 = arith.constant 2 : i32
        %get3A_577 = arith.index_cast %get3A_576 : i32 to index
        %get3A_578 = arith.index_cast %scan3A_569 : i32 to index
        %get3A_579 = arith.constant 16 : index
        %get3A_580 = tpu.vector_load %arg6[%get3A_577, %get3A_578, %get3A_579] {strides = array<i32>} : memref<4x128x32xf32, #tpu.memory_space<vmem>>, vector<1x1x16xf32>,
        %get3A_581 = vector.shape_cast %get3A_580 : vector<1x1x16xf32> to vector<16xf32>
        %exp3A_582 = math.exp %get3A_575 : vector<16xf32>
        %add3A_583 = arith.addf %add3A_547, %exp3A_582 : vector<16xf32>
        %exp3A_584 = math.exp %get3A_581 : vector<16xf32>
        %add3A_585 = arith.addf %add3A_549, %exp3A_584 : vector<16xf32>
        %eq3A_586 = arith.constant 0.000000e+00 : f32
        %eq3A_587 = vector.broadcast %eq3A_586 : f32 to vector<16xf32>
        %eq3A_588 = arith.cmpf oeq, %get3A_575, %eq3A_587 : vector<16xf32>
        %jit3A_589 = arith.constant 1.000000e+00 : f32
        %jit3A_590 = arith.constant 0.000000e+00 : f32
        %broadcast_in_dim3A_591 = vector.broadcast %jit3A_589 : f32 to vector<16xf32>
        %broadcast_in_dim3A_592 = vector.broadcast %jit3A_590 : f32 to vector<16xf32>
        %select_n3A_593 = arith.select %eq3A_588, %broadcast_in_dim3A_591, %broadcast_in_dim3A_592 : vector<16xi1>, vector<16xf32>
        %add3A_594 = arith.addf %add3A_558, %select_n3A_593 : vector<16xf32>
        %eq3A_595 = arith.constant 0.000000e+00 : f32
        %eq3A_596 = vector.broadcast %eq3A_595 : f32 to vector<16xf32>
        %eq3A_597 = arith.cmpf oeq, %get3A_581, %eq3A_596 : vector<16xf32>
        %jit3A_598 = arith.constant 1.000000e+00 : f32
        %jit3A_599 = arith.constant 0.000000e+00 : f32
        %broadcast_in_dim3A_600 = vector.broadcast %jit3A_598 : f32 to vector<16xf32>
        %broadcast_in_dim3A_601 = vector.broadcast %jit3A_599 : f32 to vector<16xf32>
        %select_n3A_602 = arith.select %eq3A_597, %broadcast_in_dim3A_600, %broadcast_in_dim3A_601 : vector<16xi1>, vector<16xf32>
        %add3A_603 = arith.addf %add3A_567, %select_n3A_602 : vector<16xf32>
        %scan3A_604 = arith.constant 11 : i32
        %scan3A_605 = arith.addi %scan3A_210, %scan3A_604 : i32
        %get3A_606 = arith.constant 2 : i32
        %get3A_607 = arith.index_cast %get3A_606 : i32 to index
        %get3A_608 = arith.index_cast %scan3A_605 : i32 to index
        %get3A_609 = arith.constant 0 : index
        %get3A_610 = tpu.vector_load %arg6[%get3A_607, %get3A_608, %get3A_609] {strides = array<i32>} : memref<4x128x32xf32, #tpu.memory_space<vmem>>, vector<1x1x16xf32>,
        %get3A_611 = vector.shape_cast %get3A_610 : vector<1x1x16xf32> to vector<16xf32>
        %get3A_612 = arith.constant 2 : i32
        %get3A_613 = arith.index_cast %get3A_612 : i32 to index
        %get3A_614 = arith.index_cast %scan3A_605 : i32 to index
        %get3A_615 = arith.constant 16 : index
        %get3A_616 = tpu.vector_load %arg6[%get3A_613, %get3A_614, %get3A_615] {strides = array<i32>} : memref<4x128x32xf32, #tpu.memory_space<vmem>>, vector<1x1x16xf32>,
        %get3A_617 = vector.shape_cast %get3A_616 : vector<1x1x16xf32> to vector<16xf32>
        %exp3A_618 = math.exp %get3A_611 : vector<16xf32>
        %add3A_619 = arith.addf %add3A_583, %exp3A_618 : vector<16xf32>
        %exp3A_620 = math.exp %get3A_617 : vector<16xf32>
        %add3A_621 = arith.addf %add3A_585, %exp3A_620 : vector<16xf32>
        %eq3A_622 = arith.constant 0.000000e+00 : f32
        %eq3A_623 = vector.broadcast %eq3A_622 : f32 to vector<16xf32>
        %eq3A_624 = arith.cmpf oeq, %get3A_611, %eq3A_623 : vector<16xf32>
        %jit3A_625 = arith.constant 1.000000e+00 : f32
        %jit3A_626 = arith.constant 0.000000e+00 : f32
        %broadcast_in_dim3A_627 = vector.broadcast %jit3A_625 : f32 to vector<16xf32>
        %broadcast_in_dim3A_628 = vector.broadcast %jit3A_626 : f32 to vector<16xf32>
        %select_n3A_629 = arith.select %eq3A_624, %broadcast_in_dim3A_627, %broadcast_in_dim3A_628 : vector<16xi1>, vector<16xf32>
        %add3A_630 = arith.addf %add3A_594, %select_n3A_629 : vector<16xf32>
        %eq3A_631 = arith.constant 0.000000e+00 : f32
        %eq3A_632 = vector.broadcast %eq3A_631 : f32 to vector<16xf32>
        %eq3A_633 = arith.cmpf oeq, %get3A_617, %eq3A_632 : vector<16xf32>
        %jit3A_634 = arith.constant 1.000000e+00 : f32
        %jit3A_635 = arith.constant 0.000000e+00 : f32
        %broadcast_in_dim3A_636 = vector.broadcast %jit3A_634 : f32 to vector<16xf32>
        %broadcast_in_dim3A_637 = vector.broadcast %jit3A_635 : f32 to vector<16xf32>
        %select_n3A_638 = arith.select %eq3A_633, %broadcast_in_dim3A_636, %broadcast_in_dim3A_637 : vector<16xi1>, vector<16xf32>
        %add3A_639 = arith.addf %add3A_603, %select_n3A_638 : vector<16xf32>
        %scan3A_640 = arith.constant 12 : i32
        %scan3A_641 = arith.addi %scan3A_210, %scan3A_640 : i32
        %get3A_642 = arith.constant 2 : i32
        %get3A_643 = arith.index_cast %get3A_642 : i32 to index
        %get3A_644 = arith.index_cast %scan3A_641 : i32 to index
        %get3A_645 = arith.constant 0 : index
        %get3A_646 = tpu.vector_load %arg6[%get3A_643, %get3A_644, %get3A_645] {strides = array<i32>} : memref<4x128x32xf32, #tpu.memory_space<vmem>>, vector<1x1x16xf32>,
        %get3A_647 = vector.shape_cast %get3A_646 : vector<1x1x16xf32> to vector<16xf32>
        %get3A_648 = arith.constant 2 : i32
        %get3A_649 = arith.index_cast %get3A_648 : i32 to index
        %get3A_650 = arith.index_cast %scan3A_641 : i32 to index
        %get3A_651 = arith.constant 16 : index
        %get3A_652 = tpu.vector_load %arg6[%get3A_649, %get3A_650, %get3A_651] {strides = array<i32>} : memref<4x128x32xf32, #tpu.memory_space<vmem>>, vector<1x1x16xf32>,
        %get3A_653 = vector.shape_cast %get3A_652 : vector<1x1x16xf32> to vector<16xf32>
        %exp3A_654 = math.exp %get3A_647 : vector<16xf32>
        %add3A_655 = arith.addf %add3A_619, %exp3A_654 : vector<16xf32>
        %exp3A_656 = math.exp %get3A_653 : vector<16xf32>
        %add3A_657 = arith.addf %add3A_621, %exp3A_656 : vector<16xf32>
        %eq3A_658 = arith.constant 0.000000e+00 : f32
        %eq3A_659 = vector.broadcast %eq3A_658 : f32 to vector<16xf32>
        %eq3A_660 = arith.cmpf oeq, %get3A_647, %eq3A_659 : vector<16xf32>
        %jit3A_661 = arith.constant 1.000000e+00 : f32
        %jit3A_662 = arith.constant 0.000000e+00 : f32
        %broadcast_in_dim3A_663 = vector.broadcast %jit3A_661 : f32 to vector<16xf32>
        %broadcast_in_dim3A_664 = vector.broadcast %jit3A_662 : f32 to vector<16xf32>
        %select_n3A_665 = arith.select %eq3A_660, %broadcast_in_dim3A_663, %broadcast_in_dim3A_664 : vector<16xi1>, vector<16xf32>
        %add3A_666 = arith.addf %add3A_630, %select_n3A_665 : vector<16xf32>
        %eq3A_667 = arith.constant 0.000000e+00 : f32
        %eq3A_668 = vector.broadcast %eq3A_667 : f32 to vector<16xf32>
        %eq3A_669 = arith.cmpf oeq, %get3A_653, %eq3A_668 : vector<16xf32>
        %jit3A_670 = arith.constant 1.000000e+00 : f32
        %jit3A_671 = arith.constant 0.000000e+00 : f32
        %broadcast_in_dim3A_672 = vector.broadcast %jit3A_670 : f32 to vector<16xf32>
        %broadcast_in_dim3A_673 = vector.broadcast %jit3A_671 : f32 to vector<16xf32>
        %select_n3A_674 = arith.select %eq3A_669, %broadcast_in_dim3A_672, %broadcast_in_dim3A_673 : vector<16xi1>, vector<16xf32>
        %add3A_675 = arith.addf %add3A_639, %select_n3A_674 : vector<16xf32>
        %scan3A_676 = arith.constant 13 : i32
        %scan3A_677 = arith.addi %scan3A_210, %scan3A_676 : i32
        %get3A_678 = arith.constant 2 : i32
        %get3A_679 = arith.index_cast %get3A_678 : i32 to index
        %get3A_680 = arith.index_cast %scan3A_677 : i32 to index
        %get3A_681 = arith.constant 0 : index
        %get3A_682 = tpu.vector_load %arg6[%get3A_679, %get3A_680, %get3A_681] {strides = array<i32>} : memref<4x128x32xf32, #tpu.memory_space<vmem>>, vector<1x1x16xf32>,
        %get3A_683 = vector.shape_cast %get3A_682 : vector<1x1x16xf32> to vector<16xf32>
        %get3A_684 = arith.constant 2 : i32
        %get3A_685 = arith.index_cast %get3A_684 : i32 to index
        %get3A_686 = arith.index_cast %scan3A_677 : i32 to index
        %get3A_687 = arith.constant 16 : index
        %get3A_688 = tpu.vector_load %arg6[%get3A_685, %get3A_686, %get3A_687] {strides = array<i32>} : memref<4x128x32xf32, #tpu.memory_space<vmem>>, vector<1x1x16xf32>,
        %get3A_689 = vector.shape_cast %get3A_688 : vector<1x1x16xf32> to vector<16xf32>
        %exp3A_690 = math.exp %get3A_683 : vector<16xf32>
        %add3A_691 = arith.addf %add3A_655, %exp3A_690 : vector<16xf32>
        %exp3A_692 = math.exp %get3A_689 : vector<16xf32>
        %add3A_693 = arith.addf %add3A_657, %exp3A_692 : vector<16xf32>
        %eq3A_694 = arith.constant 0.000000e+00 : f32
        %eq3A_695 = vector.broadcast %eq3A_694 : f32 to vector<16xf32>
        %eq3A_696 = arith.cmpf oeq, %get3A_683, %eq3A_695 : vector<16xf32>
        %jit3A_697 = arith.constant 1.000000e+00 : f32
        %jit3A_698 = arith.constant 0.000000e+00 : f32
        %broadcast_in_dim3A_699 = vector.broadcast %jit3A_697 : f32 to vector<16xf32>
        %broadcast_in_dim3A_700 = vector.broadcast %jit3A_698 : f32 to vector<16xf32>
        %select_n3A_701 = arith.select %eq3A_696, %broadcast_in_dim3A_699, %broadcast_in_dim3A_700 : vector<16xi1>, vector<16xf32>
        %add3A_702 = arith.addf %add3A_666, %select_n3A_701 : vector<16xf32>
        %eq3A_703 = arith.constant 0.000000e+00 : f32
        %eq3A_704 = vector.broadcast %eq3A_703 : f32 to vector<16xf32>
        %eq3A_705 = arith.cmpf oeq, %get3A_689, %eq3A_704 : vector<16xf32>
        %jit3A_706 = arith.constant 1.000000e+00 : f32
        %jit3A_707 = arith.constant 0.000000e+00 : f32
        %broadcast_in_dim3A_708 = vector.broadcast %jit3A_706 : f32 to vector<16xf32>
        %broadcast_in_dim3A_709 = vector.broadcast %jit3A_707 : f32 to vector<16xf32>
        %select_n3A_710 = arith.select %eq3A_705, %broadcast_in_dim3A_708, %broadcast_in_dim3A_709 : vector<16xi1>, vector<16xf32>
        %add3A_711 = arith.addf %add3A_675, %select_n3A_710 : vector<16xf32>
        %scan3A_712 = arith.constant 14 : i32
        %scan3A_713 = arith.addi %scan3A_210, %scan3A_712 : i32
        %get3A_714 = arith.constant 2 : i32
        %get3A_715 = arith.index_cast %get3A_714 : i32 to index
        %get3A_716 = arith.index_cast %scan3A_713 : i32 to index
        %get3A_717 = arith.constant 0 : index
        %get3A_718 = tpu.vector_load %arg6[%get3A_715, %get3A_716, %get3A_717] {strides = array<i32>} : memref<4x128x32xf32, #tpu.memory_space<vmem>>, vector<1x1x16xf32>,
        %get3A_719 = vector.shape_cast %get3A_718 : vector<1x1x16xf32> to vector<16xf32>
        %get3A_720 = arith.constant 2 : i32
        %get3A_721 = arith.index_cast %get3A_720 : i32 to index
        %get3A_722 = arith.index_cast %scan3A_713 : i32 to index
        %get3A_723 = arith.constant 16 : index
        %get3A_724 = tpu.vector_load %arg6[%get3A_721, %get3A_722, %get3A_723] {strides = array<i32>} : memref<4x128x32xf32, #tpu.memory_space<vmem>>, vector<1x1x16xf32>,
        %get3A_725 = vector.shape_cast %get3A_724 : vector<1x1x16xf32> to vector<16xf32>
        %exp3A_726 = math.exp %get3A_719 : vector<16xf32>
        %add3A_727 = arith.addf %add3A_691, %exp3A_726 : vector<16xf32>
        %exp3A_728 = math.exp %get3A_725 : vector<16xf32>
        %add3A_729 = arith.addf %add3A_693, %exp3A_728 : vector<16xf32>
        %eq3A_730 = arith.constant 0.000000e+00 : f32
        %eq3A_731 = vector.broadcast %eq3A_730 : f32 to vector<16xf32>
        %eq3A_732 = arith.cmpf oeq, %get3A_719, %eq3A_731 : vector<16xf32>
        %jit3A_733 = arith.constant 1.000000e+00 : f32
        %jit3A_734 = arith.constant 0.000000e+00 : f32
        %broadcast_in_dim3A_735 = vector.broadcast %jit3A_733 : f32 to vector<16xf32>
        %broadcast_in_dim3A_736 = vector.broadcast %jit3A_734 : f32 to vector<16xf32>
        %select_n3A_737 = arith.select %eq3A_732, %broadcast_in_dim3A_735, %broadcast_in_dim3A_736 : vector<16xi1>, vector<16xf32>
        %add3A_738 = arith.addf %add3A_702, %select_n3A_737 : vector<16xf32>
        %eq3A_739 = arith.constant 0.000000e+00 : f32
        %eq3A_740 = vector.broadcast %eq3A_739 : f32 to vector<16xf32>
        %eq3A_741 = arith.cmpf oeq, %get3A_725, %eq3A_740 : vector<16xf32>
        %jit3A_742 = arith.constant 1.000000e+00 : f32
        %jit3A_743 = arith.constant 0.000000e+00 : f32
        %broadcast_in_dim3A_744 = vector.broadcast %jit3A_742 : f32 to vector<16xf32>
        %broadcast_in_dim3A_745 = vector.broadcast %jit3A_743 : f32 to vector<16xf32>
        %select_n3A_746 = arith.select %eq3A_741, %broadcast_in_dim3A_744, %broadcast_in_dim3A_745 : vector<16xi1>, vector<16xf32>
        %add3A_747 = arith.addf %add3A_711, %select_n3A_746 : vector<16xf32>
        %scan3A_748 = arith.constant 15 : i32
        %scan3A_749 = arith.addi %scan3A_210, %scan3A_748 : i32
        %get3A_750 = arith.constant 2 : i32
        %get3A_751 = arith.index_cast %get3A_750 : i32 to index
        %get3A_752 = arith.index_cast %scan3A_749 : i32 to index
        %get3A_753 = arith.constant 0 : index
        %get3A_754 = tpu.vector_load %arg6[%get3A_751, %get3A_752, %get3A_753] {strides = array<i32>} : memref<4x128x32xf32, #tpu.memory_space<vmem>>, vector<1x1x16xf32>,
        %get3A_755 = vector.shape_cast %get3A_754 : vector<1x1x16xf32> to vector<16xf32>
        %get3A_756 = arith.constant 2 : i32
        %get3A_757 = arith.index_cast %get3A_756 : i32 to index
        %get3A_758 = arith.index_cast %scan3A_749 : i32 to index
        %get3A_759 = arith.constant 16 : index
        %get3A_760 = tpu.vector_load %arg6[%get3A_757, %get3A_758, %get3A_759] {strides = array<i32>} : memref<4x128x32xf32, #tpu.memory_space<vmem>>, vector<1x1x16xf32>,
        %get3A_761 = vector.shape_cast %get3A_760 : vector<1x1x16xf32> to vector<16xf32>
        %exp3A_762 = math.exp %get3A_755 : vector<16xf32>
        %add3A_763 = arith.addf %add3A_727, %exp3A_762 : vector<16xf32>
        %exp3A_764 = math.exp %get3A_761 : vector<16xf32>
        %add3A_765 = arith.addf %add3A_729, %exp3A_764 : vector<16xf32>
        %eq3A_766 = arith.constant 0.000000e+00 : f32
        %eq3A_767 = vector.broadcast %eq3A_766 : f32 to vector<16xf32>
        %eq3A_768 = arith.cmpf oeq, %get3A_755, %eq3A_767 : vector<16xf32>
        %jit3A_769 = arith.constant 1.000000e+00 : f32
        %jit3A_770 = arith.constant 0.000000e+00 : f32
        %broadcast_in_dim3A_771 = vector.broadcast %jit3A_769 : f32 to vector<16xf32>
        %broadcast_in_dim3A_772 = vector.broadcast %jit3A_770 : f32 to vector<16xf32>
        %select_n3A_773 = arith.select %eq3A_768, %broadcast_in_dim3A_771, %broadcast_in_dim3A_772 : vector<16xi1>, vector<16xf32>
        %add3A_774 = arith.addf %add3A_738, %select_n3A_773 : vector<16xf32>
        %eq3A_775 = arith.constant 0.000000e+00 : f32
        %eq3A_776 = vector.broadcast %eq3A_775 : f32 to vector<16xf32>
        %eq3A_777 = arith.cmpf oeq, %get3A_761, %eq3A_776 : vector<16xf32>
        %jit3A_778 = arith.constant 1.000000e+00 : f32
        %jit3A_779 = arith.constant 0.000000e+00 : f32
        %broadcast_in_dim3A_780 = vector.broadcast %jit3A_778 : f32 to vector<16xf32>
        %broadcast_in_dim3A_781 = vector.broadcast %jit3A_779 : f32 to vector<16xf32>
        %select_n3A_782 = arith.select %eq3A_777, %broadcast_in_dim3A_780, %broadcast_in_dim3A_781 : vector<16xi1>, vector<16xf32>
        %add3A_783 = arith.addf %add3A_747, %select_n3A_782 : vector<16xf32>
        scf.yield %add3A_763, %add3A_765, %add3A_774, %add3A_783 : vector<16xf32>, vector<16xf32>, vector<16xf32>, vector<16xf32>
      }
      %scan3A_154 = arith.constant 128 : i32
      %sub3A_155 = arith.subf %scan3A_153#0, %scan3A_153#2 : vector<16xf32>
      %swap3A_156 = arith.index_cast %add3A_128 : i32 to index
      %swap3A_157 = arith.constant 0 : index
      %swap3A_158 = tpu.vector_load %arg7[%swap3A_156, %swap3A_157] {strides = array<i32>} : memref<200x32xf32, #tpu.memory_space<vmem>>, vector<1x16xf32>,
      %swap3A_159 = vector.shape_cast %swap3A_158 : vector<1x16xf32> to vector<16xf32>
      %swap3A_160 = vector.shape_cast %sub3A_155 : vector<16xf32> to vector<1x16xf32>
      tpu.vector_store %arg7[%swap3A_156, %swap3A_157], %swap3A_160 {strides = array<i32>} : memref<200x32xf32, #tpu.memory_space<vmem>>, vector<1x16xf32>,
      %sub3A_161 = arith.subf %scan3A_153#1, %scan3A_153#3 : vector<16xf32>
      %swap3A_162 = arith.index_cast %add3A_128 : i32 to index
      %swap3A_163 = arith.constant 16 : index
      %swap3A_164 = tpu.vector_load %arg7[%swap3A_162, %swap3A_163] {strides = array<i32>} : memref<200x32xf32, #tpu.memory_space<vmem>>, vector<1x16xf32>,
      %swap3A_165 = vector.shape_cast %swap3A_164 : vector<1x16xf32> to vector<16xf32>
      %swap3A_166 = vector.shape_cast %sub3A_161 : vector<16xf32> to vector<1x16xf32>
      tpu.vector_store %arg7[%swap3A_162, %swap3A_163], %swap3A_166 {strides = array<i32>} : memref<200x32xf32, #tpu.memory_space<vmem>>, vector<1x16xf32>,
      %mul3A_167 = arith.constant 4 : i32
      %mul3A_168 = arith.muli %mul3A_167, %scan3A_45 : i32
      %add3A_169 = arith.constant 3 : i32
      %add3A_170 = arith.addi %mul3A_168, %add3A_169 : i32
      %dma_wait3A_171 = arith.constant 3 : i32
      %dma_wait3A_172 = arith.constant 0 : i32
      %dma_wait3A_173 = arith.constant 0 : i32
      %dma_wait3A_174 = tpu.memref_slice %arg6[%dma_wait3A_171, %dma_wait3A_172, %dma_wait3A_173] : memref<4x128x32xf32, #tpu.memory_space<vmem>> -> memref<1x128x32xf32, #tpu.memory_space<vmem>>
      %dma_wait3A_175 = tpu.memref_squeeze %dma_wait3A_174 : memref<1x128x32xf32, #tpu.memory_space<vmem>> -> memref<128x32xf32, #tpu.memory_space<vmem>>
      %dma_wait3A_176 = arith.constant 0 : i32
      %dma_wait3A_177 = tpu.memref_slice %arg5[%add3A_170, %dma_wait3A_176] : memref<200x128xi32, #tpu.memory_space<vmem>> -> memref<1x128xi32, #tpu.memory_space<vmem>>
      %dma_wait3A_178 = tpu.memref_squeeze %dma_wait3A_177 : memref<1x128xi32, #tpu.memory_space<vmem>> -> memref<128xi32, #tpu.memory_space<vmem>>
      %dma_wait3A_179 = arith.constant 0 : i32
      %dma_wait3A_180 = arith.constant 0 : i32
      %dma_wait3A_181 = tpu.memref_slice %arg3[%dma_wait3A_179, %dma_wait3A_180] : memref<1048576x32xf32, #tpu.memory_space<hbm>> -> memref<1048576x32xf32, #tpu.memory_space<hbm>>
      tpu.wait_indirect_dma semaphore(%arg11 : memref<!tpu.dma_semaphore, #tpu.memory_space<semaphore_mem>>) src(%dma_wait3A_181 : memref<1048576x32xf32, #tpu.memory_space<hbm>>) dst(%dma_wait3A_175 : memref<128x32xf32, #tpu.memory_space<vmem>>)
      %add3A_182 = arith.constant 4 : i32
      %add3A_183 = arith.addi %add3A_170, %add3A_182 : i32
      %sub3A_184 = arith.constant 1 : i32
      %sub3A_185 = arith.subi %add3A_183, %sub3A_184 : i32
      %lt3A_186 = arith.constant 200 : i32
      %lt3A_187 = arith.cmpi slt, %sub3A_185, %lt3A_186 : i32
      %convert_element_type3A_188 = arith.extui %lt3A_187 : i1 to i32
      %cond3A_189 = arith.constant 0 : i32
      %cond3A_190 = arith.cmpi ne, %convert_element_type3A_188, %cond3A_189 : i32
      scf.if %cond3A_190 {
        %dma_start3A_210 = arith.constant 2 : i32
        %dma_start3A_211 = arith.constant 0 : i32
        %dma_start3A_212 = arith.constant 0 : i32
        %dma_start3A_213 = tpu.memref_slice %arg6[%dma_start3A_210, %dma_start3A_211, %dma_start3A_212] : memref<4x128x32xf32, #tpu.memory_space<vmem>> -> memref<1x128x32xf32, #tpu.memory_space<vmem>>
        %dma_start3A_214 = tpu.memref_squeeze %dma_start3A_213 : memref<1x128x32xf32, #tpu.memory_space<vmem>> -> memref<128x32xf32, #tpu.memory_space<vmem>>
        %dma_start3A_215 = arith.constant 0 : i32
        %dma_start3A_216 = tpu.memref_slice %arg5[%sub3A_185, %dma_start3A_215] : memref<200x128xi32, #tpu.memory_space<vmem>> -> memref<1x128xi32, #tpu.memory_space<vmem>>
        %dma_start3A_217 = tpu.memref_squeeze %dma_start3A_216 : memref<1x128xi32, #tpu.memory_space<vmem>> -> memref<128xi32, #tpu.memory_space<vmem>>
        %dma_start3A_218 = arith.constant 0 : i32
        %dma_start3A_219 = arith.constant 0 : i32
        %dma_start3A_220 = tpu.memref_slice %arg3[%dma_start3A_218, %dma_start3A_219] : memref<1048576x32xf32, #tpu.memory_space<hbm>> -> memref<1048576x32xf32, #tpu.memory_space<hbm>>
        tpu.enqueue_indirect_dma source(%dma_start3A_220 : memref<1048576x32xf32, #tpu.memory_space<hbm>>) target(%dma_start3A_214 : memref<128x32xf32, #tpu.memory_space<vmem>>) offsets(%dma_start3A_217 : memref<128xi32, #tpu.memory_space<vmem>>) semaphore(%arg10 : memref<!tpu.dma_semaphore, #tpu.memory_space<semaphore_mem>>)
      } else {
      }
      %scan3A_191 = arith.constant 0 : i32
      %scan3A_192 = arith.constant 128 : i32
      %scan3A_193 = arith.addi %scan3A_191, %scan3A_192 : i32
      %scan3A_194 = arith.constant 16 : i32
      %scan3A_195:4 = scf.for %scan3A_210 = %scan3A_191 to %scan3A_193 step %scan3A_194 iter_args(%scan3A_211 = %broadcast_in_dim3A_38, %scan3A_212 = %broadcast_in_dim3A_38, %scan3A_213 = %broadcast_in_dim3A_38, %scan3A_214 = %broadcast_in_dim3A_38) -> (vector<16xf32>, vector<16xf32>, vector<16xf32>, vector<16xf32>)  : i32 {
        %get3A = arith.constant 3 : i32
        %get3A_215 = arith.index_cast %get3A : i32 to index
        %get3A_216 = arith.index_cast %scan3A_210 : i32 to index
        %get3A_217 = arith.constant 0 : index
        %get3A_218 = tpu.vector_load %arg6[%get3A_215, %get3A_216, %get3A_217] {strides = array<i32>} : memref<4x128x32xf32, #tpu.memory_space<vmem>>, vector<1x1x16xf32>,
        %get3A_219 = vector.shape_cast %get3A_218 : vector<1x1x16xf32> to vector<16xf32>
        %get3A_220 = arith.constant 3 : i32
        %get3A_221 = arith.index_cast %get3A_220 : i32 to index
        %get3A_222 = arith.index_cast %scan3A_210 : i32 to index
        %get3A_223 = arith.constant 16 : index
        %get3A_224 = tpu.vector_load %arg6[%get3A_221, %get3A_222, %get3A_223] {strides = array<i32>} : memref<4x128x32xf32, #tpu.memory_space<vmem>>, vector<1x1x16xf32>,
        %get3A_225 = vector.shape_cast %get3A_224 : vector<1x1x16xf32> to vector<16xf32>
        %exp3A = math.exp %get3A_219 : vector<16xf32>
        %add3A_226 = arith.addf %scan3A_211, %exp3A : vector<16xf32>
        %exp3A_227 = math.exp %get3A_225 : vector<16xf32>
        %add3A_228 = arith.addf %scan3A_212, %exp3A_227 : vector<16xf32>
        %eq3A = arith.constant 0.000000e+00 : f32
        %eq3A_229 = vector.broadcast %eq3A : f32 to vector<16xf32>
        %eq3A_230 = arith.cmpf oeq, %get3A_219, %eq3A_229 : vector<16xf32>
        %jit3A = arith.constant 1.000000e+00 : f32
        %jit3A_231 = arith.constant 0.000000e+00 : f32
        %broadcast_in_dim3A_232 = vector.broadcast %jit3A : f32 to vector<16xf32>
        %broadcast_in_dim3A_233 = vector.broadcast %jit3A_231 : f32 to vector<16xf32>
        %select_n3A = arith.select %eq3A_230, %broadcast_in_dim3A_232, %broadcast_in_dim3A_233 : vector<16xi1>, vector<16xf32>
        %add3A_234 = arith.addf %scan3A_213, %select_n3A : vector<16xf32>
        %eq3A_235 = arith.constant 0.000000e+00 : f32
        %eq3A_236 = vector.broadcast %eq3A_235 : f32 to vector<16xf32>
        %eq3A_237 = arith.cmpf oeq, %get3A_225, %eq3A_236 : vector<16xf32>
        %jit3A_238 = arith.constant 1.000000e+00 : f32
        %jit3A_239 = arith.constant 0.000000e+00 : f32
        %broadcast_in_dim3A_240 = vector.broadcast %jit3A_238 : f32 to vector<16xf32>
        %broadcast_in_dim3A_241 = vector.broadcast %jit3A_239 : f32 to vector<16xf32>
        %select_n3A_242 = arith.select %eq3A_237, %broadcast_in_dim3A_240, %broadcast_in_dim3A_241 : vector<16xi1>, vector<16xf32>
        %add3A_243 = arith.addf %scan3A_214, %select_n3A_242 : vector<16xf32>
        %scan3A_244 = arith.constant 1 : i32
        %scan3A_245 = arith.addi %scan3A_210, %scan3A_244 : i32
        %get3A_246 = arith.constant 3 : i32
        %get3A_247 = arith.index_cast %get3A_246 : i32 to index
        %get3A_248 = arith.index_cast %scan3A_245 : i32 to index
        %get3A_249 = arith.constant 0 : index
        %get3A_250 = tpu.vector_load %arg6[%get3A_247, %get3A_248, %get3A_249] {strides = array<i32>} : memref<4x128x32xf32, #tpu.memory_space<vmem>>, vector<1x1x16xf32>,
        %get3A_251 = vector.shape_cast %get3A_250 : vector<1x1x16xf32> to vector<16xf32>
        %get3A_252 = arith.constant 3 : i32
        %get3A_253 = arith.index_cast %get3A_252 : i32 to index
        %get3A_254 = arith.index_cast %scan3A_245 : i32 to index
        %get3A_255 = arith.constant 16 : index
        %get3A_256 = tpu.vector_load %arg6[%get3A_253, %get3A_254, %get3A_255] {strides = array<i32>} : memref<4x128x32xf32, #tpu.memory_space<vmem>>, vector<1x1x16xf32>,
        %get3A_257 = vector.shape_cast %get3A_256 : vector<1x1x16xf32> to vector<16xf32>
        %exp3A_258 = math.exp %get3A_251 : vector<16xf32>
        %add3A_259 = arith.addf %add3A_226, %exp3A_258 : vector<16xf32>
        %exp3A_260 = math.exp %get3A_257 : vector<16xf32>
        %add3A_261 = arith.addf %add3A_228, %exp3A_260 : vector<16xf32>
        %eq3A_262 = arith.constant 0.000000e+00 : f32
        %eq3A_263 = vector.broadcast %eq3A_262 : f32 to vector<16xf32>
        %eq3A_264 = arith.cmpf oeq, %get3A_251, %eq3A_263 : vector<16xf32>
        %jit3A_265 = arith.constant 1.000000e+00 : f32
        %jit3A_266 = arith.constant 0.000000e+00 : f32
        %broadcast_in_dim3A_267 = vector.broadcast %jit3A_265 : f32 to vector<16xf32>
        %broadcast_in_dim3A_268 = vector.broadcast %jit3A_266 : f32 to vector<16xf32>
        %select_n3A_269 = arith.select %eq3A_264, %broadcast_in_dim3A_267, %broadcast_in_dim3A_268 : vector<16xi1>, vector<16xf32>
        %add3A_270 = arith.addf %add3A_234, %select_n3A_269 : vector<16xf32>
        %eq3A_271 = arith.constant 0.000000e+00 : f32
        %eq3A_272 = vector.broadcast %eq3A_271 : f32 to vector<16xf32>
        %eq3A_273 = arith.cmpf oeq, %get3A_257, %eq3A_272 : vector<16xf32>
        %jit3A_274 = arith.constant 1.000000e+00 : f32
        %jit3A_275 = arith.constant 0.000000e+00 : f32
        %broadcast_in_dim3A_276 = vector.broadcast %jit3A_274 : f32 to vector<16xf32>
        %broadcast_in_dim3A_277 = vector.broadcast %jit3A_275 : f32 to vector<16xf32>
        %select_n3A_278 = arith.select %eq3A_273, %broadcast_in_dim3A_276, %broadcast_in_dim3A_277 : vector<16xi1>, vector<16xf32>
        %add3A_279 = arith.addf %add3A_243, %select_n3A_278 : vector<16xf32>
        %scan3A_280 = arith.constant 2 : i32
        %scan3A_281 = arith.addi %scan3A_210, %scan3A_280 : i32
        %get3A_282 = arith.constant 3 : i32
        %get3A_283 = arith.index_cast %get3A_282 : i32 to index
        %get3A_284 = arith.index_cast %scan3A_281 : i32 to index
        %get3A_285 = arith.constant 0 : index
        %get3A_286 = tpu.vector_load %arg6[%get3A_283, %get3A_284, %get3A_285] {strides = array<i32>} : memref<4x128x32xf32, #tpu.memory_space<vmem>>, vector<1x1x16xf32>,
        %get3A_287 = vector.shape_cast %get3A_286 : vector<1x1x16xf32> to vector<16xf32>
        %get3A_288 = arith.constant 3 : i32
        %get3A_289 = arith.index_cast %get3A_288 : i32 to index
        %get3A_290 = arith.index_cast %scan3A_281 : i32 to index
        %get3A_291 = arith.constant 16 : index
        %get3A_292 = tpu.vector_load %arg6[%get3A_289, %get3A_290, %get3A_291] {strides = array<i32>} : memref<4x128x32xf32, #tpu.memory_space<vmem>>, vector<1x1x16xf32>,
        %get3A_293 = vector.shape_cast %get3A_292 : vector<1x1x16xf32> to vector<16xf32>
        %exp3A_294 = math.exp %get3A_287 : vector<16xf32>
        %add3A_295 = arith.addf %add3A_259, %exp3A_294 : vector<16xf32>
        %exp3A_296 = math.exp %get3A_293 : vector<16xf32>
        %add3A_297 = arith.addf %add3A_261, %exp3A_296 : vector<16xf32>
        %eq3A_298 = arith.constant 0.000000e+00 : f32
        %eq3A_299 = vector.broadcast %eq3A_298 : f32 to vector<16xf32>
        %eq3A_300 = arith.cmpf oeq, %get3A_287, %eq3A_299 : vector<16xf32>
        %jit3A_301 = arith.constant 1.000000e+00 : f32
        %jit3A_302 = arith.constant 0.000000e+00 : f32
        %broadcast_in_dim3A_303 = vector.broadcast %jit3A_301 : f32 to vector<16xf32>
        %broadcast_in_dim3A_304 = vector.broadcast %jit3A_302 : f32 to vector<16xf32>
        %select_n3A_305 = arith.select %eq3A_300, %broadcast_in_dim3A_303, %broadcast_in_dim3A_304 : vector<16xi1>, vector<16xf32>
        %add3A_306 = arith.addf %add3A_270, %select_n3A_305 : vector<16xf32>
        %eq3A_307 = arith.constant 0.000000e+00 : f32
        %eq3A_308 = vector.broadcast %eq3A_307 : f32 to vector<16xf32>
        %eq3A_309 = arith.cmpf oeq, %get3A_293, %eq3A_308 : vector<16xf32>
        %jit3A_310 = arith.constant 1.000000e+00 : f32
        %jit3A_311 = arith.constant 0.000000e+00 : f32
        %broadcast_in_dim3A_312 = vector.broadcast %jit3A_310 : f32 to vector<16xf32>
        %broadcast_in_dim3A_313 = vector.broadcast %jit3A_311 : f32 to vector<16xf32>
        %select_n3A_314 = arith.select %eq3A_309, %broadcast_in_dim3A_312, %broadcast_in_dim3A_313 : vector<16xi1>, vector<16xf32>
        %add3A_315 = arith.addf %add3A_279, %select_n3A_314 : vector<16xf32>
        %scan3A_316 = arith.constant 3 : i32
        %scan3A_317 = arith.addi %scan3A_210, %scan3A_316 : i32
        %get3A_318 = arith.constant 3 : i32
        %get3A_319 = arith.index_cast %get3A_318 : i32 to index
        %get3A_320 = arith.index_cast %scan3A_317 : i32 to index
        %get3A_321 = arith.constant 0 : index
        %get3A_322 = tpu.vector_load %arg6[%get3A_319, %get3A_320, %get3A_321] {strides = array<i32>} : memref<4x128x32xf32, #tpu.memory_space<vmem>>, vector<1x1x16xf32>,
        %get3A_323 = vector.shape_cast %get3A_322 : vector<1x1x16xf32> to vector<16xf32>
        %get3A_324 = arith.constant 3 : i32
        %get3A_325 = arith.index_cast %get3A_324 : i32 to index
        %get3A_326 = arith.index_cast %scan3A_317 : i32 to index
        %get3A_327 = arith.constant 16 : index
        %get3A_328 = tpu.vector_load %arg6[%get3A_325, %get3A_326, %get3A_327] {strides = array<i32>} : memref<4x128x32xf32, #tpu.memory_space<vmem>>, vector<1x1x16xf32>,
        %get3A_329 = vector.shape_cast %get3A_328 : vector<1x1x16xf32> to vector<16xf32>
        %exp3A_330 = math.exp %get3A_323 : vector<16xf32>
        %add3A_331 = arith.addf %add3A_295, %exp3A_330 : vector<16xf32>
        %exp3A_332 = math.exp %get3A_329 : vector<16xf32>
        %add3A_333 = arith.addf %add3A_297, %exp3A_332 : vector<16xf32>
        %eq3A_334 = arith.constant 0.000000e+00 : f32
        %eq3A_335 = vector.broadcast %eq3A_334 : f32 to vector<16xf32>
        %eq3A_336 = arith.cmpf oeq, %get3A_323, %eq3A_335 : vector<16xf32>
        %jit3A_337 = arith.constant 1.000000e+00 : f32
        %jit3A_338 = arith.constant 0.000000e+00 : f32
        %broadcast_in_dim3A_339 = vector.broadcast %jit3A_337 : f32 to vector<16xf32>
        %broadcast_in_dim3A_340 = vector.broadcast %jit3A_338 : f32 to vector<16xf32>
        %select_n3A_341 = arith.select %eq3A_336, %broadcast_in_dim3A_339, %broadcast_in_dim3A_340 : vector<16xi1>, vector<16xf32>
        %add3A_342 = arith.addf %add3A_306, %select_n3A_341 : vector<16xf32>
        %eq3A_343 = arith.constant 0.000000e+00 : f32
        %eq3A_344 = vector.broadcast %eq3A_343 : f32 to vector<16xf32>
        %eq3A_345 = arith.cmpf oeq, %get3A_329, %eq3A_344 : vector<16xf32>
        %jit3A_346 = arith.constant 1.000000e+00 : f32
        %jit3A_347 = arith.constant 0.000000e+00 : f32
        %broadcast_in_dim3A_348 = vector.broadcast %jit3A_346 : f32 to vector<16xf32>
        %broadcast_in_dim3A_349 = vector.broadcast %jit3A_347 : f32 to vector<16xf32>
        %select_n3A_350 = arith.select %eq3A_345, %broadcast_in_dim3A_348, %broadcast_in_dim3A_349 : vector<16xi1>, vector<16xf32>
        %add3A_351 = arith.addf %add3A_315, %select_n3A_350 : vector<16xf32>
        %scan3A_352 = arith.constant 4 : i32
        %scan3A_353 = arith.addi %scan3A_210, %scan3A_352 : i32
        %get3A_354 = arith.constant 3 : i32
        %get3A_355 = arith.index_cast %get3A_354 : i32 to index
        %get3A_356 = arith.index_cast %scan3A_353 : i32 to index
        %get3A_357 = arith.constant 0 : index
        %get3A_358 = tpu.vector_load %arg6[%get3A_355, %get3A_356, %get3A_357] {strides = array<i32>} : memref<4x128x32xf32, #tpu.memory_space<vmem>>, vector<1x1x16xf32>,
        %get3A_359 = vector.shape_cast %get3A_358 : vector<1x1x16xf32> to vector<16xf32>
        %get3A_360 = arith.constant 3 : i32
        %get3A_361 = arith.index_cast %get3A_360 : i32 to index
        %get3A_362 = arith.index_cast %scan3A_353 : i32 to index
        %get3A_363 = arith.constant 16 : index
        %get3A_364 = tpu.vector_load %arg6[%get3A_361, %get3A_362, %get3A_363] {strides = array<i32>} : memref<4x128x32xf32, #tpu.memory_space<vmem>>, vector<1x1x16xf32>,
        %get3A_365 = vector.shape_cast %get3A_364 : vector<1x1x16xf32> to vector<16xf32>
        %exp3A_366 = math.exp %get3A_359 : vector<16xf32>
        %add3A_367 = arith.addf %add3A_331, %exp3A_366 : vector<16xf32>
        %exp3A_368 = math.exp %get3A_365 : vector<16xf32>
        %add3A_369 = arith.addf %add3A_333, %exp3A_368 : vector<16xf32>
        %eq3A_370 = arith.constant 0.000000e+00 : f32
        %eq3A_371 = vector.broadcast %eq3A_370 : f32 to vector<16xf32>
        %eq3A_372 = arith.cmpf oeq, %get3A_359, %eq3A_371 : vector<16xf32>
        %jit3A_373 = arith.constant 1.000000e+00 : f32
        %jit3A_374 = arith.constant 0.000000e+00 : f32
        %broadcast_in_dim3A_375 = vector.broadcast %jit3A_373 : f32 to vector<16xf32>
        %broadcast_in_dim3A_376 = vector.broadcast %jit3A_374 : f32 to vector<16xf32>
        %select_n3A_377 = arith.select %eq3A_372, %broadcast_in_dim3A_375, %broadcast_in_dim3A_376 : vector<16xi1>, vector<16xf32>
        %add3A_378 = arith.addf %add3A_342, %select_n3A_377 : vector<16xf32>
        %eq3A_379 = arith.constant 0.000000e+00 : f32
        %eq3A_380 = vector.broadcast %eq3A_379 : f32 to vector<16xf32>
        %eq3A_381 = arith.cmpf oeq, %get3A_365, %eq3A_380 : vector<16xf32>
        %jit3A_382 = arith.constant 1.000000e+00 : f32
        %jit3A_383 = arith.constant 0.000000e+00 : f32
        %broadcast_in_dim3A_384 = vector.broadcast %jit3A_382 : f32 to vector<16xf32>
        %broadcast_in_dim3A_385 = vector.broadcast %jit3A_383 : f32 to vector<16xf32>
        %select_n3A_386 = arith.select %eq3A_381, %broadcast_in_dim3A_384, %broadcast_in_dim3A_385 : vector<16xi1>, vector<16xf32>
        %add3A_387 = arith.addf %add3A_351, %select_n3A_386 : vector<16xf32>
        %scan3A_388 = arith.constant 5 : i32
        %scan3A_389 = arith.addi %scan3A_210, %scan3A_388 : i32
        %get3A_390 = arith.constant 3 : i32
        %get3A_391 = arith.index_cast %get3A_390 : i32 to index
        %get3A_392 = arith.index_cast %scan3A_389 : i32 to index
        %get3A_393 = arith.constant 0 : index
        %get3A_394 = tpu.vector_load %arg6[%get3A_391, %get3A_392, %get3A_393] {strides = array<i32>} : memref<4x128x32xf32, #tpu.memory_space<vmem>>, vector<1x1x16xf32>,
        %get3A_395 = vector.shape_cast %get3A_394 : vector<1x1x16xf32> to vector<16xf32>
        %get3A_396 = arith.constant 3 : i32
        %get3A_397 = arith.index_cast %get3A_396 : i32 to index
        %get3A_398 = arith.index_cast %scan3A_389 : i32 to index
        %get3A_399 = arith.constant 16 : index
        %get3A_400 = tpu.vector_load %arg6[%get3A_397, %get3A_398, %get3A_399] {strides = array<i32>} : memref<4x128x32xf32, #tpu.memory_space<vmem>>, vector<1x1x16xf32>,
        %get3A_401 = vector.shape_cast %get3A_400 : vector<1x1x16xf32> to vector<16xf32>
        %exp3A_402 = math.exp %get3A_395 : vector<16xf32>
        %add3A_403 = arith.addf %add3A_367, %exp3A_402 : vector<16xf32>
        %exp3A_404 = math.exp %get3A_401 : vector<16xf32>
        %add3A_405 = arith.addf %add3A_369, %exp3A_404 : vector<16xf32>
        %eq3A_406 = arith.constant 0.000000e+00 : f32
        %eq3A_407 = vector.broadcast %eq3A_406 : f32 to vector<16xf32>
        %eq3A_408 = arith.cmpf oeq, %get3A_395, %eq3A_407 : vector<16xf32>
        %jit3A_409 = arith.constant 1.000000e+00 : f32
        %jit3A_410 = arith.constant 0.000000e+00 : f32
        %broadcast_in_dim3A_411 = vector.broadcast %jit3A_409 : f32 to vector<16xf32>
        %broadcast_in_dim3A_412 = vector.broadcast %jit3A_410 : f32 to vector<16xf32>
        %select_n3A_413 = arith.select %eq3A_408, %broadcast_in_dim3A_411, %broadcast_in_dim3A_412 : vector<16xi1>, vector<16xf32>
        %add3A_414 = arith.addf %add3A_378, %select_n3A_413 : vector<16xf32>
        %eq3A_415 = arith.constant 0.000000e+00 : f32
        %eq3A_416 = vector.broadcast %eq3A_415 : f32 to vector<16xf32>
        %eq3A_417 = arith.cmpf oeq, %get3A_401, %eq3A_416 : vector<16xf32>
        %jit3A_418 = arith.constant 1.000000e+00 : f32
        %jit3A_419 = arith.constant 0.000000e+00 : f32
        %broadcast_in_dim3A_420 = vector.broadcast %jit3A_418 : f32 to vector<16xf32>
        %broadcast_in_dim3A_421 = vector.broadcast %jit3A_419 : f32 to vector<16xf32>
        %select_n3A_422 = arith.select %eq3A_417, %broadcast_in_dim3A_420, %broadcast_in_dim3A_421 : vector<16xi1>, vector<16xf32>
        %add3A_423 = arith.addf %add3A_387, %select_n3A_422 : vector<16xf32>
        %scan3A_424 = arith.constant 6 : i32
        %scan3A_425 = arith.addi %scan3A_210, %scan3A_424 : i32
        %get3A_426 = arith.constant 3 : i32
        %get3A_427 = arith.index_cast %get3A_426 : i32 to index
        %get3A_428 = arith.index_cast %scan3A_425 : i32 to index
        %get3A_429 = arith.constant 0 : index
        %get3A_430 = tpu.vector_load %arg6[%get3A_427, %get3A_428, %get3A_429] {strides = array<i32>} : memref<4x128x32xf32, #tpu.memory_space<vmem>>, vector<1x1x16xf32>,
        %get3A_431 = vector.shape_cast %get3A_430 : vector<1x1x16xf32> to vector<16xf32>
        %get3A_432 = arith.constant 3 : i32
        %get3A_433 = arith.index_cast %get3A_432 : i32 to index
        %get3A_434 = arith.index_cast %scan3A_425 : i32 to index
        %get3A_435 = arith.constant 16 : index
        %get3A_436 = tpu.vector_load %arg6[%get3A_433, %get3A_434, %get3A_435] {strides = array<i32>} : memref<4x128x32xf32, #tpu.memory_space<vmem>>, vector<1x1x16xf32>,
        %get3A_437 = vector.shape_cast %get3A_436 : vector<1x1x16xf32> to vector<16xf32>
        %exp3A_438 = math.exp %get3A_431 : vector<16xf32>
        %add3A_439 = arith.addf %add3A_403, %exp3A_438 : vector<16xf32>
        %exp3A_440 = math.exp %get3A_437 : vector<16xf32>
        %add3A_441 = arith.addf %add3A_405, %exp3A_440 : vector<16xf32>
        %eq3A_442 = arith.constant 0.000000e+00 : f32
        %eq3A_443 = vector.broadcast %eq3A_442 : f32 to vector<16xf32>
        %eq3A_444 = arith.cmpf oeq, %get3A_431, %eq3A_443 : vector<16xf32>
        %jit3A_445 = arith.constant 1.000000e+00 : f32
        %jit3A_446 = arith.constant 0.000000e+00 : f32
        %broadcast_in_dim3A_447 = vector.broadcast %jit3A_445 : f32 to vector<16xf32>
        %broadcast_in_dim3A_448 = vector.broadcast %jit3A_446 : f32 to vector<16xf32>
        %select_n3A_449 = arith.select %eq3A_444, %broadcast_in_dim3A_447, %broadcast_in_dim3A_448 : vector<16xi1>, vector<16xf32>
        %add3A_450 = arith.addf %add3A_414, %select_n3A_449 : vector<16xf32>
        %eq3A_451 = arith.constant 0.000000e+00 : f32
        %eq3A_452 = vector.broadcast %eq3A_451 : f32 to vector<16xf32>
        %eq3A_453 = arith.cmpf oeq, %get3A_437, %eq3A_452 : vector<16xf32>
        %jit3A_454 = arith.constant 1.000000e+00 : f32
        %jit3A_455 = arith.constant 0.000000e+00 : f32
        %broadcast_in_dim3A_456 = vector.broadcast %jit3A_454 : f32 to vector<16xf32>
        %broadcast_in_dim3A_457 = vector.broadcast %jit3A_455 : f32 to vector<16xf32>
        %select_n3A_458 = arith.select %eq3A_453, %broadcast_in_dim3A_456, %broadcast_in_dim3A_457 : vector<16xi1>, vector<16xf32>
        %add3A_459 = arith.addf %add3A_423, %select_n3A_458 : vector<16xf32>
        %scan3A_460 = arith.constant 7 : i32
        %scan3A_461 = arith.addi %scan3A_210, %scan3A_460 : i32
        %get3A_462 = arith.constant 3 : i32
        %get3A_463 = arith.index_cast %get3A_462 : i32 to index
        %get3A_464 = arith.index_cast %scan3A_461 : i32 to index
        %get3A_465 = arith.constant 0 : index
        %get3A_466 = tpu.vector_load %arg6[%get3A_463, %get3A_464, %get3A_465] {strides = array<i32>} : memref<4x128x32xf32, #tpu.memory_space<vmem>>, vector<1x1x16xf32>,
        %get3A_467 = vector.shape_cast %get3A_466 : vector<1x1x16xf32> to vector<16xf32>
        %get3A_468 = arith.constant 3 : i32
        %get3A_469 = arith.index_cast %get3A_468 : i32 to index
        %get3A_470 = arith.index_cast %scan3A_461 : i32 to index
        %get3A_471 = arith.constant 16 : index
        %get3A_472 = tpu.vector_load %arg6[%get3A_469, %get3A_470, %get3A_471] {strides = array<i32>} : memref<4x128x32xf32, #tpu.memory_space<vmem>>, vector<1x1x16xf32>,
        %get3A_473 = vector.shape_cast %get3A_472 : vector<1x1x16xf32> to vector<16xf32>
        %exp3A_474 = math.exp %get3A_467 : vector<16xf32>
        %add3A_475 = arith.addf %add3A_439, %exp3A_474 : vector<16xf32>
        %exp3A_476 = math.exp %get3A_473 : vector<16xf32>
        %add3A_477 = arith.addf %add3A_441, %exp3A_476 : vector<16xf32>
        %eq3A_478 = arith.constant 0.000000e+00 : f32
        %eq3A_479 = vector.broadcast %eq3A_478 : f32 to vector<16xf32>
        %eq3A_480 = arith.cmpf oeq, %get3A_467, %eq3A_479 : vector<16xf32>
        %jit3A_481 = arith.constant 1.000000e+00 : f32
        %jit3A_482 = arith.constant 0.000000e+00 : f32
        %broadcast_in_dim3A_483 = vector.broadcast %jit3A_481 : f32 to vector<16xf32>
        %broadcast_in_dim3A_484 = vector.broadcast %jit3A_482 : f32 to vector<16xf32>
        %select_n3A_485 = arith.select %eq3A_480, %broadcast_in_dim3A_483, %broadcast_in_dim3A_484 : vector<16xi1>, vector<16xf32>
        %add3A_486 = arith.addf %add3A_450, %select_n3A_485 : vector<16xf32>
        %eq3A_487 = arith.constant 0.000000e+00 : f32
        %eq3A_488 = vector.broadcast %eq3A_487 : f32 to vector<16xf32>
        %eq3A_489 = arith.cmpf oeq, %get3A_473, %eq3A_488 : vector<16xf32>
        %jit3A_490 = arith.constant 1.000000e+00 : f32
        %jit3A_491 = arith.constant 0.000000e+00 : f32
        %broadcast_in_dim3A_492 = vector.broadcast %jit3A_490 : f32 to vector<16xf32>
        %broadcast_in_dim3A_493 = vector.broadcast %jit3A_491 : f32 to vector<16xf32>
        %select_n3A_494 = arith.select %eq3A_489, %broadcast_in_dim3A_492, %broadcast_in_dim3A_493 : vector<16xi1>, vector<16xf32>
        %add3A_495 = arith.addf %add3A_459, %select_n3A_494 : vector<16xf32>
        %scan3A_496 = arith.constant 8 : i32
        %scan3A_497 = arith.addi %scan3A_210, %scan3A_496 : i32
        %get3A_498 = arith.constant 3 : i32
        %get3A_499 = arith.index_cast %get3A_498 : i32 to index
        %get3A_500 = arith.index_cast %scan3A_497 : i32 to index
        %get3A_501 = arith.constant 0 : index
        %get3A_502 = tpu.vector_load %arg6[%get3A_499, %get3A_500, %get3A_501] {strides = array<i32>} : memref<4x128x32xf32, #tpu.memory_space<vmem>>, vector<1x1x16xf32>,
        %get3A_503 = vector.shape_cast %get3A_502 : vector<1x1x16xf32> to vector<16xf32>
        %get3A_504 = arith.constant 3 : i32
        %get3A_505 = arith.index_cast %get3A_504 : i32 to index
        %get3A_506 = arith.index_cast %scan3A_497 : i32 to index
        %get3A_507 = arith.constant 16 : index
        %get3A_508 = tpu.vector_load %arg6[%get3A_505, %get3A_506, %get3A_507] {strides = array<i32>} : memref<4x128x32xf32, #tpu.memory_space<vmem>>, vector<1x1x16xf32>,
        %get3A_509 = vector.shape_cast %get3A_508 : vector<1x1x16xf32> to vector<16xf32>
        %exp3A_510 = math.exp %get3A_503 : vector<16xf32>
        %add3A_511 = arith.addf %add3A_475, %exp3A_510 : vector<16xf32>
        %exp3A_512 = math.exp %get3A_509 : vector<16xf32>
        %add3A_513 = arith.addf %add3A_477, %exp3A_512 : vector<16xf32>
        %eq3A_514 = arith.constant 0.000000e+00 : f32
        %eq3A_515 = vector.broadcast %eq3A_514 : f32 to vector<16xf32>
        %eq3A_516 = arith.cmpf oeq, %get3A_503, %eq3A_515 : vector<16xf32>
        %jit3A_517 = arith.constant 1.000000e+00 : f32
        %jit3A_518 = arith.constant 0.000000e+00 : f32
        %broadcast_in_dim3A_519 = vector.broadcast %jit3A_517 : f32 to vector<16xf32>
        %broadcast_in_dim3A_520 = vector.broadcast %jit3A_518 : f32 to vector<16xf32>
        %select_n3A_521 = arith.select %eq3A_516, %broadcast_in_dim3A_519, %broadcast_in_dim3A_520 : vector<16xi1>, vector<16xf32>
        %add3A_522 = arith.addf %add3A_486, %select_n3A_521 : vector<16xf32>
        %eq3A_523 = arith.constant 0.000000e+00 : f32
        %eq3A_524 = vector.broadcast %eq3A_523 : f32 to vector<16xf32>
        %eq3A_525 = arith.cmpf oeq, %get3A_509, %eq3A_524 : vector<16xf32>
        %jit3A_526 = arith.constant 1.000000e+00 : f32
        %jit3A_527 = arith.constant 0.000000e+00 : f32
        %broadcast_in_dim3A_528 = vector.broadcast %jit3A_526 : f32 to vector<16xf32>
        %broadcast_in_dim3A_529 = vector.broadcast %jit3A_527 : f32 to vector<16xf32>
        %select_n3A_530 = arith.select %eq3A_525, %broadcast_in_dim3A_528, %broadcast_in_dim3A_529 : vector<16xi1>, vector<16xf32>
        %add3A_531 = arith.addf %add3A_495, %select_n3A_530 : vector<16xf32>
        %scan3A_532 = arith.constant 9 : i32
        %scan3A_533 = arith.addi %scan3A_210, %scan3A_532 : i32
        %get3A_534 = arith.constant 3 : i32
        %get3A_535 = arith.index_cast %get3A_534 : i32 to index
        %get3A_536 = arith.index_cast %scan3A_533 : i32 to index
        %get3A_537 = arith.constant 0 : index
        %get3A_538 = tpu.vector_load %arg6[%get3A_535, %get3A_536, %get3A_537] {strides = array<i32>} : memref<4x128x32xf32, #tpu.memory_space<vmem>>, vector<1x1x16xf32>,
        %get3A_539 = vector.shape_cast %get3A_538 : vector<1x1x16xf32> to vector<16xf32>
        %get3A_540 = arith.constant 3 : i32
        %get3A_541 = arith.index_cast %get3A_540 : i32 to index
        %get3A_542 = arith.index_cast %scan3A_533 : i32 to index
        %get3A_543 = arith.constant 16 : index
        %get3A_544 = tpu.vector_load %arg6[%get3A_541, %get3A_542, %get3A_543] {strides = array<i32>} : memref<4x128x32xf32, #tpu.memory_space<vmem>>, vector<1x1x16xf32>,
        %get3A_545 = vector.shape_cast %get3A_544 : vector<1x1x16xf32> to vector<16xf32>
        %exp3A_546 = math.exp %get3A_539 : vector<16xf32>
        %add3A_547 = arith.addf %add3A_511, %exp3A_546 : vector<16xf32>
        %exp3A_548 = math.exp %get3A_545 : vector<16xf32>
        %add3A_549 = arith.addf %add3A_513, %exp3A_548 : vector<16xf32>
        %eq3A_550 = arith.constant 0.000000e+00 : f32
        %eq3A_551 = vector.broadcast %eq3A_550 : f32 to vector<16xf32>
        %eq3A_552 = arith.cmpf oeq, %get3A_539, %eq3A_551 : vector<16xf32>
        %jit3A_553 = arith.constant 1.000000e+00 : f32
        %jit3A_554 = arith.constant 0.000000e+00 : f32
        %broadcast_in_dim3A_555 = vector.broadcast %jit3A_553 : f32 to vector<16xf32>
        %broadcast_in_dim3A_556 = vector.broadcast %jit3A_554 : f32 to vector<16xf32>
        %select_n3A_557 = arith.select %eq3A_552, %broadcast_in_dim3A_555, %broadcast_in_dim3A_556 : vector<16xi1>, vector<16xf32>
        %add3A_558 = arith.addf %add3A_522, %select_n3A_557 : vector<16xf32>
        %eq3A_559 = arith.constant 0.000000e+00 : f32
        %eq3A_560 = vector.broadcast %eq3A_559 : f32 to vector<16xf32>
        %eq3A_561 = arith.cmpf oeq, %get3A_545, %eq3A_560 : vector<16xf32>
        %jit3A_562 = arith.constant 1.000000e+00 : f32
        %jit3A_563 = arith.constant 0.000000e+00 : f32
        %broadcast_in_dim3A_564 = vector.broadcast %jit3A_562 : f32 to vector<16xf32>
        %broadcast_in_dim3A_565 = vector.broadcast %jit3A_563 : f32 to vector<16xf32>
        %select_n3A_566 = arith.select %eq3A_561, %broadcast_in_dim3A_564, %broadcast_in_dim3A_565 : vector<16xi1>, vector<16xf32>
        %add3A_567 = arith.addf %add3A_531, %select_n3A_566 : vector<16xf32>
        %scan3A_568 = arith.constant 10 : i32
        %scan3A_569 = arith.addi %scan3A_210, %scan3A_568 : i32
        %get3A_570 = arith.constant 3 : i32
        %get3A_571 = arith.index_cast %get3A_570 : i32 to index
        %get3A_572 = arith.index_cast %scan3A_569 : i32 to index
        %get3A_573 = arith.constant 0 : index
        %get3A_574 = tpu.vector_load %arg6[%get3A_571, %get3A_572, %get3A_573] {strides = array<i32>} : memref<4x128x32xf32, #tpu.memory_space<vmem>>, vector<1x1x16xf32>,
        %get3A_575 = vector.shape_cast %get3A_574 : vector<1x1x16xf32> to vector<16xf32>
        %get3A_576 = arith.constant 3 : i32
        %get3A_577 = arith.index_cast %get3A_576 : i32 to index
        %get3A_578 = arith.index_cast %scan3A_569 : i32 to index
        %get3A_579 = arith.constant 16 : index
        %get3A_580 = tpu.vector_load %arg6[%get3A_577, %get3A_578, %get3A_579] {strides = array<i32>} : memref<4x128x32xf32, #tpu.memory_space<vmem>>, vector<1x1x16xf32>,
        %get3A_581 = vector.shape_cast %get3A_580 : vector<1x1x16xf32> to vector<16xf32>
        %exp3A_582 = math.exp %get3A_575 : vector<16xf32>
        %add3A_583 = arith.addf %add3A_547, %exp3A_582 : vector<16xf32>
        %exp3A_584 = math.exp %get3A_581 : vector<16xf32>
        %add3A_585 = arith.addf %add3A_549, %exp3A_584 : vector<16xf32>
        %eq3A_586 = arith.constant 0.000000e+00 : f32
        %eq3A_587 = vector.broadcast %eq3A_586 : f32 to vector<16xf32>
        %eq3A_588 = arith.cmpf oeq, %get3A_575, %eq3A_587 : vector<16xf32>
        %jit3A_589 = arith.constant 1.000000e+00 : f32
        %jit3A_590 = arith.constant 0.000000e+00 : f32
        %broadcast_in_dim3A_591 = vector.broadcast %jit3A_589 : f32 to vector<16xf32>
        %broadcast_in_dim3A_592 = vector.broadcast %jit3A_590 : f32 to vector<16xf32>
        %select_n3A_593 = arith.select %eq3A_588, %broadcast_in_dim3A_591, %broadcast_in_dim3A_592 : vector<16xi1>, vector<16xf32>
        %add3A_594 = arith.addf %add3A_558, %select_n3A_593 : vector<16xf32>
        %eq3A_595 = arith.constant 0.000000e+00 : f32
        %eq3A_596 = vector.broadcast %eq3A_595 : f32 to vector<16xf32>
        %eq3A_597 = arith.cmpf oeq, %get3A_581, %eq3A_596 : vector<16xf32>
        %jit3A_598 = arith.constant 1.000000e+00 : f32
        %jit3A_599 = arith.constant 0.000000e+00 : f32
        %broadcast_in_dim3A_600 = vector.broadcast %jit3A_598 : f32 to vector<16xf32>
        %broadcast_in_dim3A_601 = vector.broadcast %jit3A_599 : f32 to vector<16xf32>
        %select_n3A_602 = arith.select %eq3A_597, %broadcast_in_dim3A_600, %broadcast_in_dim3A_601 : vector<16xi1>, vector<16xf32>
        %add3A_603 = arith.addf %add3A_567, %select_n3A_602 : vector<16xf32>
        %scan3A_604 = arith.constant 11 : i32
        %scan3A_605 = arith.addi %scan3A_210, %scan3A_604 : i32
        %get3A_606 = arith.constant 3 : i32
        %get3A_607 = arith.index_cast %get3A_606 : i32 to index
        %get3A_608 = arith.index_cast %scan3A_605 : i32 to index
        %get3A_609 = arith.constant 0 : index
        %get3A_610 = tpu.vector_load %arg6[%get3A_607, %get3A_608, %get3A_609] {strides = array<i32>} : memref<4x128x32xf32, #tpu.memory_space<vmem>>, vector<1x1x16xf32>,
        %get3A_611 = vector.shape_cast %get3A_610 : vector<1x1x16xf32> to vector<16xf32>
        %get3A_612 = arith.constant 3 : i32
        %get3A_613 = arith.index_cast %get3A_612 : i32 to index
        %get3A_614 = arith.index_cast %scan3A_605 : i32 to index
        %get3A_615 = arith.constant 16 : index
        %get3A_616 = tpu.vector_load %arg6[%get3A_613, %get3A_614, %get3A_615] {strides = array<i32>} : memref<4x128x32xf32, #tpu.memory_space<vmem>>, vector<1x1x16xf32>,
        %get3A_617 = vector.shape_cast %get3A_616 : vector<1x1x16xf32> to vector<16xf32>
        %exp3A_618 = math.exp %get3A_611 : vector<16xf32>
        %add3A_619 = arith.addf %add3A_583, %exp3A_618 : vector<16xf32>
        %exp3A_620 = math.exp %get3A_617 : vector<16xf32>
        %add3A_621 = arith.addf %add3A_585, %exp3A_620 : vector<16xf32>
        %eq3A_622 = arith.constant 0.000000e+00 : f32
        %eq3A_623 = vector.broadcast %eq3A_622 : f32 to vector<16xf32>
        %eq3A_624 = arith.cmpf oeq, %get3A_611, %eq3A_623 : vector<16xf32>
        %jit3A_625 = arith.constant 1.000000e+00 : f32
        %jit3A_626 = arith.constant 0.000000e+00 : f32
        %broadcast_in_dim3A_627 = vector.broadcast %jit3A_625 : f32 to vector<16xf32>
        %broadcast_in_dim3A_628 = vector.broadcast %jit3A_626 : f32 to vector<16xf32>
        %select_n3A_629 = arith.select %eq3A_624, %broadcast_in_dim3A_627, %broadcast_in_dim3A_628 : vector<16xi1>, vector<16xf32>
        %add3A_630 = arith.addf %add3A_594, %select_n3A_629 : vector<16xf32>
        %eq3A_631 = arith.constant 0.000000e+00 : f32
        %eq3A_632 = vector.broadcast %eq3A_631 : f32 to vector<16xf32>
        %eq3A_633 = arith.cmpf oeq, %get3A_617, %eq3A_632 : vector<16xf32>
        %jit3A_634 = arith.constant 1.000000e+00 : f32
        %jit3A_635 = arith.constant 0.000000e+00 : f32
        %broadcast_in_dim3A_636 = vector.broadcast %jit3A_634 : f32 to vector<16xf32>
        %broadcast_in_dim3A_637 = vector.broadcast %jit3A_635 : f32 to vector<16xf32>
        %select_n3A_638 = arith.select %eq3A_633, %broadcast_in_dim3A_636, %broadcast_in_dim3A_637 : vector<16xi1>, vector<16xf32>
        %add3A_639 = arith.addf %add3A_603, %select_n3A_638 : vector<16xf32>
        %scan3A_640 = arith.constant 12 : i32
        %scan3A_641 = arith.addi %scan3A_210, %scan3A_640 : i32
        %get3A_642 = arith.constant 3 : i32
        %get3A_643 = arith.index_cast %get3A_642 : i32 to index
        %get3A_644 = arith.index_cast %scan3A_641 : i32 to index
        %get3A_645 = arith.constant 0 : index
        %get3A_646 = tpu.vector_load %arg6[%get3A_643, %get3A_644, %get3A_645] {strides = array<i32>} : memref<4x128x32xf32, #tpu.memory_space<vmem>>, vector<1x1x16xf32>,
        %get3A_647 = vector.shape_cast %get3A_646 : vector<1x1x16xf32> to vector<16xf32>
        %get3A_648 = arith.constant 3 : i32
        %get3A_649 = arith.index_cast %get3A_648 : i32 to index
        %get3A_650 = arith.index_cast %scan3A_641 : i32 to index
        %get3A_651 = arith.constant 16 : index
        %get3A_652 = tpu.vector_load %arg6[%get3A_649, %get3A_650, %get3A_651] {strides = array<i32>} : memref<4x128x32xf32, #tpu.memory_space<vmem>>, vector<1x1x16xf32>,
        %get3A_653 = vector.shape_cast %get3A_652 : vector<1x1x16xf32> to vector<16xf32>
        %exp3A_654 = math.exp %get3A_647 : vector<16xf32>
        %add3A_655 = arith.addf %add3A_619, %exp3A_654 : vector<16xf32>
        %exp3A_656 = math.exp %get3A_653 : vector<16xf32>
        %add3A_657 = arith.addf %add3A_621, %exp3A_656 : vector<16xf32>
        %eq3A_658 = arith.constant 0.000000e+00 : f32
        %eq3A_659 = vector.broadcast %eq3A_658 : f32 to vector<16xf32>
        %eq3A_660 = arith.cmpf oeq, %get3A_647, %eq3A_659 : vector<16xf32>
        %jit3A_661 = arith.constant 1.000000e+00 : f32
        %jit3A_662 = arith.constant 0.000000e+00 : f32
        %broadcast_in_dim3A_663 = vector.broadcast %jit3A_661 : f32 to vector<16xf32>
        %broadcast_in_dim3A_664 = vector.broadcast %jit3A_662 : f32 to vector<16xf32>
        %select_n3A_665 = arith.select %eq3A_660, %broadcast_in_dim3A_663, %broadcast_in_dim3A_664 : vector<16xi1>, vector<16xf32>
        %add3A_666 = arith.addf %add3A_630, %select_n3A_665 : vector<16xf32>
        %eq3A_667 = arith.constant 0.000000e+00 : f32
        %eq3A_668 = vector.broadcast %eq3A_667 : f32 to vector<16xf32>
        %eq3A_669 = arith.cmpf oeq, %get3A_653, %eq3A_668 : vector<16xf32>
        %jit3A_670 = arith.constant 1.000000e+00 : f32
        %jit3A_671 = arith.constant 0.000000e+00 : f32
        %broadcast_in_dim3A_672 = vector.broadcast %jit3A_670 : f32 to vector<16xf32>
        %broadcast_in_dim3A_673 = vector.broadcast %jit3A_671 : f32 to vector<16xf32>
        %select_n3A_674 = arith.select %eq3A_669, %broadcast_in_dim3A_672, %broadcast_in_dim3A_673 : vector<16xi1>, vector<16xf32>
        %add3A_675 = arith.addf %add3A_639, %select_n3A_674 : vector<16xf32>
        %scan3A_676 = arith.constant 13 : i32
        %scan3A_677 = arith.addi %scan3A_210, %scan3A_676 : i32
        %get3A_678 = arith.constant 3 : i32
        %get3A_679 = arith.index_cast %get3A_678 : i32 to index
        %get3A_680 = arith.index_cast %scan3A_677 : i32 to index
        %get3A_681 = arith.constant 0 : index
        %get3A_682 = tpu.vector_load %arg6[%get3A_679, %get3A_680, %get3A_681] {strides = array<i32>} : memref<4x128x32xf32, #tpu.memory_space<vmem>>, vector<1x1x16xf32>,
        %get3A_683 = vector.shape_cast %get3A_682 : vector<1x1x16xf32> to vector<16xf32>
        %get3A_684 = arith.constant 3 : i32
        %get3A_685 = arith.index_cast %get3A_684 : i32 to index
        %get3A_686 = arith.index_cast %scan3A_677 : i32 to index
        %get3A_687 = arith.constant 16 : index
        %get3A_688 = tpu.vector_load %arg6[%get3A_685, %get3A_686, %get3A_687] {strides = array<i32>} : memref<4x128x32xf32, #tpu.memory_space<vmem>>, vector<1x1x16xf32>,
        %get3A_689 = vector.shape_cast %get3A_688 : vector<1x1x16xf32> to vector<16xf32>
        %exp3A_690 = math.exp %get3A_683 : vector<16xf32>
        %add3A_691 = arith.addf %add3A_655, %exp3A_690 : vector<16xf32>
        %exp3A_692 = math.exp %get3A_689 : vector<16xf32>
        %add3A_693 = arith.addf %add3A_657, %exp3A_692 : vector<16xf32>
        %eq3A_694 = arith.constant 0.000000e+00 : f32
        %eq3A_695 = vector.broadcast %eq3A_694 : f32 to vector<16xf32>
        %eq3A_696 = arith.cmpf oeq, %get3A_683, %eq3A_695 : vector<16xf32>
        %jit3A_697 = arith.constant 1.000000e+00 : f32
        %jit3A_698 = arith.constant 0.000000e+00 : f32
        %broadcast_in_dim3A_699 = vector.broadcast %jit3A_697 : f32 to vector<16xf32>
        %broadcast_in_dim3A_700 = vector.broadcast %jit3A_698 : f32 to vector<16xf32>
        %select_n3A_701 = arith.select %eq3A_696, %broadcast_in_dim3A_699, %broadcast_in_dim3A_700 : vector<16xi1>, vector<16xf32>
        %add3A_702 = arith.addf %add3A_666, %select_n3A_701 : vector<16xf32>
        %eq3A_703 = arith.constant 0.000000e+00 : f32
        %eq3A_704 = vector.broadcast %eq3A_703 : f32 to vector<16xf32>
        %eq3A_705 = arith.cmpf oeq, %get3A_689, %eq3A_704 : vector<16xf32>
        %jit3A_706 = arith.constant 1.000000e+00 : f32
        %jit3A_707 = arith.constant 0.000000e+00 : f32
        %broadcast_in_dim3A_708 = vector.broadcast %jit3A_706 : f32 to vector<16xf32>
        %broadcast_in_dim3A_709 = vector.broadcast %jit3A_707 : f32 to vector<16xf32>
        %select_n3A_710 = arith.select %eq3A_705, %broadcast_in_dim3A_708, %broadcast_in_dim3A_709 : vector<16xi1>, vector<16xf32>
        %add3A_711 = arith.addf %add3A_675, %select_n3A_710 : vector<16xf32>
        %scan3A_712 = arith.constant 14 : i32
        %scan3A_713 = arith.addi %scan3A_210, %scan3A_712 : i32
        %get3A_714 = arith.constant 3 : i32
        %get3A_715 = arith.index_cast %get3A_714 : i32 to index
        %get3A_716 = arith.index_cast %scan3A_713 : i32 to index
        %get3A_717 = arith.constant 0 : index
        %get3A_718 = tpu.vector_load %arg6[%get3A_715, %get3A_716, %get3A_717] {strides = array<i32>} : memref<4x128x32xf32, #tpu.memory_space<vmem>>, vector<1x1x16xf32>,
        %get3A_719 = vector.shape_cast %get3A_718 : vector<1x1x16xf32> to vector<16xf32>
        %get3A_720 = arith.constant 3 : i32
        %get3A_721 = arith.index_cast %get3A_720 : i32 to index
        %get3A_722 = arith.index_cast %scan3A_713 : i32 to index
        %get3A_723 = arith.constant 16 : index
        %get3A_724 = tpu.vector_load %arg6[%get3A_721, %get3A_722, %get3A_723] {strides = array<i32>} : memref<4x128x32xf32, #tpu.memory_space<vmem>>, vector<1x1x16xf32>,
        %get3A_725 = vector.shape_cast %get3A_724 : vector<1x1x16xf32> to vector<16xf32>
        %exp3A_726 = math.exp %get3A_719 : vector<16xf32>
        %add3A_727 = arith.addf %add3A_691, %exp3A_726 : vector<16xf32>
        %exp3A_728 = math.exp %get3A_725 : vector<16xf32>
        %add3A_729 = arith.addf %add3A_693, %exp3A_728 : vector<16xf32>
        %eq3A_730 = arith.constant 0.000000e+00 : f32
        %eq3A_731 = vector.broadcast %eq3A_730 : f32 to vector<16xf32>
        %eq3A_732 = arith.cmpf oeq, %get3A_719, %eq3A_731 : vector<16xf32>
        %jit3A_733 = arith.constant 1.000000e+00 : f32
        %jit3A_734 = arith.constant 0.000000e+00 : f32
        %broadcast_in_dim3A_735 = vector.broadcast %jit3A_733 : f32 to vector<16xf32>
        %broadcast_in_dim3A_736 = vector.broadcast %jit3A_734 : f32 to vector<16xf32>
        %select_n3A_737 = arith.select %eq3A_732, %broadcast_in_dim3A_735, %broadcast_in_dim3A_736 : vector<16xi1>, vector<16xf32>
        %add3A_738 = arith.addf %add3A_702, %select_n3A_737 : vector<16xf32>
        %eq3A_739 = arith.constant 0.000000e+00 : f32
        %eq3A_740 = vector.broadcast %eq3A_739 : f32 to vector<16xf32>
        %eq3A_741 = arith.cmpf oeq, %get3A_725, %eq3A_740 : vector<16xf32>
        %jit3A_742 = arith.constant 1.000000e+00 : f32
        %jit3A_743 = arith.constant 0.000000e+00 : f32
        %broadcast_in_dim3A_744 = vector.broadcast %jit3A_742 : f32 to vector<16xf32>
        %broadcast_in_dim3A_745 = vector.broadcast %jit3A_743 : f32 to vector<16xf32>
        %select_n3A_746 = arith.select %eq3A_741, %broadcast_in_dim3A_744, %broadcast_in_dim3A_745 : vector<16xi1>, vector<16xf32>
        %add3A_747 = arith.addf %add3A_711, %select_n3A_746 : vector<16xf32>
        %scan3A_748 = arith.constant 15 : i32
        %scan3A_749 = arith.addi %scan3A_210, %scan3A_748 : i32
        %get3A_750 = arith.constant 3 : i32
        %get3A_751 = arith.index_cast %get3A_750 : i32 to index
        %get3A_752 = arith.index_cast %scan3A_749 : i32 to index
        %get3A_753 = arith.constant 0 : index
        %get3A_754 = tpu.vector_load %arg6[%get3A_751, %get3A_752, %get3A_753] {strides = array<i32>} : memref<4x128x32xf32, #tpu.memory_space<vmem>>, vector<1x1x16xf32>,
        %get3A_755 = vector.shape_cast %get3A_754 : vector<1x1x16xf32> to vector<16xf32>
        %get3A_756 = arith.constant 3 : i32
        %get3A_757 = arith.index_cast %get3A_756 : i32 to index
        %get3A_758 = arith.index_cast %scan3A_749 : i32 to index
        %get3A_759 = arith.constant 16 : index
        %get3A_760 = tpu.vector_load %arg6[%get3A_757, %get3A_758, %get3A_759] {strides = array<i32>} : memref<4x128x32xf32, #tpu.memory_space<vmem>>, vector<1x1x16xf32>,
        %get3A_761 = vector.shape_cast %get3A_760 : vector<1x1x16xf32> to vector<16xf32>
        %exp3A_762 = math.exp %get3A_755 : vector<16xf32>
        %add3A_763 = arith.addf %add3A_727, %exp3A_762 : vector<16xf32>
        %exp3A_764 = math.exp %get3A_761 : vector<16xf32>
        %add3A_765 = arith.addf %add3A_729, %exp3A_764 : vector<16xf32>
        %eq3A_766 = arith.constant 0.000000e+00 : f32
        %eq3A_767 = vector.broadcast %eq3A_766 : f32 to vector<16xf32>
        %eq3A_768 = arith.cmpf oeq, %get3A_755, %eq3A_767 : vector<16xf32>
        %jit3A_769 = arith.constant 1.000000e+00 : f32
        %jit3A_770 = arith.constant 0.000000e+00 : f32
        %broadcast_in_dim3A_771 = vector.broadcast %jit3A_769 : f32 to vector<16xf32>
        %broadcast_in_dim3A_772 = vector.broadcast %jit3A_770 : f32 to vector<16xf32>
        %select_n3A_773 = arith.select %eq3A_768, %broadcast_in_dim3A_771, %broadcast_in_dim3A_772 : vector<16xi1>, vector<16xf32>
        %add3A_774 = arith.addf %add3A_738, %select_n3A_773 : vector<16xf32>
        %eq3A_775 = arith.constant 0.000000e+00 : f32
        %eq3A_776 = vector.broadcast %eq3A_775 : f32 to vector<16xf32>
        %eq3A_777 = arith.cmpf oeq, %get3A_761, %eq3A_776 : vector<16xf32>
        %jit3A_778 = arith.constant 1.000000e+00 : f32
        %jit3A_779 = arith.constant 0.000000e+00 : f32
        %broadcast_in_dim3A_780 = vector.broadcast %jit3A_778 : f32 to vector<16xf32>
        %broadcast_in_dim3A_781 = vector.broadcast %jit3A_779 : f32 to vector<16xf32>
        %select_n3A_782 = arith.select %eq3A_777, %broadcast_in_dim3A_780, %broadcast_in_dim3A_781 : vector<16xi1>, vector<16xf32>
        %add3A_783 = arith.addf %add3A_747, %select_n3A_782 : vector<16xf32>
        scf.yield %add3A_763, %add3A_765, %add3A_774, %add3A_783 : vector<16xf32>, vector<16xf32>, vector<16xf32>, vector<16xf32>
      }
      %scan3A_196 = arith.constant 128 : i32
      %sub3A_197 = arith.subf %scan3A_195#0, %scan3A_195#2 : vector<16xf32>
      %swap3A_198 = arith.index_cast %add3A_170 : i32 to index
      %swap3A_199 = arith.constant 0 : index
      %swap3A_200 = tpu.vector_load %arg7[%swap3A_198, %swap3A_199] {strides = array<i32>} : memref<200x32xf32, #tpu.memory_space<vmem>>, vector<1x16xf32>,
      %swap3A_201 = vector.shape_cast %swap3A_200 : vector<1x16xf32> to vector<16xf32>
      %swap3A_202 = vector.shape_cast %sub3A_197 : vector<16xf32> to vector<1x16xf32>
      tpu.vector_store %arg7[%swap3A_198, %swap3A_199], %swap3A_202 {strides = array<i32>} : memref<200x32xf32, #tpu.memory_space<vmem>>, vector<1x16xf32>,
      %sub3A_203 = arith.subf %scan3A_195#1, %scan3A_195#3 : vector<16xf32>
      %swap3A_204 = arith.index_cast %add3A_170 : i32 to index
      %swap3A_205 = arith.constant 16 : index
      %swap3A_206 = tpu.vector_load %arg7[%swap3A_204, %swap3A_205] {strides = array<i32>} : memref<200x32xf32, #tpu.memory_space<vmem>>, vector<1x16xf32>,
      %swap3A_207 = vector.shape_cast %swap3A_206 : vector<1x16xf32> to vector<16xf32>
      %swap3A_208 = vector.shape_cast %sub3A_203 : vector<16xf32> to vector<1x16xf32>
      tpu.vector_store %arg7[%swap3A_204, %swap3A_205], %swap3A_208 {strides = array<i32>} : memref<200x32xf32, #tpu.memory_space<vmem>>, vector<1x16xf32>,
      %scan3A_209 = arith.constant 0 : i32
      scf.yield %scan3A_209 : i32
    }
    %scan3A_44 = arith.constant 50 : i32
    "tpu.region"() ({
      %run_scoped3A = tpu.sem_alloc : memref<!tpu.dma_semaphore, #tpu.memory_space<semaphore_mem>>
      %dma_start3A_45 = arith.constant 0 : i32
      %dma_start3A_46 = arith.constant 0 : i32
      %dma_start3A_47 = tpu.memref_slice %arg4[%add3A, %dma_start3A_45, %dma_start3A_46] : memref<32x200x32xf32, #tpu.memory_space<hbm>> -> memref<1x200x32xf32, #tpu.memory_space<hbm>>
      %dma_start3A_48 = tpu.memref_squeeze %dma_start3A_47 : memref<1x200x32xf32, #tpu.memory_space<hbm>> -> memref<200x32xf32, #tpu.memory_space<hbm>>
      %dma_start3A_49 = arith.constant 0 : i32
      %dma_start3A_50 = arith.constant 0 : i32
      %dma_start3A_51 = tpu.memref_slice %arg4[%add3A, %dma_start3A_49, %dma_start3A_50] : memref<32x200x32xf32, #tpu.memory_space<hbm>> -> memref<1x200x32xf32, #tpu.memory_space<hbm>>
      %dma_start3A_52 = tpu.memref_squeeze %dma_start3A_51 : memref<1x200x32xf32, #tpu.memory_space<hbm>> -> memref<200x32xf32, #tpu.memory_space<hbm>>
      tpu.enqueue_dma source(%arg7 : memref<200x32xf32, #tpu.memory_space<vmem>>) target(%dma_start3A_52 : memref<200x32xf32, #tpu.memory_space<hbm>>) target_semaphore(%run_scoped3A : memref<!tpu.dma_semaphore, #tpu.memory_space<semaphore_mem>>)
      %dma_wait3A = arith.constant 0 : i32
      %dma_wait3A_53 = arith.constant 0 : i32
      %dma_wait3A_54 = tpu.memref_slice %arg4[%add3A, %dma_wait3A, %dma_wait3A_53] : memref<32x200x32xf32, #tpu.memory_space<hbm>> -> memref<1x200x32xf32, #tpu.memory_space<hbm>>
      %dma_wait3A_55 = tpu.memref_squeeze %dma_wait3A_54 : memref<1x200x32xf32, #tpu.memory_space<hbm>> -> memref<200x32xf32, #tpu.memory_space<hbm>>
      %dma_wait3A_56 = arith.constant 0 : i32
      %dma_wait3A_57 = arith.constant 0 : i32
      %dma_wait3A_58 = tpu.memref_slice %arg4[%add3A, %dma_wait3A_56, %dma_wait3A_57] : memref<32x200x32xf32, #tpu.memory_space<hbm>> -> memref<1x200x32xf32, #tpu.memory_space<hbm>>
      %dma_wait3A_59 = tpu.memref_squeeze %dma_wait3A_58 : memref<1x200x32xf32, #tpu.memory_space<hbm>> -> memref<200x32xf32, #tpu.memory_space<hbm>>
      tpu.wait_dma2 semaphore(%run_scoped3A : memref<!tpu.dma_semaphore, #tpu.memory_space<semaphore_mem>>) src(%arg7 : memref<200x32xf32, #tpu.memory_space<vmem>>) dst(%dma_wait3A_59 : memref<200x32xf32, #tpu.memory_space<hbm>>)
      tpu.yield
    }) : () -> ()
    return
  }
}

module attributes {stable_mosaic.version = 14 : i64} {
  func.func @relayout_kernel(%arg0: i32, %arg1: memref<32x65536xf32, #tpu.memory_space<vmem>>, %arg2: memref<16384x128xf32, #tpu.memory_space<vmem>>) attributes {dimension_semantics = [#tpu.dimension_semantics<arbitrary>], iteration_bounds = array<i64: 16>, scalar_prefetch = 0 : i64, scratch_operands = 0 : i64, tpu.core_type = #tpu.core_type<tc>, window_params = [{transform_indices = @transform_0, window_bounds = array<i64: 32, 65536>}, {transform_indices = @transform_1, window_bounds = array<i64: 16384, 128>}]} {
    %get3A = arith.constant 0 : index
    %get3A_0 = arith.constant 0 : index
    %get3A_1 = vector.load %arg1[%get3A, %get3A_0] : memref<32x65536xf32, #tpu.memory_space<vmem>>, vector<32x16384xf32>
    %get3A_2 = arith.constant 0 : index
    %get3A_3 = arith.constant 16384 : index
    %get3A_4 = vector.load %arg1[%get3A_2, %get3A_3] : memref<32x65536xf32, #tpu.memory_space<vmem>>, vector<32x16384xf32>
    %get3A_5 = arith.constant 0 : index
    %get3A_6 = arith.constant 32768 : index
    %get3A_7 = vector.load %arg1[%get3A_5, %get3A_6] : memref<32x65536xf32, #tpu.memory_space<vmem>>, vector<32x16384xf32>
    %get3A_8 = arith.constant 0 : index
    %get3A_9 = arith.constant 49152 : index
    %get3A_10 = vector.load %arg1[%get3A_8, %get3A_9] : memref<32x65536xf32, #tpu.memory_space<vmem>>, vector<32x16384xf32>
    %concatenate3A = tpu.concatenate %get3A_1, %get3A_4, %get3A_7, %get3A_10 in 0 : vector<32x16384xf32>, vector<32x16384xf32>, vector<32x16384xf32>, vector<32x16384xf32> -> vector<128x16384xf32>
    %transpose3A = tpu.transpose %concatenate3A, [1, 0] : vector<128x16384xf32> -> vector<16384x128xf32>
    %swap3A = arith.constant 0 : index
    %swap3A_11 = arith.constant 0 : index
    %swap3A_12 = vector.load %arg2[%swap3A, %swap3A_11] : memref<16384x128xf32, #tpu.memory_space<vmem>>, vector<16384x128xf32>
    tpu.vector_store %arg2[%swap3A, %swap3A_11], %transpose3A {strides = array<i32>} : memref<16384x128xf32, #tpu.memory_space<vmem>>, vector<16384x128xf32>,
    return
  }
  func.func @transform_0(%arg0: i32) -> (i32, i32) {
    %c0_i32 = arith.constant 0 : i32
    %c0_i32_0 = arith.constant 0 : i32
    return %c0_i32, %arg0 : i32, i32
  }
  func.func @transform_1(%arg0: i32) -> (i32, i32) {
    %c0_i32 = arith.constant 0 : i32
    %c0_i32_0 = arith.constant 0 : i32
    return %arg0, %c0_i32 : i32, i32
  }
}

module attributes {stable_mosaic.version = 14 : i64} {
  func.func @tc_kernel(%arg0: memref<32x200x32xf32, #tpu.memory_space<vmem>>, %arg1: memref<2x32xf32, #tpu.memory_space<vmem>>, %arg2: memref<1x2xf32, #tpu.memory_space<vmem>>, %arg3: memref<200x2xf32, #tpu.memory_space<vmem>>) attributes {dimension_semantics = [], scalar_prefetch = 0 : i64, scratch_operands = 0 : i64, tpu.core_type = #tpu.core_type<tc>} {
    %get3A = arith.constant 0 : index
    %get3A_0 = arith.constant 0 : index
    %get3A_1 = arith.constant 0 : index
    %get3A_2 = vector.load %arg0[%get3A, %get3A_0, %get3A_1] : memref<32x200x32xf32, #tpu.memory_space<vmem>>, vector<32x200x32xf32>
    %reduce_sum3A = arith.constant dense<0.000000e+00> : vector<200x32xf32>
    %reduce_sum3A_3 = vector.multi_reduction <add>, %get3A_2, %reduce_sum3A [0] : vector<32x200x32xf32> to vector<200x32xf32>
    %div3A = arith.divf %reduce_sum3A_3, %reduce_sum3A_3 : vector<200x32xf32>
    %mul3A = arith.constant 2.44140625E-4 : f32
    %mul3A_4 = vector.broadcast %mul3A : f32 to vector<200x32xf32>
    %mul3A_5 = arith.mulf %div3A, %mul3A_4 : vector<200x32xf32>
    %get3A_6 = arith.constant 0 : index
    %get3A_7 = arith.constant 0 : index
    %get3A_8 = vector.load %arg1[%get3A_6, %get3A_7] : memref<2x32xf32, #tpu.memory_space<vmem>>, vector<2x32xf32>
    %dot_general3A = arith.constant dense<0.000000e+00> : vector<200x2xf32>
    %dot_general3A_9 = tpu.matmul %mul3A_5, %get3A_8, %dot_general3A {dimension_numbers = #tpu.dot_dimension_numbers<[1], [1], [0], [0], [0, 0, 1, 0], [], []>, transpose_lhs_hint = false} : vector<200x32xf32>, vector<2x32xf32>, vector<200x2xf32> -> vector<200x2xf32>
    %get3A_10 = arith.constant 0 : index
    %get3A_11 = arith.constant 0 : index
    %get3A_12 = vector.load %arg2[%get3A_10, %get3A_11] : memref<1x2xf32, #tpu.memory_space<vmem>>, vector<1x2xf32>
    %add3A = vector.broadcast %get3A_12 : vector<1x2xf32> to vector<200x2xf32>
    %add3A_13 = arith.addf %dot_general3A_9, %add3A : vector<200x2xf32>
    %swap3A = arith.constant 0 : index
    %swap3A_14 = arith.constant 0 : index
    %swap3A_15 = vector.load %arg3[%swap3A, %swap3A_14] : memref<200x2xf32, #tpu.memory_space<vmem>>, vector<200x2xf32>
    tpu.vector_store %arg3[%swap3A, %swap3A_14], %add3A_13 {strides = array<i32>} : memref<200x2xf32, #tpu.memory_space<vmem>>, vector<200x2xf32>,
    return
  }
}

</mosaic_0001>

<sc_bundles>
// kernel: kernel.5.cloned.1.call-start
scs
__scs_entry_jumppad:
0x0: {  	(pc) =	sbr.rel $0x88, $3  }
0x1: {  	(tag) =	ssettag $0x0;
	lr =	simm.s32 $0x1  }
0x2: {  	[smem:$0x3F9D] =	sst lr;
	_ =	strace $0xD0000000  }
0x3: {  	_ = 	snop  }
0x4: {  	_ = 	snop  }
0x5: {  	_ = 	snop  }
0x6: {  	_ = 	snop  }
0x7: {  	_ = 	snop  }
__scs_overlays_trampoline_lowered:
0x8: {  	[smem:$0x3FAC] =	sst s0  }
0x9: {  	[smem:$0x3FAD] =	sst s1  }
0xa: {  	[smem:$0x3FAE] =	sst s2  }
0xb: {  	[smem:$0x3FAF] =	sst s3  }
0xc: {  	[smem:$0x3FB0] =	sst s4  }
0xd: {  	[smem:$0x3FB1] =	sst s5  }
0xe: {  	[smem:$0x3FB2] =	sst s6  }
0xf: {  	[smem:$0x3FB3] =	sst s7  }
0x10: {  	[smem:$0x3FB4] =	sst s8  }
0x11: {  	[smem:$0x3FB5] =	sst s9;
	s0 =	simm.s32 @!p0 $0x0  }
0x12: {  	s1 =	sld [smem:$0x3F9B];
	s0 =	simm.s32 @p0 $0x1  }
0x13: {  	[smem:$0x3FB6] =	sst s0;
	s0 =	simm.s32 @!p1 $0x0  }
0x14: {  	s2 =	sld [smem:$0x3F9A];
	s0 =	simm.s32 @p1 $0x1  }
0x15: {  	[smem:$0x3FB7] =	sst s0;
	s0 =	simm.s32 @!p2 $0x0  }
0x16: {  	s3 =	sld [smem:$0x3FDB];
	s0 =	simm.s32 @p2 $0x1  }
0x17: {  	s4 =	simm.s32 $0x1BF5;
	[smem:$0x3FB9] =	sst s0  }
0x18: {  	s0 =	sld [smem:$0x3F9C];
	_ =	swait.ge [sflag:s4], $0x0  }
0x19: {  	s7 =	sld [smem:$0x3F9D]  }
0x1a: {  	s8 =	sadd.s32 $0xFFFFE003, lr  }
0x1b: {  	s9 =	sadd.s32 $0xFFFFFEF7, lr;
	s5 =	simm.s32 $0xFFFFFFFF;
	p2 =	slt.u32 s8, $0xFFFFF086  }
0x1c: {  	p1 =	slt.u32 s9, $0xF7A;
	s5 =	simm.s32 @!p2 $0x0  }
0x1d: {  	s5 =	simm.s32 @p1 $0x1;
	p0 =	seq.s32 s7, s2  }
0x1e: {  	s7 =	smul.u32 @!p0 $0xF7A, s2;
	p2 =	seq.s32 @!p0 s5, $0x0  }
0x1f: {  	s9 =	smul.u32 $0xF7A, s1;
	s8 =	simm.s32 @!p0 $0x1BF5;
	p2 =	por !p2, p0  }
0x20: {  	[sflag:s8] =	ssyncset.s32 @!p0 $0xFFFFF086;
	s6 =	sadd.s32 @!p0 s3, s7;
	s7 =	simm.s32 @!p0 $0x108  }
0x21: {  	s3 =	sadd.s32 s3, s9;
	s6 =	sadd.s32 @!p0 $0x88, s6;
	s7 =	simm.s32 @p2 $0x1082  }
0x22: {  	[simem:s7], [sflag:s8] =	dma.local @!p0 [hbm:s6], $0xF7A  }
0x23: {  	s9 =	sor.u32 $0xD0000000, s2;
	s6 =	simm.s32 $0x108;
	_ =	swait.ge @!p0 [sflag:s8], $0x0  }
0x24: {  	s3 =	sadd.s32 $0x88, s3;
	s6 =	simm.s32 @!p1 $0x1082;
	[sflag:s4] =	ssyncset.s32 $0xFFFFF086  }
0x25: {  	[simem:s6], [sflag:s4] =	dma.local [hbm:s3], $0xF7A  }
0x26: {  	[smem:$0x3F9D] =	sst s1;
	(tag) =	ssettag s2;
	_ =	strace s9  }
0x27: {  	s1 =	sld [smem:$0x3FAD]  }
0x28: {  	s2 =	sld [smem:$0x3FAE]  }
0x29: {  	s4 =	sld [smem:$0x3FB0]  }
0x2a: {  	p0 =	seq.s32 s5, $0x0;
	s5 =	sld [smem:$0x3FB1]  }
0x2b: {  	s6 =	sld [smem:$0x3FB2]  }
0x2c: {  	s7 =	sld [smem:$0x3FB3]  }
0x2d: {  	s3 =	simm.s32 $0x108;
	s8 =	sld [smem:$0x3FB4]  }
0x2e: {  	s3 =	simm.s32 @!p0 $0x1082;
	s9 =	sld [smem:$0x3FB5]  }
0x2f: {  	lr =	sadd.s32 s0, s3;
	s0 =	sld [smem:$0x3FAC]  }
0x30: {  	s3 =	sld [smem:$0x3FAF]  }
0x31: {  	[smem:$0x3FB8] =	sst s10  }
0x32: {  	s10 =	sld [smem:$0x3FB6];
	_ =	sdelay $0x3  }
0x33: {  	p0 =	seq.s32 s10, $0x1;
	s10 =	sld [smem:$0x3FB8];
	_ =	sdelay $0x3  }
0x34: {  	[smem:$0x3FB8] =	sst s10  }
0x35: {  	s10 =	sld [smem:$0x3FB7];
	_ =	sdelay $0x3  }
0x36: {  	p1 =	seq.s32 s10, $0x1;
	s10 =	sld [smem:$0x3FB8];
	_ =	sdelay $0x3  }
0x37: {  	[smem:$0x3FB8] =	sst s10  }
0x38: {  	s10 =	sld [smem:$0x3FB9]  }
0x39: {  	_ = 	snop;
	(pc) =	sbr.ind lr, $3  }
0x3a: {  	_ = 	snop  }
0x3b: {  	_ = 	snop  }
0x3c: {  	p2 =	seq.s32 s10, $0x1;
	s10 =	sld [smem:$0x3FB8]  }
0x3d: {  	_ =	shalt  }
0x3e: {  	_ =	shalt  }
0x3f: {  	_ =	shalt  }
0x40: {  	_ =	shalt  }
0x41: {  	_ =	shalt  }
0x42: {  	_ =	shalt  }
0x43: {  	_ =	shalt  }
0x44: {  	_ =	shalt  }
0x45: {  	_ =	shalt  }
0x46: {  	_ =	shalt  }
0x47: {  	_ =	shalt  }
0x48: {  	_ =	shalt  }
0x49: {  	_ =	shalt  }
0x4a: {  	_ =	shalt  }
0x4b: {  	_ =	shalt  }
0x4c: {  	_ =	shalt  }
0x4d: {  	_ =	shalt  }
0x4e: {  	_ =	shalt  }
0x4f: {  	_ =	shalt  }
0x50: {  	_ =	shalt  }
0x51: {  	_ =	shalt  }
0x52: {  	_ =	shalt  }
0x53: {  	_ =	shalt  }
0x54: {  	_ =	shalt  }
0x55: {  	_ =	shalt  }
0x56: {  	_ =	shalt  }
0x57: {  	_ =	shalt  }
0x58: {  	_ =	shalt  }
0x59: {  	_ =	shalt  }
0x5a: {  	_ =	shalt  }
0x5b: {  	_ =	shalt  }
0x5c: {  	_ =	shalt  }
0x5d: {  	_ =	shalt  }
0x5e: {  	_ =	shalt  }
0x5f: {  	_ =	shalt  }
0x60: {  	_ =	shalt  }
0x61: {  	_ =	shalt  }
0x62: {  	_ =	shalt  }
0x63: {  	_ =	shalt  }
0x64: {  	_ =	shalt  }
0x65: {  	_ =	shalt  }
0x66: {  	_ =	shalt  }
0x67: {  	_ =	shalt  }
0x68: {  	_ =	shalt  }
0x69: {  	_ =	shalt  }
0x6a: {  	_ =	shalt  }
0x6b: {  	_ =	shalt  }
0x6c: {  	_ =	shalt  }
0x6d: {  	_ =	shalt  }
0x6e: {  	_ =	shalt  }
0x6f: {  	_ =	shalt  }
0x70: {  	_ =	shalt  }
0x71: {  	_ =	shalt  }
0x72: {  	_ =	shalt  }
0x73: {  	_ =	shalt  }
0x74: {  	_ =	shalt  }
0x75: {  	_ =	shalt  }
0x76: {  	_ =	shalt  }
0x77: {  	_ =	shalt  }
0x78: {  	_ =	shalt  }
0x79: {  	_ =	shalt  }
0x7a: {  	_ =	shalt  }
0x7b: {  	_ =	shalt  }
0x7c: {  	_ =	shalt  }
0x7d: {  	_ =	shalt  }
0x7e: {  	_ =	shalt  }
0x7f: {  	_ =	shalt  }
0x80: {  	_ =	shalt  }
0x81: {  	_ =	shalt  }
0x82: {  	_ =	shalt  }
0x83: {  	_ =	shalt  }
0x84: {  	_ =	shalt  }
0x85: {  	_ =	shalt  }
0x86: {  	_ =	shalt  }
0x87: {  	_ =	shalt  }
.Lfunc_end0:
.L_simem_size_0:
called_computation_lowered:
.L_overlay_start_0:
0x88: {  	s2 =	sld [smem:$0x3FD9]  }
0x89: {  	s3 =	sld [smem:$0x3FFE];
	_ =	sdelay $0x1  }
0x8a: {  	s1 =	srdreg.scid  }
0x8b: {  	s0 =	sand.u32 $0x1, s1  }
0x8c: {  	s16 =	sshll.u32 s0, $0xA;
	s2 =	sadd.s32 s3, s2  }
0x8d: {  	s2 =	sadd.s32 s2, s16  }
0x8e: {  	[smem:$0x3FC4] =	sst s2  }
0x8f: {  	_ = 	snop  }
0x90: {  	(tm) =	ssettm $0x1  }
0x91: {  	s17 =	sld [smem:$0x3FFB];
	_ =	sdelay $0x3  }
0x92: {  	_ =	strace s17  }
0x93: {  	s2 =	sld [smem:$0x3FFC];
	_ =	sdelay $0x3  }
0x94: {  	_ =	strace s2  }
0x95: {  	s2 =	sld [smem:$0x3FFD];
	_ =	sdelay $0x3  }
0x96: {  	_ =	strace s2  }
0x97: {  	_ =	strace $0x8FFFFFFF  }
0x98: {  	s18 =	sld [smem:$0x3FDB];
	_ =	sdelay $0x1  }
0x99: {  	s19 =	simm.s32 $_scs_section_size  }
0x9a: {  	s4 =	simm.s32 $_size__tile_overlayer_lowered;
	s5 =	simm.s32 $_tile_overlayer_lowered  }
0x9b: {  	s22 =	simm.s32 $0x1BFF;
	s21 =	sshll.u32 s5, $0x1;
	s2 =	sadd.s32 s19, s18  }
0x9c: {  	s6 =	simm.s32 $0x0;
	s20 =	sshll.u32 s4, $0x1;
	s4 =	sadd.s32 s21, s2  }
0x9d: {  	[timem:s6], [sflag:s22] =	dma.local [hbm:s4], s20  }
0x9e: {  	_ =	swait.ge [sflag:s22], s20  }
0x9f: {  	s3 =	ssub.s32 $0x0, s20;
	[sflag:s22] =	ssyncset.done $0x0  }
0xa0: {  	[sflag:s22] =	ssyncadd.s32 s3;
	_ =	sdelay $0x1  }
0xa1: {  	s23 =	simm.s32 $0x1B8B  }
0xa2: {  	_ =	swait.ge [sflag:s23], $0x1  }
0xa3: {  	[sflag:s23] =	ssyncset.done $0x0  }
0xa4: {  	s25 =	simm.s32 $0x1B8E;
	s24 =	sld [smem:$0x3FFE];
	[sflag:s23] =	ssyncadd.s32 $0xFFFFFFFF  }
0xa5: {  	s26 =	simm.s32 $execute0_lowered;
	[smem:$0x3FD2] =	sst s25  }
0xa6: {  	s4 =	sshll.u32 s26, $0x1;
	_ =	strace $0x80000046;
	[dreg:$0x1] =	wrdreg $0xFFFFFFFF  }
0xa7: {  	s28 =	simm.s32 $_size_execute0_lowered;
	s2 =	sadd.s32 s2, s4;
	[dreg:$0x0] =	wrdreg $0x0  }
0xa8: {  	s4 =	sshll.u32 s28, $0x1;
	[dreg:$0x2] =	wrdreg s2  }
0xa9: {  	[dreg:$0x3] =	wrdreg s4  }
0xaa: {  	[dreg:$0x4] =	wrdreg $0xC0  }
0xab: {  	_ =	task [dreg:s6], $0x5FFFF  }
0xac: {  	[dreg:$0x1] =	wrdreg $0xFFFFFFFF  }
0xad: {  	[dreg:$0x0] =	wrdreg $0x60  }
0xae: {  	[dreg:$0x2] =	wrdreg s24  }
0xaf: {  	[dreg:$0x3] =	wrdreg $0x9  }
0xb0: {  	_ =	task.clear_ibuf [dreg:s6], $0x4FFFF;
	_ =	strace $0x90000046  }
0xb1: {  	s29 =	simm.s32 $0x9;
	_ =	strace $0x80000048  }
0xb2: {  	_ =	swait.ge [sflag:s29], $0x1  }
0xb3: {  	[sflag:s29] =	ssyncadd.s32 $0xFFFFFFFF  }
0xb4: {  	_ =	strace $0x90000048  }
0xb5: {  	_ =	sfence  }
0xb6: {  	s30 =	sld [smem:$0x0];
	_ =	sdelay $0x2  }
0xb7: {  	s31 =	sshll.u32 s1, $0xD;
	s1 =	sshrl.u32 s1, $0x2  }
0xb8: {  	s3 =	sand.u32 $0x4000, s31;
	s1 =	sadd.s32 s1, s30  }
0xb9: {  	s0 =	sor.u32 s3, s0;
	s1 =	sshll.u32 s1, $0x11  }
0xba: {  	s0 =	sor.u32 s1, s0  }
0xbb: {  	s0 =	sadd.s32 $0x8F2B, s0  }
0xbc: {  	[sflag:s0] =	ssyncadd.remote.s32 $0x1  }
0xbd: {  	_ =	sfence.sel $0xFFFF  }
0xbe: {  	[dreg:$0x0] =	wrdreg $0xFFFFFFFF;
	(pc) =	sbr.abs _section_cstart, $3  }
0xbf: {  	[dreg:$0x1] =	wrdreg $0xFFFFFFFF  }
0xc0: {  	_ =	task.clear_ibuf [dreg:s6], $0x2FFFF;
	_ =	strace $0x9FFFFFFF  }
0xc1: {  	(tm) =	ssettm $0x7FFFFFFF  }
tec
execute0_lowered:
.L_overlay_start_1:
0x0: {  	(tag) =	ssettag $0x1  }
0x1: {  	s1 =	srdreg.scid;
	s0 =	stileid.u32  }
0x2: {  	s4 =	rddreg [dreg:$0x0];
	s2 =	simm.s32 $0x0;
	s8 =	simm.s32 $0x1000  }
0x3: {  	s9 =	simm.s32 $0x5;
	s10 =	simm.s32 $0x6400;
	s11 =	simm.s32 $0x7400  }
0x4: {  	s12 =	simm.s32 $0x100;
	s13 =	simm.s32 $0x8400;
	s14 =	simm.s32 $0x1  }
0x5: {  	s15 =	simm.s32 $0x9400;
	s16 =	simm.s32 $0x2;
	s17 =	simm.s32 $0x3  }
0x6: {  	s18 =	simm.s32 $0x4;
	s19 =	simm.s32 $0xA400;
	s20 =	simm.s32 $0x0  }
0x7: {  	s3 =	sand.u32 $0x1, s1;
	s5 =	sshll.u32 s0, $0x1;
	[smem:$0x7FF] =	sst s2  }
0x8: {  	s1 =	rddreg [dreg:$0x1];
	s5 =	sor.u32 s3, s5;
	_ =	strace $0x80000047  }
0x9: {  	s7 =	ssub.s32 $0x2, s3;
	s6 =	sshll.u32 s5, $0x4;
	s5 =	smul.u32 $0x320, s5  }
0xa: {  	s3 =	sadd.s32 $0x19800, s4;
	s31 =	sshrl.u32 s7, $0x1;
	s6 =	sadd.s32 s6, s4  }
0xb: {  	s7 =	ssub.s32 s7, s31;
	s5 =	sadd.s32 s5, s4;
	s4 =	sadd.s32 $0x800, s6  }
0xc: {  	v0 =	vimm.f32 $0.0e+00;
	s6 =	smax.u32 s7, $0x1;
	s7 =	simm.s32 $0x80;
	s5 =	sadd.s32 $0x419800, s5  }
.LBB2_1:
0xd: {  	[tilespmem:s2], [sflag:$0x5] =	stream.strided.gather [hbm4b:s4+s7], $0x6400, s8, s7, $0x38;
	[tilespmem:$0xBD00] =	vst v63  }
0xe: {  	_ =	swait.ge [sflag:s9], $0x6400  }
0xf: {  	[sflag:s9] =	ssyncset.done $0x0  }
0x10: {  	[sflag:s9] =	ssyncadd.s32 $0xFFFF9C00  }
0x11: {  	[tilespmem:s10], [sflag:$0x1] =	stream.indirect.gather [hbm4b:s3+s7], $0x20, s2, s7, $0xb8;
	[tilespmem:$0xBD00] =	vst v63  }
0x12: {  	_ = 	snop  }
0x13: {  	[tilespmem:s11], [sflag:$0x2] =	stream.indirect.gather [hbm4b:s3+s7], $0x20, s7, s7, $0xb8;
	[tilespmem:$0xBD00] =	vst v63  }
0x14: {  	s21 =	simm.s32 $0x0  }
0x15: {  	[tilespmem:s13], [sflag:$0x3] =	stream.indirect.gather [hbm4b:s3+s7], $0x20, s12, s7, $0xb8;
	[tilespmem:$0xBD00] =	vst v63  }
.LBB2_2:
0x16: {  	_ =	swait.ge [sflag:s14], $0x1000;
	s22 =	sshllo.u32 s21, $0x2  }
0x17: {  	[sflag:s14] =	ssyncset.done $0x0;
	s23 =	sshll.u32 s22, $0x7  }
0x18: {  	s31 =	simm.s32 $0x6500;
	[sflag:s14] =	ssyncadd.s32 $0xFFFFF000;
	s23 =	sand.u32 $0x3FFFFF80, s23  }
0x19: {  	[tilespmem:s15], [sflag:$0x4] =	stream.indirect.gather [hbm4b:s3+s7], $0x20, s23, s7, $0xb8;
	[tilespmem:$0xBD00] =	vst v63  }
0x1a: {  	v1 =	vld [tilespmem:s31+$0xE0]  }
0x1b: {  	v3 =	vld [tilespmem:s31+$0xF0]  }
0x1c: {  	v4 =	vld [tilespmem:s31+$0xC0]  }
0x1d: {  	v5 =	vld [tilespmem:s31+$0xD0]  }
0x1e: {  	v12 =	vld [tilespmem:s31+$0xA0]  }
0x1f: {  	v14 =	vld [tilespmem:s31+$0xB0]  }
0x20: {  	v15 =	vld [tilespmem:s31+$0x80]  }
0x21: {  	v17 =	vld [tilespmem:s31+$0x90]  }
0x22: {  	v18 =	vld [tilespmem:s31+$0x60]  }
0x23: {  	v20 =	vld [tilespmem:s31+$0x40]  }
0x24: {  	v21 =	vld [tilespmem:s31+$0x50]  }
0x25: {  	v39 =	vld [tilespmem:s31+$0xFFFFFF00]  }
0x26: {  	v52 =	vimm.f32 $0.0e+00;
	v40 =	vld [tilespmem:s31+$0xFFFFFF10];
	vm2 =	veq.f32 v1, $0.0e+00  }
0x27: {  	v42 =	vld [tilespmem:s31+$0xFFFFFF20];
	vm5 =	veq.f32 v4, $0.0e+00;
	vm4 =	veq.f32 v5, $0.0e+00;
	v2 =	vmul.f32 $1.442695020e+00, v1  }
0x28: {  	v44 =	vld [tilespmem:s31+$0xFFFFFF30];
	vm3 =	veq.f32 v3, $0.0e+00;
	v1 =	vmul.f32 $1.442695020e+00, v3;
	v4 =	vmul.f32 $1.442695020e+00, v4  }
0x29: {  	v45 =	vld [tilespmem:s31+$0xFFFFFF50];
	vm7 =	veq.f32 v12, $0.0e+00;
	v3 =	vmul.f32 $1.442695020e+00, v5;
	v12 =	vmul.f32 $1.442695020e+00, v12  }
0x2a: {  	v22 =	vld [tilespmem:s31+$0x20];
	vm0 =	veq.f32 v20, $0.0e+00;
	v5 =	vmul.f32 $1.442695020e+00, v14;
	v16 =	vmul.f32 $1.442695020e+00, v17  }
0x2b: {  	v23 =	vld [tilespmem:s31+$0x30];
	vm10 =	veq.f32 v18, $0.0e+00;
	v18 =	vmul.f32 $1.442695020e+00, v18;
	v20 =	vmul.f32 $1.442695020e+00, v20  }
0x2c: {  	v24 =	vld [tilespmem:s31+$0x0];
	vm1 =	veq.f32 v21, $0.0e+00;
	v21 =	vmul.f32 $1.442695020e+00, v21;
	v48 =	vmul.f32 $1.442695020e+00, v39  }
0x2d: {  	v25 =	vld [tilespmem:s31+$0x10];
	vm8 =	veq.f32 v15, $0.0e+00;
	v50 =	vmul.f32 $1.442695020e+00, v40;
	v51 =	vmul.f32 $1.442695020e+00, v42  }
0x2e: {  	v26 =	vld [tilespmem:s31+$0xFFFFFFE0];
	vm6 =	veq.f32 v14, $0.0e+00;
	v60 =	vmul.f32 $1.442695020e+00, v44;
	v61 =	vmul.f32 $1.442695020e+00, v45  }
0x2f: {  	v27 =	vld [tilespmem:s31+$0xFFFFFFF0];
	v6 =	vsel vm0, $0x3F800000, v0;
	vm0 =	veq.f32 v22, $0.0e+00;
	v22 =	vmul.f32 $1.442695020e+00, v22  }
0x30: {  	v28 =	vld [tilespmem:s31+$0xFFFFFFC0];
	v8 =	vsel vm0, $0x3F800000, v0;
	vm0 =	veq.f32 v23, $0.0e+00;
	v23 =	vmul.f32 $1.442695020e+00, v23  }
0x31: {  	v29 =	vld [tilespmem:s31+$0xFFFFFFD0];
	(erf) = vpow2.f32 v48;
	v9 =	vsel vm0, $0x3F800000, v0;
	vm0 =	veq.f32 v24, $0.0e+00  }
0x32: {  	v30 =	vld [tilespmem:s31+$0xFFFFFFA0];
	(erf) = vpow2.f32 v50;
	v10 =	vsel vm0, $0x3F800000, v0;
	vm0 =	veq.f32 v25, $0.0e+00  }
0x33: {  	v31 =	vld [tilespmem:s31+$0xFFFFFFB0];
	v24 =	vmul.f32 $1.442695020e+00, v24;
	v11 =	vsel vm0, $0x3F800000, v0;
	vm0 =	veq.f32 v26, $0.0e+00  }
0x34: {  	v32 =	vld [tilespmem:s31+$0xFFFFFF80];
	(erf) = vpow2.f32 v51;
	v13 =	vsel vm0, $0x3F800000, v0;
	vm0 =	veq.f32 v27, $0.0e+00  }
0x35: {  	v33 =	vld [tilespmem:s31+$0xFFFFFF90];
	(erf) = vpow2.f32 v60;
	v14 =	vsel vm0, $0x3F800000, v0;
	vm0 =	veq.f32 v28, $0.0e+00  }
0x36: {  	v34 =	vld [tilespmem:s31+$0xFFFFFF60];
	v26 =	vmul.f32 $1.442695020e+00, v26;
	v36 =	vsel vm0, $0x3F800000, v0;
	vm0 =	veq.f32 v29, $0.0e+00  }
0x37: {  	v35 =	vld [tilespmem:s31+$0xFFFFFF70];
	v27 =	vmul.f32 $1.442695020e+00, v27;
	v38 =	vsel vm0, $0x3F800000, v0;
	vm0 =	veq.f32 v30, $0.0e+00  }
0x38: {  	v37 =	vld [tilespmem:s31+$0xFFFFFF40];
	v28 =	vmul.f32 $1.442695020e+00, v28;
	v41 =	vsel vm0, $0x3F800000, v0;
	vm0 =	veq.f32 v31, $0.0e+00  }
0x39: {  	v19 =	vld [tilespmem:s31+$0x70];
	v30 =	vmul.f32 $1.442695020e+00, v30;
	v43 =	vsel vm0, $0x3F800000, v0;
	vm0 =	veq.f32 v32, $0.0e+00  }
0x3a: {  	v31 =	vmul.f32 $1.442695020e+00, v31;
	v46 =	vsel vm0, $0x3F800000, v0;
	vm0 =	veq.f32 v33, $0.0e+00  }
0x3b: {  	v32 =	vmul.f32 $1.442695020e+00, v32;
	v47 =	vsel vm0, $0x3F800000, v0;
	vm0 =	veq.f32 v34, $0.0e+00  }
0x3c: {  	v33 =	vmul.f32 $1.442695020e+00, v33;
	v49 =	vsel vm0, $0x3F800000, v0;
	vm0 =	veq.f32 v35, $0.0e+00  }
0x3d: {  	v48 =	vsel vm0, $0x3F800000, v0;
	vm0 =	veq.f32 v37, $0.0e+00;
	v37 =	vmul.f32 $1.442695020e+00, v37  }
0x3e: {  	vm9 =	veq.f32 v19, $0.0e+00;
	v34 =	vmul.f32 $1.442695020e+00, v34;
	v35 =	vmul.f32 $1.442695020e+00, v35  }
0x3f: {  	v51 =	vsel vm0, $0x3F800000, v0;
	vm0 =	veq.f32 v45, $0.0e+00;
	(erf) = vpow2.f32 v37  }
0x40: {  	v50 =	vsel vm0, $0x3F800000, v0;
	vm0 =	veq.f32 v42, $0.0e+00;
	(erf) = vpow2.f32 v61  }
0x41: {  	v62 =	vsel vm0, $0x3F800000, v0;
	vm0 =	veq.f32 v44, $0.0e+00;
	(erf) = vpow2.f32 v34  }
0x42: {  	v63 =	vsel vm0, $0x3F800000, v0;
	vm0 =	veq.f32 v39, $0.0e+00;
	(erf) = vpow2.f32 v35  }
0x43: {  	v53 =	vpop (erf);
	v45 =	vsel vm0, $0x3F800000, v0;
	vm0 =	veq.f32 v40, $0.0e+00;
	(erf) = vpow2.f32 v32  }
0x44: {  	v56 =	vadd.f32 v53, v52;
	v54 =	vsel vm0, $0x3F800000, v0;
	(erf) = vpow2.f32 v33  }
0x45: {  	v55 =	vpop (erf);
	vm0 =	veq.f32 v17, $0.0e+00;
	v17 =	vmul.f32 $1.442695020e+00, v29;
	(erf) = vpow2.f32 v30  }
0x46: {  	v57 =	vpop (erf);
	v29 =	vadd.f32 v55, v52;
	v58 =	vadd.f32 v45, v52;
	(erf) = vpow2.f32 v31  }
0x47: {  	v59 =	vpop (erf);
	v60 =	vadd.f32 v57, v56;
	v33 =	vadd.f32 v54, v52;
	(erf) = vpow2.f32 v28  }
0x48: {  	v29 =	vadd.f32 v59, v29;
	v61 =	vpop (erf);
	(erf) = vpow2.f32 v17;
	v17 =	vadd.f32 v62, v58  }
0x49: {  	v62 =	vadd.f32 v63, v33;
	v63 =	vpop (erf);
	(erf) = vpow2.f32 v26;
	v37 =	vadd.f32 v61, v60  }
0x4a: {  	v25 =	vmul.f32 $1.442695020e+00, v25;
	v40 =	vpop (erf);
	(erf) = vpow2.f32 v27;
	v17 =	vadd.f32 v51, v17  }
0x4b: {  	v39 =	vadd.f32 v63, v29;
	v44 =	vpop (erf);
	(erf) = vpow2.f32 v24;
	v45 =	vadd.f32 v40, v37  }
0x4c: {  	v42 =	vadd.f32 v50, v62;
	v51 =	vpop (erf);
	(erf) = vpow2.f32 v25;
	v17 =	vadd.f32 v49, v17  }
0x4d: {  	v50 =	vadd.f32 v44, v39;
	v53 =	vpop (erf);
	(erf) = vpow2.f32 v22;
	v54 =	vadd.f32 v51, v45  }
0x4e: {  	v52 =	vadd.f32 v48, v42;
	v56 =	vpop (erf);
	(erf) = vpow2.f32 v23;
	v17 =	vadd.f32 v46, v17  }
0x4f: {  	v55 =	vadd.f32 v53, v50;
	v58 =	vpop (erf);
	(erf) = vpow2.f32 v20;
	v20 =	vadd.f32 v56, v54  }
0x50: {  	v57 =	vadd.f32 v47, v52;
	v60 =	vpop (erf);
	(erf) = vpow2.f32 v21;
	v17 =	vadd.f32 v41, v17  }
0x51: {  	v19 =	vmul.f32 $1.442695020e+00, v19;
	v62 =	vpop (erf);
	(erf) = vpow2.f32 v18;
	v18 =	vadd.f32 v60, v20  }
0x52: {  	v15 =	vmul.f32 $1.442695020e+00, v15;
	v59 =	vadd.f32 v58, v55;
	v61 =	vadd.f32 v43, v57  }
0x53: {  	v7 =	vsel vm1, $0x3F800000, v0;
	v63 =	vpop (erf);
	(erf) = vpow2.f32 v19;
	v19 =	vadd.f32 v36, v17  }
0x54: {  	v20 =	vadd.f32 v62, v59;
	v21 =	vadd.f32 v38, v61;
	(erf) = vpow2.f32 v15;
	v17 =	vpop (erf)  }
0x55: {  	v15 =	vadd.f32 v63, v18;
	(erf) = vpow2.f32 v16;
	v16 =	vadd.f32 v13, v19;
	v18 =	vpop (erf)  }
0x56: {  	s24 =	simm.s32 $0x6700;
	s23 =	simm.s32 $0x0;
	v13 =	vadd.f32 v14, v21;
	v17 =	vadd.f32 v17, v20;
	(erf) = vpow2.f32 v12;
	v14 =	vpop (erf)  }
.LBB2_3:
0x57: {  	_ = 	snop  }
0x58: {  	v15 =	vadd.f32 v18, v15;
	v18 =	vadd.f32 v14, v17;
	v17 =	vpop (erf);
	(erf) = vpow2.f32 v5  }
0x59: {  	v27 =	vld [tilespmem:s24+$0xFFFFFFD0];
	v16 =	vadd.f32 v10, v16;
	v11 =	vadd.f32 v11, v13;
	v13 =	vpop (erf);
	(erf) = vpow2.f32 v4  }
0x5a: {  	v28 =	vld [tilespmem:s24+$0xFFFFFFA0];
	v15 =	vadd.f32 v17, v15;
	v17 =	vadd.f32 v13, v18;
	v14 =	vpop (erf);
	(erf) = vpow2.f32 v3  }
0x5b: {  	v29 =	vld [tilespmem:s24+$0xFFFFFFB0];
	v16 =	vadd.f32 v8, v16;
	v9 =	vadd.f32 v9, v11;
	v10 =	vpop (erf);
	(erf) = vpow2.f32 v2  }
0x5c: {  	v31 =	vld [tilespmem:s24+$0xFFFFFF70];
	v2 =	vadd.f32 v14, v15;
	v17 =	vadd.f32 v10, v17;
	v13 =	vpop (erf);
	(erf) = vpow2.f32 v1  }
0x5d: {  	v1 =	vadd.f32 v6, v16;
	v6 =	vadd.f32 v7, v9;
	v7 =	vsel vm10, $0x3F800000, v0  }
0x5e: {  	v16 =	vsel vm9, $0x3F800000, v0;
	vm13 =	veq.f32 v27, $0.0e+00;
	v8 =	vpop (erf);
	v2 =	vadd.f32 v13, v2  }
0x5f: {  	vm11 =	veq.f32 v28, $0.0e+00;
	v8 =	vadd.f32 v8, v17;
	v13 =	vpop (erf);
	v1 =	vadd.f32 v7, v1  }
0x60: {  	vm10 =	veq.f32 v29, $0.0e+00;
	v7 =	vsel vm8, $0x3F800000, v0;
	v10 =	vpop (erf);
	v2 =	vadd.f32 v13, v2  }
0x61: {  	v12 =	vld [tilespmem:s24+$0xE0];
	vm9 =	veq.f32 v31, $0.0e+00;
	v8 =	vadd.f32 v10, v8;
	v13 =	vpop (erf);
	v1 =	vadd.f32 v7, v1  }
0x62: {  	v27 =	vmul.f32 $1.442695020e+00, v27;
	v7 =	vsel vm7, $0x3F800000, v0;
	v10 =	vpop (erf);
	v2 =	vadd.f32 v13, v2  }
0x63: {  	v4 =	vld [tilespmem:s24+$0xC0];
	v28 =	vmul.f32 $1.442695020e+00, v28;
	v8 =	vadd.f32 v10, v8;
	v13 =	vpop (erf);
	v1 =	vadd.f32 v7, v1  }
0x64: {  	v29 =	vmul.f32 $1.442695020e+00, v29;
	v7 =	vsel vm5, $0x3F800000, v0;
	v10 =	vpop (erf);
	v2 =	vadd.f32 v13, v2  }
0x65: {  	v3 =	vld [tilespmem:s24+$0xD0];
	v31 =	vmul.f32 $1.442695020e+00, v31;
	v8 =	vadd.f32 v10, v8;
	v13 =	vpop (erf);
	v1 =	vadd.f32 v7, v1  }
0x66: {  	v30 =	vld [tilespmem:s24+$0xFFFFFF80];
	v17 =	vsel vm0, $0x3F800000, v0;
	vm0 =	veq.f32 v12, $0.0e+00;
	v7 =	vsel vm2, $0x3F800000, v0;
	v10 =	vpop (erf)  }
0x67: {  	v5 =	vld [tilespmem:s24+$0xF0];
	v18 =	vadd.f32 v10, v8;
	v10 =	vimm.s32 $0x0;
	v19 =	vadd.f32 v7, v1  }
0x68: {  	v32 =	vld [tilespmem:s24+$0xFFFFFF40];
	v1 =	vimm.s32 $0x0;
	v10 =	vsel vm0, $0xFFFFFFFF, v10;
	vm0 =	veq.f32 v4, $0.0e+00  }
0x69: {  	v9 =	vld [tilespmem:s24+$0x80];
	v42 =	vsel vm13, $0x3F800000, v0;
	v6 =	vadd.f32 v16, v6;
	v1 =	vsel vm0, $0xFFFFFFFF, v1  }
0x6a: {  	v33 =	vld [tilespmem:s24+$0xFFFFFF50];
	v43 =	vsel vm10, $0x3F800000, v0;
	vm0 =	veq.f32 v3, $0.0e+00;
	[tilespmem:$0x1FFB0] =	vst v1;
	v1 =	vimm.s32 $0x0  }
0x6b: {  	v11 =	vld [tilespmem:s24+$0xA0];
	v6 =	vadd.f32 v17, v6;
	v17 =	vsel vm6, $0x3F800000, v0;
	v1 =	vsel vm0, $0xFFFFFFFF, v1  }
0x6c: {  	v21 =	vld [tilespmem:s24+$0x70];
	vm6 =	veq.f32 v30, $0.0e+00;
	vm0 =	veq.f32 v5, $0.0e+00;
	[tilespmem:$0x1FFC0] =	vst v1;
	v1 =	vimm.s32 $0x0  }
0x6d: {  	v14 =	vld [tilespmem:s24+$0xB0];
	v30 =	vmul.f32 $1.442695020e+00, v30;
	v6 =	vadd.f32 v17, v6;
	v1 =	vsel vm0, $0xFFFFFFFF, v1  }
0x6e: {  	v22 =	vld [tilespmem:s24+$0x40];
	v17 =	vsel vm4, $0x3F800000, v0;
	vm0 =	veq.f32 v9, $0.0e+00;
	[tilespmem:$0x1FFD0] =	vst v1;
	v1 =	vimm.s32 $0x0  }
0x6f: {  	v16 =	vld [tilespmem:s24+$0x60];
	vm5 =	veq.f32 v32, $0.0e+00;
	vm4 =	veq.f32 v33, $0.0e+00;
	v1 =	vsel vm0, $0xFFFFFFFF, v1  }
0x70: {  	v52 =	vld [tilespmem:s24+$0xFFFFFF20];
	v32 =	vmul.f32 $1.442695020e+00, v32;
	vm0 =	veq.f32 v11, $0.0e+00;
	[tilespmem:$0x1FF90] =	vst v1;
	v1 =	vimm.s32 $0x0  }
0x71: {  	v23 =	vld [tilespmem:s24+$0x50];
	v33 =	vmul.f32 $1.442695020e+00, v33;
	v57 =	vsel vm4, $0x3F800000, v0;
	v1 =	vsel vm0, $0xFFFFFFFF, v1  }
0x72: {  	v24 =	vld [tilespmem:s24+$0x20];
	v6 =	vadd.f32 v17, v6;
	vm0 =	veq.f32 v14, $0.0e+00;
	[tilespmem:$0x1FF80] =	vst v1;
	v1 =	vimm.s32 $0x0  }
0x73: {  	v15 =	vld [tilespmem:s24+$0x90];
	v17 =	vadd.f32 v13, v2;
	v2 =	vsel vm3, $0x3F800000, v0;
	v1 =	vsel vm0, $0xFFFFFFFF, v1  }
0x74: {  	v13 =	vimm.s32 $0x0;
	v7 =	vld [tilespmem:s24+$0xFFFFFFF0];
	vm0 =	veq.f32 v16, $0.0e+00;
	[tilespmem:$0x1FF70] =	vst v1;
	v1 =	vimm.s32 $0x0  }
0x75: {  	vm3 =	veq.f32 v52, $0.0e+00;
	v8 =	vld [tilespmem:s24+$0x10];
	v20 =	vadd.f32 v2, v6;
	v1 =	vsel vm0, $0xFFFFFFFF, v1  }
0x76: {  	v6 =	vld [tilespmem:s24+$0xFFFFFFE0];
	v2 =	vmul.f32 $1.442695020e+00, v12;
	vm0 =	veq.f32 v21, $0.0e+00;
	[tilespmem:$0x1FF60] =	vst v1;
	v1 =	vimm.s32 $0x0  }
0x77: {  	v25 =	vld [tilespmem:s24+$0x30];
	v12 =	vmul.f32 $1.442695020e+00, v11;
	v58 =	vsel vm3, $0x3F800000, v0;
	[tilespmem:$0x1FFE0] =	vst v10;
	v1 =	vsel vm0, $0xFFFFFFFF, v1  }
0x78: {  	v4 =	vmul.f32 $1.442695020e+00, v4;
	v10 =	vld [tilespmem:s24+$0xFFFFFFC0];
	vm0 =	veq.f32 v15, $0.0e+00;
	[tilespmem:$0x1FFA0] =	vst v1;
	v1 =	vimm.s32 $0x0  }
0x79: {  	vm15 =	veq.f32 v7, $0.0e+00;
	v36 =	vmul.f32 $1.442695020e+00, v7;
	v7 =	vld [tilespmem:s24+$0xFFFFFF10];
	v1 =	vsel vm0, $0xFFFFFFFF, v1  }
0x7a: {  	v3 =	vmul.f32 $1.442695020e+00, v3;
	v47 =	vld [tilespmem:$0x1FFC0];
	vm0 =	veq.f32 v22, $0.0e+00;
	[tilespmem:$0x1FFF0] =	vst v1;
	v1 =	vimm.s32 $0x0  }
0x7b: {  	v34 =	vmul.f32 $1.442695020e+00, v8;
	v35 =	vmul.f32 $1.442695020e+00, v6;
	v11 =	vld [tilespmem:s24+$0xFFFFFF90];
	v1 =	vsel vm0, $0xFFFFFFFF, v1  }
0x7c: {  	v41 =	vsel vm15, $0x3F800000, v0;
	v59 =	vld [tilespmem:$0x1FFD0];
	vm0 =	veq.f32 v23, $0.0e+00;
	[tilespmem:$0x1FEF0] =	vst v1;
	v1 =	vimm.s32 $0x0  }
0x7d: {  	v26 =	vld [tilespmem:s24+$0x0];
	vm12 =	veq.f32 v10, $0.0e+00;
	v37 =	vmul.f32 $1.442695020e+00, v10;
	v1 =	vsel vm0, $0xFFFFFFFF, v1  }
0x7e: {  	v10 =	vmul.f32 $1.442695020e+00, v7;
	v44 =	vld [tilespmem:$0x1FF60];
	vm0 =	veq.f32 v24, $0.0e+00;
	[tilespmem:$0x1FF00] =	vst v1;
	v1 =	vimm.s32 $0x0  }
0x7f: {  	vm4 =	vnez.u8 v47;
	v16 =	vmul.f32 $1.442695020e+00, v16;
	v1 =	vsel vm0, $0xFFFFFFFF, v1  }
0x80: {  	v45 =	vld [tilespmem:$0x1FF80];
	vm7 =	veq.f32 v11, $0.0e+00;
	vm0 =	veq.f32 v25, $0.0e+00;
	[tilespmem:$0x1FF10] =	vst v1;
	v1 =	vimm.s32 $0x0  }
0x81: {  	v38 =	vmul.f32 $1.442695020e+00, v11;
	vm3 =	vnez.u8 v59;
	v1 =	vsel vm0, $0xFFFFFFFF, v1  }
0x82: {  	v46 =	vld [tilespmem:$0x1FFA0];
	vm0 =	veq.f32 v26, $0.0e+00;
	[tilespmem:$0x1FF20] =	vst v1;
	v1 =	vmul.f32 $1.442695020e+00, v5;
	v5 =	vimm.s32 $0x0  }
0x83: {  	v22 =	vmul.f32 $1.442695020e+00, v22;
	vm10 =	vnez.u8 v44;
	v5 =	vsel vm0, $0xFFFFFFFF, v5  }
0x84: {  	v44 =	vsel vm7, $0x3F800000, v0;
	vm0 =	veq.f32 v8, $0.0e+00;
	v8 =	vld [tilespmem:s24+$0xFFFFFF30];
	[tilespmem:$0x1FF30] =	vst v5;
	v5 =	vimm.s32 $0x0  }
0x85: {  	vm7 =	vnez.u8 v45;
	v5 =	vsel vm0, $0xFFFFFFFF, v5;
	vm0 =	veq.f32 v6, $0.0e+00  }
0x86: {  	v45 =	vsel vm9, $0x3F800000, v0;
	v24 =	vmul.f32 $1.442695020e+00, v24;
	v6 =	vld [tilespmem:s24+$0xFFFFFF00];
	v13 =	vsel vm0, $0xFFFFFFFF, v13  }
0x87: {  	vm9 =	vnez.u8 v46;
	vm0 =	veq.f32 v7, $0.0e+00;
	[tilespmem:$0x1FF50] =	vst v13;
	v13 =	vmul.f32 $1.442695020e+00, v9;
	v9 =	vld [tilespmem:s24+$0xFFFFFF60]  }
0x88: {  	v26 =	vmul.f32 $1.442695020e+00, v26;
	[tilespmem:$0x1FF40] =	vst v5;
	v5 =	vmul.f32 $1.442695020e+00, v14;
	v49 =	vsel vm0, $0x3F800000, v0  }
0x89: {  	v14 =	vmul.f32 $1.442695020e+00, v15;
	vm2 =	veq.f32 v8, $0.0e+00;
	v20 =	vadd.f32 v49, v20  }
0x8a: {  	v50 =	vld [tilespmem:$0x1FFF0];
	v15 =	vmul.f32 $1.442695020e+00, v21;
	v21 =	vmul.f32 $1.442695020e+00, v23;
	v60 =	vsel vm2, $0x3F800000, v0  }
0x8b: {  	v48 =	vld [tilespmem:$0x1FFE0];
	v23 =	vmul.f32 $1.442695020e+00, v25;
	vm1 =	veq.f32 v6, $0.0e+00;
	v20 =	vadd.f32 v60, v20  }
0x8c: {  	vm8 =	veq.f32 v9, $0.0e+00;
	v39 =	vmul.f32 $1.442695020e+00, v9;
	v9 =	vmul.f32 $1.442695020e+00, v6;
	v6 =	vld [tilespmem:$0x1FEF0]  }
0x8d: {  	v25 =	vmul.f32 $1.442695020e+00, v52;
	v7 =	vld [tilespmem:$0x1FF00];
	v62 =	vsel vm1, $0x3F800000, v0;
	v20 =	vadd.f32 v57, v20  }
0x8e: {  	v40 =	vmul.f32 $1.442695020e+00, v8;
	v8 =	vld [tilespmem:$0x1FF10];
	v19 =	vadd.f32 v62, v19;
	(erf) = vpow2.f32 v9  }
0x8f: {  	v54 =	vld [tilespmem:$0x1FF70];
	vm0 =	vnez.u8 v50;
	v20 =	vadd.f32 v45, v20;
	(erf) = vpow2.f32 v10  }
0x90: {  	vm2 =	vnez.u8 v48;
	v9 =	vld [tilespmem:$0x1FF20];
	v19 =	vadd.f32 v58, v19;
	(erf) = vpow2.f32 v25  }
0x91: {  	v20 =	vadd.f32 v44, v20;
	vm14 =	vnez.u8 v6;
	(erf) = vpow2.f32 v40  }
0x92: {  	v10 =	vld [tilespmem:$0x1FF30];
	v6 =	vsel vm14, $0x3F800000, v0;
	vm14 =	vnez.u8 v7;
	(erf) = vpow2.f32 v32  }
0x93: {  	v11 =	vld [tilespmem:$0x1FF40];
	v7 =	vsel vm14, $0x3F800000, v0;
	vm14 =	vnez.u8 v8;
	(erf) = vpow2.f32 v33  }
0x94: {  	v33 =	vsel vm6, $0x3F800000, v0;
	vm6 =	vnez.u8 v54;
	(erf) = vpow2.f32 v39  }
0x95: {  	v53 =	vld [tilespmem:$0x1FF50];
	v8 =	vsel vm14, $0x3F800000, v0;
	vm14 =	vnez.u8 v9;
	(erf) = vpow2.f32 v31  }
0x96: {  	v39 =	vsel vm8, $0x3F800000, v0;
	v9 =	vsel vm14, $0x3F800000, v0;
	(erf) = vpow2.f32 v30  }
0x97: {  	v55 =	vld [tilespmem:$0x1FF90];
	vm14 =	vnez.u8 v10;
	v31 =	vsel vm5, $0x3F800000, v0;
	v61 =	vpop (erf);
	(erf) = vpow2.f32 v38  }
0x98: {  	v10 =	vsel vm14, $0x3F800000, v0;
	vm14 =	vnez.u8 v11;
	v63 =	vpop (erf);
	(erf) = vpow2.f32 v28  }
0x99: {  	v56 =	vld [tilespmem:$0x1FFB0];
	v17 =	vadd.f32 v61, v17;
	v18 =	vadd.f32 v63, v18;
	v51 =	vpop (erf);
	(erf) = vpow2.f32 v29  }
0x9a: {  	v11 =	vsel vm14, $0x3F800000, v0;
	vm14 =	vnez.u8 v53;
	v52 =	vpop (erf);
	(erf) = vpow2.f32 v37  }
0x9b: {  	v17 =	vadd.f32 v51, v17;
	v18 =	vadd.f32 v52, v18;
	v53 =	vpop (erf);
	(erf) = vpow2.f32 v27  }
0x9c: {  	vm8 =	vnez.u8 v55;
	v19 =	vadd.f32 v31, v19;
	v54 =	vpop (erf);
	(erf) = vpow2.f32 v35  }
0x9d: {  	v17 =	vadd.f32 v53, v17;
	v18 =	vadd.f32 v54, v18;
	v55 =	vpop (erf);
	(erf) = vpow2.f32 v36  }
0x9e: {  	vm5 =	vnez.u8 v56;
	v19 =	vadd.f32 v39, v19;
	v56 =	vpop (erf);
	(erf) = vpow2.f32 v26  }
0x9f: {  	v17 =	vadd.f32 v55, v17;
	v18 =	vadd.f32 v56, v18;
	v57 =	vpop (erf);
	(erf) = vpow2.f32 v34  }
0xa0: {  	v40 =	vsel vm12, $0x3F800000, v0;
	v19 =	vadd.f32 v33, v19;
	v58 =	vpop (erf);
	(erf) = vpow2.f32 v24  }
0xa1: {  	v17 =	vadd.f32 v57, v17;
	v18 =	vadd.f32 v58, v18;
	v59 =	vpop (erf);
	(erf) = vpow2.f32 v23  }
0xa2: {  	s23 =	sadd.s32 $0x10, s23;
	v32 =	vsel vm11, $0x3F800000, v0;
	v20 =	vadd.f32 v43, v20;
	v60 =	vpop (erf);
	(erf) = vpow2.f32 v22  }
0xa3: {  	p0 =	slt.u32 s23, $0x70;
	v19 =	vadd.f32 v32, v19;
	v17 =	vadd.f32 v59, v17;
	v61 =	vpop (erf);
	(erf) = vpow2.f32 v21  }
.Ltmp0:
0xa4: {  	v20 =	vadd.f32 v42, v20;
	v23 =	vadd.f32 v60, v18;
	v62 =	vpop (erf);
	(erf) = vpow2.f32 v16;
	(pc) =	sbr.rel @p0 .LBB2_3-.Ltmp0, $4  }
0xa5: {  	v19 =	vadd.f32 v40, v19;
	v16 =	vadd.f32 v61, v17;
	v18 =	vpop (erf);
	(erf) = vpow2.f32 v15  }
0xa6: {  	v25 =	vsel vm14, $0x3F800000, v0;
	v17 =	vadd.f32 v62, v23;
	v63 =	vpop (erf);
	(erf) = vpow2.f32 v13  }
0xa7: {  	v15 =	vadd.f32 v18, v16;
	v16 =	vadd.f32 v25, v19;
	v18 =	vpop (erf);
	(erf) = vpow2.f32 v14  }
0xa8: {  	s24 =	sadd.s32 $0x200, s24;
	v13 =	vadd.f32 v41, v20;
	v17 =	vadd.f32 v63, v17;
	v14 =	vpop (erf);
	(erf) = vpow2.f32 v12  }
0xa9: {  	_ = 	snop  }
0xaa: {  	v12 =	vadd.f32 v18, v15;
	v15 =	vpop (erf);
	(erf) = vpow2.f32 v5;
	v5 =	vadd.f32 v11, v13  }
0xab: {  	v10 =	vadd.f32 v10, v16;
	v14 =	vadd.f32 v14, v17  }
0xac: {  	v11 =	vpop (erf)  }
0xad: {  	(erf) = vpow2.f32 v4;
	v8 =	vadd.f32 v8, v10;
	v4 =	vadd.f32 v11, v14;
	v11 =	vpop (erf)  }
0xae: {  	v12 =	vadd.f32 v15, v12;
	(erf) = vpow2.f32 v3;
	v3 =	vadd.f32 v9, v5;
	v5 =	vpop (erf)  }
0xaf: {  	(erf) = vpow2.f32 v2;
	v2 =	vadd.f32 v5, v4;
	v4 =	vadd.f32 v6, v8  }
0xb0: {  	v9 =	vadd.f32 v11, v12;
	(erf) = vpow2.f32 v1;
	v5 =	vpop (erf)  }
0xb1: {  	v1 =	vadd.f32 v7, v3;
	v3 =	vsel vm10, $0x3F800000, v0;
	v7 =	vsel vm9, $0x3F800000, v0;
	v6 =	vpop (erf)  }
0xb2: {  	v5 =	vadd.f32 v5, v9;
	v2 =	vadd.f32 v6, v2;
	v6 =	vsel vm8, $0x3F800000, v0  }
0xb3: {  	v1 =	vadd.f32 v7, v1;
	v3 =	vadd.f32 v3, v4;
	v4 =	vpop (erf)  }
0xb4: {  	v7 =	vpop (erf);
	v4 =	vadd.f32 v4, v5;
	v5 =	vsel vm0, $0x3F800000, v0  }
0xb5: {  	v3 =	vadd.f32 v6, v3;
	v6 =	vpop (erf);
	v1 =	vadd.f32 v5, v1;
	v5 =	vsel vm7, $0x3F800000, v0  }
0xb6: {  	v2 =	vadd.f32 v7, v2;
	v4 =	vadd.f32 v6, v4;
	v6 =	vsel vm6, $0x3F800000, v0  }
0xb7: {  	v7 =	vpop (erf);
	v3 =	vadd.f32 v5, v3;
	v1 =	vadd.f32 v6, v1;
	v6 =	vsel vm5, $0x3F800000, v0  }
0xb8: {  	v2 =	vadd.f32 v7, v2;
	v5 =	vpop (erf)  }
0xb9: {  	v3 =	vadd.f32 v6, v3;
	v7 =	vpop (erf);
	v4 =	vadd.f32 v5, v4;
	v5 =	vsel vm4, $0x3F800000, v0  }
0xba: {  	v2 =	vadd.f32 v7, v2;
	v6 =	vpop (erf);
	v1 =	vadd.f32 v5, v1;
	v5 =	vsel vm2, $0x3F800000, v0  }
0xbb: {  	v7 =	vpop (erf);
	v4 =	vadd.f32 v6, v4;
	v6 =	vsel vm3, $0x3F800000, v0;
	v3 =	vadd.f32 v5, v3  }
0xbc: {  	v2 =	vadd.f32 v7, v2;
	v1 =	vadd.f32 v6, v1  }
0xbd: {  	s23 =	sshll.u32 s21, $0x7;
	v3 =	vsub.f32 v4, v3  }
0xbe: {  	s23 =	sand.u32 $0x3FFFFF80, s23;
	v1 =	vsub.f32 v2, v1  }
0xbf: {  	[tilespmem:s23+$0xA400] =	vst v3  }
0xc0: {  	p0 =	seq.s32 s21, $0x31;
	[tilespmem:s23+$0xA410] =	vst v1  }
0xc1: {  	s31 =	simm.s32 $0x75F0;
	s24 =	sshll.u32 @!p0 s21, $0x9;
	_ =	swait.ge [sflag:s16], $0x1000  }
0xc2: {  	s26 =	simm.s32 @!p0 $0x80;
	s24 =	sand.u32 @!p0 $0x3FFFFE00, s24;
	[sflag:s16] =	ssyncset.done $0x0  }
0xc3: {  	s28 =	simm.s32 @!p0 $0x6400;
	s25 =	sadd.s32 @!p0 $0x200, s24;
	[sflag:s16] =	ssyncadd.s32 $0xFFFFF000  }
0xc4: {  	[tilespmem:s28], [sflag:$0x1] =	stream.indirect.gather @!p0 [hbm4b:s3+s26], $0x20, s25, s26, $0xb8;
	[tilespmem:$0xBD00] =	vst v63  }
0xc5: {  	v1 =	vld [tilespmem:s31+$0xFFFFFFF0]  }
0xc6: {  	v3 =	vld [tilespmem:s31+$0x0]  }
0xc7: {  	v4 =	vld [tilespmem:s31+$0xFFFFFFD0]  }
0xc8: {  	v5 =	vld [tilespmem:s31+$0xFFFFFFE0]  }
0xc9: {  	v12 =	vld [tilespmem:s31+$0xFFFFFFB0]  }
0xca: {  	v14 =	vld [tilespmem:s31+$0xFFFFFFC0]  }
0xcb: {  	v15 =	vld [tilespmem:s31+$0xFFFFFF90]  }
0xcc: {  	v17 =	vld [tilespmem:s31+$0xFFFFFFA0]  }
0xcd: {  	v18 =	vld [tilespmem:s31+$0xFFFFFF70]  }
0xce: {  	v20 =	vld [tilespmem:s31+$0xFFFFFF50]  }
0xcf: {  	v21 =	vld [tilespmem:s31+$0xFFFFFF60]  }
0xd0: {  	v39 =	vld [tilespmem:s31+$0xFFFFFE10]  }
0xd1: {  	v52 =	vimm.f32 $0.0e+00;
	v40 =	vld [tilespmem:s31+$0xFFFFFE20];
	vm2 =	veq.f32 v1, $0.0e+00  }
0xd2: {  	v42 =	vld [tilespmem:s31+$0xFFFFFE30];
	vm5 =	veq.f32 v4, $0.0e+00;
	vm4 =	veq.f32 v5, $0.0e+00;
	v2 =	vmul.f32 $1.442695020e+00, v1  }
0xd3: {  	v44 =	vld [tilespmem:s31+$0xFFFFFE40];
	vm3 =	veq.f32 v3, $0.0e+00;
	v1 =	vmul.f32 $1.442695020e+00, v3;
	v4 =	vmul.f32 $1.442695020e+00, v4  }
0xd4: {  	v45 =	vld [tilespmem:s31+$0xFFFFFE60];
	vm7 =	veq.f32 v12, $0.0e+00;
	v3 =	vmul.f32 $1.442695020e+00, v5;
	v12 =	vmul.f32 $1.442695020e+00, v12  }
0xd5: {  	v22 =	vld [tilespmem:s31+$0xFFFFFF30];
	vm0 =	veq.f32 v20, $0.0e+00;
	v5 =	vmul.f32 $1.442695020e+00, v14;
	v16 =	vmul.f32 $1.442695020e+00, v17  }
0xd6: {  	v23 =	vld [tilespmem:s31+$0xFFFFFF40];
	vm10 =	veq.f32 v18, $0.0e+00;
	v18 =	vmul.f32 $1.442695020e+00, v18;
	v20 =	vmul.f32 $1.442695020e+00, v20  }
0xd7: {  	v24 =	vld [tilespmem:s31+$0xFFFFFF10];
	vm1 =	veq.f32 v21, $0.0e+00;
	v21 =	vmul.f32 $1.442695020e+00, v21;
	v48 =	vmul.f32 $1.442695020e+00, v39  }
0xd8: {  	v25 =	vld [tilespmem:s31+$0xFFFFFF20];
	vm8 =	veq.f32 v15, $0.0e+00;
	v50 =	vmul.f32 $1.442695020e+00, v40;
	v51 =	vmul.f32 $1.442695020e+00, v42  }
0xd9: {  	v26 =	vld [tilespmem:s31+$0xFFFFFEF0];
	vm6 =	veq.f32 v14, $0.0e+00;
	v60 =	vmul.f32 $1.442695020e+00, v44;
	v61 =	vmul.f32 $1.442695020e+00, v45  }
0xda: {  	v27 =	vld [tilespmem:s31+$0xFFFFFF00];
	v6 =	vsel vm0, $0x3F800000, v0;
	vm0 =	veq.f32 v22, $0.0e+00;
	v22 =	vmul.f32 $1.442695020e+00, v22  }
0xdb: {  	v28 =	vld [tilespmem:s31+$0xFFFFFED0];
	v8 =	vsel vm0, $0x3F800000, v0;
	vm0 =	veq.f32 v23, $0.0e+00;
	v23 =	vmul.f32 $1.442695020e+00, v23  }
0xdc: {  	v29 =	vld [tilespmem:s31+$0xFFFFFEE0];
	(erf) = vpow2.f32 v48;
	v9 =	vsel vm0, $0x3F800000, v0;
	vm0 =	veq.f32 v24, $0.0e+00  }
0xdd: {  	v30 =	vld [tilespmem:s31+$0xFFFFFEB0];
	(erf) = vpow2.f32 v50;
	v10 =	vsel vm0, $0x3F800000, v0;
	vm0 =	veq.f32 v25, $0.0e+00  }
0xde: {  	v31 =	vld [tilespmem:s31+$0xFFFFFEC0];
	v24 =	vmul.f32 $1.442695020e+00, v24;
	v11 =	vsel vm0, $0x3F800000, v0;
	vm0 =	veq.f32 v26, $0.0e+00  }
0xdf: {  	v32 =	vld [tilespmem:s31+$0xFFFFFE90];
	(erf) = vpow2.f32 v51;
	v13 =	vsel vm0, $0x3F800000, v0;
	vm0 =	veq.f32 v27, $0.0e+00  }
0xe0: {  	v33 =	vld [tilespmem:s31+$0xFFFFFEA0];
	(erf) = vpow2.f32 v60;
	v14 =	vsel vm0, $0x3F800000, v0;
	vm0 =	veq.f32 v28, $0.0e+00  }
0xe1: {  	v34 =	vld [tilespmem:s31+$0xFFFFFE70];
	v26 =	vmul.f32 $1.442695020e+00, v26;
	v36 =	vsel vm0, $0x3F800000, v0;
	vm0 =	veq.f32 v29, $0.0e+00  }
0xe2: {  	v35 =	vld [tilespmem:s31+$0xFFFFFE80];
	v27 =	vmul.f32 $1.442695020e+00, v27;
	v38 =	vsel vm0, $0x3F800000, v0;
	vm0 =	veq.f32 v30, $0.0e+00  }
0xe3: {  	v37 =	vld [tilespmem:s31+$0xFFFFFE50];
	v28 =	vmul.f32 $1.442695020e+00, v28;
	v41 =	vsel vm0, $0x3F800000, v0;
	vm0 =	veq.f32 v31, $0.0e+00  }
0xe4: {  	v19 =	vld [tilespmem:s31+$0xFFFFFF80];
	v30 =	vmul.f32 $1.442695020e+00, v30;
	v43 =	vsel vm0, $0x3F800000, v0;
	vm0 =	veq.f32 v32, $0.0e+00  }
0xe5: {  	v31 =	vmul.f32 $1.442695020e+00, v31;
	v46 =	vsel vm0, $0x3F800000, v0;
	vm0 =	veq.f32 v33, $0.0e+00  }
0xe6: {  	v32 =	vmul.f32 $1.442695020e+00, v32;
	v47 =	vsel vm0, $0x3F800000, v0;
	vm0 =	veq.f32 v34, $0.0e+00  }
0xe7: {  	v33 =	vmul.f32 $1.442695020e+00, v33;
	v49 =	vsel vm0, $0x3F800000, v0;
	vm0 =	veq.f32 v35, $0.0e+00  }
0xe8: {  	v48 =	vsel vm0, $0x3F800000, v0;
	vm0 =	veq.f32 v37, $0.0e+00;
	v37 =	vmul.f32 $1.442695020e+00, v37  }
0xe9: {  	vm9 =	veq.f32 v19, $0.0e+00;
	v34 =	vmul.f32 $1.442695020e+00, v34;
	v35 =	vmul.f32 $1.442695020e+00, v35  }
0xea: {  	v51 =	vsel vm0, $0x3F800000, v0;
	vm0 =	veq.f32 v45, $0.0e+00;
	(erf) = vpow2.f32 v37  }
0xeb: {  	v50 =	vsel vm0, $0x3F800000, v0;
	vm0 =	veq.f32 v42, $0.0e+00;
	(erf) = vpow2.f32 v61  }
0xec: {  	v62 =	vsel vm0, $0x3F800000, v0;
	vm0 =	veq.f32 v44, $0.0e+00;
	(erf) = vpow2.f32 v34  }
0xed: {  	v63 =	vsel vm0, $0x3F800000, v0;
	vm0 =	veq.f32 v39, $0.0e+00;
	(erf) = vpow2.f32 v35  }
0xee: {  	v53 =	vpop (erf);
	v45 =	vsel vm0, $0x3F800000, v0;
	vm0 =	veq.f32 v40, $0.0e+00;
	(erf) = vpow2.f32 v32  }
0xef: {  	v56 =	vadd.f32 v53, v52;
	v54 =	vsel vm0, $0x3F800000, v0;
	(erf) = vpow2.f32 v33  }
0xf0: {  	v55 =	vpop (erf);
	vm0 =	veq.f32 v17, $0.0e+00;
	v17 =	vmul.f32 $1.442695020e+00, v29;
	(erf) = vpow2.f32 v30  }
0xf1: {  	v57 =	vpop (erf);
	v29 =	vadd.f32 v55, v52;
	v58 =	vadd.f32 v45, v52;
	(erf) = vpow2.f32 v31  }
0xf2: {  	v59 =	vpop (erf);
	v60 =	vadd.f32 v57, v56;
	v33 =	vadd.f32 v54, v52;
	(erf) = vpow2.f32 v28  }
0xf3: {  	v29 =	vadd.f32 v59, v29;
	v61 =	vpop (erf);
	(erf) = vpow2.f32 v17;
	v17 =	vadd.f32 v62, v58  }
0xf4: {  	v62 =	vadd.f32 v63, v33;
	v63 =	vpop (erf);
	(erf) = vpow2.f32 v26;
	v37 =	vadd.f32 v61, v60  }
0xf5: {  	v25 =	vmul.f32 $1.442695020e+00, v25;
	v40 =	vpop (erf);
	(erf) = vpow2.f32 v27;
	v17 =	vadd.f32 v51, v17  }
0xf6: {  	v39 =	vadd.f32 v63, v29;
	v44 =	vpop (erf);
	(erf) = vpow2.f32 v24;
	v45 =	vadd.f32 v40, v37  }
0xf7: {  	v42 =	vadd.f32 v50, v62;
	v51 =	vpop (erf);
	(erf) = vpow2.f32 v25;
	v17 =	vadd.f32 v49, v17  }
0xf8: {  	v50 =	vadd.f32 v44, v39;
	v53 =	vpop (erf);
	(erf) = vpow2.f32 v22;
	v54 =	vadd.f32 v51, v45  }
0xf9: {  	v52 =	vadd.f32 v48, v42;
	v56 =	vpop (erf);
	(erf) = vpow2.f32 v23;
	v17 =	vadd.f32 v46, v17  }
0xfa: {  	v55 =	vadd.f32 v53, v50;
	v58 =	vpop (erf);
	(erf) = vpow2.f32 v20;
	v20 =	vadd.f32 v56, v54  }
0xfb: {  	v57 =	vadd.f32 v47, v52;
	v60 =	vpop (erf);
	(erf) = vpow2.f32 v21;
	v17 =	vadd.f32 v41, v17  }
0xfc: {  	v19 =	vmul.f32 $1.442695020e+00, v19;
	v62 =	vpop (erf);
	(erf) = vpow2.f32 v18;
	v18 =	vadd.f32 v60, v20  }
0xfd: {  	v15 =	vmul.f32 $1.442695020e+00, v15;
	v59 =	vadd.f32 v58, v55;
	v61 =	vadd.f32 v43, v57  }
0xfe: {  	v7 =	vsel vm1, $0x3F800000, v0;
	v63 =	vpop (erf);
	(erf) = vpow2.f32 v19;
	v19 =	vadd.f32 v36, v17  }
0xff: {  	v20 =	vadd.f32 v62, v59;
	v21 =	vadd.f32 v38, v61;
	(erf) = vpow2.f32 v15;
	v17 =	vpop (erf)  }
0x100: {  	v15 =	vadd.f32 v63, v18;
	(erf) = vpow2.f32 v16;
	v16 =	vadd.f32 v13, v19;
	v18 =	vpop (erf)  }
0x101: {  	s25 =	simm.s32 $0x0;
	s26 =	simm.s32 $0x77F0;
	v13 =	vadd.f32 v14, v21;
	v17 =	vadd.f32 v17, v20;
	(erf) = vpow2.f32 v12;
	v14 =	vpop (erf)  }
.LBB2_5:
0x102: {  	_ = 	snop  }
0x103: {  	v15 =	vadd.f32 v18, v15;
	v18 =	vadd.f32 v14, v17;
	v17 =	vpop (erf);
	(erf) = vpow2.f32 v5  }
0x104: {  	v27 =	vld [tilespmem:s26+$0xFFFFFEE0];
	v16 =	vadd.f32 v10, v16;
	v11 =	vadd.f32 v11, v13;
	v13 =	vpop (erf);
	(erf) = vpow2.f32 v4  }
0x105: {  	v28 =	vld [tilespmem:s26+$0xFFFFFEB0];
	v15 =	vadd.f32 v17, v15;
	v17 =	vadd.f32 v13, v18;
	v14 =	vpop (erf);
	(erf) = vpow2.f32 v3  }
0x106: {  	v29 =	vld [tilespmem:s26+$0xFFFFFEC0];
	v16 =	vadd.f32 v8, v16;
	v9 =	vadd.f32 v9, v11;
	v10 =	vpop (erf);
	(erf) = vpow2.f32 v2  }
0x107: {  	v31 =	vld [tilespmem:s26+$0xFFFFFE80];
	v2 =	vadd.f32 v14, v15;
	v17 =	vadd.f32 v10, v17;
	v13 =	vpop (erf);
	(erf) = vpow2.f32 v1  }
0x108: {  	v1 =	vadd.f32 v6, v16;
	v6 =	vadd.f32 v7, v9;
	v7 =	vsel vm10, $0x3F800000, v0  }
0x109: {  	v16 =	vsel vm9, $0x3F800000, v0;
	vm13 =	veq.f32 v27, $0.0e+00;
	v8 =	vpop (erf);
	v2 =	vadd.f32 v13, v2  }
0x10a: {  	vm11 =	veq.f32 v28, $0.0e+00;
	v8 =	vadd.f32 v8, v17;
	v13 =	vpop (erf);
	v1 =	vadd.f32 v7, v1  }
0x10b: {  	vm10 =	veq.f32 v29, $0.0e+00;
	v7 =	vsel vm8, $0x3F800000, v0;
	v10 =	vpop (erf);
	v2 =	vadd.f32 v13, v2  }
0x10c: {  	v12 =	vld [tilespmem:s26+$0xFFFFFFF0];
	vm9 =	veq.f32 v31, $0.0e+00;
	v8 =	vadd.f32 v10, v8;
	v13 =	vpop (erf);
	v1 =	vadd.f32 v7, v1  }
0x10d: {  	v27 =	vmul.f32 $1.442695020e+00, v27;
	v7 =	vsel vm7, $0x3F800000, v0;
	v10 =	vpop (erf);
	v2 =	vadd.f32 v13, v2  }
0x10e: {  	v4 =	vld [tilespmem:s26+$0xFFFFFFD0];
	v28 =	vmul.f32 $1.442695020e+00, v28;
	v8 =	vadd.f32 v10, v8;
	v13 =	vpop (erf);
	v1 =	vadd.f32 v7, v1  }
0x10f: {  	v29 =	vmul.f32 $1.442695020e+00, v29;
	v7 =	vsel vm5, $0x3F800000, v0;
	v10 =	vpop (erf);
	v2 =	vadd.f32 v13, v2  }
0x110: {  	v3 =	vld [tilespmem:s26+$0xFFFFFFE0];
	v31 =	vmul.f32 $1.442695020e+00, v31;
	v8 =	vadd.f32 v10, v8;
	v13 =	vpop (erf);
	v1 =	vadd.f32 v7, v1  }
0x111: {  	v30 =	vld [tilespmem:s26+$0xFFFFFE90];
	v17 =	vsel vm0, $0x3F800000, v0;
	vm0 =	veq.f32 v12, $0.0e+00;
	v7 =	vsel vm2, $0x3F800000, v0;
	v10 =	vpop (erf)  }
0x112: {  	v5 =	vld [tilespmem:s26+$0x0];
	v18 =	vadd.f32 v10, v8;
	v10 =	vimm.s32 $0x0;
	v19 =	vadd.f32 v7, v1  }
0x113: {  	v32 =	vld [tilespmem:s26+$0xFFFFFE50];
	v1 =	vimm.s32 $0x0;
	v10 =	vsel vm0, $0xFFFFFFFF, v10;
	vm0 =	veq.f32 v4, $0.0e+00  }
0x114: {  	v9 =	vld [tilespmem:s26+$0xFFFFFF90];
	v42 =	vsel vm13, $0x3F800000, v0;
	v6 =	vadd.f32 v16, v6;
	v1 =	vsel vm0, $0xFFFFFFFF, v1  }
0x115: {  	v33 =	vld [tilespmem:s26+$0xFFFFFE60];
	v43 =	vsel vm10, $0x3F800000, v0;
	vm0 =	veq.f32 v3, $0.0e+00;
	[tilespmem:$0x1FEA0] =	vst v1;
	v1 =	vimm.s32 $0x0  }
0x116: {  	v11 =	vld [tilespmem:s26+$0xFFFFFFB0];
	v6 =	vadd.f32 v17, v6;
	v17 =	vsel vm6, $0x3F800000, v0;
	v1 =	vsel vm0, $0xFFFFFFFF, v1  }
0x117: {  	v21 =	vld [tilespmem:s26+$0xFFFFFF80];
	vm6 =	veq.f32 v30, $0.0e+00;
	vm0 =	veq.f32 v5, $0.0e+00;
	[tilespmem:$0x1FEB0] =	vst v1;
	v1 =	vimm.s32 $0x0  }
0x118: {  	v14 =	vld [tilespmem:s26+$0xFFFFFFC0];
	v30 =	vmul.f32 $1.442695020e+00, v30;
	v6 =	vadd.f32 v17, v6;
	v1 =	vsel vm0, $0xFFFFFFFF, v1  }
0x119: {  	v22 =	vld [tilespmem:s26+$0xFFFFFF50];
	v17 =	vsel vm4, $0x3F800000, v0;
	vm0 =	veq.f32 v9, $0.0e+00;
	[tilespmem:$0x1FEC0] =	vst v1;
	v1 =	vimm.s32 $0x0  }
0x11a: {  	v16 =	vld [tilespmem:s26+$0xFFFFFF70];
	vm5 =	veq.f32 v32, $0.0e+00;
	vm4 =	veq.f32 v33, $0.0e+00;
	v1 =	vsel vm0, $0xFFFFFFFF, v1  }
0x11b: {  	v52 =	vld [tilespmem:s26+$0xFFFFFE30];
	v32 =	vmul.f32 $1.442695020e+00, v32;
	vm0 =	veq.f32 v11, $0.0e+00;
	[tilespmem:$0x1FE80] =	vst v1;
	v1 =	vimm.s32 $0x0  }
0x11c: {  	v23 =	vld [tilespmem:s26+$0xFFFFFF60];
	v33 =	vmul.f32 $1.442695020e+00, v33;
	v57 =	vsel vm4, $0x3F800000, v0;
	v1 =	vsel vm0, $0xFFFFFFFF, v1  }
0x11d: {  	v24 =	vld [tilespmem:s26+$0xFFFFFF30];
	v6 =	vadd.f32 v17, v6;
	vm0 =	veq.f32 v14, $0.0e+00;
	[tilespmem:$0x1FE70] =	vst v1;
	v1 =	vimm.s32 $0x0  }
0x11e: {  	v15 =	vld [tilespmem:s26+$0xFFFFFFA0];
	v17 =	vadd.f32 v13, v2;
	v2 =	vsel vm3, $0x3F800000, v0;
	v1 =	vsel vm0, $0xFFFFFFFF, v1  }
0x11f: {  	v13 =	vimm.s32 $0x0;
	v7 =	vld [tilespmem:s26+$0xFFFFFF00];
	vm0 =	veq.f32 v16, $0.0e+00;
	[tilespmem:$0x1FE60] =	vst v1;
	v1 =	vimm.s32 $0x0  }
0x120: {  	vm3 =	veq.f32 v52, $0.0e+00;
	v8 =	vld [tilespmem:s26+$0xFFFFFF20];
	v20 =	vadd.f32 v2, v6;
	v1 =	vsel vm0, $0xFFFFFFFF, v1  }
0x121: {  	v6 =	vld [tilespmem:s26+$0xFFFFFEF0];
	v2 =	vmul.f32 $1.442695020e+00, v12;
	vm0 =	veq.f32 v21, $0.0e+00;
	[tilespmem:$0x1FE50] =	vst v1;
	v1 =	vimm.s32 $0x0  }
0x122: {  	v25 =	vld [tilespmem:s26+$0xFFFFFF40];
	v12 =	vmul.f32 $1.442695020e+00, v11;
	v58 =	vsel vm3, $0x3F800000, v0;
	[tilespmem:$0x1FED0] =	vst v10;
	v1 =	vsel vm0, $0xFFFFFFFF, v1  }
0x123: {  	v4 =	vmul.f32 $1.442695020e+00, v4;
	v10 =	vld [tilespmem:s26+$0xFFFFFED0];
	vm0 =	veq.f32 v15, $0.0e+00;
	[tilespmem:$0x1FE90] =	vst v1;
	v1 =	vimm.s32 $0x0  }
0x124: {  	vm15 =	veq.f32 v7, $0.0e+00;
	v36 =	vmul.f32 $1.442695020e+00, v7;
	v7 =	vld [tilespmem:s26+$0xFFFFFE20];
	v1 =	vsel vm0, $0xFFFFFFFF, v1  }
0x125: {  	v3 =	vmul.f32 $1.442695020e+00, v3;
	v47 =	vld [tilespmem:$0x1FEB0];
	vm0 =	veq.f32 v22, $0.0e+00;
	[tilespmem:$0x1FEE0] =	vst v1;
	v1 =	vimm.s32 $0x0  }
0x126: {  	v34 =	vmul.f32 $1.442695020e+00, v8;
	v35 =	vmul.f32 $1.442695020e+00, v6;
	v11 =	vld [tilespmem:s26+$0xFFFFFEA0];
	v1 =	vsel vm0, $0xFFFFFFFF, v1  }
0x127: {  	v41 =	vsel vm15, $0x3F800000, v0;
	v59 =	vld [tilespmem:$0x1FEC0];
	vm0 =	veq.f32 v23, $0.0e+00;
	[tilespmem:$0x1FDE0] =	vst v1;
	v1 =	vimm.s32 $0x0  }
0x128: {  	v26 =	vld [tilespmem:s26+$0xFFFFFF10];
	vm12 =	veq.f32 v10, $0.0e+00;
	v37 =	vmul.f32 $1.442695020e+00, v10;
	v1 =	vsel vm0, $0xFFFFFFFF, v1  }
0x129: {  	v10 =	vmul.f32 $1.442695020e+00, v7;
	v44 =	vld [tilespmem:$0x1FE50];
	vm0 =	veq.f32 v24, $0.0e+00;
	[tilespmem:$0x1FDF0] =	vst v1;
	v1 =	vimm.s32 $0x0  }
0x12a: {  	vm4 =	vnez.u8 v47;
	v16 =	vmul.f32 $1.442695020e+00, v16;
	v1 =	vsel vm0, $0xFFFFFFFF, v1  }
0x12b: {  	v45 =	vld [tilespmem:$0x1FE70];
	vm7 =	veq.f32 v11, $0.0e+00;
	vm0 =	veq.f32 v25, $0.0e+00;
	[tilespmem:$0x1FE00] =	vst v1;
	v1 =	vimm.s32 $0x0  }
0x12c: {  	v38 =	vmul.f32 $1.442695020e+00, v11;
	vm3 =	vnez.u8 v59;
	v1 =	vsel vm0, $0xFFFFFFFF, v1  }
0x12d: {  	v46 =	vld [tilespmem:$0x1FE90];
	vm0 =	veq.f32 v26, $0.0e+00;
	[tilespmem:$0x1FE10] =	vst v1;
	v1 =	vmul.f32 $1.442695020e+00, v5;
	v5 =	vimm.s32 $0x0  }
0x12e: {  	v22 =	vmul.f32 $1.442695020e+00, v22;
	vm10 =	vnez.u8 v44;
	v5 =	vsel vm0, $0xFFFFFFFF, v5  }
0x12f: {  	v44 =	vsel vm7, $0x3F800000, v0;
	vm0 =	veq.f32 v8, $0.0e+00;
	v8 =	vld [tilespmem:s26+$0xFFFFFE40];
	[tilespmem:$0x1FE20] =	vst v5;
	v5 =	vimm.s32 $0x0  }
0x130: {  	vm7 =	vnez.u8 v45;
	v5 =	vsel vm0, $0xFFFFFFFF, v5;
	vm0 =	veq.f32 v6, $0.0e+00  }
0x131: {  	v45 =	vsel vm9, $0x3F800000, v0;
	v24 =	vmul.f32 $1.442695020e+00, v24;
	v6 =	vld [tilespmem:s26+$0xFFFFFE10];
	v13 =	vsel vm0, $0xFFFFFFFF, v13  }
0x132: {  	vm9 =	vnez.u8 v46;
	vm0 =	veq.f32 v7, $0.0e+00;
	[tilespmem:$0x1FE40] =	vst v13;
	v13 =	vmul.f32 $1.442695020e+00, v9;
	v9 =	vld [tilespmem:s26+$0xFFFFFE70]  }
0x133: {  	v26 =	vmul.f32 $1.442695020e+00, v26;
	[tilespmem:$0x1FE30] =	vst v5;
	v5 =	vmul.f32 $1.442695020e+00, v14;
	v49 =	vsel vm0, $0x3F800000, v0  }
0x134: {  	v14 =	vmul.f32 $1.442695020e+00, v15;
	vm2 =	veq.f32 v8, $0.0e+00;
	v20 =	vadd.f32 v49, v20  }
0x135: {  	v50 =	vld [tilespmem:$0x1FEE0];
	v15 =	vmul.f32 $1.442695020e+00, v21;
	v21 =	vmul.f32 $1.442695020e+00, v23;
	v60 =	vsel vm2, $0x3F800000, v0  }
0x136: {  	v48 =	vld [tilespmem:$0x1FED0];
	v23 =	vmul.f32 $1.442695020e+00, v25;
	vm1 =	veq.f32 v6, $0.0e+00;
	v20 =	vadd.f32 v60, v20  }
0x137: {  	vm8 =	veq.f32 v9, $0.0e+00;
	v39 =	vmul.f32 $1.442695020e+00, v9;
	v9 =	vmul.f32 $1.442695020e+00, v6;
	v6 =	vld [tilespmem:$0x1FDE0]  }
0x138: {  	v25 =	vmul.f32 $1.442695020e+00, v52;
	v7 =	vld [tilespmem:$0x1FDF0];
	v62 =	vsel vm1, $0x3F800000, v0;
	v20 =	vadd.f32 v57, v20  }
0x139: {  	v40 =	vmul.f32 $1.442695020e+00, v8;
	v8 =	vld [tilespmem:$0x1FE00];
	v19 =	vadd.f32 v62, v19;
	(erf) = vpow2.f32 v9  }
0x13a: {  	v54 =	vld [tilespmem:$0x1FE60];
	vm0 =	vnez.u8 v50;
	v20 =	vadd.f32 v45, v20;
	(erf) = vpow2.f32 v10  }
0x13b: {  	vm2 =	vnez.u8 v48;
	v9 =	vld [tilespmem:$0x1FE10];
	v19 =	vadd.f32 v58, v19;
	(erf) = vpow2.f32 v25  }
0x13c: {  	v20 =	vadd.f32 v44, v20;
	vm14 =	vnez.u8 v6;
	(erf) = vpow2.f32 v40  }
0x13d: {  	v10 =	vld [tilespmem:$0x1FE20];
	v6 =	vsel vm14, $0x3F800000, v0;
	vm14 =	vnez.u8 v7;
	(erf) = vpow2.f32 v32  }
0x13e: {  	v11 =	vld [tilespmem:$0x1FE30];
	v7 =	vsel vm14, $0x3F800000, v0;
	vm14 =	vnez.u8 v8;
	(erf) = vpow2.f32 v33  }
0x13f: {  	v33 =	vsel vm6, $0x3F800000, v0;
	vm6 =	vnez.u8 v54;
	(erf) = vpow2.f32 v39  }
0x140: {  	v53 =	vld [tilespmem:$0x1FE40];
	v8 =	vsel vm14, $0x3F800000, v0;
	vm14 =	vnez.u8 v9;
	(erf) = vpow2.f32 v31  }
0x141: {  	v39 =	vsel vm8, $0x3F800000, v0;
	v9 =	vsel vm14, $0x3F800000, v0;
	(erf) = vpow2.f32 v30  }
0x142: {  	v55 =	vld [tilespmem:$0x1FE80];
	vm14 =	vnez.u8 v10;
	v31 =	vsel vm5, $0x3F800000, v0;
	v61 =	vpop (erf);
	(erf) = vpow2.f32 v38  }
0x143: {  	v10 =	vsel vm14, $0x3F800000, v0;
	vm14 =	vnez.u8 v11;
	v63 =	vpop (erf);
	(erf) = vpow2.f32 v28  }
0x144: {  	v56 =	vld [tilespmem:$0x1FEA0];
	v17 =	vadd.f32 v61, v17;
	v18 =	vadd.f32 v63, v18;
	v51 =	vpop (erf);
	(erf) = vpow2.f32 v29  }
0x145: {  	v11 =	vsel vm14, $0x3F800000, v0;
	vm14 =	vnez.u8 v53;
	v52 =	vpop (erf);
	(erf) = vpow2.f32 v37  }
0x146: {  	v17 =	vadd.f32 v51, v17;
	v18 =	vadd.f32 v52, v18;
	v53 =	vpop (erf);
	(erf) = vpow2.f32 v27  }
0x147: {  	vm8 =	vnez.u8 v55;
	v19 =	vadd.f32 v31, v19;
	v54 =	vpop (erf);
	(erf) = vpow2.f32 v35  }
0x148: {  	v17 =	vadd.f32 v53, v17;
	v18 =	vadd.f32 v54, v18;
	v55 =	vpop (erf);
	(erf) = vpow2.f32 v36  }
0x149: {  	vm5 =	vnez.u8 v56;
	v19 =	vadd.f32 v39, v19;
	v56 =	vpop (erf);
	(erf) = vpow2.f32 v26  }
0x14a: {  	v17 =	vadd.f32 v55, v17;
	v18 =	vadd.f32 v56, v18;
	v57 =	vpop (erf);
	(erf) = vpow2.f32 v34  }
0x14b: {  	v40 =	vsel vm12, $0x3F800000, v0;
	v19 =	vadd.f32 v33, v19;
	v58 =	vpop (erf);
	(erf) = vpow2.f32 v24  }
0x14c: {  	v17 =	vadd.f32 v57, v17;
	v18 =	vadd.f32 v58, v18;
	v59 =	vpop (erf);
	(erf) = vpow2.f32 v23  }
0x14d: {  	s25 =	sadd.s32 $0x10, s25;
	v32 =	vsel vm11, $0x3F800000, v0;
	v20 =	vadd.f32 v43, v20;
	v60 =	vpop (erf);
	(erf) = vpow2.f32 v22  }
0x14e: {  	p1 =	slt.u32 s25, $0x70;
	v19 =	vadd.f32 v32, v19;
	v17 =	vadd.f32 v59, v17;
	v61 =	vpop (erf);
	(erf) = vpow2.f32 v21  }
.Ltmp1:
0x14f: {  	v20 =	vadd.f32 v42, v20;
	v23 =	vadd.f32 v60, v18;
	v62 =	vpop (erf);
	(erf) = vpow2.f32 v16;
	(pc) =	sbr.rel @p1 .LBB2_5-.Ltmp1, $4  }
0x150: {  	v19 =	vadd.f32 v40, v19;
	v16 =	vadd.f32 v61, v17;
	v18 =	vpop (erf);
	(erf) = vpow2.f32 v15  }
0x151: {  	v25 =	vsel vm14, $0x3F800000, v0;
	v17 =	vadd.f32 v62, v23;
	v63 =	vpop (erf);
	(erf) = vpow2.f32 v13  }
0x152: {  	v15 =	vadd.f32 v18, v16;
	v16 =	vadd.f32 v25, v19;
	v18 =	vpop (erf);
	(erf) = vpow2.f32 v14  }
0x153: {  	s26 =	sadd.s32 $0x200, s26;
	v13 =	vadd.f32 v41, v20;
	v17 =	vadd.f32 v63, v17;
	v14 =	vpop (erf);
	(erf) = vpow2.f32 v12  }
0x154: {  	_ = 	snop  }
0x155: {  	v12 =	vadd.f32 v18, v15;
	v15 =	vpop (erf);
	(erf) = vpow2.f32 v5;
	v5 =	vadd.f32 v11, v13  }
0x156: {  	v10 =	vadd.f32 v10, v16;
	v14 =	vadd.f32 v14, v17  }
0x157: {  	v11 =	vpop (erf)  }
0x158: {  	(erf) = vpow2.f32 v4;
	v8 =	vadd.f32 v8, v10;
	v4 =	vadd.f32 v11, v14;
	v11 =	vpop (erf)  }
0x159: {  	v12 =	vadd.f32 v15, v12;
	(erf) = vpow2.f32 v3;
	v3 =	vadd.f32 v9, v5;
	v5 =	vpop (erf)  }
0x15a: {  	(erf) = vpow2.f32 v2;
	v2 =	vadd.f32 v5, v4;
	v4 =	vadd.f32 v6, v8  }
0x15b: {  	v9 =	vadd.f32 v11, v12;
	(erf) = vpow2.f32 v1;
	v5 =	vpop (erf)  }
0x15c: {  	v1 =	vadd.f32 v7, v3;
	v3 =	vsel vm10, $0x3F800000, v0;
	v7 =	vsel vm9, $0x3F800000, v0;
	v6 =	vpop (erf)  }
0x15d: {  	v5 =	vadd.f32 v5, v9;
	v2 =	vadd.f32 v6, v2;
	v6 =	vsel vm8, $0x3F800000, v0  }
0x15e: {  	v1 =	vadd.f32 v7, v1;
	v3 =	vadd.f32 v3, v4;
	v4 =	vpop (erf)  }
0x15f: {  	v7 =	vpop (erf);
	v4 =	vadd.f32 v4, v5;
	v5 =	vsel vm0, $0x3F800000, v0  }
0x160: {  	v3 =	vadd.f32 v6, v3;
	v6 =	vpop (erf);
	v1 =	vadd.f32 v5, v1;
	v5 =	vsel vm7, $0x3F800000, v0  }
0x161: {  	v2 =	vadd.f32 v7, v2;
	v4 =	vadd.f32 v6, v4;
	v6 =	vsel vm6, $0x3F800000, v0  }
0x162: {  	v7 =	vpop (erf);
	v3 =	vadd.f32 v5, v3;
	v1 =	vadd.f32 v6, v1;
	v6 =	vsel vm5, $0x3F800000, v0  }
0x163: {  	v2 =	vadd.f32 v7, v2;
	v5 =	vpop (erf)  }
0x164: {  	v3 =	vadd.f32 v6, v3;
	v7 =	vpop (erf);
	v4 =	vadd.f32 v5, v4;
	v5 =	vsel vm4, $0x3F800000, v0  }
0x165: {  	v2 =	vadd.f32 v7, v2;
	v6 =	vpop (erf);
	v1 =	vadd.f32 v5, v1;
	v5 =	vsel vm2, $0x3F800000, v0  }
0x166: {  	v7 =	vpop (erf);
	v4 =	vadd.f32 v6, v4;
	v6 =	vsel vm3, $0x3F800000, v0;
	v3 =	vadd.f32 v5, v3  }
0x167: {  	v2 =	vadd.f32 v7, v2;
	v1 =	vadd.f32 v6, v1  }
0x168: {  	v3 =	vsub.f32 v4, v3  }
0x169: {  	v1 =	vsub.f32 v2, v1  }
0x16a: {  	[tilespmem:s23+$0xA420] =	vst v3  }
0x16b: {  	[tilespmem:s23+$0xA430] =	vst v1  }
0x16c: {  	_ =	swait.ge [sflag:s17], $0x1000  }
0x16d: {  	s25 =	sadd.s32 @!p0 $0x280, s24;
	s26 =	simm.s32 @!p0 $0x80;
	[sflag:s17] =	ssyncset.done $0x0  }
0x16e: {  	s28 =	simm.s32 @!p0 $0x7400;
	s31 =	simm.s32 $0x85F0;
	[sflag:s17] =	ssyncadd.s32 $0xFFFFF000  }
0x16f: {  	[tilespmem:s28], [sflag:$0x2] =	stream.indirect.gather @!p0 [hbm4b:s3+s26], $0x20, s25, s26, $0xb8;
	[tilespmem:$0xBD00] =	vst v63  }
0x170: {  	v1 =	vld [tilespmem:s31+$0xFFFFFFF0]  }
0x171: {  	v3 =	vld [tilespmem:s31+$0x0]  }
0x172: {  	v4 =	vld [tilespmem:s31+$0xFFFFFFD0]  }
0x173: {  	v5 =	vld [tilespmem:s31+$0xFFFFFFE0]  }
0x174: {  	v12 =	vld [tilespmem:s31+$0xFFFFFFB0]  }
0x175: {  	v14 =	vld [tilespmem:s31+$0xFFFFFFC0]  }
0x176: {  	v15 =	vld [tilespmem:s31+$0xFFFFFF90]  }
0x177: {  	v17 =	vld [tilespmem:s31+$0xFFFFFFA0]  }
0x178: {  	v18 =	vld [tilespmem:s31+$0xFFFFFF70]  }
0x179: {  	v20 =	vld [tilespmem:s31+$0xFFFFFF50]  }
0x17a: {  	v21 =	vld [tilespmem:s31+$0xFFFFFF60]  }
0x17b: {  	v39 =	vld [tilespmem:s31+$0xFFFFFE10]  }
0x17c: {  	v52 =	vimm.f32 $0.0e+00;
	v40 =	vld [tilespmem:s31+$0xFFFFFE20];
	vm2 =	veq.f32 v1, $0.0e+00  }
0x17d: {  	v42 =	vld [tilespmem:s31+$0xFFFFFE30];
	vm5 =	veq.f32 v4, $0.0e+00;
	vm4 =	veq.f32 v5, $0.0e+00;
	v2 =	vmul.f32 $1.442695020e+00, v1  }
0x17e: {  	v44 =	vld [tilespmem:s31+$0xFFFFFE40];
	vm3 =	veq.f32 v3, $0.0e+00;
	v1 =	vmul.f32 $1.442695020e+00, v3;
	v4 =	vmul.f32 $1.442695020e+00, v4  }
0x17f: {  	v45 =	vld [tilespmem:s31+$0xFFFFFE60];
	vm7 =	veq.f32 v12, $0.0e+00;
	v3 =	vmul.f32 $1.442695020e+00, v5;
	v12 =	vmul.f32 $1.442695020e+00, v12  }
0x180: {  	v22 =	vld [tilespmem:s31+$0xFFFFFF30];
	vm0 =	veq.f32 v20, $0.0e+00;
	v5 =	vmul.f32 $1.442695020e+00, v14;
	v16 =	vmul.f32 $1.442695020e+00, v17  }
0x181: {  	v23 =	vld [tilespmem:s31+$0xFFFFFF40];
	vm10 =	veq.f32 v18, $0.0e+00;
	v18 =	vmul.f32 $1.442695020e+00, v18;
	v20 =	vmul.f32 $1.442695020e+00, v20  }
0x182: {  	v24 =	vld [tilespmem:s31+$0xFFFFFF10];
	vm1 =	veq.f32 v21, $0.0e+00;
	v21 =	vmul.f32 $1.442695020e+00, v21;
	v48 =	vmul.f32 $1.442695020e+00, v39  }
0x183: {  	v25 =	vld [tilespmem:s31+$0xFFFFFF20];
	vm8 =	veq.f32 v15, $0.0e+00;
	v50 =	vmul.f32 $1.442695020e+00, v40;
	v51 =	vmul.f32 $1.442695020e+00, v42  }
0x184: {  	v26 =	vld [tilespmem:s31+$0xFFFFFEF0];
	vm6 =	veq.f32 v14, $0.0e+00;
	v60 =	vmul.f32 $1.442695020e+00, v44;
	v61 =	vmul.f32 $1.442695020e+00, v45  }
0x185: {  	v27 =	vld [tilespmem:s31+$0xFFFFFF00];
	v6 =	vsel vm0, $0x3F800000, v0;
	vm0 =	veq.f32 v22, $0.0e+00;
	v22 =	vmul.f32 $1.442695020e+00, v22  }
0x186: {  	v28 =	vld [tilespmem:s31+$0xFFFFFED0];
	v8 =	vsel vm0, $0x3F800000, v0;
	vm0 =	veq.f32 v23, $0.0e+00;
	v23 =	vmul.f32 $1.442695020e+00, v23  }
0x187: {  	v29 =	vld [tilespmem:s31+$0xFFFFFEE0];
	(erf) = vpow2.f32 v48;
	v9 =	vsel vm0, $0x3F800000, v0;
	vm0 =	veq.f32 v24, $0.0e+00  }
0x188: {  	v30 =	vld [tilespmem:s31+$0xFFFFFEB0];
	(erf) = vpow2.f32 v50;
	v10 =	vsel vm0, $0x3F800000, v0;
	vm0 =	veq.f32 v25, $0.0e+00  }
0x189: {  	v31 =	vld [tilespmem:s31+$0xFFFFFEC0];
	v24 =	vmul.f32 $1.442695020e+00, v24;
	v11 =	vsel vm0, $0x3F800000, v0;
	vm0 =	veq.f32 v26, $0.0e+00  }
0x18a: {  	v32 =	vld [tilespmem:s31+$0xFFFFFE90];
	(erf) = vpow2.f32 v51;
	v13 =	vsel vm0, $0x3F800000, v0;
	vm0 =	veq.f32 v27, $0.0e+00  }
0x18b: {  	v33 =	vld [tilespmem:s31+$0xFFFFFEA0];
	(erf) = vpow2.f32 v60;
	v14 =	vsel vm0, $0x3F800000, v0;
	vm0 =	veq.f32 v28, $0.0e+00  }
0x18c: {  	v34 =	vld [tilespmem:s31+$0xFFFFFE70];
	v26 =	vmul.f32 $1.442695020e+00, v26;
	v36 =	vsel vm0, $0x3F800000, v0;
	vm0 =	veq.f32 v29, $0.0e+00  }
0x18d: {  	v35 =	vld [tilespmem:s31+$0xFFFFFE80];
	v27 =	vmul.f32 $1.442695020e+00, v27;
	v38 =	vsel vm0, $0x3F800000, v0;
	vm0 =	veq.f32 v30, $0.0e+00  }
0x18e: {  	v37 =	vld [tilespmem:s31+$0xFFFFFE50];
	v28 =	vmul.f32 $1.442695020e+00, v28;
	v41 =	vsel vm0, $0x3F800000, v0;
	vm0 =	veq.f32 v31, $0.0e+00  }
0x18f: {  	v19 =	vld [tilespmem:s31+$0xFFFFFF80];
	v30 =	vmul.f32 $1.442695020e+00, v30;
	v43 =	vsel vm0, $0x3F800000, v0;
	vm0 =	veq.f32 v32, $0.0e+00  }
0x190: {  	v31 =	vmul.f32 $1.442695020e+00, v31;
	v46 =	vsel vm0, $0x3F800000, v0;
	vm0 =	veq.f32 v33, $0.0e+00  }
0x191: {  	v32 =	vmul.f32 $1.442695020e+00, v32;
	v47 =	vsel vm0, $0x3F800000, v0;
	vm0 =	veq.f32 v34, $0.0e+00  }
0x192: {  	v33 =	vmul.f32 $1.442695020e+00, v33;
	v49 =	vsel vm0, $0x3F800000, v0;
	vm0 =	veq.f32 v35, $0.0e+00  }
0x193: {  	v48 =	vsel vm0, $0x3F800000, v0;
	vm0 =	veq.f32 v37, $0.0e+00;
	v37 =	vmul.f32 $1.442695020e+00, v37  }
0x194: {  	vm9 =	veq.f32 v19, $0.0e+00;
	v34 =	vmul.f32 $1.442695020e+00, v34;
	v35 =	vmul.f32 $1.442695020e+00, v35  }
0x195: {  	v51 =	vsel vm0, $0x3F800000, v0;
	vm0 =	veq.f32 v45, $0.0e+00;
	(erf) = vpow2.f32 v37  }
0x196: {  	v50 =	vsel vm0, $0x3F800000, v0;
	vm0 =	veq.f32 v42, $0.0e+00;
	(erf) = vpow2.f32 v61  }
0x197: {  	v62 =	vsel vm0, $0x3F800000, v0;
	vm0 =	veq.f32 v44, $0.0e+00;
	(erf) = vpow2.f32 v34  }
0x198: {  	v63 =	vsel vm0, $0x3F800000, v0;
	vm0 =	veq.f32 v39, $0.0e+00;
	(erf) = vpow2.f32 v35  }
0x199: {  	v53 =	vpop (erf);
	v45 =	vsel vm0, $0x3F800000, v0;
	vm0 =	veq.f32 v40, $0.0e+00;
	(erf) = vpow2.f32 v32  }
0x19a: {  	v56 =	vadd.f32 v53, v52;
	v54 =	vsel vm0, $0x3F800000, v0;
	(erf) = vpow2.f32 v33  }
0x19b: {  	v55 =	vpop (erf);
	vm0 =	veq.f32 v17, $0.0e+00;
	v17 =	vmul.f32 $1.442695020e+00, v29;
	(erf) = vpow2.f32 v30  }
0x19c: {  	v57 =	vpop (erf);
	v29 =	vadd.f32 v55, v52;
	v58 =	vadd.f32 v45, v52;
	(erf) = vpow2.f32 v31  }
0x19d: {  	v59 =	vpop (erf);
	v60 =	vadd.f32 v57, v56;
	v33 =	vadd.f32 v54, v52;
	(erf) = vpow2.f32 v28  }
0x19e: {  	v29 =	vadd.f32 v59, v29;
	v61 =	vpop (erf);
	(erf) = vpow2.f32 v17;
	v17 =	vadd.f32 v62, v58  }
0x19f: {  	v62 =	vadd.f32 v63, v33;
	v63 =	vpop (erf);
	(erf) = vpow2.f32 v26;
	v37 =	vadd.f32 v61, v60  }
0x1a0: {  	v25 =	vmul.f32 $1.442695020e+00, v25;
	v40 =	vpop (erf);
	(erf) = vpow2.f32 v27;
	v17 =	vadd.f32 v51, v17  }
0x1a1: {  	v39 =	vadd.f32 v63, v29;
	v44 =	vpop (erf);
	(erf) = vpow2.f32 v24;
	v45 =	vadd.f32 v40, v37  }
0x1a2: {  	v42 =	vadd.f32 v50, v62;
	v51 =	vpop (erf);
	(erf) = vpow2.f32 v25;
	v17 =	vadd.f32 v49, v17  }
0x1a3: {  	v50 =	vadd.f32 v44, v39;
	v53 =	vpop (erf);
	(erf) = vpow2.f32 v22;
	v54 =	vadd.f32 v51, v45  }
0x1a4: {  	v52 =	vadd.f32 v48, v42;
	v56 =	vpop (erf);
	(erf) = vpow2.f32 v23;
	v17 =	vadd.f32 v46, v17  }
0x1a5: {  	v55 =	vadd.f32 v53, v50;
	v58 =	vpop (erf);
	(erf) = vpow2.f32 v20;
	v20 =	vadd.f32 v56, v54  }
0x1a6: {  	v57 =	vadd.f32 v47, v52;
	v60 =	vpop (erf);
	(erf) = vpow2.f32 v21;
	v17 =	vadd.f32 v41, v17  }
0x1a7: {  	v19 =	vmul.f32 $1.442695020e+00, v19;
	v62 =	vpop (erf);
	(erf) = vpow2.f32 v18;
	v18 =	vadd.f32 v60, v20  }
0x1a8: {  	v15 =	vmul.f32 $1.442695020e+00, v15;
	v59 =	vadd.f32 v58, v55;
	v61 =	vadd.f32 v43, v57  }
0x1a9: {  	v7 =	vsel vm1, $0x3F800000, v0;
	v63 =	vpop (erf);
	(erf) = vpow2.f32 v19;
	v19 =	vadd.f32 v36, v17  }
0x1aa: {  	v20 =	vadd.f32 v62, v59;
	v21 =	vadd.f32 v38, v61;
	(erf) = vpow2.f32 v15;
	v17 =	vpop (erf)  }
0x1ab: {  	v15 =	vadd.f32 v63, v18;
	(erf) = vpow2.f32 v16;
	v16 =	vadd.f32 v13, v19;
	v18 =	vpop (erf)  }
0x1ac: {  	s25 =	simm.s32 $0x0;
	s26 =	simm.s32 $0x87F0;
	v13 =	vadd.f32 v14, v21;
	v17 =	vadd.f32 v17, v20;
	(erf) = vpow2.f32 v12;
	v14 =	vpop (erf)  }
.LBB2_7:
0x1ad: {  	_ = 	snop  }
0x1ae: {  	v15 =	vadd.f32 v18, v15;
	v18 =	vadd.f32 v14, v17;
	v17 =	vpop (erf);
	(erf) = vpow2.f32 v5  }
0x1af: {  	v27 =	vld [tilespmem:s26+$0xFFFFFEE0];
	v16 =	vadd.f32 v10, v16;
	v11 =	vadd.f32 v11, v13;
	v13 =	vpop (erf);
	(erf) = vpow2.f32 v4  }
0x1b0: {  	v28 =	vld [tilespmem:s26+$0xFFFFFEB0];
	v15 =	vadd.f32 v17, v15;
	v17 =	vadd.f32 v13, v18;
	v14 =	vpop (erf);
	(erf) = vpow2.f32 v3  }
0x1b1: {  	v29 =	vld [tilespmem:s26+$0xFFFFFEC0];
	v16 =	vadd.f32 v8, v16;
	v9 =	vadd.f32 v9, v11;
	v10 =	vpop (erf);
	(erf) = vpow2.f32 v2  }
0x1b2: {  	v31 =	vld [tilespmem:s26+$0xFFFFFE80];
	v2 =	vadd.f32 v14, v15;
	v17 =	vadd.f32 v10, v17;
	v13 =	vpop (erf);
	(erf) = vpow2.f32 v1  }
0x1b3: {  	v1 =	vadd.f32 v6, v16;
	v6 =	vadd.f32 v7, v9;
	v7 =	vsel vm10, $0x3F800000, v0  }
0x1b4: {  	v16 =	vsel vm9, $0x3F800000, v0;
	vm13 =	veq.f32 v27, $0.0e+00;
	v8 =	vpop (erf);
	v2 =	vadd.f32 v13, v2  }
0x1b5: {  	vm11 =	veq.f32 v28, $0.0e+00;
	v8 =	vadd.f32 v8, v17;
	v13 =	vpop (erf);
	v1 =	vadd.f32 v7, v1  }
0x1b6: {  	vm10 =	veq.f32 v29, $0.0e+00;
	v7 =	vsel vm8, $0x3F800000, v0;
	v10 =	vpop (erf);
	v2 =	vadd.f32 v13, v2  }
0x1b7: {  	v12 =	vld [tilespmem:s26+$0xFFFFFFF0];
	vm9 =	veq.f32 v31, $0.0e+00;
	v8 =	vadd.f32 v10, v8;
	v13 =	vpop (erf);
	v1 =	vadd.f32 v7, v1  }
0x1b8: {  	v27 =	vmul.f32 $1.442695020e+00, v27;
	v7 =	vsel vm7, $0x3F800000, v0;
	v10 =	vpop (erf);
	v2 =	vadd.f32 v13, v2  }
0x1b9: {  	v4 =	vld [tilespmem:s26+$0xFFFFFFD0];
	v28 =	vmul.f32 $1.442695020e+00, v28;
	v8 =	vadd.f32 v10, v8;
	v13 =	vpop (erf);
	v1 =	vadd.f32 v7, v1  }
0x1ba: {  	v29 =	vmul.f32 $1.442695020e+00, v29;
	v7 =	vsel vm5, $0x3F800000, v0;
	v10 =	vpop (erf);
	v2 =	vadd.f32 v13, v2  }
0x1bb: {  	v3 =	vld [tilespmem:s26+$0xFFFFFFE0];
	v31 =	vmul.f32 $1.442695020e+00, v31;
	v8 =	vadd.f32 v10, v8;
	v13 =	vpop (erf);
	v1 =	vadd.f32 v7, v1  }
0x1bc: {  	v30 =	vld [tilespmem:s26+$0xFFFFFE90];
	v17 =	vsel vm0, $0x3F800000, v0;
	vm0 =	veq.f32 v12, $0.0e+00;
	v7 =	vsel vm2, $0x3F800000, v0;
	v10 =	vpop (erf)  }
0x1bd: {  	v5 =	vld [tilespmem:s26+$0x0];
	v18 =	vadd.f32 v10, v8;
	v10 =	vimm.s32 $0x0;
	v19 =	vadd.f32 v7, v1  }
0x1be: {  	v32 =	vld [tilespmem:s26+$0xFFFFFE50];
	v1 =	vimm.s32 $0x0;
	v10 =	vsel vm0, $0xFFFFFFFF, v10;
	vm0 =	veq.f32 v4, $0.0e+00  }
0x1bf: {  	v9 =	vld [tilespmem:s26+$0xFFFFFF90];
	v42 =	vsel vm13, $0x3F800000, v0;
	v6 =	vadd.f32 v16, v6;
	v1 =	vsel vm0, $0xFFFFFFFF, v1  }
0x1c0: {  	v33 =	vld [tilespmem:s26+$0xFFFFFE60];
	v43 =	vsel vm10, $0x3F800000, v0;
	vm0 =	veq.f32 v3, $0.0e+00;
	[tilespmem:$0x1FD90] =	vst v1;
	v1 =	vimm.s32 $0x0  }
0x1c1: {  	v11 =	vld [tilespmem:s26+$0xFFFFFFB0];
	v6 =	vadd.f32 v17, v6;
	v17 =	vsel vm6, $0x3F800000, v0;
	v1 =	vsel vm0, $0xFFFFFFFF, v1  }
0x1c2: {  	v21 =	vld [tilespmem:s26+$0xFFFFFF80];
	vm6 =	veq.f32 v30, $0.0e+00;
	vm0 =	veq.f32 v5, $0.0e+00;
	[tilespmem:$0x1FDA0] =	vst v1;
	v1 =	vimm.s32 $0x0  }
0x1c3: {  	v14 =	vld [tilespmem:s26+$0xFFFFFFC0];
	v30 =	vmul.f32 $1.442695020e+00, v30;
	v6 =	vadd.f32 v17, v6;
	v1 =	vsel vm0, $0xFFFFFFFF, v1  }
0x1c4: {  	v22 =	vld [tilespmem:s26+$0xFFFFFF50];
	v17 =	vsel vm4, $0x3F800000, v0;
	vm0 =	veq.f32 v9, $0.0e+00;
	[tilespmem:$0x1FDB0] =	vst v1;
	v1 =	vimm.s32 $0x0  }
0x1c5: {  	v16 =	vld [tilespmem:s26+$0xFFFFFF70];
	vm5 =	veq.f32 v32, $0.0e+00;
	vm4 =	veq.f32 v33, $0.0e+00;
	v1 =	vsel vm0, $0xFFFFFFFF, v1  }
0x1c6: {  	v52 =	vld [tilespmem:s26+$0xFFFFFE30];
	v32 =	vmul.f32 $1.442695020e+00, v32;
	vm0 =	veq.f32 v11, $0.0e+00;
	[tilespmem:$0x1FD70] =	vst v1;
	v1 =	vimm.s32 $0x0  }
0x1c7: {  	v23 =	vld [tilespmem:s26+$0xFFFFFF60];
	v33 =	vmul.f32 $1.442695020e+00, v33;
	v57 =	vsel vm4, $0x3F800000, v0;
	v1 =	vsel vm0, $0xFFFFFFFF, v1  }
0x1c8: {  	v24 =	vld [tilespmem:s26+$0xFFFFFF30];
	v6 =	vadd.f32 v17, v6;
	vm0 =	veq.f32 v14, $0.0e+00;
	[tilespmem:$0x1FD60] =	vst v1;
	v1 =	vimm.s32 $0x0  }
0x1c9: {  	v15 =	vld [tilespmem:s26+$0xFFFFFFA0];
	v17 =	vadd.f32 v13, v2;
	v2 =	vsel vm3, $0x3F800000, v0;
	v1 =	vsel vm0, $0xFFFFFFFF, v1  }
0x1ca: {  	v13 =	vimm.s32 $0x0;
	v7 =	vld [tilespmem:s26+$0xFFFFFF00];
	vm0 =	veq.f32 v16, $0.0e+00;
	[tilespmem:$0x1FD50] =	vst v1;
	v1 =	vimm.s32 $0x0  }
0x1cb: {  	vm3 =	veq.f32 v52, $0.0e+00;
	v8 =	vld [tilespmem:s26+$0xFFFFFF20];
	v20 =	vadd.f32 v2, v6;
	v1 =	vsel vm0, $0xFFFFFFFF, v1  }
0x1cc: {  	v6 =	vld [tilespmem:s26+$0xFFFFFEF0];
	v2 =	vmul.f32 $1.442695020e+00, v12;
	vm0 =	veq.f32 v21, $0.0e+00;
	[tilespmem:$0x1FD40] =	vst v1;
	v1 =	vimm.s32 $0x0  }
0x1cd: {  	v25 =	vld [tilespmem:s26+$0xFFFFFF40];
	v12 =	vmul.f32 $1.442695020e+00, v11;
	v58 =	vsel vm3, $0x3F800000, v0;
	[tilespmem:$0x1FDC0] =	vst v10;
	v1 =	vsel vm0, $0xFFFFFFFF, v1  }
0x1ce: {  	v4 =	vmul.f32 $1.442695020e+00, v4;
	v10 =	vld [tilespmem:s26+$0xFFFFFED0];
	vm0 =	veq.f32 v15, $0.0e+00;
	[tilespmem:$0x1FD80] =	vst v1;
	v1 =	vimm.s32 $0x0  }
0x1cf: {  	vm15 =	veq.f32 v7, $0.0e+00;
	v36 =	vmul.f32 $1.442695020e+00, v7;
	v7 =	vld [tilespmem:s26+$0xFFFFFE20];
	v1 =	vsel vm0, $0xFFFFFFFF, v1  }
0x1d0: {  	v3 =	vmul.f32 $1.442695020e+00, v3;
	v47 =	vld [tilespmem:$0x1FDA0];
	vm0 =	veq.f32 v22, $0.0e+00;
	[tilespmem:$0x1FDD0] =	vst v1;
	v1 =	vimm.s32 $0x0  }
0x1d1: {  	v34 =	vmul.f32 $1.442695020e+00, v8;
	v35 =	vmul.f32 $1.442695020e+00, v6;
	v11 =	vld [tilespmem:s26+$0xFFFFFEA0];
	v1 =	vsel vm0, $0xFFFFFFFF, v1  }
0x1d2: {  	v41 =	vsel vm15, $0x3F800000, v0;
	v59 =	vld [tilespmem:$0x1FDB0];
	vm0 =	veq.f32 v23, $0.0e+00;
	[tilespmem:$0x1FCD0] =	vst v1;
	v1 =	vimm.s32 $0x0  }
0x1d3: {  	v26 =	vld [tilespmem:s26+$0xFFFFFF10];
	vm12 =	veq.f32 v10, $0.0e+00;
	v37 =	vmul.f32 $1.442695020e+00, v10;
	v1 =	vsel vm0, $0xFFFFFFFF, v1  }
0x1d4: {  	v10 =	vmul.f32 $1.442695020e+00, v7;
	v44 =	vld [tilespmem:$0x1FD40];
	vm0 =	veq.f32 v24, $0.0e+00;
	[tilespmem:$0x1FCE0] =	vst v1;
	v1 =	vimm.s32 $0x0  }
0x1d5: {  	vm4 =	vnez.u8 v47;
	v16 =	vmul.f32 $1.442695020e+00, v16;
	v1 =	vsel vm0, $0xFFFFFFFF, v1  }
0x1d6: {  	v45 =	vld [tilespmem:$0x1FD60];
	vm7 =	veq.f32 v11, $0.0e+00;
	vm0 =	veq.f32 v25, $0.0e+00;
	[tilespmem:$0x1FCF0] =	vst v1;
	v1 =	vimm.s32 $0x0  }
0x1d7: {  	v38 =	vmul.f32 $1.442695020e+00, v11;
	vm3 =	vnez.u8 v59;
	v1 =	vsel vm0, $0xFFFFFFFF, v1  }
0x1d8: {  	v46 =	vld [tilespmem:$0x1FD80];
	vm0 =	veq.f32 v26, $0.0e+00;
	[tilespmem:$0x1FD00] =	vst v1;
	v1 =	vmul.f32 $1.442695020e+00, v5;
	v5 =	vimm.s32 $0x0  }
0x1d9: {  	v22 =	vmul.f32 $1.442695020e+00, v22;
	vm10 =	vnez.u8 v44;
	v5 =	vsel vm0, $0xFFFFFFFF, v5  }
0x1da: {  	v44 =	vsel vm7, $0x3F800000, v0;
	vm0 =	veq.f32 v8, $0.0e+00;
	v8 =	vld [tilespmem:s26+$0xFFFFFE40];
	[tilespmem:$0x1FD10] =	vst v5;
	v5 =	vimm.s32 $0x0  }
0x1db: {  	vm7 =	vnez.u8 v45;
	v5 =	vsel vm0, $0xFFFFFFFF, v5;
	vm0 =	veq.f32 v6, $0.0e+00  }
0x1dc: {  	v45 =	vsel vm9, $0x3F800000, v0;
	v24 =	vmul.f32 $1.442695020e+00, v24;
	v6 =	vld [tilespmem:s26+$0xFFFFFE10];
	v13 =	vsel vm0, $0xFFFFFFFF, v13  }
0x1dd: {  	vm9 =	vnez.u8 v46;
	vm0 =	veq.f32 v7, $0.0e+00;
	[tilespmem:$0x1FD30] =	vst v13;
	v13 =	vmul.f32 $1.442695020e+00, v9;
	v9 =	vld [tilespmem:s26+$0xFFFFFE70]  }
0x1de: {  	v26 =	vmul.f32 $1.442695020e+00, v26;
	[tilespmem:$0x1FD20] =	vst v5;
	v5 =	vmul.f32 $1.442695020e+00, v14;
	v49 =	vsel vm0, $0x3F800000, v0  }
0x1df: {  	v14 =	vmul.f32 $1.442695020e+00, v15;
	vm2 =	veq.f32 v8, $0.0e+00;
	v20 =	vadd.f32 v49, v20  }
0x1e0: {  	v50 =	vld [tilespmem:$0x1FDD0];
	v15 =	vmul.f32 $1.442695020e+00, v21;
	v21 =	vmul.f32 $1.442695020e+00, v23;
	v60 =	vsel vm2, $0x3F800000, v0  }
0x1e1: {  	v48 =	vld [tilespmem:$0x1FDC0];
	v23 =	vmul.f32 $1.442695020e+00, v25;
	vm1 =	veq.f32 v6, $0.0e+00;
	v20 =	vadd.f32 v60, v20  }
0x1e2: {  	vm8 =	veq.f32 v9, $0.0e+00;
	v39 =	vmul.f32 $1.442695020e+00, v9;
	v9 =	vmul.f32 $1.442695020e+00, v6;
	v6 =	vld [tilespmem:$0x1FCD0]  }
0x1e3: {  	v25 =	vmul.f32 $1.442695020e+00, v52;
	v7 =	vld [tilespmem:$0x1FCE0];
	v62 =	vsel vm1, $0x3F800000, v0;
	v20 =	vadd.f32 v57, v20  }
0x1e4: {  	v40 =	vmul.f32 $1.442695020e+00, v8;
	v8 =	vld [tilespmem:$0x1FCF0];
	v19 =	vadd.f32 v62, v19;
	(erf) = vpow2.f32 v9  }
0x1e5: {  	v54 =	vld [tilespmem:$0x1FD50];
	vm0 =	vnez.u8 v50;
	v20 =	vadd.f32 v45, v20;
	(erf) = vpow2.f32 v10  }
0x1e6: {  	vm2 =	vnez.u8 v48;
	v9 =	vld [tilespmem:$0x1FD00];
	v19 =	vadd.f32 v58, v19;
	(erf) = vpow2.f32 v25  }
0x1e7: {  	v20 =	vadd.f32 v44, v20;
	vm14 =	vnez.u8 v6;
	(erf) = vpow2.f32 v40  }
0x1e8: {  	v10 =	vld [tilespmem:$0x1FD10];
	v6 =	vsel vm14, $0x3F800000, v0;
	vm14 =	vnez.u8 v7;
	(erf) = vpow2.f32 v32  }
0x1e9: {  	v11 =	vld [tilespmem:$0x1FD20];
	v7 =	vsel vm14, $0x3F800000, v0;
	vm14 =	vnez.u8 v8;
	(erf) = vpow2.f32 v33  }
0x1ea: {  	v33 =	vsel vm6, $0x3F800000, v0;
	vm6 =	vnez.u8 v54;
	(erf) = vpow2.f32 v39  }
0x1eb: {  	v53 =	vld [tilespmem:$0x1FD30];
	v8 =	vsel vm14, $0x3F800000, v0;
	vm14 =	vnez.u8 v9;
	(erf) = vpow2.f32 v31  }
0x1ec: {  	v39 =	vsel vm8, $0x3F800000, v0;
	v9 =	vsel vm14, $0x3F800000, v0;
	(erf) = vpow2.f32 v30  }
0x1ed: {  	v55 =	vld [tilespmem:$0x1FD70];
	vm14 =	vnez.u8 v10;
	v31 =	vsel vm5, $0x3F800000, v0;
	v61 =	vpop (erf);
	(erf) = vpow2.f32 v38  }
0x1ee: {  	v10 =	vsel vm14, $0x3F800000, v0;
	vm14 =	vnez.u8 v11;
	v63 =	vpop (erf);
	(erf) = vpow2.f32 v28  }
0x1ef: {  	v56 =	vld [tilespmem:$0x1FD90];
	v17 =	vadd.f32 v61, v17;
	v18 =	vadd.f32 v63, v18;
	v51 =	vpop (erf);
	(erf) = vpow2.f32 v29  }
0x1f0: {  	v11 =	vsel vm14, $0x3F800000, v0;
	vm14 =	vnez.u8 v53;
	v52 =	vpop (erf);
	(erf) = vpow2.f32 v37  }
0x1f1: {  	v17 =	vadd.f32 v51, v17;
	v18 =	vadd.f32 v52, v18;
	v53 =	vpop (erf);
	(erf) = vpow2.f32 v27  }
0x1f2: {  	vm8 =	vnez.u8 v55;
	v19 =	vadd.f32 v31, v19;
	v54 =	vpop (erf);
	(erf) = vpow2.f32 v35  }
0x1f3: {  	v17 =	vadd.f32 v53, v17;
	v18 =	vadd.f32 v54, v18;
	v55 =	vpop (erf);
	(erf) = vpow2.f32 v36  }
0x1f4: {  	vm5 =	vnez.u8 v56;
	v19 =	vadd.f32 v39, v19;
	v56 =	vpop (erf);
	(erf) = vpow2.f32 v26  }
0x1f5: {  	v17 =	vadd.f32 v55, v17;
	v18 =	vadd.f32 v56, v18;
	v57 =	vpop (erf);
	(erf) = vpow2.f32 v34  }
0x1f6: {  	v40 =	vsel vm12, $0x3F800000, v0;
	v19 =	vadd.f32 v33, v19;
	v58 =	vpop (erf);
	(erf) = vpow2.f32 v24  }
0x1f7: {  	v17 =	vadd.f32 v57, v17;
	v18 =	vadd.f32 v58, v18;
	v59 =	vpop (erf);
	(erf) = vpow2.f32 v23  }
0x1f8: {  	s25 =	sadd.s32 $0x10, s25;
	v32 =	vsel vm11, $0x3F800000, v0;
	v20 =	vadd.f32 v43, v20;
	v60 =	vpop (erf);
	(erf) = vpow2.f32 v22  }
0x1f9: {  	p1 =	slt.u32 s25, $0x70;
	v19 =	vadd.f32 v32, v19;
	v17 =	vadd.f32 v59, v17;
	v61 =	vpop (erf);
	(erf) = vpow2.f32 v21  }
.Ltmp2:
0x1fa: {  	v20 =	vadd.f32 v42, v20;
	v23 =	vadd.f32 v60, v18;
	v62 =	vpop (erf);
	(erf) = vpow2.f32 v16;
	(pc) =	sbr.rel @p1 .LBB2_7-.Ltmp2, $4  }
0x1fb: {  	v19 =	vadd.f32 v40, v19;
	v16 =	vadd.f32 v61, v17;
	v18 =	vpop (erf);
	(erf) = vpow2.f32 v15  }
0x1fc: {  	v25 =	vsel vm14, $0x3F800000, v0;
	v17 =	vadd.f32 v62, v23;
	v63 =	vpop (erf);
	(erf) = vpow2.f32 v13  }
0x1fd: {  	v15 =	vadd.f32 v18, v16;
	v16 =	vadd.f32 v25, v19;
	v18 =	vpop (erf);
	(erf) = vpow2.f32 v14  }
0x1fe: {  	s26 =	sadd.s32 $0x200, s26;
	v13 =	vadd.f32 v41, v20;
	v17 =	vadd.f32 v63, v17;
	v14 =	vpop (erf);
	(erf) = vpow2.f32 v12  }
0x1ff: {  	_ = 	snop  }
0x200: {  	v12 =	vadd.f32 v18, v15;
	v15 =	vpop (erf);
	(erf) = vpow2.f32 v5;
	v5 =	vadd.f32 v11, v13  }
0x201: {  	v10 =	vadd.f32 v10, v16;
	v14 =	vadd.f32 v14, v17  }
0x202: {  	v11 =	vpop (erf)  }
0x203: {  	(erf) = vpow2.f32 v4;
	v8 =	vadd.f32 v8, v10;
	v4 =	vadd.f32 v11, v14;
	v11 =	vpop (erf)  }
0x204: {  	v12 =	vadd.f32 v15, v12;
	(erf) = vpow2.f32 v3;
	v3 =	vadd.f32 v9, v5;
	v5 =	vpop (erf)  }
0x205: {  	(erf) = vpow2.f32 v2;
	v2 =	vadd.f32 v5, v4;
	v4 =	vadd.f32 v6, v8  }
0x206: {  	v9 =	vadd.f32 v11, v12;
	(erf) = vpow2.f32 v1;
	v5 =	vpop (erf)  }
0x207: {  	v1 =	vadd.f32 v7, v3;
	v3 =	vsel vm10, $0x3F800000, v0;
	v7 =	vsel vm9, $0x3F800000, v0;
	v6 =	vpop (erf)  }
0x208: {  	v5 =	vadd.f32 v5, v9;
	v2 =	vadd.f32 v6, v2;
	v6 =	vsel vm8, $0x3F800000, v0  }
0x209: {  	v1 =	vadd.f32 v7, v1;
	v3 =	vadd.f32 v3, v4;
	v4 =	vpop (erf)  }
0x20a: {  	v7 =	vpop (erf);
	v4 =	vadd.f32 v4, v5;
	v5 =	vsel vm0, $0x3F800000, v0  }
0x20b: {  	v3 =	vadd.f32 v6, v3;
	v6 =	vpop (erf);
	v1 =	vadd.f32 v5, v1;
	v5 =	vsel vm7, $0x3F800000, v0  }
0x20c: {  	v2 =	vadd.f32 v7, v2;
	v4 =	vadd.f32 v6, v4;
	v6 =	vsel vm6, $0x3F800000, v0  }
0x20d: {  	v7 =	vpop (erf);
	v3 =	vadd.f32 v5, v3;
	v1 =	vadd.f32 v6, v1;
	v6 =	vsel vm5, $0x3F800000, v0  }
0x20e: {  	v2 =	vadd.f32 v7, v2;
	v5 =	vpop (erf)  }
0x20f: {  	v3 =	vadd.f32 v6, v3;
	v7 =	vpop (erf);
	v4 =	vadd.f32 v5, v4;
	v5 =	vsel vm4, $0x3F800000, v0  }
0x210: {  	v2 =	vadd.f32 v7, v2;
	v6 =	vpop (erf);
	v1 =	vadd.f32 v5, v1;
	v5 =	vsel vm2, $0x3F800000, v0  }
0x211: {  	v7 =	vpop (erf);
	v4 =	vadd.f32 v6, v4;
	v6 =	vsel vm3, $0x3F800000, v0;
	v3 =	vadd.f32 v5, v3  }
0x212: {  	v2 =	vadd.f32 v7, v2;
	v1 =	vadd.f32 v6, v1  }
0x213: {  	v3 =	vsub.f32 v4, v3  }
0x214: {  	v1 =	vsub.f32 v2, v1  }
0x215: {  	[tilespmem:s23+$0xA440] =	vst v3  }
0x216: {  	[tilespmem:s23+$0xA450] =	vst v1  }
0x217: {  	_ =	swait.ge [sflag:s18], $0x1000  }
0x218: {  	s25 =	simm.s32 @!p0 $0x8400;
	s31 =	simm.s32 $0x95F0;
	[sflag:s18] =	ssyncset.done $0x0  }
0x219: {  	s23 =	sadd.s32 @!p0 $0x300, s24;
	s24 =	simm.s32 @!p0 $0x80;
	[sflag:s18] =	ssyncadd.s32 $0xFFFFF000  }
0x21a: {  	[tilespmem:s25], [sflag:$0x3] =	stream.indirect.gather @!p0 [hbm4b:s3+s24], $0x20, s23, s24, $0xb8;
	[tilespmem:$0xBD00] =	vst v63  }
0x21b: {  	v1 =	vld [tilespmem:s31+$0xFFFFFFF0]  }
0x21c: {  	v3 =	vld [tilespmem:s31+$0x0]  }
0x21d: {  	v4 =	vld [tilespmem:s31+$0xFFFFFFD0]  }
0x21e: {  	v5 =	vld [tilespmem:s31+$0xFFFFFFE0]  }
0x21f: {  	v12 =	vld [tilespmem:s31+$0xFFFFFFB0]  }
0x220: {  	v14 =	vld [tilespmem:s31+$0xFFFFFFC0]  }
0x221: {  	v15 =	vld [tilespmem:s31+$0xFFFFFF90]  }
0x222: {  	v17 =	vld [tilespmem:s31+$0xFFFFFFA0]  }
0x223: {  	v18 =	vld [tilespmem:s31+$0xFFFFFF70]  }
0x224: {  	v20 =	vld [tilespmem:s31+$0xFFFFFF50]  }
0x225: {  	v21 =	vld [tilespmem:s31+$0xFFFFFF60]  }
0x226: {  	v39 =	vld [tilespmem:s31+$0xFFFFFE10]  }
0x227: {  	v52 =	vimm.f32 $0.0e+00;
	v40 =	vld [tilespmem:s31+$0xFFFFFE20];
	vm2 =	veq.f32 v1, $0.0e+00  }
0x228: {  	v42 =	vld [tilespmem:s31+$0xFFFFFE30];
	vm5 =	veq.f32 v4, $0.0e+00;
	vm4 =	veq.f32 v5, $0.0e+00;
	v2 =	vmul.f32 $1.442695020e+00, v1  }
0x229: {  	v44 =	vld [tilespmem:s31+$0xFFFFFE40];
	vm3 =	veq.f32 v3, $0.0e+00;
	v1 =	vmul.f32 $1.442695020e+00, v3;
	v4 =	vmul.f32 $1.442695020e+00, v4  }
0x22a: {  	v45 =	vld [tilespmem:s31+$0xFFFFFE60];
	vm7 =	veq.f32 v12, $0.0e+00;
	v3 =	vmul.f32 $1.442695020e+00, v5;
	v12 =	vmul.f32 $1.442695020e+00, v12  }
0x22b: {  	v22 =	vld [tilespmem:s31+$0xFFFFFF30];
	vm0 =	veq.f32 v20, $0.0e+00;
	v5 =	vmul.f32 $1.442695020e+00, v14;
	v16 =	vmul.f32 $1.442695020e+00, v17  }
0x22c: {  	v23 =	vld [tilespmem:s31+$0xFFFFFF40];
	vm10 =	veq.f32 v18, $0.0e+00;
	v18 =	vmul.f32 $1.442695020e+00, v18;
	v20 =	vmul.f32 $1.442695020e+00, v20  }
0x22d: {  	v24 =	vld [tilespmem:s31+$0xFFFFFF10];
	vm1 =	veq.f32 v21, $0.0e+00;
	v21 =	vmul.f32 $1.442695020e+00, v21;
	v48 =	vmul.f32 $1.442695020e+00, v39  }
0x22e: {  	v25 =	vld [tilespmem:s31+$0xFFFFFF20];
	vm8 =	veq.f32 v15, $0.0e+00;
	v50 =	vmul.f32 $1.442695020e+00, v40;
	v51 =	vmul.f32 $1.442695020e+00, v42  }
0x22f: {  	v26 =	vld [tilespmem:s31+$0xFFFFFEF0];
	vm6 =	veq.f32 v14, $0.0e+00;
	v60 =	vmul.f32 $1.442695020e+00, v44;
	v61 =	vmul.f32 $1.442695020e+00, v45  }
0x230: {  	v27 =	vld [tilespmem:s31+$0xFFFFFF00];
	v6 =	vsel vm0, $0x3F800000, v0;
	vm0 =	veq.f32 v22, $0.0e+00;
	v22 =	vmul.f32 $1.442695020e+00, v22  }
0x231: {  	v28 =	vld [tilespmem:s31+$0xFFFFFED0];
	v8 =	vsel vm0, $0x3F800000, v0;
	vm0 =	veq.f32 v23, $0.0e+00;
	v23 =	vmul.f32 $1.442695020e+00, v23  }
0x232: {  	v29 =	vld [tilespmem:s31+$0xFFFFFEE0];
	(erf) = vpow2.f32 v48;
	v9 =	vsel vm0, $0x3F800000, v0;
	vm0 =	veq.f32 v24, $0.0e+00  }
0x233: {  	v30 =	vld [tilespmem:s31+$0xFFFFFEB0];
	(erf) = vpow2.f32 v50;
	v10 =	vsel vm0, $0x3F800000, v0;
	vm0 =	veq.f32 v25, $0.0e+00  }
0x234: {  	v31 =	vld [tilespmem:s31+$0xFFFFFEC0];
	v24 =	vmul.f32 $1.442695020e+00, v24;
	v11 =	vsel vm0, $0x3F800000, v0;
	vm0 =	veq.f32 v26, $0.0e+00  }
0x235: {  	v32 =	vld [tilespmem:s31+$0xFFFFFE90];
	(erf) = vpow2.f32 v51;
	v13 =	vsel vm0, $0x3F800000, v0;
	vm0 =	veq.f32 v27, $0.0e+00  }
0x236: {  	v33 =	vld [tilespmem:s31+$0xFFFFFEA0];
	(erf) = vpow2.f32 v60;
	v14 =	vsel vm0, $0x3F800000, v0;
	vm0 =	veq.f32 v28, $0.0e+00  }
0x237: {  	v34 =	vld [tilespmem:s31+$0xFFFFFE70];
	v26 =	vmul.f32 $1.442695020e+00, v26;
	v36 =	vsel vm0, $0x3F800000, v0;
	vm0 =	veq.f32 v29, $0.0e+00  }
0x238: {  	v35 =	vld [tilespmem:s31+$0xFFFFFE80];
	v27 =	vmul.f32 $1.442695020e+00, v27;
	v38 =	vsel vm0, $0x3F800000, v0;
	vm0 =	veq.f32 v30, $0.0e+00  }
0x239: {  	v37 =	vld [tilespmem:s31+$0xFFFFFE50];
	v28 =	vmul.f32 $1.442695020e+00, v28;
	v41 =	vsel vm0, $0x3F800000, v0;
	vm0 =	veq.f32 v31, $0.0e+00  }
0x23a: {  	v19 =	vld [tilespmem:s31+$0xFFFFFF80];
	v30 =	vmul.f32 $1.442695020e+00, v30;
	v43 =	vsel vm0, $0x3F800000, v0;
	vm0 =	veq.f32 v32, $0.0e+00  }
0x23b: {  	v31 =	vmul.f32 $1.442695020e+00, v31;
	v46 =	vsel vm0, $0x3F800000, v0;
	vm0 =	veq.f32 v33, $0.0e+00  }
0x23c: {  	v32 =	vmul.f32 $1.442695020e+00, v32;
	v47 =	vsel vm0, $0x3F800000, v0;
	vm0 =	veq.f32 v34, $0.0e+00  }
0x23d: {  	v33 =	vmul.f32 $1.442695020e+00, v33;
	v49 =	vsel vm0, $0x3F800000, v0;
	vm0 =	veq.f32 v35, $0.0e+00  }
0x23e: {  	v48 =	vsel vm0, $0x3F800000, v0;
	vm0 =	veq.f32 v37, $0.0e+00;
	v37 =	vmul.f32 $1.442695020e+00, v37  }
0x23f: {  	vm9 =	veq.f32 v19, $0.0e+00;
	v34 =	vmul.f32 $1.442695020e+00, v34;
	v35 =	vmul.f32 $1.442695020e+00, v35  }
0x240: {  	v51 =	vsel vm0, $0x3F800000, v0;
	vm0 =	veq.f32 v45, $0.0e+00;
	(erf) = vpow2.f32 v37  }
0x241: {  	v50 =	vsel vm0, $0x3F800000, v0;
	vm0 =	veq.f32 v42, $0.0e+00;
	(erf) = vpow2.f32 v61  }
0x242: {  	v62 =	vsel vm0, $0x3F800000, v0;
	vm0 =	veq.f32 v44, $0.0e+00;
	(erf) = vpow2.f32 v34  }
0x243: {  	v63 =	vsel vm0, $0x3F800000, v0;
	vm0 =	veq.f32 v39, $0.0e+00;
	(erf) = vpow2.f32 v35  }
0x244: {  	v53 =	vpop (erf);
	v45 =	vsel vm0, $0x3F800000, v0;
	vm0 =	veq.f32 v40, $0.0e+00;
	(erf) = vpow2.f32 v32  }
0x245: {  	v56 =	vadd.f32 v53, v52;
	v54 =	vsel vm0, $0x3F800000, v0;
	(erf) = vpow2.f32 v33  }
0x246: {  	v55 =	vpop (erf);
	vm0 =	veq.f32 v17, $0.0e+00;
	v17 =	vmul.f32 $1.442695020e+00, v29;
	(erf) = vpow2.f32 v30  }
0x247: {  	v57 =	vpop (erf);
	v29 =	vadd.f32 v55, v52;
	v58 =	vadd.f32 v45, v52;
	(erf) = vpow2.f32 v31  }
0x248: {  	v59 =	vpop (erf);
	v60 =	vadd.f32 v57, v56;
	v33 =	vadd.f32 v54, v52;
	(erf) = vpow2.f32 v28  }
0x249: {  	v29 =	vadd.f32 v59, v29;
	v61 =	vpop (erf);
	(erf) = vpow2.f32 v17;
	v17 =	vadd.f32 v62, v58  }
0x24a: {  	v62 =	vadd.f32 v63, v33;
	v63 =	vpop (erf);
	(erf) = vpow2.f32 v26;
	v37 =	vadd.f32 v61, v60  }
0x24b: {  	v25 =	vmul.f32 $1.442695020e+00, v25;
	v40 =	vpop (erf);
	(erf) = vpow2.f32 v27;
	v17 =	vadd.f32 v51, v17  }
0x24c: {  	v39 =	vadd.f32 v63, v29;
	v44 =	vpop (erf);
	(erf) = vpow2.f32 v24;
	v45 =	vadd.f32 v40, v37  }
0x24d: {  	v42 =	vadd.f32 v50, v62;
	v51 =	vpop (erf);
	(erf) = vpow2.f32 v25;
	v17 =	vadd.f32 v49, v17  }
0x24e: {  	v50 =	vadd.f32 v44, v39;
	v53 =	vpop (erf);
	(erf) = vpow2.f32 v22;
	v54 =	vadd.f32 v51, v45  }
0x24f: {  	v52 =	vadd.f32 v48, v42;
	v56 =	vpop (erf);
	(erf) = vpow2.f32 v23;
	v17 =	vadd.f32 v46, v17  }
0x250: {  	v55 =	vadd.f32 v53, v50;
	v58 =	vpop (erf);
	(erf) = vpow2.f32 v20;
	v20 =	vadd.f32 v56, v54  }
0x251: {  	v57 =	vadd.f32 v47, v52;
	v60 =	vpop (erf);
	(erf) = vpow2.f32 v21;
	v17 =	vadd.f32 v41, v17  }
0x252: {  	v19 =	vmul.f32 $1.442695020e+00, v19;
	v62 =	vpop (erf);
	(erf) = vpow2.f32 v18;
	v18 =	vadd.f32 v60, v20  }
0x253: {  	v15 =	vmul.f32 $1.442695020e+00, v15;
	v59 =	vadd.f32 v58, v55;
	v61 =	vadd.f32 v43, v57  }
0x254: {  	v7 =	vsel vm1, $0x3F800000, v0;
	v63 =	vpop (erf);
	(erf) = vpow2.f32 v19;
	v19 =	vadd.f32 v36, v17  }
0x255: {  	v20 =	vadd.f32 v62, v59;
	v21 =	vadd.f32 v38, v61;
	(erf) = vpow2.f32 v15;
	v17 =	vpop (erf)  }
0x256: {  	v15 =	vadd.f32 v63, v18;
	(erf) = vpow2.f32 v16;
	v16 =	vadd.f32 v13, v19;
	v18 =	vpop (erf)  }
0x257: {  	s23 =	simm.s32 $0x0;
	s24 =	simm.s32 $0x97F0;
	v13 =	vadd.f32 v14, v21;
	v17 =	vadd.f32 v17, v20;
	(erf) = vpow2.f32 v12;
	v14 =	vpop (erf)  }
.LBB2_9:
0x258: {  	_ = 	snop  }
0x259: {  	v15 =	vadd.f32 v18, v15;
	v18 =	vadd.f32 v14, v17;
	v17 =	vpop (erf);
	(erf) = vpow2.f32 v5  }
0x25a: {  	v27 =	vld [tilespmem:s24+$0xFFFFFEE0];
	v16 =	vadd.f32 v10, v16;
	v11 =	vadd.f32 v11, v13;
	v13 =	vpop (erf);
	(erf) = vpow2.f32 v4  }
0x25b: {  	v28 =	vld [tilespmem:s24+$0xFFFFFEB0];
	v15 =	vadd.f32 v17, v15;
	v17 =	vadd.f32 v13, v18;
	v14 =	vpop (erf);
	(erf) = vpow2.f32 v3  }
0x25c: {  	v29 =	vld [tilespmem:s24+$0xFFFFFEC0];
	v16 =	vadd.f32 v8, v16;
	v9 =	vadd.f32 v9, v11;
	v10 =	vpop (erf);
	(erf) = vpow2.f32 v2  }
0x25d: {  	v31 =	vld [tilespmem:s24+$0xFFFFFE80];
	v2 =	vadd.f32 v14, v15;
	v17 =	vadd.f32 v10, v17;
	v13 =	vpop (erf);
	(erf) = vpow2.f32 v1  }
0x25e: {  	v1 =	vadd.f32 v6, v16;
	v6 =	vadd.f32 v7, v9;
	v7 =	vsel vm10, $0x3F800000, v0  }
0x25f: {  	v16 =	vsel vm9, $0x3F800000, v0;
	vm13 =	veq.f32 v27, $0.0e+00;
	v8 =	vpop (erf);
	v2 =	vadd.f32 v13, v2  }
0x260: {  	vm11 =	veq.f32 v28, $0.0e+00;
	v8 =	vadd.f32 v8, v17;
	v13 =	vpop (erf);
	v1 =	vadd.f32 v7, v1  }
0x261: {  	vm10 =	veq.f32 v29, $0.0e+00;
	v7 =	vsel vm8, $0x3F800000, v0;
	v10 =	vpop (erf);
	v2 =	vadd.f32 v13, v2  }
0x262: {  	v12 =	vld [tilespmem:s24+$0xFFFFFFF0];
	vm9 =	veq.f32 v31, $0.0e+00;
	v8 =	vadd.f32 v10, v8;
	v13 =	vpop (erf);
	v1 =	vadd.f32 v7, v1  }
0x263: {  	v27 =	vmul.f32 $1.442695020e+00, v27;
	v7 =	vsel vm7, $0x3F800000, v0;
	v10 =	vpop (erf);
	v2 =	vadd.f32 v13, v2  }
0x264: {  	v4 =	vld [tilespmem:s24+$0xFFFFFFD0];
	v28 =	vmul.f32 $1.442695020e+00, v28;
	v8 =	vadd.f32 v10, v8;
	v13 =	vpop (erf);
	v1 =	vadd.f32 v7, v1  }
0x265: {  	v29 =	vmul.f32 $1.442695020e+00, v29;
	v7 =	vsel vm5, $0x3F800000, v0;
	v10 =	vpop (erf);
	v2 =	vadd.f32 v13, v2  }
0x266: {  	v3 =	vld [tilespmem:s24+$0xFFFFFFE0];
	v31 =	vmul.f32 $1.442695020e+00, v31;
	v8 =	vadd.f32 v10, v8;
	v13 =	vpop (erf);
	v1 =	vadd.f32 v7, v1  }
0x267: {  	v30 =	vld [tilespmem:s24+$0xFFFFFE90];
	v17 =	vsel vm0, $0x3F800000, v0;
	vm0 =	veq.f32 v12, $0.0e+00;
	v7 =	vsel vm2, $0x3F800000, v0;
	v10 =	vpop (erf)  }
0x268: {  	v5 =	vld [tilespmem:s24+$0x0];
	v18 =	vadd.f32 v10, v8;
	v10 =	vimm.s32 $0x0;
	v19 =	vadd.f32 v7, v1  }
0x269: {  	v32 =	vld [tilespmem:s24+$0xFFFFFE50];
	v1 =	vimm.s32 $0x0;
	v10 =	vsel vm0, $0xFFFFFFFF, v10;
	vm0 =	veq.f32 v4, $0.0e+00  }
0x26a: {  	v9 =	vld [tilespmem:s24+$0xFFFFFF90];
	v42 =	vsel vm13, $0x3F800000, v0;
	v6 =	vadd.f32 v16, v6;
	v1 =	vsel vm0, $0xFFFFFFFF, v1  }
0x26b: {  	v33 =	vld [tilespmem:s24+$0xFFFFFE60];
	v43 =	vsel vm10, $0x3F800000, v0;
	vm0 =	veq.f32 v3, $0.0e+00;
	[tilespmem:$0x1FC80] =	vst v1;
	v1 =	vimm.s32 $0x0  }
0x26c: {  	v11 =	vld [tilespmem:s24+$0xFFFFFFB0];
	v6 =	vadd.f32 v17, v6;
	v17 =	vsel vm6, $0x3F800000, v0;
	v1 =	vsel vm0, $0xFFFFFFFF, v1  }
0x26d: {  	v21 =	vld [tilespmem:s24+$0xFFFFFF80];
	vm6 =	veq.f32 v30, $0.0e+00;
	vm0 =	veq.f32 v5, $0.0e+00;
	[tilespmem:$0x1FC90] =	vst v1;
	v1 =	vimm.s32 $0x0  }
0x26e: {  	v14 =	vld [tilespmem:s24+$0xFFFFFFC0];
	v30 =	vmul.f32 $1.442695020e+00, v30;
	v6 =	vadd.f32 v17, v6;
	v1 =	vsel vm0, $0xFFFFFFFF, v1  }
0x26f: {  	v22 =	vld [tilespmem:s24+$0xFFFFFF50];
	v17 =	vsel vm4, $0x3F800000, v0;
	vm0 =	veq.f32 v9, $0.0e+00;
	[tilespmem:$0x1FCA0] =	vst v1;
	v1 =	vimm.s32 $0x0  }
0x270: {  	v16 =	vld [tilespmem:s24+$0xFFFFFF70];
	vm5 =	veq.f32 v32, $0.0e+00;
	vm4 =	veq.f32 v33, $0.0e+00;
	v1 =	vsel vm0, $0xFFFFFFFF, v1  }
0x271: {  	v52 =	vld [tilespmem:s24+$0xFFFFFE30];
	v32 =	vmul.f32 $1.442695020e+00, v32;
	vm0 =	veq.f32 v11, $0.0e+00;
	[tilespmem:$0x1FC60] =	vst v1;
	v1 =	vimm.s32 $0x0  }
0x272: {  	v23 =	vld [tilespmem:s24+$0xFFFFFF60];
	v33 =	vmul.f32 $1.442695020e+00, v33;
	v57 =	vsel vm4, $0x3F800000, v0;
	v1 =	vsel vm0, $0xFFFFFFFF, v1  }
0x273: {  	v24 =	vld [tilespmem:s24+$0xFFFFFF30];
	v6 =	vadd.f32 v17, v6;
	vm0 =	veq.f32 v14, $0.0e+00;
	[tilespmem:$0x1FC50] =	vst v1;
	v1 =	vimm.s32 $0x0  }
0x274: {  	v15 =	vld [tilespmem:s24+$0xFFFFFFA0];
	v17 =	vadd.f32 v13, v2;
	v2 =	vsel vm3, $0x3F800000, v0;
	v1 =	vsel vm0, $0xFFFFFFFF, v1  }
0x275: {  	v13 =	vimm.s32 $0x0;
	v7 =	vld [tilespmem:s24+$0xFFFFFF00];
	vm0 =	veq.f32 v16, $0.0e+00;
	[tilespmem:$0x1FC40] =	vst v1;
	v1 =	vimm.s32 $0x0  }
0x276: {  	vm3 =	veq.f32 v52, $0.0e+00;
	v8 =	vld [tilespmem:s24+$0xFFFFFF20];
	v20 =	vadd.f32 v2, v6;
	v1 =	vsel vm0, $0xFFFFFFFF, v1  }
0x277: {  	v6 =	vld [tilespmem:s24+$0xFFFFFEF0];
	v2 =	vmul.f32 $1.442695020e+00, v12;
	vm0 =	veq.f32 v21, $0.0e+00;
	[tilespmem:$0x1FC30] =	vst v1;
	v1 =	vimm.s32 $0x0  }
0x278: {  	v25 =	vld [tilespmem:s24+$0xFFFFFF40];
	v12 =	vmul.f32 $1.442695020e+00, v11;
	v58 =	vsel vm3, $0x3F800000, v0;
	[tilespmem:$0x1FCB0] =	vst v10;
	v1 =	vsel vm0, $0xFFFFFFFF, v1  }
0x279: {  	v4 =	vmul.f32 $1.442695020e+00, v4;
	v10 =	vld [tilespmem:s24+$0xFFFFFED0];
	vm0 =	veq.f32 v15, $0.0e+00;
	[tilespmem:$0x1FC70] =	vst v1;
	v1 =	vimm.s32 $0x0  }
0x27a: {  	vm15 =	veq.f32 v7, $0.0e+00;
	v36 =	vmul.f32 $1.442695020e+00, v7;
	v7 =	vld [tilespmem:s24+$0xFFFFFE20];
	v1 =	vsel vm0, $0xFFFFFFFF, v1  }
0x27b: {  	v3 =	vmul.f32 $1.442695020e+00, v3;
	v47 =	vld [tilespmem:$0x1FC90];
	vm0 =	veq.f32 v22, $0.0e+00;
	[tilespmem:$0x1FCC0] =	vst v1;
	v1 =	vimm.s32 $0x0  }
0x27c: {  	v34 =	vmul.f32 $1.442695020e+00, v8;
	v35 =	vmul.f32 $1.442695020e+00, v6;
	v11 =	vld [tilespmem:s24+$0xFFFFFEA0];
	v1 =	vsel vm0, $0xFFFFFFFF, v1  }
0x27d: {  	v41 =	vsel vm15, $0x3F800000, v0;
	v59 =	vld [tilespmem:$0x1FCA0];
	vm0 =	veq.f32 v23, $0.0e+00;
	[tilespmem:$0x1FBC0] =	vst v1;
	v1 =	vimm.s32 $0x0  }
0x27e: {  	v26 =	vld [tilespmem:s24+$0xFFFFFF10];
	vm12 =	veq.f32 v10, $0.0e+00;
	v37 =	vmul.f32 $1.442695020e+00, v10;
	v1 =	vsel vm0, $0xFFFFFFFF, v1  }
0x27f: {  	v10 =	vmul.f32 $1.442695020e+00, v7;
	v44 =	vld [tilespmem:$0x1FC30];
	vm0 =	veq.f32 v24, $0.0e+00;
	[tilespmem:$0x1FBD0] =	vst v1;
	v1 =	vimm.s32 $0x0  }
0x280: {  	vm4 =	vnez.u8 v47;
	v16 =	vmul.f32 $1.442695020e+00, v16;
	v1 =	vsel vm0, $0xFFFFFFFF, v1  }
0x281: {  	v45 =	vld [tilespmem:$0x1FC50];
	vm7 =	veq.f32 v11, $0.0e+00;
	vm0 =	veq.f32 v25, $0.0e+00;
	[tilespmem:$0x1FBE0] =	vst v1;
	v1 =	vimm.s32 $0x0  }
0x282: {  	v38 =	vmul.f32 $1.442695020e+00, v11;
	vm3 =	vnez.u8 v59;
	v1 =	vsel vm0, $0xFFFFFFFF, v1  }
0x283: {  	v46 =	vld [tilespmem:$0x1FC70];
	vm0 =	veq.f32 v26, $0.0e+00;
	[tilespmem:$0x1FBF0] =	vst v1;
	v1 =	vmul.f32 $1.442695020e+00, v5;
	v5 =	vimm.s32 $0x0  }
0x284: {  	v22 =	vmul.f32 $1.442695020e+00, v22;
	vm10 =	vnez.u8 v44;
	v5 =	vsel vm0, $0xFFFFFFFF, v5  }
0x285: {  	v44 =	vsel vm7, $0x3F800000, v0;
	vm0 =	veq.f32 v8, $0.0e+00;
	v8 =	vld [tilespmem:s24+$0xFFFFFE40];
	[tilespmem:$0x1FC00] =	vst v5;
	v5 =	vimm.s32 $0x0  }
0x286: {  	vm7 =	vnez.u8 v45;
	v5 =	vsel vm0, $0xFFFFFFFF, v5;
	vm0 =	veq.f32 v6, $0.0e+00  }
0x287: {  	v45 =	vsel vm9, $0x3F800000, v0;
	v24 =	vmul.f32 $1.442695020e+00, v24;
	v6 =	vld [tilespmem:s24+$0xFFFFFE10];
	v13 =	vsel vm0, $0xFFFFFFFF, v13  }
0x288: {  	vm9 =	vnez.u8 v46;
	vm0 =	veq.f32 v7, $0.0e+00;
	[tilespmem:$0x1FC20] =	vst v13;
	v13 =	vmul.f32 $1.442695020e+00, v9;
	v9 =	vld [tilespmem:s24+$0xFFFFFE70]  }
0x289: {  	v26 =	vmul.f32 $1.442695020e+00, v26;
	[tilespmem:$0x1FC10] =	vst v5;
	v5 =	vmul.f32 $1.442695020e+00, v14;
	v49 =	vsel vm0, $0x3F800000, v0  }
0x28a: {  	v14 =	vmul.f32 $1.442695020e+00, v15;
	vm2 =	veq.f32 v8, $0.0e+00;
	v20 =	vadd.f32 v49, v20  }
0x28b: {  	v50 =	vld [tilespmem:$0x1FCC0];
	v15 =	vmul.f32 $1.442695020e+00, v21;
	v21 =	vmul.f32 $1.442695020e+00, v23;
	v60 =	vsel vm2, $0x3F800000, v0  }
0x28c: {  	v48 =	vld [tilespmem:$0x1FCB0];
	v23 =	vmul.f32 $1.442695020e+00, v25;
	vm1 =	veq.f32 v6, $0.0e+00;
	v20 =	vadd.f32 v60, v20  }
0x28d: {  	vm8 =	veq.f32 v9, $0.0e+00;
	v39 =	vmul.f32 $1.442695020e+00, v9;
	v9 =	vmul.f32 $1.442695020e+00, v6;
	v6 =	vld [tilespmem:$0x1FBC0]  }
0x28e: {  	v25 =	vmul.f32 $1.442695020e+00, v52;
	v7 =	vld [tilespmem:$0x1FBD0];
	v62 =	vsel vm1, $0x3F800000, v0;
	v20 =	vadd.f32 v57, v20  }
0x28f: {  	v40 =	vmul.f32 $1.442695020e+00, v8;
	v8 =	vld [tilespmem:$0x1FBE0];
	v19 =	vadd.f32 v62, v19;
	(erf) = vpow2.f32 v9  }
0x290: {  	v54 =	vld [tilespmem:$0x1FC40];
	vm0 =	vnez.u8 v50;
	v20 =	vadd.f32 v45, v20;
	(erf) = vpow2.f32 v10  }
0x291: {  	vm2 =	vnez.u8 v48;
	v9 =	vld [tilespmem:$0x1FBF0];
	v19 =	vadd.f32 v58, v19;
	(erf) = vpow2.f32 v25  }
0x292: {  	v20 =	vadd.f32 v44, v20;
	vm14 =	vnez.u8 v6;
	(erf) = vpow2.f32 v40  }
0x293: {  	v10 =	vld [tilespmem:$0x1FC00];
	v6 =	vsel vm14, $0x3F800000, v0;
	vm14 =	vnez.u8 v7;
	(erf) = vpow2.f32 v32  }
0x294: {  	v11 =	vld [tilespmem:$0x1FC10];
	v7 =	vsel vm14, $0x3F800000, v0;
	vm14 =	vnez.u8 v8;
	(erf) = vpow2.f32 v33  }
0x295: {  	v33 =	vsel vm6, $0x3F800000, v0;
	vm6 =	vnez.u8 v54;
	(erf) = vpow2.f32 v39  }
0x296: {  	v53 =	vld [tilespmem:$0x1FC20];
	v8 =	vsel vm14, $0x3F800000, v0;
	vm14 =	vnez.u8 v9;
	(erf) = vpow2.f32 v31  }
0x297: {  	v39 =	vsel vm8, $0x3F800000, v0;
	v9 =	vsel vm14, $0x3F800000, v0;
	(erf) = vpow2.f32 v30  }
0x298: {  	v55 =	vld [tilespmem:$0x1FC60];
	vm14 =	vnez.u8 v10;
	v31 =	vsel vm5, $0x3F800000, v0;
	v61 =	vpop (erf);
	(erf) = vpow2.f32 v38  }
0x299: {  	v10 =	vsel vm14, $0x3F800000, v0;
	vm14 =	vnez.u8 v11;
	v63 =	vpop (erf);
	(erf) = vpow2.f32 v28  }
0x29a: {  	v56 =	vld [tilespmem:$0x1FC80];
	v17 =	vadd.f32 v61, v17;
	v18 =	vadd.f32 v63, v18;
	v51 =	vpop (erf);
	(erf) = vpow2.f32 v29  }
0x29b: {  	v11 =	vsel vm14, $0x3F800000, v0;
	vm14 =	vnez.u8 v53;
	v52 =	vpop (erf);
	(erf) = vpow2.f32 v37  }
0x29c: {  	v17 =	vadd.f32 v51, v17;
	v18 =	vadd.f32 v52, v18;
	v53 =	vpop (erf);
	(erf) = vpow2.f32 v27  }
0x29d: {  	vm8 =	vnez.u8 v55;
	v19 =	vadd.f32 v31, v19;
	v54 =	vpop (erf);
	(erf) = vpow2.f32 v35  }
0x29e: {  	v17 =	vadd.f32 v53, v17;
	v18 =	vadd.f32 v54, v18;
	v55 =	vpop (erf);
	(erf) = vpow2.f32 v36  }
0x29f: {  	vm5 =	vnez.u8 v56;
	v19 =	vadd.f32 v39, v19;
	v56 =	vpop (erf);
	(erf) = vpow2.f32 v26  }
0x2a0: {  	v17 =	vadd.f32 v55, v17;
	v18 =	vadd.f32 v56, v18;
	v57 =	vpop (erf);
	(erf) = vpow2.f32 v34  }
0x2a1: {  	v40 =	vsel vm12, $0x3F800000, v0;
	v19 =	vadd.f32 v33, v19;
	v58 =	vpop (erf);
	(erf) = vpow2.f32 v24  }
0x2a2: {  	v17 =	vadd.f32 v57, v17;
	v18 =	vadd.f32 v58, v18;
	v59 =	vpop (erf);
	(erf) = vpow2.f32 v23  }
0x2a3: {  	s23 =	sadd.s32 $0x10, s23;
	v32 =	vsel vm11, $0x3F800000, v0;
	v20 =	vadd.f32 v43, v20;
	v60 =	vpop (erf);
	(erf) = vpow2.f32 v22  }
0x2a4: {  	p0 =	slt.u32 s23, $0x70;
	v19 =	vadd.f32 v32, v19;
	v17 =	vadd.f32 v59, v17;
	v61 =	vpop (erf);
	(erf) = vpow2.f32 v21  }
.Ltmp3:
0x2a5: {  	v20 =	vadd.f32 v42, v20;
	v23 =	vadd.f32 v60, v18;
	v62 =	vpop (erf);
	(erf) = vpow2.f32 v16;
	(pc) =	sbr.rel @p0 .LBB2_9-.Ltmp3, $4  }
0x2a6: {  	v19 =	vadd.f32 v40, v19;
	v16 =	vadd.f32 v61, v17;
	v18 =	vpop (erf);
	(erf) = vpow2.f32 v15  }
0x2a7: {  	v25 =	vsel vm14, $0x3F800000, v0;
	v17 =	vadd.f32 v62, v23;
	v63 =	vpop (erf);
	(erf) = vpow2.f32 v13  }
0x2a8: {  	v15 =	vadd.f32 v18, v16;
	v16 =	vadd.f32 v25, v19;
	v18 =	vpop (erf);
	(erf) = vpow2.f32 v14  }
0x2a9: {  	s24 =	sadd.s32 $0x200, s24;
	v13 =	vadd.f32 v41, v20;
	v17 =	vadd.f32 v63, v17;
	v14 =	vpop (erf);
	(erf) = vpow2.f32 v12  }
0x2aa: {  	v12 =	vadd.f32 v18, v15;
	v37 =	vpop (erf);
	v10 =	vadd.f32 v10, v16;
	(erf) = vpow2.f32 v5  }
0x2ab: {  	v14 =	vadd.f32 v14, v17;
	v38 =	vadd.f32 v11, v13;
	v39 =	vpop (erf);
	(erf) = vpow2.f32 v4  }
0x2ac: {  	v12 =	vadd.f32 v37, v12;
	v41 =	vpop (erf);
	v8 =	vadd.f32 v8, v10;
	(erf) = vpow2.f32 v3  }
0x2ad: {  	v40 =	vadd.f32 v39, v14;
	v3 =	vadd.f32 v9, v38;
	v42 =	vpop (erf);
	(erf) = vpow2.f32 v2  }
0x2ae: {  	v43 =	vadd.f32 v41, v12;
	v44 =	vadd.f32 v6, v8;
	v45 =	vpop (erf);
	(erf) = vpow2.f32 v1  }
0x2af: {  	v2 =	vadd.f32 v42, v40;
	v1 =	vadd.f32 v7, v3;
	v3 =	vsel vm10, $0x3F800000, v0  }
0x2b0: {  	v47 =	vsel vm9, $0x3F800000, v0;
	v46 =	vpop (erf);
	v5 =	vadd.f32 v45, v43;
	v3 =	vadd.f32 v3, v44  }
0x2b1: {  	v49 =	vsel vm8, $0x3F800000, v0;
	v48 =	vpop (erf);
	v2 =	vadd.f32 v46, v2;
	v1 =	vadd.f32 v47, v1  }
0x2b2: {  	v51 =	vsel vm0, $0x3F800000, v0;
	v50 =	vpop (erf);
	v4 =	vadd.f32 v48, v5;
	v3 =	vadd.f32 v49, v3  }
0x2b3: {  	v53 =	vsel vm7, $0x3F800000, v0;
	v52 =	vpop (erf);
	v2 =	vadd.f32 v50, v2;
	v1 =	vadd.f32 v51, v1  }
0x2b4: {  	v55 =	vsel vm6, $0x3F800000, v0;
	v54 =	vpop (erf);
	v4 =	vadd.f32 v52, v4;
	v3 =	vadd.f32 v53, v3  }
0x2b5: {  	v57 =	vsel vm5, $0x3F800000, v0;
	v56 =	vpop (erf);
	v2 =	vadd.f32 v54, v2;
	v1 =	vadd.f32 v55, v1  }
0x2b6: {  	v59 =	vsel vm4, $0x3F800000, v0;
	v58 =	vpop (erf);
	v4 =	vadd.f32 v56, v4;
	v3 =	vadd.f32 v57, v3  }
0x2b7: {  	v61 =	vsel vm2, $0x3F800000, v0;
	s21 =	sadd.s32 $0x1, s21;
	v60 =	vpop (erf);
	v2 =	vadd.f32 v58, v2;
	v1 =	vadd.f32 v59, v1  }
0x2b8: {  	v63 =	vsel vm3, $0x3F800000, v0;
	p0 =	sne.s32 s21, $0x32;
	v62 =	vpop (erf);
	v4 =	vadd.f32 v60, v4;
	v3 =	vadd.f32 v61, v3  }
.Ltmp4:
0x2b9: {  	v2 =	vadd.f32 v62, v2;
	v1 =	vadd.f32 v63, v1;
	(pc) =	sbr.rel @p0 .LBB2_2-.Ltmp4, $4  }
0x2ba: {  	s22 =	sshll.u32 s22, $0x5;
	v3 =	vsub.f32 v4, v3  }
0x2bb: {  	s22 =	sand.u32 $0x3FFFFFE0, s22;
	v1 =	vsub.f32 v2, v1  }
0x2bc: {  	[tilespmem:s22+$0xA400] =	vst v3  }
0x2bd: {  	[tilespmem:s22+$0xA410] =	vst v1  }
0x2be: {  	s20 =	sadd.s32 $0x1, s20  }
0x2bf: {  	p0 =	sne.s32 s20, s6  }
.Ltmp5:
0x2c0: {  	_ = 	snop;
	(pc) =	sbr.rel @p0 .LBB2_1-.Ltmp5, $4  }
0x2c1: {  	[hbm4b:s5+s2] =	stream.linear.scatter [tilespmem:s19], [sflag:$0x5], $0x1900, $0x38;
	[tilespmem:$0xBD00] =	vst v63  }
0x2c2: {  	_ =	swait.ge [sflag:s9], $0x1900  }
0x2c3: {  	[sflag:s9] =	ssyncset.done $0x0  }
0x2c4: {  	[sflag:s9] =	ssyncadd.s32 $0xFFFFE700  }
0x2c5: {  	_ =	sfence.sel $0x180000  }
0x2c6: {  	[bflag:$0x0] =	sbarrier.arrive $0xFFFF  }
0x2c7: {  	p0 =	sne.s32 s0, $0x0;
	_ =	strace $0x90000047  }
0x2c8: {  	s0 =	sadd.s32 @!p0 $0x100000, s1;
	[bflag:$0x2] =	sbarrier.arrive $0xFFFF  }
0x2c9: {  	[sflag:s0] =	ssyncadd.tile.s32 @!p0 $0x1;
	_ =	shalt  }
.Lfunc_end2:
_tile_overlayer_lowered:
.L_overlay_start_2:
0x2ca: {  	(tag) =	ssettag $0x2  }
0x2cb: {  	s0 =	rddreg [dreg:$0x0];
	s2 =	stileid.u32  }
0x2cc: {  	s1 =	rddreg [dreg:$0x1];
	p0 =	sne.s32 s2, $0x0  }
0x2cd: {  	s3 =	rddreg [dreg:$0x2];
	[bflag:$0x3] =	sbarrier.arrive $0xFFFF;
	s2 =	simm.s32 @!p0 $0x1C05  }
0x2ce: {  	[timem:s3], [sflag:s2] =	dma.local @!p0 [hbm:s0], s1  }
0x2cf: {  	s0 =	simm.s32 @!p0 $0x5  }
0x2d0: {  	_ =	swait.ge @!p0 [sflag:s0], s1  }
0x2d1: {  	s1 =	ssub.s32 @!p0 $0x0, s1;
	[sflag:s0] =	ssyncset.done @!p0 $0x0  }
0x2d2: {  	[sflag:s0] =	ssyncadd.s32 @!p0 s1  }
0x2d3: {  	[bflag:$0x3] =	sbarrier.arrive $0xFFFF  }
0x2d4: {  	_ =	shalt  }

</sc_bundles>
